<compile_context>
chip_gen: v7x
topology: tpu7x:2x2x1
jax: 0.10.2.dev20260603
libtpu: 0.0.44.dev20260713+nightly
codegen_flags: <defaults>
</compile_context>

<pallas_src>
import functools

import jax
import jax.numpy as jnp
from jax import lax
from jax.experimental import pallas as pl
from jax.experimental.pallas import tpu as pltpu
from jax.experimental.pallas import tpu_sc as plsc

N = 10000
E = 320000
D = 128
G = 64

NTILES = 32
K = 120
CH = 84
EP = NTILES * CH * K
NP = 10240
RPT = NP // 16
BLK = 256
NB = NP // BLK

_mesh = plsc.VectorSubcoreMesh(core_axis_name="c", subcore_axis_name="s")



@functools.partial(
    pl.kernel,
    out_type=jax.ShapeDtypeStruct((2, NP, 128), jnp.float32),
    mesh=_mesh,
    scratch_types=[
        pltpu.VMEM((2, 2, K), jnp.int32),
        pltpu.VMEM((2, 2, K), jnp.int32),
        pltpu.VMEM((K, 128), jnp.float32),
        pltpu.VMEM_SHARED((NP, 128), jnp.float32),
        pltpu.SemaphoreType.DMA,
        pltpu.SemaphoreType.DMA,
        pltpu.SemaphoreType.DMA,
        pltpu.SemaphoreType.DMA,
        pltpu.SemaphoreType.DMA,
        pltpu.SemaphoreType.DMA,
    ],
)
def _deg_kernel(edg_hbm, ones_hbm, zeros_hbm, out_hbm,
                eidx0, eidx1, ones_v, acc,
                ss0, ss1, is0a, is1a, is0b, is1b):
    c = lax.axis_index("c")
    s = lax.axis_index("s")
    t = c * 16 + s
    r0 = s * RPT
    pltpu.sync_copy(zeros_hbm.at[pl.ds(r0, RPT)], acc.at[pl.ds(r0, RPT)])
    pltpu.sync_copy(ones_hbm, ones_v)
    plsc.subcore_barrier()

    eidx = (eidx0, eidx1)
    ss = (ss0, ss1)
    isem = ((is0a, is1a), (is0b, is1b))
    NI = CH // 2

    for k in range(2):
        pltpu.async_copy(edg_hbm.at[t, k], eidx[k].at[0], isem[0][k])

    def phase(i, p, q):
        for k in range(2):
            @pl.when(i > 0)
            def _():
                pltpu.make_async_copy(ones_v, acc.at[eidx[k].at[q, 1]],
                                      ss[k]).wait()

            @pl.when(i + 1 < NI)
            def _():
                pltpu.async_copy(edg_hbm.at[t, 2 * (i + 1) + k],
                                 eidx[k].at[q], isem[q][k])

            pltpu.make_async_copy(edg_hbm.at[t, 2 * i + k],
                                  eidx[k].at[p], isem[p][k]).wait()
            pltpu.async_copy(ones_v, acc.at[eidx[k].at[p, 1]], ss[k],
                             add=True)

    def body(m, carry):
        phase(2 * m, 0, 1)
        phase(2 * m + 1, 1, 0)
        return carry

    lax.fori_loop(0, NI // 2, body, 0)
    for k in range(2):
        pltpu.make_async_copy(ones_v, acc.at[eidx[k].at[1, 1]], ss[k]).wait()
    plsc.subcore_barrier()
    pltpu.sync_copy(acc.at[pl.ds(r0, RPT)], out_hbm.at[c, pl.ds(r0, RPT)])


@functools.partial(
    pl.kernel,
    out_type=jax.ShapeDtypeStruct((2, NP, 128), jnp.float32),
    mesh=_mesh,
    scratch_types=[
        pltpu.VMEM((2, 2, K), jnp.int32),
        pltpu.VMEM((2, 2, K), jnp.int32),
        pltpu.VMEM((2, 2, K), jnp.int32),
        pltpu.VMEM((K, 128), jnp.float32),
        pltpu.VMEM((K, 128), jnp.float32),
        pltpu.VMEM((K, 128), jnp.float32),
        pltpu.VMEM_SHARED((NP, 128), jnp.float32),
        pltpu.SemaphoreType.DMA,
        pltpu.SemaphoreType.DMA,
        pltpu.SemaphoreType.DMA,
        pltpu.SemaphoreType.DMA,
        pltpu.SemaphoreType.DMA,
        pltpu.SemaphoreType.DMA,
        pltpu.SemaphoreType.DMA,
        pltpu.SemaphoreType.DMA,
        pltpu.SemaphoreType.DMA,
        pltpu.SemaphoreType.DMA,
        pltpu.SemaphoreType.DMA,
        pltpu.SemaphoreType.DMA,
    ],
)
def _conv_kernel(hs_hbm, edg_hbm, zeros_hbm, out_hbm,
                 eidx0, eidx1, eidx2, rows0, rows1, rows2, acc,
                 gs0, gs1, gs2, ss0, ss1, ss2,
                 is0a, is1a, is2a, is0b, is1b, is2b):
    c = lax.axis_index("c")
    s = lax.axis_index("s")
    t = c * 16 + s
    r0 = s * RPT
    pltpu.sync_copy(zeros_hbm.at[pl.ds(r0, RPT)], acc.at[pl.ds(r0, RPT)])
    plsc.subcore_barrier()

    eidx = (eidx0, eidx1, eidx2)
    rows = (rows0, rows1, rows2)
    gs = (gs0, gs1, gs2)
    ss = (ss0, ss1, ss2)
    isem = ((is0a, is1a, is2a), (is0b, is1b, is2b))
    NI = CH // 3

    for k in range(3):
        pltpu.async_copy(edg_hbm.at[t, k], eidx[k].at[0], isem[0][k])

    def phase(i, p, q):
        for k in range(3):
            @pl.when(i > 0)
            def _():
                pltpu.make_async_copy(rows[k], acc.at[eidx[k].at[q, 1]],
                                      ss[k]).wait()

            @pl.when(i + 1 < NI)
            def _():
                pltpu.async_copy(edg_hbm.at[t, 3 * (i + 1) + k],
                                 eidx[k].at[q], isem[q][k])

            pltpu.make_async_copy(edg_hbm.at[t, 3 * i + k],
                                  eidx[k].at[p], isem[p][k]).wait()
            pltpu.async_copy(hs_hbm.at[eidx[k].at[p, 0]], rows[k], gs[k])

        for k in range(3):
            pltpu.make_async_copy(hs_hbm.at[eidx[k].at[p, 0]], rows[k],
                                  gs[k]).wait()
            pltpu.async_copy(rows[k], acc.at[eidx[k].at[p, 1]], ss[k],
                             add=True)

    def body(m, carry):
        phase(2 * m, 0, 1)
        phase(2 * m + 1, 1, 0)
        return carry

    lax.fori_loop(0, NI // 2, body, 0)
    for k in range(3):
        pltpu.make_async_copy(rows[k], acc.at[eidx[k].at[1, 1]], ss[k]).wait()
    plsc.subcore_barrier()
    pltpu.sync_copy(acc.at[pl.ds(r0, RPT)], out_hbm.at[c, pl.ds(r0, RPT)])



def _tc_pre_body(x_ref, w1_ref, degp_ref, h1s_ref, dinv_ref):
    total = degp_ref[0] + degp_ref[1] + 1.0
    dinvb = jax.lax.rsqrt(total)
    h = jnp.dot(x_ref[...], w1_ref[...], preferred_element_type=jnp.float32)
    h1s_ref[...] = dinvb * h
    dinv_ref[...] = dinvb


def _tc_mid_body(a_ref, h1s_ref, dinv_ref, b1_ref, g_ref, bb_ref, w2_ref,
                 out_ref):
    dinv = dinv_ref[...]
    t = dinv * (a_ref[0] + a_ref[1] + h1s_ref[...]) + b1_ref[...]
    r = jnp.maximum(t, 0.0)
    mu = jnp.mean(r, axis=1, keepdims=True)
    d = r - mu
    var = jnp.mean(d * d, axis=1, keepdims=True)
    ln = d * jax.lax.rsqrt(var + 1e-5) * g_ref[...] + bb_ref[...]
    h2 = jnp.dot(ln, w2_ref[...], preferred_element_type=jnp.float32)
    out_ref[...] = dinv * h2


def _tc_post_body(a_ref, h2s_ref, dinv_ref, b2_ref, batch_ref,
                  w3_ref, b3_ref, w4_ref, b4_ref,
                  emb_ref, out2_ref, pooled):
    i = pl.program_id(0)
    emb = dinv_ref[...] * (a_ref[0] + a_ref[1] + h2s_ref[...]) + b2_ref[...]
    emb_ref[...] = emb
    h = jnp.maximum(emb, 0.0)
    bt = batch_ref[0, 0]
    onehot = (bt[:, None] == lax.broadcasted_iota(jnp.int32, (BLK, G), 1)
              ).astype(jnp.float32)
    contrib = lax.dot_general(onehot, h, (((0,), (0,)), ((), ())),
                              preferred_element_type=jnp.float32)

    @pl.when(i == 0)
    def _():
        pooled[...] = contrib

    @pl.when(i > 0)
    def _():
        pooled[...] = pooled[...] + contrib

    @pl.when(i == NB - 1)
    def _():
        z = jnp.dot(pooled[...], w3_ref[...],
                    preferred_element_type=jnp.float32) + b3_ref[...]
        z2 = jnp.dot(z, w4_ref[...],
                     preferred_element_type=jnp.float32) + b4_ref[...]
        col = lax.broadcasted_iota(jnp.int32, (G, 128), 1)
        z2m = jnp.where(col < 10, z2, -jnp.inf)
        m = jnp.max(z2m, axis=1, keepdims=True)
        lse = jnp.log(jnp.sum(jnp.exp(z2m - m), axis=1, keepdims=True)) + m
        out2_ref[...] = z2m - lse


_full = lambda shape: pl.BlockSpec(shape, lambda i: tuple(0 for _ in shape))
_rows = lambda shape: pl.BlockSpec(shape, lambda i: (i,) + tuple(
    0 for _ in shape[1:]))
_parts = lambda w: pl.BlockSpec((2, BLK, w), lambda i: (0, i, 0))

_tc_pre = pl.pallas_call(
    _tc_pre_body,
    grid=(NB,),
    in_specs=[_rows((BLK, D)), _full((D, D)), _parts(D)],
    out_specs=[_rows((BLK, D)), _rows((BLK, D))],
    out_shape=[jax.ShapeDtypeStruct((NP, D), jnp.float32),
               jax.ShapeDtypeStruct((NP, D), jnp.float32)],
)

_tc_mid = pl.pallas_call(
    _tc_mid_body,
    grid=(NB,),
    in_specs=[_parts(D), _rows((BLK, D)), _rows((BLK, D)),
              _full((1, D)), _full((1, D)), _full((1, D)), _full((D, D))],
    out_specs=_rows((BLK, D)),
    out_shape=jax.ShapeDtypeStruct((NP, D), jnp.float32),
)

_tc_post = pl.pallas_call(
    _tc_post_body,
    grid=(NB,),
    in_specs=[_parts(D), _rows((BLK, D)), _rows((BLK, D)), _full((1, D)),
              pl.BlockSpec((1, 1, BLK), lambda i: (i, 0, 0)),
              _full((D, D)), _full((1, D)), _full((D, 128)), _full((1, 128))],
    out_specs=[_rows((BLK, D)), _full((G, 128))],
    out_shape=[jax.ShapeDtypeStruct((NP, D), jnp.float32),
               jax.ShapeDtypeStruct((G, 128), jnp.float32)],
    scratch_shapes=[pltpu.VMEM((G, 128), jnp.float32)],
)


@jax.jit
def kernel(x, edge_index, batch, W1, b1, W2, b2, ln_g, ln_b, W3, b3, W4, b4):
    src = edge_index[0]
    dst = edge_index[1]
    pad = EP - E
    srcp = jnp.concatenate([src, jnp.zeros((pad,), jnp.int32)])
    dstp = jnp.concatenate([dst, jnp.full((pad,), N, jnp.int32)])
    edg = jnp.stack([srcp.reshape(NTILES, CH, K),
                     dstp.reshape(NTILES, CH, K)], axis=2)

    xp = jnp.pad(x, ((0, NP - N), (0, 0)))
    batch_p = jnp.concatenate([batch, jnp.full((NP - N,), G, jnp.int32)])
    batch2 = batch_p.reshape(NB, 1, BLK)

    zeros128 = jnp.zeros((NP, 128), jnp.float32)

    ones128 = jnp.ones((K, 128), jnp.float32)
    degf = _deg_kernel(edg, ones128, zeros128)

    h1s, dinv_b = _tc_pre(xp, W1, degf)
    acc1 = _conv_kernel(h1s, edg, zeros128)
    h2s = _tc_mid(acc1, h1s, dinv_b, b1.reshape(1, D), ln_g.reshape(1, D),
                  ln_b.reshape(1, D), W2)
    acc2 = _conv_kernel(h2s, edg, zeros128)

    W4p = jnp.pad(W4, ((0, 0), (0, 128 - W4.shape[1])))
    b4p = jnp.pad(b4, (0, 128 - b4.shape[0])).reshape(1, 128)
    emb_full, out2 = _tc_post(acc2, h2s, dinv_b, b2.reshape(1, D), batch2,
                              W3, b3.reshape(1, D), W4p, b4p)
    return emb_full[:N], out2[:, :10]

# --- scband reference (transcript-rebuilt; emitter-appended) ---
"""Pipeline reference for scband-vision-gnn-13116830122267 (READ-ONLY COPY).

The authoritative reference and input builder live on the scoring server;
editing this copy changes nothing except your own understanding.
"""

import jax, jax.numpy as jnp
import numpy as np

N = 10000
E = 320000
D = 128
H = 128
C = 10
G = 64


def setup_inputs(seed: int = 0) -> dict:
    key = jax.random.key(seed)
    ks = jax.random.split(key, 16)
    x = jax.random.normal(ks[0], (N, D), dtype=jnp.float32)
    edge_index = jax.random.randint(ks[1], (2, E), 0, N, dtype=jnp.int32)
    batch = jnp.sort(jax.random.randint(ks[2], (N,), 0, G, dtype=jnp.int32))
    def glorot(k, shape):
        lim = np.sqrt(6.0 / (shape[0] + shape[1]))
        return jax.random.uniform(k, shape, jnp.float32, -lim, lim)
    W1 = glorot(ks[3], (D, H)); b1 = jnp.zeros((H,), jnp.float32)
    W2 = glorot(ks[4], (H, H)); b2 = jnp.zeros((H,), jnp.float32)
    ln_g = jnp.ones((H,), jnp.float32); ln_b = jnp.zeros((H,), jnp.float32)
    W3 = glorot(ks[5], (H, H)); b3 = jnp.zeros((H,), jnp.float32)
    W4 = glorot(ks[6], (H, C)); b4 = jnp.zeros((C,), jnp.float32)
    return {"x": x, "edge_index": edge_index, "batch": batch,
            "W1": W1, "b1": b1, "W2": W2, "b2": b2,
            "ln_g": ln_g, "ln_b": ln_b,
            "W3": W3, "b3": b3, "W4": W4, "b4": b4}


def _gcn_conv(x, edge_index, W, b):
    # GCNConv: sym-normalized adjacency with self-loops, linear first then propagate
    loop = jnp.arange(N, dtype=edge_index.dtype)
    src = jnp.concatenate([edge_index[0], loop])
    dst = jnp.concatenate([edge_index[1], loop])
    ones = jnp.ones(src.shape, jnp.float32)
    deg = jax.ops.segment_sum(ones, dst, num_segments=N)
    dinv = jnp.where(deg > 0, jax.lax.rsqrt(jnp.maximum(deg, 1e-12)), 0.0)
    norm = dinv[src] * dinv[dst]
    h = x @ W
    msg = norm[:, None] * jnp.take(h, src, axis=0)
    out = jax.ops.segment_sum(msg, dst, num_segments=N)
    return out + b


def _layernorm(h, g, b, eps=1e-5):
    mu = jnp.mean(h, axis=-1, keepdims=True)
    var = jnp.mean((h - mu) ** 2, axis=-1, keepdims=True)
    return (h - mu) / jnp.sqrt(var + eps) * g + b


def reference(x, edge_index, batch, W1, b1, W2, b2, ln_g, ln_b, W3, b3, W4, b4):
    # layer 0
    h = _gcn_conv(x, edge_index, W1, b1)
    h = jax.nn.relu(h)
    # dropout is identity in eval mode
    h = _layernorm(h, ln_g, ln_b)
    # layer 1
    h = _gcn_conv(h, edge_index, W2, b2)
    emb = h
    h = jax.nn.relu(h)
    # global_add_pool
    pooled = jax.ops.segment_sum(h, batch, num_segments=G)
    # post_mp: Linear -> Dropout(eval: identity) -> Linear
    z = pooled @ W3 + b3
    z = z @ W4 + b4
    return emb, jax.nn.log_softmax(z, axis=1)

if __name__ == "__main__":
    import jax
    _d = setup_inputs()
    print(jax.jit(kernel)(*tuple(_d.values())))

</pallas_src>

<mosaic_0001>
#map = affine_map<(d0, d1) -> (0, 0, 0, 0)>
#map1 = affine_map<(d0, d1) -> (0, 0)>
#map2 = affine_map<(d0, d1) -> (0, 0, 0)>
module attributes {stable_mosaic.version = 14 : i64} {
  func.func @_deg_kernel(%arg0: i32, %arg1: i32, %arg2: memref<32x84x2x120xi32, #tpu.memory_space<hbm>>, %arg3: memref<120x128xf32, #tpu.memory_space<hbm>>, %arg4: memref<10240x128xf32, #tpu.memory_space<hbm>>, %arg5: memref<2x10240x128xf32, #tpu.memory_space<hbm>>, %arg6: memref<2x2x120xi32, #tpu.memory_space<vmem>>, %arg7: memref<2x2x120xi32, #tpu.memory_space<vmem>>, %arg8: memref<120x128xf32, #tpu.memory_space<vmem>>, %arg9: memref<10240x128xf32, #tpu.memory_space<vmem_shared>>, %arg10: memref<!tpu.dma_semaphore, #tpu.memory_space<semaphore_mem>>, %arg11: memref<!tpu.dma_semaphore, #tpu.memory_space<semaphore_mem>>, %arg12: memref<!tpu.dma_semaphore, #tpu.memory_space<semaphore_mem>>, %arg13: memref<!tpu.dma_semaphore, #tpu.memory_space<semaphore_mem>>, %arg14: memref<!tpu.dma_semaphore, #tpu.memory_space<semaphore_mem>>, %arg15: memref<!tpu.dma_semaphore, #tpu.memory_space<semaphore_mem>>) attributes {dimension_semantics = [#tpu.dimension_semantics<core_parallel>, #tpu.dimension_semantics<subcore_parallel>], iteration_bounds = array<i64: 2, 16>, scalar_prefetch = 0 : i64, scratch_operands = 10 : i64, tpu.core_type = #tpu.core_type<sc_vector_subcore>, window_params = [{transform_indices = #map}, {transform_indices = #map1}, {transform_indices = #map1}, {transform_indices = #map2}]} {
    %mul3A = arith.constant 16 : i32
    %mul3A_0 = arith.muli %arg0, %mul3A : i32
    %add3A = arith.addi %mul3A_0, %arg1 : i32
    %mul3A_1 = arith.constant 640 : i32
    %mul3A_2 = arith.muli %arg1, %mul3A_1 : i32
    "tpu.region"() ({
      %run_scoped3A = tpu.sem_alloc : memref<!tpu.dma_semaphore, #tpu.memory_space<semaphore_mem>>
      %dma_start3A_59 = arith.constant 0 : i32
      %dma_start3A_60 = tpu.memref_slice %arg9[%mul3A_2, %dma_start3A_59] : memref<10240x128xf32, #tpu.memory_space<vmem_shared>> -> memref<640x128xf32, #tpu.memory_space<vmem_shared>>
      %dma_start3A_61 = arith.constant 0 : i32
      %dma_start3A_62 = tpu.memref_slice %arg4[%mul3A_2, %dma_start3A_61] : memref<10240x128xf32, #tpu.memory_space<hbm>> -> memref<640x128xf32, #tpu.memory_space<hbm>>
      tpu.enqueue_dma source(%dma_start3A_62 : memref<640x128xf32, #tpu.memory_space<hbm>>) target(%dma_start3A_60 : memref<640x128xf32, #tpu.memory_space<vmem_shared>>) target_semaphore(%run_scoped3A : memref<!tpu.dma_semaphore, #tpu.memory_space<semaphore_mem>>)
      %dma_wait3A_63 = arith.constant 0 : i32
      %dma_wait3A_64 = tpu.memref_slice %arg9[%mul3A_2, %dma_wait3A_63] : memref<10240x128xf32, #tpu.memory_space<vmem_shared>> -> memref<640x128xf32, #tpu.memory_space<vmem_shared>>
      %dma_wait3A_65 = arith.constant 0 : i32
      %dma_wait3A_66 = tpu.memref_slice %arg4[%mul3A_2, %dma_wait3A_65] : memref<10240x128xf32, #tpu.memory_space<hbm>> -> memref<640x128xf32, #tpu.memory_space<hbm>>
      tpu.wait_dma2 semaphore(%run_scoped3A : memref<!tpu.dma_semaphore, #tpu.memory_space<semaphore_mem>>) src(%dma_wait3A_66 : memref<640x128xf32, #tpu.memory_space<hbm>>) dst(%dma_wait3A_64 : memref<640x128xf32, #tpu.memory_space<vmem_shared>>)
      tpu.yield
    }) : () -> ()
    "tpu.region"() ({
      %run_scoped3A = tpu.sem_alloc : memref<!tpu.dma_semaphore, #tpu.memory_space<semaphore_mem>>
      tpu.enqueue_dma source(%arg3 : memref<120x128xf32, #tpu.memory_space<hbm>>) target(%arg8 : memref<120x128xf32, #tpu.memory_space<vmem>>) target_semaphore(%run_scoped3A : memref<!tpu.dma_semaphore, #tpu.memory_space<semaphore_mem>>)
      tpu.wait_dma2 semaphore(%run_scoped3A : memref<!tpu.dma_semaphore, #tpu.memory_space<semaphore_mem>>) src(%arg3 : memref<120x128xf32, #tpu.memory_space<hbm>>) dst(%arg8 : memref<120x128xf32, #tpu.memory_space<vmem>>)
      tpu.yield
    }) : () -> ()
    %barrier3A = arith.constant 0 : index
    tpu.barrier barrier_id(%barrier3A)
    %dma_start3A = arith.constant 0 : i32
    %dma_start3A_3 = arith.constant 0 : i32
    %dma_start3A_4 = arith.constant 0 : i32
    %dma_start3A_5 = arith.constant 0 : i32
    %dma_start3A_6 = tpu.memref_slice %arg6[%dma_start3A_3, %dma_start3A_4, %dma_start3A_5] : memref<2x2x120xi32, #tpu.memory_space<vmem>> -> memref<1x2x120xi32, #tpu.memory_space<vmem>>
    %dma_start3A_7 = tpu.memref_squeeze %dma_start3A_6 : memref<1x2x120xi32, #tpu.memory_space<vmem>> -> memref<2x120xi32, #tpu.memory_space<vmem>>
    %dma_start3A_8 = arith.constant 0 : i32
    %dma_start3A_9 = arith.constant 0 : i32
    %dma_start3A_10 = tpu.memref_slice %arg2[%add3A, %dma_start3A, %dma_start3A_8, %dma_start3A_9] : memref<32x84x2x120xi32, #tpu.memory_space<hbm>> -> memref<1x1x2x120xi32, #tpu.memory_space<hbm>>
    %dma_start3A_11 = tpu.memref_squeeze %dma_start3A_10 : memref<1x1x2x120xi32, #tpu.memory_space<hbm>> -> memref<2x120xi32, #tpu.memory_space<hbm>>
    %dma_start3A_12 = arith.constant 0 : i32
    %dma_start3A_13 = arith.constant 0 : i32
    %dma_start3A_14 = tpu.memref_slice %arg6[%dma_start3A_3, %dma_start3A_12, %dma_start3A_13] : memref<2x2x120xi32, #tpu.memory_space<vmem>> -> memref<1x2x120xi32, #tpu.memory_space<vmem>>
    %dma_start3A_15 = tpu.memref_squeeze %dma_start3A_14 : memref<1x2x120xi32, #tpu.memory_space<vmem>> -> memref<2x120xi32, #tpu.memory_space<vmem>>
    %dma_start3A_16 = arith.constant 0 : i32
    %dma_start3A_17 = arith.constant 0 : i32
    %dma_start3A_18 = tpu.memref_slice %arg2[%add3A, %dma_start3A, %dma_start3A_16, %dma_start3A_17] : memref<32x84x2x120xi32, #tpu.memory_space<hbm>> -> memref<1x1x2x120xi32, #tpu.memory_space<hbm>>
    %dma_start3A_19 = tpu.memref_squeeze %dma_start3A_18 : memref<1x1x2x120xi32, #tpu.memory_space<hbm>> -> memref<2x120xi32, #tpu.memory_space<hbm>>
    tpu.enqueue_dma source(%dma_start3A_19 : memref<2x120xi32, #tpu.memory_space<hbm>>) target(%dma_start3A_15 : memref<2x120xi32, #tpu.memory_space<vmem>>) target_semaphore(%arg12 : memref<!tpu.dma_semaphore, #tpu.memory_space<semaphore_mem>>)
    %dma_start3A_20 = arith.constant 1 : i32
    %dma_start3A_21 = arith.constant 0 : i32
    %dma_start3A_22 = arith.constant 0 : i32
    %dma_start3A_23 = arith.constant 0 : i32
    %dma_start3A_24 = tpu.memref_slice %arg7[%dma_start3A_21, %dma_start3A_22, %dma_start3A_23] : memref<2x2x120xi32, #tpu.memory_space<vmem>> -> memref<1x2x120xi32, #tpu.memory_space<vmem>>
    %dma_start3A_25 = tpu.memref_squeeze %dma_start3A_24 : memref<1x2x120xi32, #tpu.memory_space<vmem>> -> memref<2x120xi32, #tpu.memory_space<vmem>>
    %dma_start3A_26 = arith.constant 0 : i32
    %dma_start3A_27 = arith.constant 0 : i32
    %dma_start3A_28 = tpu.memref_slice %arg2[%add3A, %dma_start3A_20, %dma_start3A_26, %dma_start3A_27] : memref<32x84x2x120xi32, #tpu.memory_space<hbm>> -> memref<1x1x2x120xi32, #tpu.memory_space<hbm>>
    %dma_start3A_29 = tpu.memref_squeeze %dma_start3A_28 : memref<1x1x2x120xi32, #tpu.memory_space<hbm>> -> memref<2x120xi32, #tpu.memory_space<hbm>>
    %dma_start3A_30 = arith.constant 0 : i32
    %dma_start3A_31 = arith.constant 0 : i32
    %dma_start3A_32 = tpu.memref_slice %arg7[%dma_start3A_21, %dma_start3A_30, %dma_start3A_31] : memref<2x2x120xi32, #tpu.memory_space<vmem>> -> memref<1x2x120xi32, #tpu.memory_space<vmem>>
    %dma_start3A_33 = tpu.memref_squeeze %dma_start3A_32 : memref<1x2x120xi32, #tpu.memory_space<vmem>> -> memref<2x120xi32, #tpu.memory_space<vmem>>
    %dma_start3A_34 = arith.constant 0 : i32
    %dma_start3A_35 = arith.constant 0 : i32
    %dma_start3A_36 = tpu.memref_slice %arg2[%add3A, %dma_start3A_20, %dma_start3A_34, %dma_start3A_35] : memref<32x84x2x120xi32, #tpu.memory_space<hbm>> -> memref<1x1x2x120xi32, #tpu.memory_space<hbm>>
    %dma_start3A_37 = tpu.memref_squeeze %dma_start3A_36 : memref<1x1x2x120xi32, #tpu.memory_space<hbm>> -> memref<2x120xi32, #tpu.memory_space<hbm>>
    tpu.enqueue_dma source(%dma_start3A_37 : memref<2x120xi32, #tpu.memory_space<hbm>>) target(%dma_start3A_33 : memref<2x120xi32, #tpu.memory_space<vmem>>) target_semaphore(%arg13 : memref<!tpu.dma_semaphore, #tpu.memory_space<semaphore_mem>>)
    %scan3A = arith.constant 0 : i32
    %scan3A_38 = arith.constant 0 : i32
    %scan3A_39 = arith.constant 21 : i32
    %scan3A_40 = arith.addi %scan3A_38, %scan3A_39 : i32
    %scan3A_41 = arith.constant 1 : i32
    scf.for %scan3A_59 = %scan3A_38 to %scan3A_40 step %scan3A_41  : i32 {
      %mul3A_60 = arith.constant 2 : i32
      %mul3A_61 = arith.muli %mul3A_60, %scan3A_59 : i32
      %gt3A = arith.constant 0 : i32
      %gt3A_62 = arith.cmpi sgt, %mul3A_61, %gt3A : i32
      %convert_element_type3A = arith.extui %gt3A_62 : i1 to i32
      %cond3A = arith.constant 0 : i32
      %cond3A_63 = arith.cmpi ne, %convert_element_type3A, %cond3A : i32
      scf.if %cond3A_63 {
        %dma_wait3A_226 = arith.constant 1 : i32
        %dma_wait3A_227 = arith.constant 1 : i32
        %dma_wait3A_228 = arith.constant 0 : i32
        %dma_wait3A_229 = tpu.memref_slice %arg6[%dma_wait3A_226, %dma_wait3A_227, %dma_wait3A_228] : memref<2x2x120xi32, #tpu.memory_space<vmem>> -> memref<1x1x120xi32, #tpu.memory_space<vmem>>
        %dma_wait3A_230 = tpu.memref_squeeze %dma_wait3A_229 : memref<1x1x120xi32, #tpu.memory_space<vmem>> -> memref<120xi32, #tpu.memory_space<vmem>>
        %dma_wait3A_231 = arith.constant 0 : i32
        %dma_wait3A_232 = arith.constant 0 : i32
        %dma_wait3A_233 = tpu.memref_slice %arg9[%dma_wait3A_231, %dma_wait3A_232] : memref<10240x128xf32, #tpu.memory_space<vmem_shared>> -> memref<10240x128xf32, #tpu.memory_space<vmem_shared>>
        tpu.wait_indirect_dma semaphore(%arg10 : memref<!tpu.dma_semaphore, #tpu.memory_space<semaphore_mem>>) src(%arg8 : memref<120x128xf32, #tpu.memory_space<vmem>>) dst(%dma_wait3A_233 : memref<10240x128xf32, #tpu.memory_space<vmem_shared>>)
      } else {
      }
      %add3A_64 = arith.constant 1 : i32
      %add3A_65 = arith.addi %mul3A_61, %add3A_64 : i32
      %lt3A = arith.constant 42 : i32
      %lt3A_66 = arith.cmpi slt, %add3A_65, %lt3A : i32
      %convert_element_type3A_67 = arith.extui %lt3A_66 : i1 to i32
      %cond3A_68 = arith.constant 0 : i32
      %cond3A_69 = arith.cmpi ne, %convert_element_type3A_67, %cond3A_68 : i32
      scf.if %cond3A_69 {
        %add3A_226 = arith.constant 1 : i32
        %add3A_227 = arith.addi %mul3A_61, %add3A_226 : i32
        %mul3A_228 = arith.constant 2 : i32
        %mul3A_229 = arith.muli %mul3A_228, %add3A_227 : i32
        %add3A_230 = arith.constant 0 : i32
        %add3A_231 = arith.addi %mul3A_229, %add3A_230 : i32
        %dma_start3A_232 = arith.constant 1 : i32
        %dma_start3A_233 = arith.constant 0 : i32
        %dma_start3A_234 = arith.constant 0 : i32
        %dma_start3A_235 = tpu.memref_slice %arg6[%dma_start3A_232, %dma_start3A_233, %dma_start3A_234] : memref<2x2x120xi32, #tpu.memory_space<vmem>> -> memref<1x2x120xi32, #tpu.memory_space<vmem>>
        %dma_start3A_236 = tpu.memref_squeeze %dma_start3A_235 : memref<1x2x120xi32, #tpu.memory_space<vmem>> -> memref<2x120xi32, #tpu.memory_space<vmem>>
        %dma_start3A_237 = arith.constant 0 : i32
        %dma_start3A_238 = arith.constant 0 : i32
        %dma_start3A_239 = tpu.memref_slice %arg2[%add3A, %add3A_231, %dma_start3A_237, %dma_start3A_238] : memref<32x84x2x120xi32, #tpu.memory_space<hbm>> -> memref<1x1x2x120xi32, #tpu.memory_space<hbm>>
        %dma_start3A_240 = tpu.memref_squeeze %dma_start3A_239 : memref<1x1x2x120xi32, #tpu.memory_space<hbm>> -> memref<2x120xi32, #tpu.memory_space<hbm>>
        %dma_start3A_241 = arith.constant 0 : i32
        %dma_start3A_242 = arith.constant 0 : i32
        %dma_start3A_243 = tpu.memref_slice %arg6[%dma_start3A_232, %dma_start3A_241, %dma_start3A_242] : memref<2x2x120xi32, #tpu.memory_space<vmem>> -> memref<1x2x120xi32, #tpu.memory_space<vmem>>
        %dma_start3A_244 = tpu.memref_squeeze %dma_start3A_243 : memref<1x2x120xi32, #tpu.memory_space<vmem>> -> memref<2x120xi32, #tpu.memory_space<vmem>>
        %dma_start3A_245 = arith.constant 0 : i32
        %dma_start3A_246 = arith.constant 0 : i32
        %dma_start3A_247 = tpu.memref_slice %arg2[%add3A, %add3A_231, %dma_start3A_245, %dma_start3A_246] : memref<32x84x2x120xi32, #tpu.memory_space<hbm>> -> memref<1x1x2x120xi32, #tpu.memory_space<hbm>>
        %dma_start3A_248 = tpu.memref_squeeze %dma_start3A_247 : memref<1x1x2x120xi32, #tpu.memory_space<hbm>> -> memref<2x120xi32, #tpu.memory_space<hbm>>
        tpu.enqueue_dma source(%dma_start3A_248 : memref<2x120xi32, #tpu.memory_space<hbm>>) target(%dma_start3A_244 : memref<2x120xi32, #tpu.memory_space<vmem>>) target_semaphore(%arg14 : memref<!tpu.dma_semaphore, #tpu.memory_space<semaphore_mem>>)
      } else {
      }
      %mul3A_70 = arith.constant 2 : i32
      %mul3A_71 = arith.muli %mul3A_70, %mul3A_61 : i32
      %add3A_72 = arith.constant 0 : i32
      %add3A_73 = arith.addi %mul3A_71, %add3A_72 : i32
      %dma_wait3A_74 = arith.constant 0 : i32
      %dma_wait3A_75 = arith.constant 0 : i32
      %dma_wait3A_76 = arith.constant 0 : i32
      %dma_wait3A_77 = tpu.memref_slice %arg6[%dma_wait3A_74, %dma_wait3A_75, %dma_wait3A_76] : memref<2x2x120xi32, #tpu.memory_space<vmem>> -> memref<1x2x120xi32, #tpu.memory_space<vmem>>
      %dma_wait3A_78 = tpu.memref_squeeze %dma_wait3A_77 : memref<1x2x120xi32, #tpu.memory_space<vmem>> -> memref<2x120xi32, #tpu.memory_space<vmem>>
      %dma_wait3A_79 = arith.constant 0 : i32
      %dma_wait3A_80 = arith.constant 0 : i32
      %dma_wait3A_81 = tpu.memref_slice %arg2[%add3A, %add3A_73, %dma_wait3A_79, %dma_wait3A_80] : memref<32x84x2x120xi32, #tpu.memory_space<hbm>> -> memref<1x1x2x120xi32, #tpu.memory_space<hbm>>
      %dma_wait3A_82 = tpu.memref_squeeze %dma_wait3A_81 : memref<1x1x2x120xi32, #tpu.memory_space<hbm>> -> memref<2x120xi32, #tpu.memory_space<hbm>>
      %dma_wait3A_83 = arith.constant 0 : i32
      %dma_wait3A_84 = arith.constant 0 : i32
      %dma_wait3A_85 = tpu.memref_slice %arg6[%dma_wait3A_74, %dma_wait3A_83, %dma_wait3A_84] : memref<2x2x120xi32, #tpu.memory_space<vmem>> -> memref<1x2x120xi32, #tpu.memory_space<vmem>>
      %dma_wait3A_86 = tpu.memref_squeeze %dma_wait3A_85 : memref<1x2x120xi32, #tpu.memory_space<vmem>> -> memref<2x120xi32, #tpu.memory_space<vmem>>
      %dma_wait3A_87 = arith.constant 0 : i32
      %dma_wait3A_88 = arith.constant 0 : i32
      %dma_wait3A_89 = tpu.memref_slice %arg2[%add3A, %add3A_73, %dma_wait3A_87, %dma_wait3A_88] : memref<32x84x2x120xi32, #tpu.memory_space<hbm>> -> memref<1x1x2x120xi32, #tpu.memory_space<hbm>>
      %dma_wait3A_90 = tpu.memref_squeeze %dma_wait3A_89 : memref<1x1x2x120xi32, #tpu.memory_space<hbm>> -> memref<2x120xi32, #tpu.memory_space<hbm>>
      tpu.wait_dma2 semaphore(%arg12 : memref<!tpu.dma_semaphore, #tpu.memory_space<semaphore_mem>>) src(%dma_wait3A_90 : memref<2x120xi32, #tpu.memory_space<hbm>>) dst(%dma_wait3A_86 : memref<2x120xi32, #tpu.memory_space<vmem>>)
      %dma_start3A_91 = arith.constant 0 : i32
      %dma_start3A_92 = arith.constant 1 : i32
      %dma_start3A_93 = arith.constant 0 : i32
      %dma_start3A_94 = tpu.memref_slice %arg6[%dma_start3A_91, %dma_start3A_92, %dma_start3A_93] : memref<2x2x120xi32, #tpu.memory_space<vmem>> -> memref<1x1x120xi32, #tpu.memory_space<vmem>>
      %dma_start3A_95 = tpu.memref_squeeze %dma_start3A_94 : memref<1x1x120xi32, #tpu.memory_space<vmem>> -> memref<120xi32, #tpu.memory_space<vmem>>
      %dma_start3A_96 = arith.constant 0 : i32
      %dma_start3A_97 = arith.constant 0 : i32
      %dma_start3A_98 = tpu.memref_slice %arg9[%dma_start3A_96, %dma_start3A_97] : memref<10240x128xf32, #tpu.memory_space<vmem_shared>> -> memref<10240x128xf32, #tpu.memory_space<vmem_shared>>
      tpu.enqueue_indirect_dma source(%arg8 : memref<120x128xf32, #tpu.memory_space<vmem>>) target(%dma_start3A_98 : memref<10240x128xf32, #tpu.memory_space<vmem_shared>>) offsets(%dma_start3A_95 : memref<120xi32, #tpu.memory_space<vmem>>) semaphore(%arg10 : memref<!tpu.dma_semaphore, #tpu.memory_space<semaphore_mem>>) {add = true}
      %gt3A_99 = arith.constant 0 : i32
      %gt3A_100 = arith.cmpi sgt, %mul3A_61, %gt3A_99 : i32
      %convert_element_type3A_101 = arith.extui %gt3A_100 : i1 to i32
      %cond3A_102 = arith.constant 0 : i32
      %cond3A_103 = arith.cmpi ne, %convert_element_type3A_101, %cond3A_102 : i32
      scf.if %cond3A_103 {
        %dma_wait3A_226 = arith.constant 1 : i32
        %dma_wait3A_227 = arith.constant 1 : i32
        %dma_wait3A_228 = arith.constant 0 : i32
        %dma_wait3A_229 = tpu.memref_slice %arg7[%dma_wait3A_226, %dma_wait3A_227, %dma_wait3A_228] : memref<2x2x120xi32, #tpu.memory_space<vmem>> -> memref<1x1x120xi32, #tpu.memory_space<vmem>>
        %dma_wait3A_230 = tpu.memref_squeeze %dma_wait3A_229 : memref<1x1x120xi32, #tpu.memory_space<vmem>> -> memref<120xi32, #tpu.memory_space<vmem>>
        %dma_wait3A_231 = arith.constant 0 : i32
        %dma_wait3A_232 = arith.constant 0 : i32
        %dma_wait3A_233 = tpu.memref_slice %arg9[%dma_wait3A_231, %dma_wait3A_232] : memref<10240x128xf32, #tpu.memory_space<vmem_shared>> -> memref<10240x128xf32, #tpu.memory_space<vmem_shared>>
        tpu.wait_indirect_dma semaphore(%arg11 : memref<!tpu.dma_semaphore, #tpu.memory_space<semaphore_mem>>) src(%arg8 : memref<120x128xf32, #tpu.memory_space<vmem>>) dst(%dma_wait3A_233 : memref<10240x128xf32, #tpu.memory_space<vmem_shared>>)
      } else {
      }
      %add3A_104 = arith.constant 1 : i32
      %add3A_105 = arith.addi %mul3A_61, %add3A_104 : i32
      %lt3A_106 = arith.constant 42 : i32
      %lt3A_107 = arith.cmpi slt, %add3A_105, %lt3A_106 : i32
      %convert_element_type3A_108 = arith.extui %lt3A_107 : i1 to i32
      %cond3A_109 = arith.constant 0 : i32
      %cond3A_110 = arith.cmpi ne, %convert_element_type3A_108, %cond3A_109 : i32
      scf.if %cond3A_110 {
        %add3A_226 = arith.constant 1 : i32
        %add3A_227 = arith.addi %mul3A_61, %add3A_226 : i32
        %mul3A_228 = arith.constant 2 : i32
        %mul3A_229 = arith.muli %mul3A_228, %add3A_227 : i32
        %add3A_230 = arith.constant 1 : i32
        %add3A_231 = arith.addi %mul3A_229, %add3A_230 : i32
        %dma_start3A_232 = arith.constant 1 : i32
        %dma_start3A_233 = arith.constant 0 : i32
        %dma_start3A_234 = arith.constant 0 : i32
        %dma_start3A_235 = tpu.memref_slice %arg7[%dma_start3A_232, %dma_start3A_233, %dma_start3A_234] : memref<2x2x120xi32, #tpu.memory_space<vmem>> -> memref<1x2x120xi32, #tpu.memory_space<vmem>>
        %dma_start3A_236 = tpu.memref_squeeze %dma_start3A_235 : memref<1x2x120xi32, #tpu.memory_space<vmem>> -> memref<2x120xi32, #tpu.memory_space<vmem>>
        %dma_start3A_237 = arith.constant 0 : i32
        %dma_start3A_238 = arith.constant 0 : i32
        %dma_start3A_239 = tpu.memref_slice %arg2[%add3A, %add3A_231, %dma_start3A_237, %dma_start3A_238] : memref<32x84x2x120xi32, #tpu.memory_space<hbm>> -> memref<1x1x2x120xi32, #tpu.memory_space<hbm>>
        %dma_start3A_240 = tpu.memref_squeeze %dma_start3A_239 : memref<1x1x2x120xi32, #tpu.memory_space<hbm>> -> memref<2x120xi32, #tpu.memory_space<hbm>>
        %dma_start3A_241 = arith.constant 0 : i32
        %dma_start3A_242 = arith.constant 0 : i32
        %dma_start3A_243 = tpu.memref_slice %arg7[%dma_start3A_232, %dma_start3A_241, %dma_start3A_242] : memref<2x2x120xi32, #tpu.memory_space<vmem>> -> memref<1x2x120xi32, #tpu.memory_space<vmem>>
        %dma_start3A_244 = tpu.memref_squeeze %dma_start3A_243 : memref<1x2x120xi32, #tpu.memory_space<vmem>> -> memref<2x120xi32, #tpu.memory_space<vmem>>
        %dma_start3A_245 = arith.constant 0 : i32
        %dma_start3A_246 = arith.constant 0 : i32
        %dma_start3A_247 = tpu.memref_slice %arg2[%add3A, %add3A_231, %dma_start3A_245, %dma_start3A_246] : memref<32x84x2x120xi32, #tpu.memory_space<hbm>> -> memref<1x1x2x120xi32, #tpu.memory_space<hbm>>
        %dma_start3A_248 = tpu.memref_squeeze %dma_start3A_247 : memref<1x1x2x120xi32, #tpu.memory_space<hbm>> -> memref<2x120xi32, #tpu.memory_space<hbm>>
        tpu.enqueue_dma source(%dma_start3A_248 : memref<2x120xi32, #tpu.memory_space<hbm>>) target(%dma_start3A_244 : memref<2x120xi32, #tpu.memory_space<vmem>>) target_semaphore(%arg15 : memref<!tpu.dma_semaphore, #tpu.memory_space<semaphore_mem>>)
      } else {
      }
      %mul3A_111 = arith.constant 2 : i32
      %mul3A_112 = arith.muli %mul3A_111, %mul3A_61 : i32
      %add3A_113 = arith.constant 1 : i32
      %add3A_114 = arith.addi %mul3A_112, %add3A_113 : i32
      %dma_wait3A_115 = arith.constant 0 : i32
      %dma_wait3A_116 = arith.constant 0 : i32
      %dma_wait3A_117 = arith.constant 0 : i32
      %dma_wait3A_118 = tpu.memref_slice %arg7[%dma_wait3A_115, %dma_wait3A_116, %dma_wait3A_117] : memref<2x2x120xi32, #tpu.memory_space<vmem>> -> memref<1x2x120xi32, #tpu.memory_space<vmem>>
      %dma_wait3A_119 = tpu.memref_squeeze %dma_wait3A_118 : memref<1x2x120xi32, #tpu.memory_space<vmem>> -> memref<2x120xi32, #tpu.memory_space<vmem>>
      %dma_wait3A_120 = arith.constant 0 : i32
      %dma_wait3A_121 = arith.constant 0 : i32
      %dma_wait3A_122 = tpu.memref_slice %arg2[%add3A, %add3A_114, %dma_wait3A_120, %dma_wait3A_121] : memref<32x84x2x120xi32, #tpu.memory_space<hbm>> -> memref<1x1x2x120xi32, #tpu.memory_space<hbm>>
      %dma_wait3A_123 = tpu.memref_squeeze %dma_wait3A_122 : memref<1x1x2x120xi32, #tpu.memory_space<hbm>> -> memref<2x120xi32, #tpu.memory_space<hbm>>
      %dma_wait3A_124 = arith.constant 0 : i32
      %dma_wait3A_125 = arith.constant 0 : i32
      %dma_wait3A_126 = tpu.memref_slice %arg7[%dma_wait3A_115, %dma_wait3A_124, %dma_wait3A_125] : memref<2x2x120xi32, #tpu.memory_space<vmem>> -> memref<1x2x120xi32, #tpu.memory_space<vmem>>
      %dma_wait3A_127 = tpu.memref_squeeze %dma_wait3A_126 : memref<1x2x120xi32, #tpu.memory_space<vmem>> -> memref<2x120xi32, #tpu.memory_space<vmem>>
      %dma_wait3A_128 = arith.constant 0 : i32
      %dma_wait3A_129 = arith.constant 0 : i32
      %dma_wait3A_130 = tpu.memref_slice %arg2[%add3A, %add3A_114, %dma_wait3A_128, %dma_wait3A_129] : memref<32x84x2x120xi32, #tpu.memory_space<hbm>> -> memref<1x1x2x120xi32, #tpu.memory_space<hbm>>
      %dma_wait3A_131 = tpu.memref_squeeze %dma_wait3A_130 : memref<1x1x2x120xi32, #tpu.memory_space<hbm>> -> memref<2x120xi32, #tpu.memory_space<hbm>>
      tpu.wait_dma2 semaphore(%arg13 : memref<!tpu.dma_semaphore, #tpu.memory_space<semaphore_mem>>) src(%dma_wait3A_131 : memref<2x120xi32, #tpu.memory_space<hbm>>) dst(%dma_wait3A_127 : memref<2x120xi32, #tpu.memory_space<vmem>>)
      %dma_start3A_132 = arith.constant 0 : i32
      %dma_start3A_133 = arith.constant 1 : i32
      %dma_start3A_134 = arith.constant 0 : i32
      %dma_start3A_135 = tpu.memref_slice %arg7[%dma_start3A_132, %dma_start3A_133, %dma_start3A_134] : memref<2x2x120xi32, #tpu.memory_space<vmem>> -> memref<1x1x120xi32, #tpu.memory_space<vmem>>
      %dma_start3A_136 = tpu.memref_squeeze %dma_start3A_135 : memref<1x1x120xi32, #tpu.memory_space<vmem>> -> memref<120xi32, #tpu.memory_space<vmem>>
      %dma_start3A_137 = arith.constant 0 : i32
      %dma_start3A_138 = arith.constant 0 : i32
      %dma_start3A_139 = tpu.memref_slice %arg9[%dma_start3A_137, %dma_start3A_138] : memref<10240x128xf32, #tpu.memory_space<vmem_shared>> -> memref<10240x128xf32, #tpu.memory_space<vmem_shared>>
      tpu.enqueue_indirect_dma source(%arg8 : memref<120x128xf32, #tpu.memory_space<vmem>>) target(%dma_start3A_139 : memref<10240x128xf32, #tpu.memory_space<vmem_shared>>) offsets(%dma_start3A_136 : memref<120xi32, #tpu.memory_space<vmem>>) semaphore(%arg11 : memref<!tpu.dma_semaphore, #tpu.memory_space<semaphore_mem>>) {add = true}
      %mul3A_140 = arith.constant 2 : i32
      %mul3A_141 = arith.muli %mul3A_140, %scan3A_59 : i32
      %add3A_142 = arith.constant 1 : i32
      %add3A_143 = arith.addi %mul3A_141, %add3A_142 : i32
      %gt3A_144 = arith.constant 0 : i32
      %gt3A_145 = arith.cmpi sgt, %add3A_143, %gt3A_144 : i32
      %convert_element_type3A_146 = arith.extui %gt3A_145 : i1 to i32
      %cond3A_147 = arith.constant 0 : i32
      %cond3A_148 = arith.cmpi ne, %convert_element_type3A_146, %cond3A_147 : i32
      scf.if %cond3A_148 {
        %dma_wait3A_226 = arith.constant 0 : i32
        %dma_wait3A_227 = arith.constant 1 : i32
        %dma_wait3A_228 = arith.constant 0 : i32
        %dma_wait3A_229 = tpu.memref_slice %arg6[%dma_wait3A_226, %dma_wait3A_227, %dma_wait3A_228] : memref<2x2x120xi32, #tpu.memory_space<vmem>> -> memref<1x1x120xi32, #tpu.memory_space<vmem>>
        %dma_wait3A_230 = tpu.memref_squeeze %dma_wait3A_229 : memref<1x1x120xi32, #tpu.memory_space<vmem>> -> memref<120xi32, #tpu.memory_space<vmem>>
        %dma_wait3A_231 = arith.constant 0 : i32
        %dma_wait3A_232 = arith.constant 0 : i32
        %dma_wait3A_233 = tpu.memref_slice %arg9[%dma_wait3A_231, %dma_wait3A_232] : memref<10240x128xf32, #tpu.memory_space<vmem_shared>> -> memref<10240x128xf32, #tpu.memory_space<vmem_shared>>
        tpu.wait_indirect_dma semaphore(%arg10 : memref<!tpu.dma_semaphore, #tpu.memory_space<semaphore_mem>>) src(%arg8 : memref<120x128xf32, #tpu.memory_space<vmem>>) dst(%dma_wait3A_233 : memref<10240x128xf32, #tpu.memory_space<vmem_shared>>)
      } else {
      }
      %add3A_149 = arith.constant 1 : i32
      %add3A_150 = arith.addi %add3A_143, %add3A_149 : i32
      %lt3A_151 = arith.constant 42 : i32
      %lt3A_152 = arith.cmpi slt, %add3A_150, %lt3A_151 : i32
      %convert_element_type3A_153 = arith.extui %lt3A_152 : i1 to i32
      %cond3A_154 = arith.constant 0 : i32
      %cond3A_155 = arith.cmpi ne, %convert_element_type3A_153, %cond3A_154 : i32
      scf.if %cond3A_155 {
        %add3A_226 = arith.constant 1 : i32
        %add3A_227 = arith.addi %add3A_143, %add3A_226 : i32
        %mul3A_228 = arith.constant 2 : i32
        %mul3A_229 = arith.muli %mul3A_228, %add3A_227 : i32
        %add3A_230 = arith.constant 0 : i32
        %add3A_231 = arith.addi %mul3A_229, %add3A_230 : i32
        %dma_start3A_232 = arith.constant 0 : i32
        %dma_start3A_233 = arith.constant 0 : i32
        %dma_start3A_234 = arith.constant 0 : i32
        %dma_start3A_235 = tpu.memref_slice %arg6[%dma_start3A_232, %dma_start3A_233, %dma_start3A_234] : memref<2x2x120xi32, #tpu.memory_space<vmem>> -> memref<1x2x120xi32, #tpu.memory_space<vmem>>
        %dma_start3A_236 = tpu.memref_squeeze %dma_start3A_235 : memref<1x2x120xi32, #tpu.memory_space<vmem>> -> memref<2x120xi32, #tpu.memory_space<vmem>>
        %dma_start3A_237 = arith.constant 0 : i32
        %dma_start3A_238 = arith.constant 0 : i32
        %dma_start3A_239 = tpu.memref_slice %arg2[%add3A, %add3A_231, %dma_start3A_237, %dma_start3A_238] : memref<32x84x2x120xi32, #tpu.memory_space<hbm>> -> memref<1x1x2x120xi32, #tpu.memory_space<hbm>>
        %dma_start3A_240 = tpu.memref_squeeze %dma_start3A_239 : memref<1x1x2x120xi32, #tpu.memory_space<hbm>> -> memref<2x120xi32, #tpu.memory_space<hbm>>
        %dma_start3A_241 = arith.constant 0 : i32
        %dma_start3A_242 = arith.constant 0 : i32
        %dma_start3A_243 = tpu.memref_slice %arg6[%dma_start3A_232, %dma_start3A_241, %dma_start3A_242] : memref<2x2x120xi32, #tpu.memory_space<vmem>> -> memref<1x2x120xi32, #tpu.memory_space<vmem>>
        %dma_start3A_244 = tpu.memref_squeeze %dma_start3A_243 : memref<1x2x120xi32, #tpu.memory_space<vmem>> -> memref<2x120xi32, #tpu.memory_space<vmem>>
        %dma_start3A_245 = arith.constant 0 : i32
        %dma_start3A_246 = arith.constant 0 : i32
        %dma_start3A_247 = tpu.memref_slice %arg2[%add3A, %add3A_231, %dma_start3A_245, %dma_start3A_246] : memref<32x84x2x120xi32, #tpu.memory_space<hbm>> -> memref<1x1x2x120xi32, #tpu.memory_space<hbm>>
        %dma_start3A_248 = tpu.memref_squeeze %dma_start3A_247 : memref<1x1x2x120xi32, #tpu.memory_space<hbm>> -> memref<2x120xi32, #tpu.memory_space<hbm>>
        tpu.enqueue_dma source(%dma_start3A_248 : memref<2x120xi32, #tpu.memory_space<hbm>>) target(%dma_start3A_244 : memref<2x120xi32, #tpu.memory_space<vmem>>) target_semaphore(%arg12 : memref<!tpu.dma_semaphore, #tpu.memory_space<semaphore_mem>>)
      } else {
      }
      %mul3A_156 = arith.constant 2 : i32
      %mul3A_157 = arith.muli %mul3A_156, %add3A_143 : i32
      %add3A_158 = arith.constant 0 : i32
      %add3A_159 = arith.addi %mul3A_157, %add3A_158 : i32
      %dma_wait3A_160 = arith.constant 1 : i32
      %dma_wait3A_161 = arith.constant 0 : i32
      %dma_wait3A_162 = arith.constant 0 : i32
      %dma_wait3A_163 = tpu.memref_slice %arg6[%dma_wait3A_160, %dma_wait3A_161, %dma_wait3A_162] : memref<2x2x120xi32, #tpu.memory_space<vmem>> -> memref<1x2x120xi32, #tpu.memory_space<vmem>>
      %dma_wait3A_164 = tpu.memref_squeeze %dma_wait3A_163 : memref<1x2x120xi32, #tpu.memory_space<vmem>> -> memref<2x120xi32, #tpu.memory_space<vmem>>
      %dma_wait3A_165 = arith.constant 0 : i32
      %dma_wait3A_166 = arith.constant 0 : i32
      %dma_wait3A_167 = tpu.memref_slice %arg2[%add3A, %add3A_159, %dma_wait3A_165, %dma_wait3A_166] : memref<32x84x2x120xi32, #tpu.memory_space<hbm>> -> memref<1x1x2x120xi32, #tpu.memory_space<hbm>>
      %dma_wait3A_168 = tpu.memref_squeeze %dma_wait3A_167 : memref<1x1x2x120xi32, #tpu.memory_space<hbm>> -> memref<2x120xi32, #tpu.memory_space<hbm>>
      %dma_wait3A_169 = arith.constant 0 : i32
      %dma_wait3A_170 = arith.constant 0 : i32
      %dma_wait3A_171 = tpu.memref_slice %arg6[%dma_wait3A_160, %dma_wait3A_169, %dma_wait3A_170] : memref<2x2x120xi32, #tpu.memory_space<vmem>> -> memref<1x2x120xi32, #tpu.memory_space<vmem>>
      %dma_wait3A_172 = tpu.memref_squeeze %dma_wait3A_171 : memref<1x2x120xi32, #tpu.memory_space<vmem>> -> memref<2x120xi32, #tpu.memory_space<vmem>>
      %dma_wait3A_173 = arith.constant 0 : i32
      %dma_wait3A_174 = arith.constant 0 : i32
      %dma_wait3A_175 = tpu.memref_slice %arg2[%add3A, %add3A_159, %dma_wait3A_173, %dma_wait3A_174] : memref<32x84x2x120xi32, #tpu.memory_space<hbm>> -> memref<1x1x2x120xi32, #tpu.memory_space<hbm>>
      %dma_wait3A_176 = tpu.memref_squeeze %dma_wait3A_175 : memref<1x1x2x120xi32, #tpu.memory_space<hbm>> -> memref<2x120xi32, #tpu.memory_space<hbm>>
      tpu.wait_dma2 semaphore(%arg14 : memref<!tpu.dma_semaphore, #tpu.memory_space<semaphore_mem>>) src(%dma_wait3A_176 : memref<2x120xi32, #tpu.memory_space<hbm>>) dst(%dma_wait3A_172 : memref<2x120xi32, #tpu.memory_space<vmem>>)
      %dma_start3A_177 = arith.constant 1 : i32
      %dma_start3A_178 = arith.constant 1 : i32
      %dma_start3A_179 = arith.constant 0 : i32
      %dma_start3A_180 = tpu.memref_slice %arg6[%dma_start3A_177, %dma_start3A_178, %dma_start3A_179] : memref<2x2x120xi32, #tpu.memory_space<vmem>> -> memref<1x1x120xi32, #tpu.memory_space<vmem>>
      %dma_start3A_181 = tpu.memref_squeeze %dma_start3A_180 : memref<1x1x120xi32, #tpu.memory_space<vmem>> -> memref<120xi32, #tpu.memory_space<vmem>>
      %dma_start3A_182 = arith.constant 0 : i32
      %dma_start3A_183 = arith.constant 0 : i32
      %dma_start3A_184 = tpu.memref_slice %arg9[%dma_start3A_182, %dma_start3A_183] : memref<10240x128xf32, #tpu.memory_space<vmem_shared>> -> memref<10240x128xf32, #tpu.memory_space<vmem_shared>>
      tpu.enqueue_indirect_dma source(%arg8 : memref<120x128xf32, #tpu.memory_space<vmem>>) target(%dma_start3A_184 : memref<10240x128xf32, #tpu.memory_space<vmem_shared>>) offsets(%dma_start3A_181 : memref<120xi32, #tpu.memory_space<vmem>>) semaphore(%arg10 : memref<!tpu.dma_semaphore, #tpu.memory_space<semaphore_mem>>) {add = true}
      %gt3A_185 = arith.constant 0 : i32
      %gt3A_186 = arith.cmpi sgt, %add3A_143, %gt3A_185 : i32
      %convert_element_type3A_187 = arith.extui %gt3A_186 : i1 to i32
      %cond3A_188 = arith.constant 0 : i32
      %cond3A_189 = arith.cmpi ne, %convert_element_type3A_187, %cond3A_188 : i32
      scf.if %cond3A_189 {
        %dma_wait3A_226 = arith.constant 0 : i32
        %dma_wait3A_227 = arith.constant 1 : i32
        %dma_wait3A_228 = arith.constant 0 : i32
        %dma_wait3A_229 = tpu.memref_slice %arg7[%dma_wait3A_226, %dma_wait3A_227, %dma_wait3A_228] : memref<2x2x120xi32, #tpu.memory_space<vmem>> -> memref<1x1x120xi32, #tpu.memory_space<vmem>>
        %dma_wait3A_230 = tpu.memref_squeeze %dma_wait3A_229 : memref<1x1x120xi32, #tpu.memory_space<vmem>> -> memref<120xi32, #tpu.memory_space<vmem>>
        %dma_wait3A_231 = arith.constant 0 : i32
        %dma_wait3A_232 = arith.constant 0 : i32
        %dma_wait3A_233 = tpu.memref_slice %arg9[%dma_wait3A_231, %dma_wait3A_232] : memref<10240x128xf32, #tpu.memory_space<vmem_shared>> -> memref<10240x128xf32, #tpu.memory_space<vmem_shared>>
        tpu.wait_indirect_dma semaphore(%arg11 : memref<!tpu.dma_semaphore, #tpu.memory_space<semaphore_mem>>) src(%arg8 : memref<120x128xf32, #tpu.memory_space<vmem>>) dst(%dma_wait3A_233 : memref<10240x128xf32, #tpu.memory_space<vmem_shared>>)
      } else {
      }
      %add3A_190 = arith.constant 1 : i32
      %add3A_191 = arith.addi %add3A_143, %add3A_190 : i32
      %lt3A_192 = arith.constant 42 : i32
      %lt3A_193 = arith.cmpi slt, %add3A_191, %lt3A_192 : i32
      %convert_element_type3A_194 = arith.extui %lt3A_193 : i1 to i32
      %cond3A_195 = arith.constant 0 : i32
      %cond3A_196 = arith.cmpi ne, %convert_element_type3A_194, %cond3A_195 : i32
      scf.if %cond3A_196 {
        %add3A_226 = arith.constant 1 : i32
        %add3A_227 = arith.addi %add3A_143, %add3A_226 : i32
        %mul3A_228 = arith.constant 2 : i32
        %mul3A_229 = arith.muli %mul3A_228, %add3A_227 : i32
        %add3A_230 = arith.constant 1 : i32
        %add3A_231 = arith.addi %mul3A_229, %add3A_230 : i32
        %dma_start3A_232 = arith.constant 0 : i32
        %dma_start3A_233 = arith.constant 0 : i32
        %dma_start3A_234 = arith.constant 0 : i32
        %dma_start3A_235 = tpu.memref_slice %arg7[%dma_start3A_232, %dma_start3A_233, %dma_start3A_234] : memref<2x2x120xi32, #tpu.memory_space<vmem>> -> memref<1x2x120xi32, #tpu.memory_space<vmem>>
        %dma_start3A_236 = tpu.memref_squeeze %dma_start3A_235 : memref<1x2x120xi32, #tpu.memory_space<vmem>> -> memref<2x120xi32, #tpu.memory_space<vmem>>
        %dma_start3A_237 = arith.constant 0 : i32
        %dma_start3A_238 = arith.constant 0 : i32
        %dma_start3A_239 = tpu.memref_slice %arg2[%add3A, %add3A_231, %dma_start3A_237, %dma_start3A_238] : memref<32x84x2x120xi32, #tpu.memory_space<hbm>> -> memref<1x1x2x120xi32, #tpu.memory_space<hbm>>
        %dma_start3A_240 = tpu.memref_squeeze %dma_start3A_239 : memref<1x1x2x120xi32, #tpu.memory_space<hbm>> -> memref<2x120xi32, #tpu.memory_space<hbm>>
        %dma_start3A_241 = arith.constant 0 : i32
        %dma_start3A_242 = arith.constant 0 : i32
        %dma_start3A_243 = tpu.memref_slice %arg7[%dma_start3A_232, %dma_start3A_241, %dma_start3A_242] : memref<2x2x120xi32, #tpu.memory_space<vmem>> -> memref<1x2x120xi32, #tpu.memory_space<vmem>>
        %dma_start3A_244 = tpu.memref_squeeze %dma_start3A_243 : memref<1x2x120xi32, #tpu.memory_space<vmem>> -> memref<2x120xi32, #tpu.memory_space<vmem>>
        %dma_start3A_245 = arith.constant 0 : i32
        %dma_start3A_246 = arith.constant 0 : i32
        %dma_start3A_247 = tpu.memref_slice %arg2[%add3A, %add3A_231, %dma_start3A_245, %dma_start3A_246] : memref<32x84x2x120xi32, #tpu.memory_space<hbm>> -> memref<1x1x2x120xi32, #tpu.memory_space<hbm>>
        %dma_start3A_248 = tpu.memref_squeeze %dma_start3A_247 : memref<1x1x2x120xi32, #tpu.memory_space<hbm>> -> memref<2x120xi32, #tpu.memory_space<hbm>>
        tpu.enqueue_dma source(%dma_start3A_248 : memref<2x120xi32, #tpu.memory_space<hbm>>) target(%dma_start3A_244 : memref<2x120xi32, #tpu.memory_space<vmem>>) target_semaphore(%arg13 : memref<!tpu.dma_semaphore, #tpu.memory_space<semaphore_mem>>)
      } else {
      }
      %mul3A_197 = arith.constant 2 : i32
      %mul3A_198 = arith.muli %mul3A_197, %add3A_143 : i32
      %add3A_199 = arith.constant 1 : i32
      %add3A_200 = arith.addi %mul3A_198, %add3A_199 : i32
      %dma_wait3A_201 = arith.constant 1 : i32
      %dma_wait3A_202 = arith.constant 0 : i32
      %dma_wait3A_203 = arith.constant 0 : i32
      %dma_wait3A_204 = tpu.memref_slice %arg7[%dma_wait3A_201, %dma_wait3A_202, %dma_wait3A_203] : memref<2x2x120xi32, #tpu.memory_space<vmem>> -> memref<1x2x120xi32, #tpu.memory_space<vmem>>
      %dma_wait3A_205 = tpu.memref_squeeze %dma_wait3A_204 : memref<1x2x120xi32, #tpu.memory_space<vmem>> -> memref<2x120xi32, #tpu.memory_space<vmem>>
      %dma_wait3A_206 = arith.constant 0 : i32
      %dma_wait3A_207 = arith.constant 0 : i32
      %dma_wait3A_208 = tpu.memref_slice %arg2[%add3A, %add3A_200, %dma_wait3A_206, %dma_wait3A_207] : memref<32x84x2x120xi32, #tpu.memory_space<hbm>> -> memref<1x1x2x120xi32, #tpu.memory_space<hbm>>
      %dma_wait3A_209 = tpu.memref_squeeze %dma_wait3A_208 : memref<1x1x2x120xi32, #tpu.memory_space<hbm>> -> memref<2x120xi32, #tpu.memory_space<hbm>>
      %dma_wait3A_210 = arith.constant 0 : i32
      %dma_wait3A_211 = arith.constant 0 : i32
      %dma_wait3A_212 = tpu.memref_slice %arg7[%dma_wait3A_201, %dma_wait3A_210, %dma_wait3A_211] : memref<2x2x120xi32, #tpu.memory_space<vmem>> -> memref<1x2x120xi32, #tpu.memory_space<vmem>>
      %dma_wait3A_213 = tpu.memref_squeeze %dma_wait3A_212 : memref<1x2x120xi32, #tpu.memory_space<vmem>> -> memref<2x120xi32, #tpu.memory_space<vmem>>
      %dma_wait3A_214 = arith.constant 0 : i32
      %dma_wait3A_215 = arith.constant 0 : i32
      %dma_wait3A_216 = tpu.memref_slice %arg2[%add3A, %add3A_200, %dma_wait3A_214, %dma_wait3A_215] : memref<32x84x2x120xi32, #tpu.memory_space<hbm>> -> memref<1x1x2x120xi32, #tpu.memory_space<hbm>>
      %dma_wait3A_217 = tpu.memref_squeeze %dma_wait3A_216 : memref<1x1x2x120xi32, #tpu.memory_space<hbm>> -> memref<2x120xi32, #tpu.memory_space<hbm>>
      tpu.wait_dma2 semaphore(%arg15 : memref<!tpu.dma_semaphore, #tpu.memory_space<semaphore_mem>>) src(%dma_wait3A_217 : memref<2x120xi32, #tpu.memory_space<hbm>>) dst(%dma_wait3A_213 : memref<2x120xi32, #tpu.memory_space<vmem>>)
      %dma_start3A_218 = arith.constant 1 : i32
      %dma_start3A_219 = arith.constant 1 : i32
      %dma_start3A_220 = arith.constant 0 : i32
      %dma_start3A_221 = tpu.memref_slice %arg7[%dma_start3A_218, %dma_start3A_219, %dma_start3A_220] : memref<2x2x120xi32, #tpu.memory_space<vmem>> -> memref<1x1x120xi32, #tpu.memory_space<vmem>>
      %dma_start3A_222 = tpu.memref_squeeze %dma_start3A_221 : memref<1x1x120xi32, #tpu.memory_space<vmem>> -> memref<120xi32, #tpu.memory_space<vmem>>
      %dma_start3A_223 = arith.constant 0 : i32
      %dma_start3A_224 = arith.constant 0 : i32
      %dma_start3A_225 = tpu.memref_slice %arg9[%dma_start3A_223, %dma_start3A_224] : memref<10240x128xf32, #tpu.memory_space<vmem_shared>> -> memref<10240x128xf32, #tpu.memory_space<vmem_shared>>
      tpu.enqueue_indirect_dma source(%arg8 : memref<120x128xf32, #tpu.memory_space<vmem>>) target(%dma_start3A_225 : memref<10240x128xf32, #tpu.memory_space<vmem_shared>>) offsets(%dma_start3A_222 : memref<120xi32, #tpu.memory_space<vmem>>) semaphore(%arg11 : memref<!tpu.dma_semaphore, #tpu.memory_space<semaphore_mem>>) {add = true}
    }
    %scan3A_42 = arith.constant 21 : i32
    %dma_wait3A = arith.constant 1 : i32
    %dma_wait3A_43 = arith.constant 1 : i32
    %dma_wait3A_44 = arith.constant 0 : i32
    %dma_wait3A_45 = tpu.memref_slice %arg6[%dma_wait3A, %dma_wait3A_43, %dma_wait3A_44] : memref<2x2x120xi32, #tpu.memory_space<vmem>> -> memref<1x1x120xi32, #tpu.memory_space<vmem>>
    %dma_wait3A_46 = tpu.memref_squeeze %dma_wait3A_45 : memref<1x1x120xi32, #tpu.memory_space<vmem>> -> memref<120xi32, #tpu.memory_space<vmem>>
    %dma_wait3A_47 = arith.constant 0 : i32
    %dma_wait3A_48 = arith.constant 0 : i32
    %dma_wait3A_49 = tpu.memref_slice %arg9[%dma_wait3A_47, %dma_wait3A_48] : memref<10240x128xf32, #tpu.memory_space<vmem_shared>> -> memref<10240x128xf32, #tpu.memory_space<vmem_shared>>
    tpu.wait_indirect_dma semaphore(%arg10 : memref<!tpu.dma_semaphore, #tpu.memory_space<semaphore_mem>>) src(%arg8 : memref<120x128xf32, #tpu.memory_space<vmem>>) dst(%dma_wait3A_49 : memref<10240x128xf32, #tpu.memory_space<vmem_shared>>)
    %dma_wait3A_50 = arith.constant 1 : i32
    %dma_wait3A_51 = arith.constant 1 : i32
    %dma_wait3A_52 = arith.constant 0 : i32
    %dma_wait3A_53 = tpu.memref_slice %arg7[%dma_wait3A_50, %dma_wait3A_51, %dma_wait3A_52] : memref<2x2x120xi32, #tpu.memory_space<vmem>> -> memref<1x1x120xi32, #tpu.memory_space<vmem>>
    %dma_wait3A_54 = tpu.memref_squeeze %dma_wait3A_53 : memref<1x1x120xi32, #tpu.memory_space<vmem>> -> memref<120xi32, #tpu.memory_space<vmem>>
    %dma_wait3A_55 = arith.constant 0 : i32
    %dma_wait3A_56 = arith.constant 0 : i32
    %dma_wait3A_57 = tpu.memref_slice %arg9[%dma_wait3A_55, %dma_wait3A_56] : memref<10240x128xf32, #tpu.memory_space<vmem_shared>> -> memref<10240x128xf32, #tpu.memory_space<vmem_shared>>
    tpu.wait_indirect_dma semaphore(%arg11 : memref<!tpu.dma_semaphore, #tpu.memory_space<semaphore_mem>>) src(%arg8 : memref<120x128xf32, #tpu.memory_space<vmem>>) dst(%dma_wait3A_57 : memref<10240x128xf32, #tpu.memory_space<vmem_shared>>)
    %barrier3A_58 = arith.constant 0 : index
    tpu.barrier barrier_id(%barrier3A_58)
    "tpu.region"() ({
      %run_scoped3A = tpu.sem_alloc : memref<!tpu.dma_semaphore, #tpu.memory_space<semaphore_mem>>
      %dma_start3A_59 = arith.constant 0 : i32
      %dma_start3A_60 = tpu.memref_slice %arg5[%arg0, %mul3A_2, %dma_start3A_59] : memref<2x10240x128xf32, #tpu.memory_space<hbm>> -> memref<1x640x128xf32, #tpu.memory_space<hbm>>
      %dma_start3A_61 = tpu.memref_squeeze %dma_start3A_60 : memref<1x640x128xf32, #tpu.memory_space<hbm>> -> memref<640x128xf32, #tpu.memory_space<hbm>>
      %dma_start3A_62 = arith.constant 0 : i32
      %dma_start3A_63 = tpu.memref_slice %arg9[%mul3A_2, %dma_start3A_62] : memref<10240x128xf32, #tpu.memory_space<vmem_shared>> -> memref<640x128xf32, #tpu.memory_space<vmem_shared>>
      tpu.enqueue_dma source(%dma_start3A_63 : memref<640x128xf32, #tpu.memory_space<vmem_shared>>) target(%dma_start3A_61 : memref<640x128xf32, #tpu.memory_space<hbm>>) target_semaphore(%run_scoped3A : memref<!tpu.dma_semaphore, #tpu.memory_space<semaphore_mem>>)
      %dma_wait3A_64 = arith.constant 0 : i32
      %dma_wait3A_65 = tpu.memref_slice %arg5[%arg0, %mul3A_2, %dma_wait3A_64] : memref<2x10240x128xf32, #tpu.memory_space<hbm>> -> memref<1x640x128xf32, #tpu.memory_space<hbm>>
      %dma_wait3A_66 = tpu.memref_squeeze %dma_wait3A_65 : memref<1x640x128xf32, #tpu.memory_space<hbm>> -> memref<640x128xf32, #tpu.memory_space<hbm>>
      %dma_wait3A_67 = arith.constant 0 : i32
      %dma_wait3A_68 = tpu.memref_slice %arg9[%mul3A_2, %dma_wait3A_67] : memref<10240x128xf32, #tpu.memory_space<vmem_shared>> -> memref<640x128xf32, #tpu.memory_space<vmem_shared>>
      tpu.wait_dma2 semaphore(%run_scoped3A : memref<!tpu.dma_semaphore, #tpu.memory_space<semaphore_mem>>) src(%dma_wait3A_68 : memref<640x128xf32, #tpu.memory_space<vmem_shared>>) dst(%dma_wait3A_66 : memref<640x128xf32, #tpu.memory_space<hbm>>)
      tpu.yield
    }) : () -> ()
    return
  }
}

#map = affine_map<(d0, d1) -> (0, 0)>
#map1 = affine_map<(d0, d1) -> (0, 0, 0, 0)>
#map2 = affine_map<(d0, d1) -> (0, 0, 0)>
module attributes {stable_mosaic.version = 14 : i64} {
  func.func @_conv_kernel(%arg0: i32, %arg1: i32, %arg2: memref<10240x128xf32, #tpu.memory_space<hbm>>, %arg3: memref<32x84x2x120xi32, #tpu.memory_space<hbm>>, %arg4: memref<10240x128xf32, #tpu.memory_space<hbm>>, %arg5: memref<2x10240x128xf32, #tpu.memory_space<hbm>>, %arg6: memref<2x2x120xi32, #tpu.memory_space<vmem>>, %arg7: memref<2x2x120xi32, #tpu.memory_space<vmem>>, %arg8: memref<2x2x120xi32, #tpu.memory_space<vmem>>, %arg9: memref<120x128xf32, #tpu.memory_space<vmem>>, %arg10: memref<120x128xf32, #tpu.memory_space<vmem>>, %arg11: memref<120x128xf32, #tpu.memory_space<vmem>>, %arg12: memref<10240x128xf32, #tpu.memory_space<vmem_shared>>, %arg13: memref<!tpu.dma_semaphore, #tpu.memory_space<semaphore_mem>>, %arg14: memref<!tpu.dma_semaphore, #tpu.memory_space<semaphore_mem>>, %arg15: memref<!tpu.dma_semaphore, #tpu.memory_space<semaphore_mem>>, %arg16: memref<!tpu.dma_semaphore, #tpu.memory_space<semaphore_mem>>, %arg17: memref<!tpu.dma_semaphore, #tpu.memory_space<semaphore_mem>>, %arg18: memref<!tpu.dma_semaphore, #tpu.memory_space<semaphore_mem>>, %arg19: memref<!tpu.dma_semaphore, #tpu.memory_space<semaphore_mem>>, %arg20: memref<!tpu.dma_semaphore, #tpu.memory_space<semaphore_mem>>, %arg21: memref<!tpu.dma_semaphore, #tpu.memory_space<semaphore_mem>>, %arg22: memref<!tpu.dma_semaphore, #tpu.memory_space<semaphore_mem>>, %arg23: memref<!tpu.dma_semaphore, #tpu.memory_space<semaphore_mem>>, %arg24: memref<!tpu.dma_semaphore, #tpu.memory_space<semaphore_mem>>) attributes {dimension_semantics = [#tpu.dimension_semantics<core_parallel>, #tpu.dimension_semantics<subcore_parallel>], iteration_bounds = array<i64: 2, 16>, scalar_prefetch = 0 : i64, scratch_operands = 19 : i64, tpu.core_type = #tpu.core_type<sc_vector_subcore>, window_params = [{transform_indices = #map}, {transform_indices = #map1}, {transform_indices = #map}, {transform_indices = #map2}]} {
    %mul3A = arith.constant 16 : i32
    %mul3A_0 = arith.muli %arg0, %mul3A : i32
    %add3A = arith.addi %mul3A_0, %arg1 : i32
    %mul3A_1 = arith.constant 640 : i32
    %mul3A_2 = arith.muli %arg1, %mul3A_1 : i32
    "tpu.region"() ({
      %run_scoped3A = tpu.sem_alloc : memref<!tpu.dma_semaphore, #tpu.memory_space<semaphore_mem>>
      %dma_start3A_85 = arith.constant 0 : i32
      %dma_start3A_86 = tpu.memref_slice %arg12[%mul3A_2, %dma_start3A_85] : memref<10240x128xf32, #tpu.memory_space<vmem_shared>> -> memref<640x128xf32, #tpu.memory_space<vmem_shared>>
      %dma_start3A_87 = arith.constant 0 : i32
      %dma_start3A_88 = tpu.memref_slice %arg4[%mul3A_2, %dma_start3A_87] : memref<10240x128xf32, #tpu.memory_space<hbm>> -> memref<640x128xf32, #tpu.memory_space<hbm>>
      tpu.enqueue_dma source(%dma_start3A_88 : memref<640x128xf32, #tpu.memory_space<hbm>>) target(%dma_start3A_86 : memref<640x128xf32, #tpu.memory_space<vmem_shared>>) target_semaphore(%run_scoped3A : memref<!tpu.dma_semaphore, #tpu.memory_space<semaphore_mem>>)
      %dma_wait3A_89 = arith.constant 0 : i32
      %dma_wait3A_90 = tpu.memref_slice %arg12[%mul3A_2, %dma_wait3A_89] : memref<10240x128xf32, #tpu.memory_space<vmem_shared>> -> memref<640x128xf32, #tpu.memory_space<vmem_shared>>
      %dma_wait3A_91 = arith.constant 0 : i32
      %dma_wait3A_92 = tpu.memref_slice %arg4[%mul3A_2, %dma_wait3A_91] : memref<10240x128xf32, #tpu.memory_space<hbm>> -> memref<640x128xf32, #tpu.memory_space<hbm>>
      tpu.wait_dma2 semaphore(%run_scoped3A : memref<!tpu.dma_semaphore, #tpu.memory_space<semaphore_mem>>) src(%dma_wait3A_92 : memref<640x128xf32, #tpu.memory_space<hbm>>) dst(%dma_wait3A_90 : memref<640x128xf32, #tpu.memory_space<vmem_shared>>)
      tpu.yield
    }) : () -> ()
    %barrier3A = arith.constant 0 : index
    tpu.barrier barrier_id(%barrier3A)
    %dma_start3A = arith.constant 0 : i32
    %dma_start3A_3 = arith.constant 0 : i32
    %dma_start3A_4 = arith.constant 0 : i32
    %dma_start3A_5 = arith.constant 0 : i32
    %dma_start3A_6 = tpu.memref_slice %arg6[%dma_start3A_3, %dma_start3A_4, %dma_start3A_5] : memref<2x2x120xi32, #tpu.memory_space<vmem>> -> memref<1x2x120xi32, #tpu.memory_space<vmem>>
    %dma_start3A_7 = tpu.memref_squeeze %dma_start3A_6 : memref<1x2x120xi32, #tpu.memory_space<vmem>> -> memref<2x120xi32, #tpu.memory_space<vmem>>
    %dma_start3A_8 = arith.constant 0 : i32
    %dma_start3A_9 = arith.constant 0 : i32
    %dma_start3A_10 = tpu.memref_slice %arg3[%add3A, %dma_start3A, %dma_start3A_8, %dma_start3A_9] : memref<32x84x2x120xi32, #tpu.memory_space<hbm>> -> memref<1x1x2x120xi32, #tpu.memory_space<hbm>>
    %dma_start3A_11 = tpu.memref_squeeze %dma_start3A_10 : memref<1x1x2x120xi32, #tpu.memory_space<hbm>> -> memref<2x120xi32, #tpu.memory_space<hbm>>
    %dma_start3A_12 = arith.constant 0 : i32
    %dma_start3A_13 = arith.constant 0 : i32
    %dma_start3A_14 = tpu.memref_slice %arg6[%dma_start3A_3, %dma_start3A_12, %dma_start3A_13] : memref<2x2x120xi32, #tpu.memory_space<vmem>> -> memref<1x2x120xi32, #tpu.memory_space<vmem>>
    %dma_start3A_15 = tpu.memref_squeeze %dma_start3A_14 : memref<1x2x120xi32, #tpu.memory_space<vmem>> -> memref<2x120xi32, #tpu.memory_space<vmem>>
    %dma_start3A_16 = arith.constant 0 : i32
    %dma_start3A_17 = arith.constant 0 : i32
    %dma_start3A_18 = tpu.memref_slice %arg3[%add3A, %dma_start3A, %dma_start3A_16, %dma_start3A_17] : memref<32x84x2x120xi32, #tpu.memory_space<hbm>> -> memref<1x1x2x120xi32, #tpu.memory_space<hbm>>
    %dma_start3A_19 = tpu.memref_squeeze %dma_start3A_18 : memref<1x1x2x120xi32, #tpu.memory_space<hbm>> -> memref<2x120xi32, #tpu.memory_space<hbm>>
    tpu.enqueue_dma source(%dma_start3A_19 : memref<2x120xi32, #tpu.memory_space<hbm>>) target(%dma_start3A_15 : memref<2x120xi32, #tpu.memory_space<vmem>>) target_semaphore(%arg19 : memref<!tpu.dma_semaphore, #tpu.memory_space<semaphore_mem>>)
    %dma_start3A_20 = arith.constant 1 : i32
    %dma_start3A_21 = arith.constant 0 : i32
    %dma_start3A_22 = arith.constant 0 : i32
    %dma_start3A_23 = arith.constant 0 : i32
    %dma_start3A_24 = tpu.memref_slice %arg7[%dma_start3A_21, %dma_start3A_22, %dma_start3A_23] : memref<2x2x120xi32, #tpu.memory_space<vmem>> -> memref<1x2x120xi32, #tpu.memory_space<vmem>>
    %dma_start3A_25 = tpu.memref_squeeze %dma_start3A_24 : memref<1x2x120xi32, #tpu.memory_space<vmem>> -> memref<2x120xi32, #tpu.memory_space<vmem>>
    %dma_start3A_26 = arith.constant 0 : i32
    %dma_start3A_27 = arith.constant 0 : i32
    %dma_start3A_28 = tpu.memref_slice %arg3[%add3A, %dma_start3A_20, %dma_start3A_26, %dma_start3A_27] : memref<32x84x2x120xi32, #tpu.memory_space<hbm>> -> memref<1x1x2x120xi32, #tpu.memory_space<hbm>>
    %dma_start3A_29 = tpu.memref_squeeze %dma_start3A_28 : memref<1x1x2x120xi32, #tpu.memory_space<hbm>> -> memref<2x120xi32, #tpu.memory_space<hbm>>
    %dma_start3A_30 = arith.constant 0 : i32
    %dma_start3A_31 = arith.constant 0 : i32
    %dma_start3A_32 = tpu.memref_slice %arg7[%dma_start3A_21, %dma_start3A_30, %dma_start3A_31] : memref<2x2x120xi32, #tpu.memory_space<vmem>> -> memref<1x2x120xi32, #tpu.memory_space<vmem>>
    %dma_start3A_33 = tpu.memref_squeeze %dma_start3A_32 : memref<1x2x120xi32, #tpu.memory_space<vmem>> -> memref<2x120xi32, #tpu.memory_space<vmem>>
    %dma_start3A_34 = arith.constant 0 : i32
    %dma_start3A_35 = arith.constant 0 : i32
    %dma_start3A_36 = tpu.memref_slice %arg3[%add3A, %dma_start3A_20, %dma_start3A_34, %dma_start3A_35] : memref<32x84x2x120xi32, #tpu.memory_space<hbm>> -> memref<1x1x2x120xi32, #tpu.memory_space<hbm>>
    %dma_start3A_37 = tpu.memref_squeeze %dma_start3A_36 : memref<1x1x2x120xi32, #tpu.memory_space<hbm>> -> memref<2x120xi32, #tpu.memory_space<hbm>>
    tpu.enqueue_dma source(%dma_start3A_37 : memref<2x120xi32, #tpu.memory_space<hbm>>) target(%dma_start3A_33 : memref<2x120xi32, #tpu.memory_space<vmem>>) target_semaphore(%arg20 : memref<!tpu.dma_semaphore, #tpu.memory_space<semaphore_mem>>)
    %dma_start3A_38 = arith.constant 2 : i32
    %dma_start3A_39 = arith.constant 0 : i32
    %dma_start3A_40 = arith.constant 0 : i32
    %dma_start3A_41 = arith.constant 0 : i32
    %dma_start3A_42 = tpu.memref_slice %arg8[%dma_start3A_39, %dma_start3A_40, %dma_start3A_41] : memref<2x2x120xi32, #tpu.memory_space<vmem>> -> memref<1x2x120xi32, #tpu.memory_space<vmem>>
    %dma_start3A_43 = tpu.memref_squeeze %dma_start3A_42 : memref<1x2x120xi32, #tpu.memory_space<vmem>> -> memref<2x120xi32, #tpu.memory_space<vmem>>
    %dma_start3A_44 = arith.constant 0 : i32
    %dma_start3A_45 = arith.constant 0 : i32
    %dma_start3A_46 = tpu.memref_slice %arg3[%add3A, %dma_start3A_38, %dma_start3A_44, %dma_start3A_45] : memref<32x84x2x120xi32, #tpu.memory_space<hbm>> -> memref<1x1x2x120xi32, #tpu.memory_space<hbm>>
    %dma_start3A_47 = tpu.memref_squeeze %dma_start3A_46 : memref<1x1x2x120xi32, #tpu.memory_space<hbm>> -> memref<2x120xi32, #tpu.memory_space<hbm>>
    %dma_start3A_48 = arith.constant 0 : i32
    %dma_start3A_49 = arith.constant 0 : i32
    %dma_start3A_50 = tpu.memref_slice %arg8[%dma_start3A_39, %dma_start3A_48, %dma_start3A_49] : memref<2x2x120xi32, #tpu.memory_space<vmem>> -> memref<1x2x120xi32, #tpu.memory_space<vmem>>
    %dma_start3A_51 = tpu.memref_squeeze %dma_start3A_50 : memref<1x2x120xi32, #tpu.memory_space<vmem>> -> memref<2x120xi32, #tpu.memory_space<vmem>>
    %dma_start3A_52 = arith.constant 0 : i32
    %dma_start3A_53 = arith.constant 0 : i32
    %dma_start3A_54 = tpu.memref_slice %arg3[%add3A, %dma_start3A_38, %dma_start3A_52, %dma_start3A_53] : memref<32x84x2x120xi32, #tpu.memory_space<hbm>> -> memref<1x1x2x120xi32, #tpu.memory_space<hbm>>
    %dma_start3A_55 = tpu.memref_squeeze %dma_start3A_54 : memref<1x1x2x120xi32, #tpu.memory_space<hbm>> -> memref<2x120xi32, #tpu.memory_space<hbm>>
    tpu.enqueue_dma source(%dma_start3A_55 : memref<2x120xi32, #tpu.memory_space<hbm>>) target(%dma_start3A_51 : memref<2x120xi32, #tpu.memory_space<vmem>>) target_semaphore(%arg21 : memref<!tpu.dma_semaphore, #tpu.memory_space<semaphore_mem>>)
    %scan3A = arith.constant 0 : i32
    %scan3A_56 = arith.constant 0 : i32
    %scan3A_57 = arith.constant 14 : i32
    %scan3A_58 = arith.addi %scan3A_56, %scan3A_57 : i32
    %scan3A_59 = arith.constant 1 : i32
    scf.for %scan3A_85 = %scan3A_56 to %scan3A_58 step %scan3A_59  : i32 {
      %mul3A_86 = arith.constant 2 : i32
      %mul3A_87 = arith.muli %mul3A_86, %scan3A_85 : i32
      %gt3A = arith.constant 0 : i32
      %gt3A_88 = arith.cmpi sgt, %mul3A_87, %gt3A : i32
      %convert_element_type3A = arith.extui %gt3A_88 : i1 to i32
      %cond3A = arith.constant 0 : i32
      %cond3A_89 = arith.cmpi ne, %convert_element_type3A, %cond3A : i32
      scf.if %cond3A_89 {
        %dma_wait3A_430 = arith.constant 1 : i32
        %dma_wait3A_431 = arith.constant 1 : i32
        %dma_wait3A_432 = arith.constant 0 : i32
        %dma_wait3A_433 = tpu.memref_slice %arg6[%dma_wait3A_430, %dma_wait3A_431, %dma_wait3A_432] : memref<2x2x120xi32, #tpu.memory_space<vmem>> -> memref<1x1x120xi32, #tpu.memory_space<vmem>>
        %dma_wait3A_434 = tpu.memref_squeeze %dma_wait3A_433 : memref<1x1x120xi32, #tpu.memory_space<vmem>> -> memref<120xi32, #tpu.memory_space<vmem>>
        %dma_wait3A_435 = arith.constant 0 : i32
        %dma_wait3A_436 = arith.constant 0 : i32
        %dma_wait3A_437 = tpu.memref_slice %arg12[%dma_wait3A_435, %dma_wait3A_436] : memref<10240x128xf32, #tpu.memory_space<vmem_shared>> -> memref<10240x128xf32, #tpu.memory_space<vmem_shared>>
        tpu.wait_indirect_dma semaphore(%arg16 : memref<!tpu.dma_semaphore, #tpu.memory_space<semaphore_mem>>) src(%arg9 : memref<120x128xf32, #tpu.memory_space<vmem>>) dst(%dma_wait3A_437 : memref<10240x128xf32, #tpu.memory_space<vmem_shared>>)
      } else {
      }
      %add3A_90 = arith.constant 1 : i32
      %add3A_91 = arith.addi %mul3A_87, %add3A_90 : i32
      %lt3A = arith.constant 28 : i32
      %lt3A_92 = arith.cmpi slt, %add3A_91, %lt3A : i32
      %convert_element_type3A_93 = arith.extui %lt3A_92 : i1 to i32
      %cond3A_94 = arith.constant 0 : i32
      %cond3A_95 = arith.cmpi ne, %convert_element_type3A_93, %cond3A_94 : i32
      scf.if %cond3A_95 {
        %add3A_430 = arith.constant 1 : i32
        %add3A_431 = arith.addi %mul3A_87, %add3A_430 : i32
        %mul3A_432 = arith.constant 3 : i32
        %mul3A_433 = arith.muli %mul3A_432, %add3A_431 : i32
        %add3A_434 = arith.constant 0 : i32
        %add3A_435 = arith.addi %mul3A_433, %add3A_434 : i32
        %dma_start3A_436 = arith.constant 1 : i32
        %dma_start3A_437 = arith.constant 0 : i32
        %dma_start3A_438 = arith.constant 0 : i32
        %dma_start3A_439 = tpu.memref_slice %arg6[%dma_start3A_436, %dma_start3A_437, %dma_start3A_438] : memref<2x2x120xi32, #tpu.memory_space<vmem>> -> memref<1x2x120xi32, #tpu.memory_space<vmem>>
        %dma_start3A_440 = tpu.memref_squeeze %dma_start3A_439 : memref<1x2x120xi32, #tpu.memory_space<vmem>> -> memref<2x120xi32, #tpu.memory_space<vmem>>
        %dma_start3A_441 = arith.constant 0 : i32
        %dma_start3A_442 = arith.constant 0 : i32
        %dma_start3A_443 = tpu.memref_slice %arg3[%add3A, %add3A_435, %dma_start3A_441, %dma_start3A_442] : memref<32x84x2x120xi32, #tpu.memory_space<hbm>> -> memref<1x1x2x120xi32, #tpu.memory_space<hbm>>
        %dma_start3A_444 = tpu.memref_squeeze %dma_start3A_443 : memref<1x1x2x120xi32, #tpu.memory_space<hbm>> -> memref<2x120xi32, #tpu.memory_space<hbm>>
        %dma_start3A_445 = arith.constant 0 : i32
        %dma_start3A_446 = arith.constant 0 : i32
        %dma_start3A_447 = tpu.memref_slice %arg6[%dma_start3A_436, %dma_start3A_445, %dma_start3A_446] : memref<2x2x120xi32, #tpu.memory_space<vmem>> -> memref<1x2x120xi32, #tpu.memory_space<vmem>>
        %dma_start3A_448 = tpu.memref_squeeze %dma_start3A_447 : memref<1x2x120xi32, #tpu.memory_space<vmem>> -> memref<2x120xi32, #tpu.memory_space<vmem>>
        %dma_start3A_449 = arith.constant 0 : i32
        %dma_start3A_450 = arith.constant 0 : i32
        %dma_start3A_451 = tpu.memref_slice %arg3[%add3A, %add3A_435, %dma_start3A_449, %dma_start3A_450] : memref<32x84x2x120xi32, #tpu.memory_space<hbm>> -> memref<1x1x2x120xi32, #tpu.memory_space<hbm>>
        %dma_start3A_452 = tpu.memref_squeeze %dma_start3A_451 : memref<1x1x2x120xi32, #tpu.memory_space<hbm>> -> memref<2x120xi32, #tpu.memory_space<hbm>>
        tpu.enqueue_dma source(%dma_start3A_452 : memref<2x120xi32, #tpu.memory_space<hbm>>) target(%dma_start3A_448 : memref<2x120xi32, #tpu.memory_space<vmem>>) target_semaphore(%arg22 : memref<!tpu.dma_semaphore, #tpu.memory_space<semaphore_mem>>)
      } else {
      }
      %mul3A_96 = arith.constant 3 : i32
      %mul3A_97 = arith.muli %mul3A_96, %mul3A_87 : i32
      %add3A_98 = arith.constant 0 : i32
      %add3A_99 = arith.addi %mul3A_97, %add3A_98 : i32
      %dma_wait3A_100 = arith.constant 0 : i32
      %dma_wait3A_101 = arith.constant 0 : i32
      %dma_wait3A_102 = arith.constant 0 : i32
      %dma_wait3A_103 = tpu.memref_slice %arg6[%dma_wait3A_100, %dma_wait3A_101, %dma_wait3A_102] : memref<2x2x120xi32, #tpu.memory_space<vmem>> -> memref<1x2x120xi32, #tpu.memory_space<vmem>>
      %dma_wait3A_104 = tpu.memref_squeeze %dma_wait3A_103 : memref<1x2x120xi32, #tpu.memory_space<vmem>> -> memref<2x120xi32, #tpu.memory_space<vmem>>
      %dma_wait3A_105 = arith.constant 0 : i32
      %dma_wait3A_106 = arith.constant 0 : i32
      %dma_wait3A_107 = tpu.memref_slice %arg3[%add3A, %add3A_99, %dma_wait3A_105, %dma_wait3A_106] : memref<32x84x2x120xi32, #tpu.memory_space<hbm>> -> memref<1x1x2x120xi32, #tpu.memory_space<hbm>>
      %dma_wait3A_108 = tpu.memref_squeeze %dma_wait3A_107 : memref<1x1x2x120xi32, #tpu.memory_space<hbm>> -> memref<2x120xi32, #tpu.memory_space<hbm>>
      %dma_wait3A_109 = arith.constant 0 : i32
      %dma_wait3A_110 = arith.constant 0 : i32
      %dma_wait3A_111 = tpu.memref_slice %arg6[%dma_wait3A_100, %dma_wait3A_109, %dma_wait3A_110] : memref<2x2x120xi32, #tpu.memory_space<vmem>> -> memref<1x2x120xi32, #tpu.memory_space<vmem>>
      %dma_wait3A_112 = tpu.memref_squeeze %dma_wait3A_111 : memref<1x2x120xi32, #tpu.memory_space<vmem>> -> memref<2x120xi32, #tpu.memory_space<vmem>>
      %dma_wait3A_113 = arith.constant 0 : i32
      %dma_wait3A_114 = arith.constant 0 : i32
      %dma_wait3A_115 = tpu.memref_slice %arg3[%add3A, %add3A_99, %dma_wait3A_113, %dma_wait3A_114] : memref<32x84x2x120xi32, #tpu.memory_space<hbm>> -> memref<1x1x2x120xi32, #tpu.memory_space<hbm>>
      %dma_wait3A_116 = tpu.memref_squeeze %dma_wait3A_115 : memref<1x1x2x120xi32, #tpu.memory_space<hbm>> -> memref<2x120xi32, #tpu.memory_space<hbm>>
      tpu.wait_dma2 semaphore(%arg19 : memref<!tpu.dma_semaphore, #tpu.memory_space<semaphore_mem>>) src(%dma_wait3A_116 : memref<2x120xi32, #tpu.memory_space<hbm>>) dst(%dma_wait3A_112 : memref<2x120xi32, #tpu.memory_space<vmem>>)
      %dma_start3A_117 = arith.constant 0 : i32
      %dma_start3A_118 = arith.constant 0 : i32
      %dma_start3A_119 = arith.constant 0 : i32
      %dma_start3A_120 = tpu.memref_slice %arg6[%dma_start3A_117, %dma_start3A_118, %dma_start3A_119] : memref<2x2x120xi32, #tpu.memory_space<vmem>> -> memref<1x1x120xi32, #tpu.memory_space<vmem>>
      %dma_start3A_121 = tpu.memref_squeeze %dma_start3A_120 : memref<1x1x120xi32, #tpu.memory_space<vmem>> -> memref<120xi32, #tpu.memory_space<vmem>>
      %dma_start3A_122 = arith.constant 0 : i32
      %dma_start3A_123 = arith.constant 0 : i32
      %dma_start3A_124 = tpu.memref_slice %arg2[%dma_start3A_122, %dma_start3A_123] : memref<10240x128xf32, #tpu.memory_space<hbm>> -> memref<10240x128xf32, #tpu.memory_space<hbm>>
      tpu.enqueue_indirect_dma source(%dma_start3A_124 : memref<10240x128xf32, #tpu.memory_space<hbm>>) target(%arg9 : memref<120x128xf32, #tpu.memory_space<vmem>>) offsets(%dma_start3A_121 : memref<120xi32, #tpu.memory_space<vmem>>) semaphore(%arg13 : memref<!tpu.dma_semaphore, #tpu.memory_space<semaphore_mem>>)
      %gt3A_125 = arith.constant 0 : i32
      %gt3A_126 = arith.cmpi sgt, %mul3A_87, %gt3A_125 : i32
      %convert_element_type3A_127 = arith.extui %gt3A_126 : i1 to i32
      %cond3A_128 = arith.constant 0 : i32
      %cond3A_129 = arith.cmpi ne, %convert_element_type3A_127, %cond3A_128 : i32
      scf.if %cond3A_129 {
        %dma_wait3A_430 = arith.constant 1 : i32
        %dma_wait3A_431 = arith.constant 1 : i32
        %dma_wait3A_432 = arith.constant 0 : i32
        %dma_wait3A_433 = tpu.memref_slice %arg7[%dma_wait3A_430, %dma_wait3A_431, %dma_wait3A_432] : memref<2x2x120xi32, #tpu.memory_space<vmem>> -> memref<1x1x120xi32, #tpu.memory_space<vmem>>
        %dma_wait3A_434 = tpu.memref_squeeze %dma_wait3A_433 : memref<1x1x120xi32, #tpu.memory_space<vmem>> -> memref<120xi32, #tpu.memory_space<vmem>>
        %dma_wait3A_435 = arith.constant 0 : i32
        %dma_wait3A_436 = arith.constant 0 : i32
        %dma_wait3A_437 = tpu.memref_slice %arg12[%dma_wait3A_435, %dma_wait3A_436] : memref<10240x128xf32, #tpu.memory_space<vmem_shared>> -> memref<10240x128xf32, #tpu.memory_space<vmem_shared>>
        tpu.wait_indirect_dma semaphore(%arg17 : memref<!tpu.dma_semaphore, #tpu.memory_space<semaphore_mem>>) src(%arg10 : memref<120x128xf32, #tpu.memory_space<vmem>>) dst(%dma_wait3A_437 : memref<10240x128xf32, #tpu.memory_space<vmem_shared>>)
      } else {
      }
      %add3A_130 = arith.constant 1 : i32
      %add3A_131 = arith.addi %mul3A_87, %add3A_130 : i32
      %lt3A_132 = arith.constant 28 : i32
      %lt3A_133 = arith.cmpi slt, %add3A_131, %lt3A_132 : i32
      %convert_element_type3A_134 = arith.extui %lt3A_133 : i1 to i32
      %cond3A_135 = arith.constant 0 : i32
      %cond3A_136 = arith.cmpi ne, %convert_element_type3A_134, %cond3A_135 : i32
      scf.if %cond3A_136 {
        %add3A_430 = arith.constant 1 : i32
        %add3A_431 = arith.addi %mul3A_87, %add3A_430 : i32
        %mul3A_432 = arith.constant 3 : i32
        %mul3A_433 = arith.muli %mul3A_432, %add3A_431 : i32
        %add3A_434 = arith.constant 1 : i32
        %add3A_435 = arith.addi %mul3A_433, %add3A_434 : i32
        %dma_start3A_436 = arith.constant 1 : i32
        %dma_start3A_437 = arith.constant 0 : i32
        %dma_start3A_438 = arith.constant 0 : i32
        %dma_start3A_439 = tpu.memref_slice %arg7[%dma_start3A_436, %dma_start3A_437, %dma_start3A_438] : memref<2x2x120xi32, #tpu.memory_space<vmem>> -> memref<1x2x120xi32, #tpu.memory_space<vmem>>
        %dma_start3A_440 = tpu.memref_squeeze %dma_start3A_439 : memref<1x2x120xi32, #tpu.memory_space<vmem>> -> memref<2x120xi32, #tpu.memory_space<vmem>>
        %dma_start3A_441 = arith.constant 0 : i32
        %dma_start3A_442 = arith.constant 0 : i32
        %dma_start3A_443 = tpu.memref_slice %arg3[%add3A, %add3A_435, %dma_start3A_441, %dma_start3A_442] : memref<32x84x2x120xi32, #tpu.memory_space<hbm>> -> memref<1x1x2x120xi32, #tpu.memory_space<hbm>>
        %dma_start3A_444 = tpu.memref_squeeze %dma_start3A_443 : memref<1x1x2x120xi32, #tpu.memory_space<hbm>> -> memref<2x120xi32, #tpu.memory_space<hbm>>
        %dma_start3A_445 = arith.constant 0 : i32
        %dma_start3A_446 = arith.constant 0 : i32
        %dma_start3A_447 = tpu.memref_slice %arg7[%dma_start3A_436, %dma_start3A_445, %dma_start3A_446] : memref<2x2x120xi32, #tpu.memory_space<vmem>> -> memref<1x2x120xi32, #tpu.memory_space<vmem>>
        %dma_start3A_448 = tpu.memref_squeeze %dma_start3A_447 : memref<1x2x120xi32, #tpu.memory_space<vmem>> -> memref<2x120xi32, #tpu.memory_space<vmem>>
        %dma_start3A_449 = arith.constant 0 : i32
        %dma_start3A_450 = arith.constant 0 : i32
        %dma_start3A_451 = tpu.memref_slice %arg3[%add3A, %add3A_435, %dma_start3A_449, %dma_start3A_450] : memref<32x84x2x120xi32, #tpu.memory_space<hbm>> -> memref<1x1x2x120xi32, #tpu.memory_space<hbm>>
        %dma_start3A_452 = tpu.memref_squeeze %dma_start3A_451 : memref<1x1x2x120xi32, #tpu.memory_space<hbm>> -> memref<2x120xi32, #tpu.memory_space<hbm>>
        tpu.enqueue_dma source(%dma_start3A_452 : memref<2x120xi32, #tpu.memory_space<hbm>>) target(%dma_start3A_448 : memref<2x120xi32, #tpu.memory_space<vmem>>) target_semaphore(%arg23 : memref<!tpu.dma_semaphore, #tpu.memory_space<semaphore_mem>>)
      } else {
      }
      %mul3A_137 = arith.constant 3 : i32
      %mul3A_138 = arith.muli %mul3A_137, %mul3A_87 : i32
      %add3A_139 = arith.constant 1 : i32
      %add3A_140 = arith.addi %mul3A_138, %add3A_139 : i32
      %dma_wait3A_141 = arith.constant 0 : i32
      %dma_wait3A_142 = arith.constant 0 : i32
      %dma_wait3A_143 = arith.constant 0 : i32
      %dma_wait3A_144 = tpu.memref_slice %arg7[%dma_wait3A_141, %dma_wait3A_142, %dma_wait3A_143] : memref<2x2x120xi32, #tpu.memory_space<vmem>> -> memref<1x2x120xi32, #tpu.memory_space<vmem>>
      %dma_wait3A_145 = tpu.memref_squeeze %dma_wait3A_144 : memref<1x2x120xi32, #tpu.memory_space<vmem>> -> memref<2x120xi32, #tpu.memory_space<vmem>>
      %dma_wait3A_146 = arith.constant 0 : i32
      %dma_wait3A_147 = arith.constant 0 : i32
      %dma_wait3A_148 = tpu.memref_slice %arg3[%add3A, %add3A_140, %dma_wait3A_146, %dma_wait3A_147] : memref<32x84x2x120xi32, #tpu.memory_space<hbm>> -> memref<1x1x2x120xi32, #tpu.memory_space<hbm>>
      %dma_wait3A_149 = tpu.memref_squeeze %dma_wait3A_148 : memref<1x1x2x120xi32, #tpu.memory_space<hbm>> -> memref<2x120xi32, #tpu.memory_space<hbm>>
      %dma_wait3A_150 = arith.constant 0 : i32
      %dma_wait3A_151 = arith.constant 0 : i32
      %dma_wait3A_152 = tpu.memref_slice %arg7[%dma_wait3A_141, %dma_wait3A_150, %dma_wait3A_151] : memref<2x2x120xi32, #tpu.memory_space<vmem>> -> memref<1x2x120xi32, #tpu.memory_space<vmem>>
      %dma_wait3A_153 = tpu.memref_squeeze %dma_wait3A_152 : memref<1x2x120xi32, #tpu.memory_space<vmem>> -> memref<2x120xi32, #tpu.memory_space<vmem>>
      %dma_wait3A_154 = arith.constant 0 : i32
      %dma_wait3A_155 = arith.constant 0 : i32
      %dma_wait3A_156 = tpu.memref_slice %arg3[%add3A, %add3A_140, %dma_wait3A_154, %dma_wait3A_155] : memref<32x84x2x120xi32, #tpu.memory_space<hbm>> -> memref<1x1x2x120xi32, #tpu.memory_space<hbm>>
      %dma_wait3A_157 = tpu.memref_squeeze %dma_wait3A_156 : memref<1x1x2x120xi32, #tpu.memory_space<hbm>> -> memref<2x120xi32, #tpu.memory_space<hbm>>
      tpu.wait_dma2 semaphore(%arg20 : memref<!tpu.dma_semaphore, #tpu.memory_space<semaphore_mem>>) src(%dma_wait3A_157 : memref<2x120xi32, #tpu.memory_space<hbm>>) dst(%dma_wait3A_153 : memref<2x120xi32, #tpu.memory_space<vmem>>)
      %dma_start3A_158 = arith.constant 0 : i32
      %dma_start3A_159 = arith.constant 0 : i32
      %dma_start3A_160 = arith.constant 0 : i32
      %dma_start3A_161 = tpu.memref_slice %arg7[%dma_start3A_158, %dma_start3A_159, %dma_start3A_160] : memref<2x2x120xi32, #tpu.memory_space<vmem>> -> memref<1x1x120xi32, #tpu.memory_space<vmem>>
      %dma_start3A_162 = tpu.memref_squeeze %dma_start3A_161 : memref<1x1x120xi32, #tpu.memory_space<vmem>> -> memref<120xi32, #tpu.memory_space<vmem>>
      %dma_start3A_163 = arith.constant 0 : i32
      %dma_start3A_164 = arith.constant 0 : i32
      %dma_start3A_165 = tpu.memref_slice %arg2[%dma_start3A_163, %dma_start3A_164] : memref<10240x128xf32, #tpu.memory_space<hbm>> -> memref<10240x128xf32, #tpu.memory_space<hbm>>
      tpu.enqueue_indirect_dma source(%dma_start3A_165 : memref<10240x128xf32, #tpu.memory_space<hbm>>) target(%arg10 : memref<120x128xf32, #tpu.memory_space<vmem>>) offsets(%dma_start3A_162 : memref<120xi32, #tpu.memory_space<vmem>>) semaphore(%arg14 : memref<!tpu.dma_semaphore, #tpu.memory_space<semaphore_mem>>)
      %gt3A_166 = arith.constant 0 : i32
      %gt3A_167 = arith.cmpi sgt, %mul3A_87, %gt3A_166 : i32
      %convert_element_type3A_168 = arith.extui %gt3A_167 : i1 to i32
      %cond3A_169 = arith.constant 0 : i32
      %cond3A_170 = arith.cmpi ne, %convert_element_type3A_168, %cond3A_169 : i32
      scf.if %cond3A_170 {
        %dma_wait3A_430 = arith.constant 1 : i32
        %dma_wait3A_431 = arith.constant 1 : i32
        %dma_wait3A_432 = arith.constant 0 : i32
        %dma_wait3A_433 = tpu.memref_slice %arg8[%dma_wait3A_430, %dma_wait3A_431, %dma_wait3A_432] : memref<2x2x120xi32, #tpu.memory_space<vmem>> -> memref<1x1x120xi32, #tpu.memory_space<vmem>>
        %dma_wait3A_434 = tpu.memref_squeeze %dma_wait3A_433 : memref<1x1x120xi32, #tpu.memory_space<vmem>> -> memref<120xi32, #tpu.memory_space<vmem>>
        %dma_wait3A_435 = arith.constant 0 : i32
        %dma_wait3A_436 = arith.constant 0 : i32
        %dma_wait3A_437 = tpu.memref_slice %arg12[%dma_wait3A_435, %dma_wait3A_436] : memref<10240x128xf32, #tpu.memory_space<vmem_shared>> -> memref<10240x128xf32, #tpu.memory_space<vmem_shared>>
        tpu.wait_indirect_dma semaphore(%arg18 : memref<!tpu.dma_semaphore, #tpu.memory_space<semaphore_mem>>) src(%arg11 : memref<120x128xf32, #tpu.memory_space<vmem>>) dst(%dma_wait3A_437 : memref<10240x128xf32, #tpu.memory_space<vmem_shared>>)
      } else {
      }
      %add3A_171 = arith.constant 1 : i32
      %add3A_172 = arith.addi %mul3A_87, %add3A_171 : i32
      %lt3A_173 = arith.constant 28 : i32
      %lt3A_174 = arith.cmpi slt, %add3A_172, %lt3A_173 : i32
      %convert_element_type3A_175 = arith.extui %lt3A_174 : i1 to i32
      %cond3A_176 = arith.constant 0 : i32
      %cond3A_177 = arith.cmpi ne, %convert_element_type3A_175, %cond3A_176 : i32
      scf.if %cond3A_177 {
        %add3A_430 = arith.constant 1 : i32
        %add3A_431 = arith.addi %mul3A_87, %add3A_430 : i32
        %mul3A_432 = arith.constant 3 : i32
        %mul3A_433 = arith.muli %mul3A_432, %add3A_431 : i32
        %add3A_434 = arith.constant 2 : i32
        %add3A_435 = arith.addi %mul3A_433, %add3A_434 : i32
        %dma_start3A_436 = arith.constant 1 : i32
        %dma_start3A_437 = arith.constant 0 : i32
        %dma_start3A_438 = arith.constant 0 : i32
        %dma_start3A_439 = tpu.memref_slice %arg8[%dma_start3A_436, %dma_start3A_437, %dma_start3A_438] : memref<2x2x120xi32, #tpu.memory_space<vmem>> -> memref<1x2x120xi32, #tpu.memory_space<vmem>>
        %dma_start3A_440 = tpu.memref_squeeze %dma_start3A_439 : memref<1x2x120xi32, #tpu.memory_space<vmem>> -> memref<2x120xi32, #tpu.memory_space<vmem>>
        %dma_start3A_441 = arith.constant 0 : i32
        %dma_start3A_442 = arith.constant 0 : i32
        %dma_start3A_443 = tpu.memref_slice %arg3[%add3A, %add3A_435, %dma_start3A_441, %dma_start3A_442] : memref<32x84x2x120xi32, #tpu.memory_space<hbm>> -> memref<1x1x2x120xi32, #tpu.memory_space<hbm>>
        %dma_start3A_444 = tpu.memref_squeeze %dma_start3A_443 : memref<1x1x2x120xi32, #tpu.memory_space<hbm>> -> memref<2x120xi32, #tpu.memory_space<hbm>>
        %dma_start3A_445 = arith.constant 0 : i32
        %dma_start3A_446 = arith.constant 0 : i32
        %dma_start3A_447 = tpu.memref_slice %arg8[%dma_start3A_436, %dma_start3A_445, %dma_start3A_446] : memref<2x2x120xi32, #tpu.memory_space<vmem>> -> memref<1x2x120xi32, #tpu.memory_space<vmem>>
        %dma_start3A_448 = tpu.memref_squeeze %dma_start3A_447 : memref<1x2x120xi32, #tpu.memory_space<vmem>> -> memref<2x120xi32, #tpu.memory_space<vmem>>
        %dma_start3A_449 = arith.constant 0 : i32
        %dma_start3A_450 = arith.constant 0 : i32
        %dma_start3A_451 = tpu.memref_slice %arg3[%add3A, %add3A_435, %dma_start3A_449, %dma_start3A_450] : memref<32x84x2x120xi32, #tpu.memory_space<hbm>> -> memref<1x1x2x120xi32, #tpu.memory_space<hbm>>
        %dma_start3A_452 = tpu.memref_squeeze %dma_start3A_451 : memref<1x1x2x120xi32, #tpu.memory_space<hbm>> -> memref<2x120xi32, #tpu.memory_space<hbm>>
        tpu.enqueue_dma source(%dma_start3A_452 : memref<2x120xi32, #tpu.memory_space<hbm>>) target(%dma_start3A_448 : memref<2x120xi32, #tpu.memory_space<vmem>>) target_semaphore(%arg24 : memref<!tpu.dma_semaphore, #tpu.memory_space<semaphore_mem>>)
      } else {
      }
      %mul3A_178 = arith.constant 3 : i32
      %mul3A_179 = arith.muli %mul3A_178, %mul3A_87 : i32
      %add3A_180 = arith.constant 2 : i32
      %add3A_181 = arith.addi %mul3A_179, %add3A_180 : i32
      %dma_wait3A_182 = arith.constant 0 : i32
      %dma_wait3A_183 = arith.constant 0 : i32
      %dma_wait3A_184 = arith.constant 0 : i32
      %dma_wait3A_185 = tpu.memref_slice %arg8[%dma_wait3A_182, %dma_wait3A_183, %dma_wait3A_184] : memref<2x2x120xi32, #tpu.memory_space<vmem>> -> memref<1x2x120xi32, #tpu.memory_space<vmem>>
      %dma_wait3A_186 = tpu.memref_squeeze %dma_wait3A_185 : memref<1x2x120xi32, #tpu.memory_space<vmem>> -> memref<2x120xi32, #tpu.memory_space<vmem>>
      %dma_wait3A_187 = arith.constant 0 : i32
      %dma_wait3A_188 = arith.constant 0 : i32
      %dma_wait3A_189 = tpu.memref_slice %arg3[%add3A, %add3A_181, %dma_wait3A_187, %dma_wait3A_188] : memref<32x84x2x120xi32, #tpu.memory_space<hbm>> -> memref<1x1x2x120xi32, #tpu.memory_space<hbm>>
      %dma_wait3A_190 = tpu.memref_squeeze %dma_wait3A_189 : memref<1x1x2x120xi32, #tpu.memory_space<hbm>> -> memref<2x120xi32, #tpu.memory_space<hbm>>
      %dma_wait3A_191 = arith.constant 0 : i32
      %dma_wait3A_192 = arith.constant 0 : i32
      %dma_wait3A_193 = tpu.memref_slice %arg8[%dma_wait3A_182, %dma_wait3A_191, %dma_wait3A_192] : memref<2x2x120xi32, #tpu.memory_space<vmem>> -> memref<1x2x120xi32, #tpu.memory_space<vmem>>
      %dma_wait3A_194 = tpu.memref_squeeze %dma_wait3A_193 : memref<1x2x120xi32, #tpu.memory_space<vmem>> -> memref<2x120xi32, #tpu.memory_space<vmem>>
      %dma_wait3A_195 = arith.constant 0 : i32
      %dma_wait3A_196 = arith.constant 0 : i32
      %dma_wait3A_197 = tpu.memref_slice %arg3[%add3A, %add3A_181, %dma_wait3A_195, %dma_wait3A_196] : memref<32x84x2x120xi32, #tpu.memory_space<hbm>> -> memref<1x1x2x120xi32, #tpu.memory_space<hbm>>
      %dma_wait3A_198 = tpu.memref_squeeze %dma_wait3A_197 : memref<1x1x2x120xi32, #tpu.memory_space<hbm>> -> memref<2x120xi32, #tpu.memory_space<hbm>>
      tpu.wait_dma2 semaphore(%arg21 : memref<!tpu.dma_semaphore, #tpu.memory_space<semaphore_mem>>) src(%dma_wait3A_198 : memref<2x120xi32, #tpu.memory_space<hbm>>) dst(%dma_wait3A_194 : memref<2x120xi32, #tpu.memory_space<vmem>>)
      %dma_start3A_199 = arith.constant 0 : i32
      %dma_start3A_200 = arith.constant 0 : i32
      %dma_start3A_201 = arith.constant 0 : i32
      %dma_start3A_202 = tpu.memref_slice %arg8[%dma_start3A_199, %dma_start3A_200, %dma_start3A_201] : memref<2x2x120xi32, #tpu.memory_space<vmem>> -> memref<1x1x120xi32, #tpu.memory_space<vmem>>
      %dma_start3A_203 = tpu.memref_squeeze %dma_start3A_202 : memref<1x1x120xi32, #tpu.memory_space<vmem>> -> memref<120xi32, #tpu.memory_space<vmem>>
      %dma_start3A_204 = arith.constant 0 : i32
      %dma_start3A_205 = arith.constant 0 : i32
      %dma_start3A_206 = tpu.memref_slice %arg2[%dma_start3A_204, %dma_start3A_205] : memref<10240x128xf32, #tpu.memory_space<hbm>> -> memref<10240x128xf32, #tpu.memory_space<hbm>>
      tpu.enqueue_indirect_dma source(%dma_start3A_206 : memref<10240x128xf32, #tpu.memory_space<hbm>>) target(%arg11 : memref<120x128xf32, #tpu.memory_space<vmem>>) offsets(%dma_start3A_203 : memref<120xi32, #tpu.memory_space<vmem>>) semaphore(%arg15 : memref<!tpu.dma_semaphore, #tpu.memory_space<semaphore_mem>>)
      %dma_wait3A_207 = arith.constant 0 : i32
      %dma_wait3A_208 = arith.constant 0 : i32
      %dma_wait3A_209 = arith.constant 0 : i32
      %dma_wait3A_210 = tpu.memref_slice %arg6[%dma_wait3A_207, %dma_wait3A_208, %dma_wait3A_209] : memref<2x2x120xi32, #tpu.memory_space<vmem>> -> memref<1x1x120xi32, #tpu.memory_space<vmem>>
      %dma_wait3A_211 = tpu.memref_squeeze %dma_wait3A_210 : memref<1x1x120xi32, #tpu.memory_space<vmem>> -> memref<120xi32, #tpu.memory_space<vmem>>
      %dma_wait3A_212 = arith.constant 0 : i32
      %dma_wait3A_213 = arith.constant 0 : i32
      %dma_wait3A_214 = tpu.memref_slice %arg2[%dma_wait3A_212, %dma_wait3A_213] : memref<10240x128xf32, #tpu.memory_space<hbm>> -> memref<10240x128xf32, #tpu.memory_space<hbm>>
      tpu.wait_indirect_dma semaphore(%arg13 : memref<!tpu.dma_semaphore, #tpu.memory_space<semaphore_mem>>) src(%dma_wait3A_214 : memref<10240x128xf32, #tpu.memory_space<hbm>>) dst(%arg9 : memref<120x128xf32, #tpu.memory_space<vmem>>)
      %dma_start3A_215 = arith.constant 0 : i32
      %dma_start3A_216 = arith.constant 1 : i32
      %dma_start3A_217 = arith.constant 0 : i32
      %dma_start3A_218 = tpu.memref_slice %arg6[%dma_start3A_215, %dma_start3A_216, %dma_start3A_217] : memref<2x2x120xi32, #tpu.memory_space<vmem>> -> memref<1x1x120xi32, #tpu.memory_space<vmem>>
      %dma_start3A_219 = tpu.memref_squeeze %dma_start3A_218 : memref<1x1x120xi32, #tpu.memory_space<vmem>> -> memref<120xi32, #tpu.memory_space<vmem>>
      %dma_start3A_220 = arith.constant 0 : i32
      %dma_start3A_221 = arith.constant 0 : i32
      %dma_start3A_222 = tpu.memref_slice %arg12[%dma_start3A_220, %dma_start3A_221] : memref<10240x128xf32, #tpu.memory_space<vmem_shared>> -> memref<10240x128xf32, #tpu.memory_space<vmem_shared>>
      tpu.enqueue_indirect_dma source(%arg9 : memref<120x128xf32, #tpu.memory_space<vmem>>) target(%dma_start3A_222 : memref<10240x128xf32, #tpu.memory_space<vmem_shared>>) offsets(%dma_start3A_219 : memref<120xi32, #tpu.memory_space<vmem>>) semaphore(%arg16 : memref<!tpu.dma_semaphore, #tpu.memory_space<semaphore_mem>>) {add = true}
      %dma_wait3A_223 = arith.constant 0 : i32
      %dma_wait3A_224 = arith.constant 0 : i32
      %dma_wait3A_225 = arith.constant 0 : i32
      %dma_wait3A_226 = tpu.memref_slice %arg7[%dma_wait3A_223, %dma_wait3A_224, %dma_wait3A_225] : memref<2x2x120xi32, #tpu.memory_space<vmem>> -> memref<1x1x120xi32, #tpu.memory_space<vmem>>
      %dma_wait3A_227 = tpu.memref_squeeze %dma_wait3A_226 : memref<1x1x120xi32, #tpu.memory_space<vmem>> -> memref<120xi32, #tpu.memory_space<vmem>>
      %dma_wait3A_228 = arith.constant 0 : i32
      %dma_wait3A_229 = arith.constant 0 : i32
      %dma_wait3A_230 = tpu.memref_slice %arg2[%dma_wait3A_228, %dma_wait3A_229] : memref<10240x128xf32, #tpu.memory_space<hbm>> -> memref<10240x128xf32, #tpu.memory_space<hbm>>
      tpu.wait_indirect_dma semaphore(%arg14 : memref<!tpu.dma_semaphore, #tpu.memory_space<semaphore_mem>>) src(%dma_wait3A_230 : memref<10240x128xf32, #tpu.memory_space<hbm>>) dst(%arg10 : memref<120x128xf32, #tpu.memory_space<vmem>>)
      %dma_start3A_231 = arith.constant 0 : i32
      %dma_start3A_232 = arith.constant 1 : i32
      %dma_start3A_233 = arith.constant 0 : i32
      %dma_start3A_234 = tpu.memref_slice %arg7[%dma_start3A_231, %dma_start3A_232, %dma_start3A_233] : memref<2x2x120xi32, #tpu.memory_space<vmem>> -> memref<1x1x120xi32, #tpu.memory_space<vmem>>
      %dma_start3A_235 = tpu.memref_squeeze %dma_start3A_234 : memref<1x1x120xi32, #tpu.memory_space<vmem>> -> memref<120xi32, #tpu.memory_space<vmem>>
      %dma_start3A_236 = arith.constant 0 : i32
      %dma_start3A_237 = arith.constant 0 : i32
      %dma_start3A_238 = tpu.memref_slice %arg12[%dma_start3A_236, %dma_start3A_237] : memref<10240x128xf32, #tpu.memory_space<vmem_shared>> -> memref<10240x128xf32, #tpu.memory_space<vmem_shared>>
      tpu.enqueue_indirect_dma source(%arg10 : memref<120x128xf32, #tpu.memory_space<vmem>>) target(%dma_start3A_238 : memref<10240x128xf32, #tpu.memory_space<vmem_shared>>) offsets(%dma_start3A_235 : memref<120xi32, #tpu.memory_space<vmem>>) semaphore(%arg17 : memref<!tpu.dma_semaphore, #tpu.memory_space<semaphore_mem>>) {add = true}
      %dma_wait3A_239 = arith.constant 0 : i32
      %dma_wait3A_240 = arith.constant 0 : i32
      %dma_wait3A_241 = arith.constant 0 : i32
      %dma_wait3A_242 = tpu.memref_slice %arg8[%dma_wait3A_239, %dma_wait3A_240, %dma_wait3A_241] : memref<2x2x120xi32, #tpu.memory_space<vmem>> -> memref<1x1x120xi32, #tpu.memory_space<vmem>>
      %dma_wait3A_243 = tpu.memref_squeeze %dma_wait3A_242 : memref<1x1x120xi32, #tpu.memory_space<vmem>> -> memref<120xi32, #tpu.memory_space<vmem>>
      %dma_wait3A_244 = arith.constant 0 : i32
      %dma_wait3A_245 = arith.constant 0 : i32
      %dma_wait3A_246 = tpu.memref_slice %arg2[%dma_wait3A_244, %dma_wait3A_245] : memref<10240x128xf32, #tpu.memory_space<hbm>> -> memref<10240x128xf32, #tpu.memory_space<hbm>>
      tpu.wait_indirect_dma semaphore(%arg15 : memref<!tpu.dma_semaphore, #tpu.memory_space<semaphore_mem>>) src(%dma_wait3A_246 : memref<10240x128xf32, #tpu.memory_space<hbm>>) dst(%arg11 : memref<120x128xf32, #tpu.memory_space<vmem>>)
      %dma_start3A_247 = arith.constant 0 : i32
      %dma_start3A_248 = arith.constant 1 : i32
      %dma_start3A_249 = arith.constant 0 : i32
      %dma_start3A_250 = tpu.memref_slice %arg8[%dma_start3A_247, %dma_start3A_248, %dma_start3A_249] : memref<2x2x120xi32, #tpu.memory_space<vmem>> -> memref<1x1x120xi32, #tpu.memory_space<vmem>>
      %dma_start3A_251 = tpu.memref_squeeze %dma_start3A_250 : memref<1x1x120xi32, #tpu.memory_space<vmem>> -> memref<120xi32, #tpu.memory_space<vmem>>
      %dma_start3A_252 = arith.constant 0 : i32
      %dma_start3A_253 = arith.constant 0 : i32
      %dma_start3A_254 = tpu.memref_slice %arg12[%dma_start3A_252, %dma_start3A_253] : memref<10240x128xf32, #tpu.memory_space<vmem_shared>> -> memref<10240x128xf32, #tpu.memory_space<vmem_shared>>
      tpu.enqueue_indirect_dma source(%arg11 : memref<120x128xf32, #tpu.memory_space<vmem>>) target(%dma_start3A_254 : memref<10240x128xf32, #tpu.memory_space<vmem_shared>>) offsets(%dma_start3A_251 : memref<120xi32, #tpu.memory_space<vmem>>) semaphore(%arg18 : memref<!tpu.dma_semaphore, #tpu.memory_space<semaphore_mem>>) {add = true}
      %mul3A_255 = arith.constant 2 : i32
      %mul3A_256 = arith.muli %mul3A_255, %scan3A_85 : i32
      %add3A_257 = arith.constant 1 : i32
      %add3A_258 = arith.addi %mul3A_256, %add3A_257 : i32
      %gt3A_259 = arith.constant 0 : i32
      %gt3A_260 = arith.cmpi sgt, %add3A_258, %gt3A_259 : i32
      %convert_element_type3A_261 = arith.extui %gt3A_260 : i1 to i32
      %cond3A_262 = arith.constant 0 : i32
      %cond3A_263 = arith.cmpi ne, %convert_element_type3A_261, %cond3A_262 : i32
      scf.if %cond3A_263 {
        %dma_wait3A_430 = arith.constant 0 : i32
        %dma_wait3A_431 = arith.constant 1 : i32
        %dma_wait3A_432 = arith.constant 0 : i32
        %dma_wait3A_433 = tpu.memref_slice %arg6[%dma_wait3A_430, %dma_wait3A_431, %dma_wait3A_432] : memref<2x2x120xi32, #tpu.memory_space<vmem>> -> memref<1x1x120xi32, #tpu.memory_space<vmem>>
        %dma_wait3A_434 = tpu.memref_squeeze %dma_wait3A_433 : memref<1x1x120xi32, #tpu.memory_space<vmem>> -> memref<120xi32, #tpu.memory_space<vmem>>
        %dma_wait3A_435 = arith.constant 0 : i32
        %dma_wait3A_436 = arith.constant 0 : i32
        %dma_wait3A_437 = tpu.memref_slice %arg12[%dma_wait3A_435, %dma_wait3A_436] : memref<10240x128xf32, #tpu.memory_space<vmem_shared>> -> memref<10240x128xf32, #tpu.memory_space<vmem_shared>>
        tpu.wait_indirect_dma semaphore(%arg16 : memref<!tpu.dma_semaphore, #tpu.memory_space<semaphore_mem>>) src(%arg9 : memref<120x128xf32, #tpu.memory_space<vmem>>) dst(%dma_wait3A_437 : memref<10240x128xf32, #tpu.memory_space<vmem_shared>>)
      } else {
      }
      %add3A_264 = arith.constant 1 : i32
      %add3A_265 = arith.addi %add3A_258, %add3A_264 : i32
      %lt3A_266 = arith.constant 28 : i32
      %lt3A_267 = arith.cmpi slt, %add3A_265, %lt3A_266 : i32
      %convert_element_type3A_268 = arith.extui %lt3A_267 : i1 to i32
      %cond3A_269 = arith.constant 0 : i32
      %cond3A_270 = arith.cmpi ne, %convert_element_type3A_268, %cond3A_269 : i32
      scf.if %cond3A_270 {
        %add3A_430 = arith.constant 1 : i32
        %add3A_431 = arith.addi %add3A_258, %add3A_430 : i32
        %mul3A_432 = arith.constant 3 : i32
        %mul3A_433 = arith.muli %mul3A_432, %add3A_431 : i32
        %add3A_434 = arith.constant 0 : i32
        %add3A_435 = arith.addi %mul3A_433, %add3A_434 : i32
        %dma_start3A_436 = arith.constant 0 : i32
        %dma_start3A_437 = arith.constant 0 : i32
        %dma_start3A_438 = arith.constant 0 : i32
        %dma_start3A_439 = tpu.memref_slice %arg6[%dma_start3A_436, %dma_start3A_437, %dma_start3A_438] : memref<2x2x120xi32, #tpu.memory_space<vmem>> -> memref<1x2x120xi32, #tpu.memory_space<vmem>>
        %dma_start3A_440 = tpu.memref_squeeze %dma_start3A_439 : memref<1x2x120xi32, #tpu.memory_space<vmem>> -> memref<2x120xi32, #tpu.memory_space<vmem>>
        %dma_start3A_441 = arith.constant 0 : i32
        %dma_start3A_442 = arith.constant 0 : i32
        %dma_start3A_443 = tpu.memref_slice %arg3[%add3A, %add3A_435, %dma_start3A_441, %dma_start3A_442] : memref<32x84x2x120xi32, #tpu.memory_space<hbm>> -> memref<1x1x2x120xi32, #tpu.memory_space<hbm>>
        %dma_start3A_444 = tpu.memref_squeeze %dma_start3A_443 : memref<1x1x2x120xi32, #tpu.memory_space<hbm>> -> memref<2x120xi32, #tpu.memory_space<hbm>>
        %dma_start3A_445 = arith.constant 0 : i32
        %dma_start3A_446 = arith.constant 0 : i32
        %dma_start3A_447 = tpu.memref_slice %arg6[%dma_start3A_436, %dma_start3A_445, %dma_start3A_446] : memref<2x2x120xi32, #tpu.memory_space<vmem>> -> memref<1x2x120xi32, #tpu.memory_space<vmem>>
        %dma_start3A_448 = tpu.memref_squeeze %dma_start3A_447 : memref<1x2x120xi32, #tpu.memory_space<vmem>> -> memref<2x120xi32, #tpu.memory_space<vmem>>
        %dma_start3A_449 = arith.constant 0 : i32
        %dma_start3A_450 = arith.constant 0 : i32
        %dma_start3A_451 = tpu.memref_slice %arg3[%add3A, %add3A_435, %dma_start3A_449, %dma_start3A_450] : memref<32x84x2x120xi32, #tpu.memory_space<hbm>> -> memref<1x1x2x120xi32, #tpu.memory_space<hbm>>
        %dma_start3A_452 = tpu.memref_squeeze %dma_start3A_451 : memref<1x1x2x120xi32, #tpu.memory_space<hbm>> -> memref<2x120xi32, #tpu.memory_space<hbm>>
        tpu.enqueue_dma source(%dma_start3A_452 : memref<2x120xi32, #tpu.memory_space<hbm>>) target(%dma_start3A_448 : memref<2x120xi32, #tpu.memory_space<vmem>>) target_semaphore(%arg19 : memref<!tpu.dma_semaphore, #tpu.memory_space<semaphore_mem>>)
      } else {
      }
      %mul3A_271 = arith.constant 3 : i32
      %mul3A_272 = arith.muli %mul3A_271, %add3A_258 : i32
      %add3A_273 = arith.constant 0 : i32
      %add3A_274 = arith.addi %mul3A_272, %add3A_273 : i32
      %dma_wait3A_275 = arith.constant 1 : i32
      %dma_wait3A_276 = arith.constant 0 : i32
      %dma_wait3A_277 = arith.constant 0 : i32
      %dma_wait3A_278 = tpu.memref_slice %arg6[%dma_wait3A_275, %dma_wait3A_276, %dma_wait3A_277] : memref<2x2x120xi32, #tpu.memory_space<vmem>> -> memref<1x2x120xi32, #tpu.memory_space<vmem>>
      %dma_wait3A_279 = tpu.memref_squeeze %dma_wait3A_278 : memref<1x2x120xi32, #tpu.memory_space<vmem>> -> memref<2x120xi32, #tpu.memory_space<vmem>>
      %dma_wait3A_280 = arith.constant 0 : i32
      %dma_wait3A_281 = arith.constant 0 : i32
      %dma_wait3A_282 = tpu.memref_slice %arg3[%add3A, %add3A_274, %dma_wait3A_280, %dma_wait3A_281] : memref<32x84x2x120xi32, #tpu.memory_space<hbm>> -> memref<1x1x2x120xi32, #tpu.memory_space<hbm>>
      %dma_wait3A_283 = tpu.memref_squeeze %dma_wait3A_282 : memref<1x1x2x120xi32, #tpu.memory_space<hbm>> -> memref<2x120xi32, #tpu.memory_space<hbm>>
      %dma_wait3A_284 = arith.constant 0 : i32
      %dma_wait3A_285 = arith.constant 0 : i32
      %dma_wait3A_286 = tpu.memref_slice %arg6[%dma_wait3A_275, %dma_wait3A_284, %dma_wait3A_285] : memref<2x2x120xi32, #tpu.memory_space<vmem>> -> memref<1x2x120xi32, #tpu.memory_space<vmem>>
      %dma_wait3A_287 = tpu.memref_squeeze %dma_wait3A_286 : memref<1x2x120xi32, #tpu.memory_space<vmem>> -> memref<2x120xi32, #tpu.memory_space<vmem>>
      %dma_wait3A_288 = arith.constant 0 : i32
      %dma_wait3A_289 = arith.constant 0 : i32
      %dma_wait3A_290 = tpu.memref_slice %arg3[%add3A, %add3A_274, %dma_wait3A_288, %dma_wait3A_289] : memref<32x84x2x120xi32, #tpu.memory_space<hbm>> -> memref<1x1x2x120xi32, #tpu.memory_space<hbm>>
      %dma_wait3A_291 = tpu.memref_squeeze %dma_wait3A_290 : memref<1x1x2x120xi32, #tpu.memory_space<hbm>> -> memref<2x120xi32, #tpu.memory_space<hbm>>
      tpu.wait_dma2 semaphore(%arg22 : memref<!tpu.dma_semaphore, #tpu.memory_space<semaphore_mem>>) src(%dma_wait3A_291 : memref<2x120xi32, #tpu.memory_space<hbm>>) dst(%dma_wait3A_287 : memref<2x120xi32, #tpu.memory_space<vmem>>)
      %dma_start3A_292 = arith.constant 1 : i32
      %dma_start3A_293 = arith.constant 0 : i32
      %dma_start3A_294 = arith.constant 0 : i32
      %dma_start3A_295 = tpu.memref_slice %arg6[%dma_start3A_292, %dma_start3A_293, %dma_start3A_294] : memref<2x2x120xi32, #tpu.memory_space<vmem>> -> memref<1x1x120xi32, #tpu.memory_space<vmem>>
      %dma_start3A_296 = tpu.memref_squeeze %dma_start3A_295 : memref<1x1x120xi32, #tpu.memory_space<vmem>> -> memref<120xi32, #tpu.memory_space<vmem>>
      %dma_start3A_297 = arith.constant 0 : i32
      %dma_start3A_298 = arith.constant 0 : i32
      %dma_start3A_299 = tpu.memref_slice %arg2[%dma_start3A_297, %dma_start3A_298] : memref<10240x128xf32, #tpu.memory_space<hbm>> -> memref<10240x128xf32, #tpu.memory_space<hbm>>
      tpu.enqueue_indirect_dma source(%dma_start3A_299 : memref<10240x128xf32, #tpu.memory_space<hbm>>) target(%arg9 : memref<120x128xf32, #tpu.memory_space<vmem>>) offsets(%dma_start3A_296 : memref<120xi32, #tpu.memory_space<vmem>>) semaphore(%arg13 : memref<!tpu.dma_semaphore, #tpu.memory_space<semaphore_mem>>)
      %gt3A_300 = arith.constant 0 : i32
      %gt3A_301 = arith.cmpi sgt, %add3A_258, %gt3A_300 : i32
      %convert_element_type3A_302 = arith.extui %gt3A_301 : i1 to i32
      %cond3A_303 = arith.constant 0 : i32
      %cond3A_304 = arith.cmpi ne, %convert_element_type3A_302, %cond3A_303 : i32
      scf.if %cond3A_304 {
        %dma_wait3A_430 = arith.constant 0 : i32
        %dma_wait3A_431 = arith.constant 1 : i32
        %dma_wait3A_432 = arith.constant 0 : i32
        %dma_wait3A_433 = tpu.memref_slice %arg7[%dma_wait3A_430, %dma_wait3A_431, %dma_wait3A_432] : memref<2x2x120xi32, #tpu.memory_space<vmem>> -> memref<1x1x120xi32, #tpu.memory_space<vmem>>
        %dma_wait3A_434 = tpu.memref_squeeze %dma_wait3A_433 : memref<1x1x120xi32, #tpu.memory_space<vmem>> -> memref<120xi32, #tpu.memory_space<vmem>>
        %dma_wait3A_435 = arith.constant 0 : i32
        %dma_wait3A_436 = arith.constant 0 : i32
        %dma_wait3A_437 = tpu.memref_slice %arg12[%dma_wait3A_435, %dma_wait3A_436] : memref<10240x128xf32, #tpu.memory_space<vmem_shared>> -> memref<10240x128xf32, #tpu.memory_space<vmem_shared>>
        tpu.wait_indirect_dma semaphore(%arg17 : memref<!tpu.dma_semaphore, #tpu.memory_space<semaphore_mem>>) src(%arg10 : memref<120x128xf32, #tpu.memory_space<vmem>>) dst(%dma_wait3A_437 : memref<10240x128xf32, #tpu.memory_space<vmem_shared>>)
      } else {
      }
      %add3A_305 = arith.constant 1 : i32
      %add3A_306 = arith.addi %add3A_258, %add3A_305 : i32
      %lt3A_307 = arith.constant 28 : i32
      %lt3A_308 = arith.cmpi slt, %add3A_306, %lt3A_307 : i32
      %convert_element_type3A_309 = arith.extui %lt3A_308 : i1 to i32
      %cond3A_310 = arith.constant 0 : i32
      %cond3A_311 = arith.cmpi ne, %convert_element_type3A_309, %cond3A_310 : i32
      scf.if %cond3A_311 {
        %add3A_430 = arith.constant 1 : i32
        %add3A_431 = arith.addi %add3A_258, %add3A_430 : i32
        %mul3A_432 = arith.constant 3 : i32
        %mul3A_433 = arith.muli %mul3A_432, %add3A_431 : i32
        %add3A_434 = arith.constant 1 : i32
        %add3A_435 = arith.addi %mul3A_433, %add3A_434 : i32
        %dma_start3A_436 = arith.constant 0 : i32
        %dma_start3A_437 = arith.constant 0 : i32
        %dma_start3A_438 = arith.constant 0 : i32
        %dma_start3A_439 = tpu.memref_slice %arg7[%dma_start3A_436, %dma_start3A_437, %dma_start3A_438] : memref<2x2x120xi32, #tpu.memory_space<vmem>> -> memref<1x2x120xi32, #tpu.memory_space<vmem>>
        %dma_start3A_440 = tpu.memref_squeeze %dma_start3A_439 : memref<1x2x120xi32, #tpu.memory_space<vmem>> -> memref<2x120xi32, #tpu.memory_space<vmem>>
        %dma_start3A_441 = arith.constant 0 : i32
        %dma_start3A_442 = arith.constant 0 : i32
        %dma_start3A_443 = tpu.memref_slice %arg3[%add3A, %add3A_435, %dma_start3A_441, %dma_start3A_442] : memref<32x84x2x120xi32, #tpu.memory_space<hbm>> -> memref<1x1x2x120xi32, #tpu.memory_space<hbm>>
        %dma_start3A_444 = tpu.memref_squeeze %dma_start3A_443 : memref<1x1x2x120xi32, #tpu.memory_space<hbm>> -> memref<2x120xi32, #tpu.memory_space<hbm>>
        %dma_start3A_445 = arith.constant 0 : i32
        %dma_start3A_446 = arith.constant 0 : i32
        %dma_start3A_447 = tpu.memref_slice %arg7[%dma_start3A_436, %dma_start3A_445, %dma_start3A_446] : memref<2x2x120xi32, #tpu.memory_space<vmem>> -> memref<1x2x120xi32, #tpu.memory_space<vmem>>
        %dma_start3A_448 = tpu.memref_squeeze %dma_start3A_447 : memref<1x2x120xi32, #tpu.memory_space<vmem>> -> memref<2x120xi32, #tpu.memory_space<vmem>>
        %dma_start3A_449 = arith.constant 0 : i32
        %dma_start3A_450 = arith.constant 0 : i32
        %dma_start3A_451 = tpu.memref_slice %arg3[%add3A, %add3A_435, %dma_start3A_449, %dma_start3A_450] : memref<32x84x2x120xi32, #tpu.memory_space<hbm>> -> memref<1x1x2x120xi32, #tpu.memory_space<hbm>>
        %dma_start3A_452 = tpu.memref_squeeze %dma_start3A_451 : memref<1x1x2x120xi32, #tpu.memory_space<hbm>> -> memref<2x120xi32, #tpu.memory_space<hbm>>
        tpu.enqueue_dma source(%dma_start3A_452 : memref<2x120xi32, #tpu.memory_space<hbm>>) target(%dma_start3A_448 : memref<2x120xi32, #tpu.memory_space<vmem>>) target_semaphore(%arg20 : memref<!tpu.dma_semaphore, #tpu.memory_space<semaphore_mem>>)
      } else {
      }
      %mul3A_312 = arith.constant 3 : i32
      %mul3A_313 = arith.muli %mul3A_312, %add3A_258 : i32
      %add3A_314 = arith.constant 1 : i32
      %add3A_315 = arith.addi %mul3A_313, %add3A_314 : i32
      %dma_wait3A_316 = arith.constant 1 : i32
      %dma_wait3A_317 = arith.constant 0 : i32
      %dma_wait3A_318 = arith.constant 0 : i32
      %dma_wait3A_319 = tpu.memref_slice %arg7[%dma_wait3A_316, %dma_wait3A_317, %dma_wait3A_318] : memref<2x2x120xi32, #tpu.memory_space<vmem>> -> memref<1x2x120xi32, #tpu.memory_space<vmem>>
      %dma_wait3A_320 = tpu.memref_squeeze %dma_wait3A_319 : memref<1x2x120xi32, #tpu.memory_space<vmem>> -> memref<2x120xi32, #tpu.memory_space<vmem>>
      %dma_wait3A_321 = arith.constant 0 : i32
      %dma_wait3A_322 = arith.constant 0 : i32
      %dma_wait3A_323 = tpu.memref_slice %arg3[%add3A, %add3A_315, %dma_wait3A_321, %dma_wait3A_322] : memref<32x84x2x120xi32, #tpu.memory_space<hbm>> -> memref<1x1x2x120xi32, #tpu.memory_space<hbm>>
      %dma_wait3A_324 = tpu.memref_squeeze %dma_wait3A_323 : memref<1x1x2x120xi32, #tpu.memory_space<hbm>> -> memref<2x120xi32, #tpu.memory_space<hbm>>
      %dma_wait3A_325 = arith.constant 0 : i32
      %dma_wait3A_326 = arith.constant 0 : i32
      %dma_wait3A_327 = tpu.memref_slice %arg7[%dma_wait3A_316, %dma_wait3A_325, %dma_wait3A_326] : memref<2x2x120xi32, #tpu.memory_space<vmem>> -> memref<1x2x120xi32, #tpu.memory_space<vmem>>
      %dma_wait3A_328 = tpu.memref_squeeze %dma_wait3A_327 : memref<1x2x120xi32, #tpu.memory_space<vmem>> -> memref<2x120xi32, #tpu.memory_space<vmem>>
      %dma_wait3A_329 = arith.constant 0 : i32
      %dma_wait3A_330 = arith.constant 0 : i32
      %dma_wait3A_331 = tpu.memref_slice %arg3[%add3A, %add3A_315, %dma_wait3A_329, %dma_wait3A_330] : memref<32x84x2x120xi32, #tpu.memory_space<hbm>> -> memref<1x1x2x120xi32, #tpu.memory_space<hbm>>
      %dma_wait3A_332 = tpu.memref_squeeze %dma_wait3A_331 : memref<1x1x2x120xi32, #tpu.memory_space<hbm>> -> memref<2x120xi32, #tpu.memory_space<hbm>>
      tpu.wait_dma2 semaphore(%arg23 : memref<!tpu.dma_semaphore, #tpu.memory_space<semaphore_mem>>) src(%dma_wait3A_332 : memref<2x120xi32, #tpu.memory_space<hbm>>) dst(%dma_wait3A_328 : memref<2x120xi32, #tpu.memory_space<vmem>>)
      %dma_start3A_333 = arith.constant 1 : i32
      %dma_start3A_334 = arith.constant 0 : i32
      %dma_start3A_335 = arith.constant 0 : i32
      %dma_start3A_336 = tpu.memref_slice %arg7[%dma_start3A_333, %dma_start3A_334, %dma_start3A_335] : memref<2x2x120xi32, #tpu.memory_space<vmem>> -> memref<1x1x120xi32, #tpu.memory_space<vmem>>
      %dma_start3A_337 = tpu.memref_squeeze %dma_start3A_336 : memref<1x1x120xi32, #tpu.memory_space<vmem>> -> memref<120xi32, #tpu.memory_space<vmem>>
      %dma_start3A_338 = arith.constant 0 : i32
      %dma_start3A_339 = arith.constant 0 : i32
      %dma_start3A_340 = tpu.memref_slice %arg2[%dma_start3A_338, %dma_start3A_339] : memref<10240x128xf32, #tpu.memory_space<hbm>> -> memref<10240x128xf32, #tpu.memory_space<hbm>>
      tpu.enqueue_indirect_dma source(%dma_start3A_340 : memref<10240x128xf32, #tpu.memory_space<hbm>>) target(%arg10 : memref<120x128xf32, #tpu.memory_space<vmem>>) offsets(%dma_start3A_337 : memref<120xi32, #tpu.memory_space<vmem>>) semaphore(%arg14 : memref<!tpu.dma_semaphore, #tpu.memory_space<semaphore_mem>>)
      %gt3A_341 = arith.constant 0 : i32
      %gt3A_342 = arith.cmpi sgt, %add3A_258, %gt3A_341 : i32
      %convert_element_type3A_343 = arith.extui %gt3A_342 : i1 to i32
      %cond3A_344 = arith.constant 0 : i32
      %cond3A_345 = arith.cmpi ne, %convert_element_type3A_343, %cond3A_344 : i32
      scf.if %cond3A_345 {
        %dma_wait3A_430 = arith.constant 0 : i32
        %dma_wait3A_431 = arith.constant 1 : i32
        %dma_wait3A_432 = arith.constant 0 : i32
        %dma_wait3A_433 = tpu.memref_slice %arg8[%dma_wait3A_430, %dma_wait3A_431, %dma_wait3A_432] : memref<2x2x120xi32, #tpu.memory_space<vmem>> -> memref<1x1x120xi32, #tpu.memory_space<vmem>>
        %dma_wait3A_434 = tpu.memref_squeeze %dma_wait3A_433 : memref<1x1x120xi32, #tpu.memory_space<vmem>> -> memref<120xi32, #tpu.memory_space<vmem>>
        %dma_wait3A_435 = arith.constant 0 : i32
        %dma_wait3A_436 = arith.constant 0 : i32
        %dma_wait3A_437 = tpu.memref_slice %arg12[%dma_wait3A_435, %dma_wait3A_436] : memref<10240x128xf32, #tpu.memory_space<vmem_shared>> -> memref<10240x128xf32, #tpu.memory_space<vmem_shared>>
        tpu.wait_indirect_dma semaphore(%arg18 : memref<!tpu.dma_semaphore, #tpu.memory_space<semaphore_mem>>) src(%arg11 : memref<120x128xf32, #tpu.memory_space<vmem>>) dst(%dma_wait3A_437 : memref<10240x128xf32, #tpu.memory_space<vmem_shared>>)
      } else {
      }
      %add3A_346 = arith.constant 1 : i32
      %add3A_347 = arith.addi %add3A_258, %add3A_346 : i32
      %lt3A_348 = arith.constant 28 : i32
      %lt3A_349 = arith.cmpi slt, %add3A_347, %lt3A_348 : i32
      %convert_element_type3A_350 = arith.extui %lt3A_349 : i1 to i32
      %cond3A_351 = arith.constant 0 : i32
      %cond3A_352 = arith.cmpi ne, %convert_element_type3A_350, %cond3A_351 : i32
      scf.if %cond3A_352 {
        %add3A_430 = arith.constant 1 : i32
        %add3A_431 = arith.addi %add3A_258, %add3A_430 : i32
        %mul3A_432 = arith.constant 3 : i32
        %mul3A_433 = arith.muli %mul3A_432, %add3A_431 : i32
        %add3A_434 = arith.constant 2 : i32
        %add3A_435 = arith.addi %mul3A_433, %add3A_434 : i32
        %dma_start3A_436 = arith.constant 0 : i32
        %dma_start3A_437 = arith.constant 0 : i32
        %dma_start3A_438 = arith.constant 0 : i32
        %dma_start3A_439 = tpu.memref_slice %arg8[%dma_start3A_436, %dma_start3A_437, %dma_start3A_438] : memref<2x2x120xi32, #tpu.memory_space<vmem>> -> memref<1x2x120xi32, #tpu.memory_space<vmem>>
        %dma_start3A_440 = tpu.memref_squeeze %dma_start3A_439 : memref<1x2x120xi32, #tpu.memory_space<vmem>> -> memref<2x120xi32, #tpu.memory_space<vmem>>
        %dma_start3A_441 = arith.constant 0 : i32
        %dma_start3A_442 = arith.constant 0 : i32
        %dma_start3A_443 = tpu.memref_slice %arg3[%add3A, %add3A_435, %dma_start3A_441, %dma_start3A_442] : memref<32x84x2x120xi32, #tpu.memory_space<hbm>> -> memref<1x1x2x120xi32, #tpu.memory_space<hbm>>
        %dma_start3A_444 = tpu.memref_squeeze %dma_start3A_443 : memref<1x1x2x120xi32, #tpu.memory_space<hbm>> -> memref<2x120xi32, #tpu.memory_space<hbm>>
        %dma_start3A_445 = arith.constant 0 : i32
        %dma_start3A_446 = arith.constant 0 : i32
        %dma_start3A_447 = tpu.memref_slice %arg8[%dma_start3A_436, %dma_start3A_445, %dma_start3A_446] : memref<2x2x120xi32, #tpu.memory_space<vmem>> -> memref<1x2x120xi32, #tpu.memory_space<vmem>>
        %dma_start3A_448 = tpu.memref_squeeze %dma_start3A_447 : memref<1x2x120xi32, #tpu.memory_space<vmem>> -> memref<2x120xi32, #tpu.memory_space<vmem>>
        %dma_start3A_449 = arith.constant 0 : i32
        %dma_start3A_450 = arith.constant 0 : i32
        %dma_start3A_451 = tpu.memref_slice %arg3[%add3A, %add3A_435, %dma_start3A_449, %dma_start3A_450] : memref<32x84x2x120xi32, #tpu.memory_space<hbm>> -> memref<1x1x2x120xi32, #tpu.memory_space<hbm>>
        %dma_start3A_452 = tpu.memref_squeeze %dma_start3A_451 : memref<1x1x2x120xi32, #tpu.memory_space<hbm>> -> memref<2x120xi32, #tpu.memory_space<hbm>>
        tpu.enqueue_dma source(%dma_start3A_452 : memref<2x120xi32, #tpu.memory_space<hbm>>) target(%dma_start3A_448 : memref<2x120xi32, #tpu.memory_space<vmem>>) target_semaphore(%arg21 : memref<!tpu.dma_semaphore, #tpu.memory_space<semaphore_mem>>)
      } else {
      }
      %mul3A_353 = arith.constant 3 : i32
      %mul3A_354 = arith.muli %mul3A_353, %add3A_258 : i32
      %add3A_355 = arith.constant 2 : i32
      %add3A_356 = arith.addi %mul3A_354, %add3A_355 : i32
      %dma_wait3A_357 = arith.constant 1 : i32
      %dma_wait3A_358 = arith.constant 0 : i32
      %dma_wait3A_359 = arith.constant 0 : i32
      %dma_wait3A_360 = tpu.memref_slice %arg8[%dma_wait3A_357, %dma_wait3A_358, %dma_wait3A_359] : memref<2x2x120xi32, #tpu.memory_space<vmem>> -> memref<1x2x120xi32, #tpu.memory_space<vmem>>
      %dma_wait3A_361 = tpu.memref_squeeze %dma_wait3A_360 : memref<1x2x120xi32, #tpu.memory_space<vmem>> -> memref<2x120xi32, #tpu.memory_space<vmem>>
      %dma_wait3A_362 = arith.constant 0 : i32
      %dma_wait3A_363 = arith.constant 0 : i32
      %dma_wait3A_364 = tpu.memref_slice %arg3[%add3A, %add3A_356, %dma_wait3A_362, %dma_wait3A_363] : memref<32x84x2x120xi32, #tpu.memory_space<hbm>> -> memref<1x1x2x120xi32, #tpu.memory_space<hbm>>
      %dma_wait3A_365 = tpu.memref_squeeze %dma_wait3A_364 : memref<1x1x2x120xi32, #tpu.memory_space<hbm>> -> memref<2x120xi32, #tpu.memory_space<hbm>>
      %dma_wait3A_366 = arith.constant 0 : i32
      %dma_wait3A_367 = arith.constant 0 : i32
      %dma_wait3A_368 = tpu.memref_slice %arg8[%dma_wait3A_357, %dma_wait3A_366, %dma_wait3A_367] : memref<2x2x120xi32, #tpu.memory_space<vmem>> -> memref<1x2x120xi32, #tpu.memory_space<vmem>>
      %dma_wait3A_369 = tpu.memref_squeeze %dma_wait3A_368 : memref<1x2x120xi32, #tpu.memory_space<vmem>> -> memref<2x120xi32, #tpu.memory_space<vmem>>
      %dma_wait3A_370 = arith.constant 0 : i32
      %dma_wait3A_371 = arith.constant 0 : i32
      %dma_wait3A_372 = tpu.memref_slice %arg3[%add3A, %add3A_356, %dma_wait3A_370, %dma_wait3A_371] : memref<32x84x2x120xi32, #tpu.memory_space<hbm>> -> memref<1x1x2x120xi32, #tpu.memory_space<hbm>>
      %dma_wait3A_373 = tpu.memref_squeeze %dma_wait3A_372 : memref<1x1x2x120xi32, #tpu.memory_space<hbm>> -> memref<2x120xi32, #tpu.memory_space<hbm>>
      tpu.wait_dma2 semaphore(%arg24 : memref<!tpu.dma_semaphore, #tpu.memory_space<semaphore_mem>>) src(%dma_wait3A_373 : memref<2x120xi32, #tpu.memory_space<hbm>>) dst(%dma_wait3A_369 : memref<2x120xi32, #tpu.memory_space<vmem>>)
      %dma_start3A_374 = arith.constant 1 : i32
      %dma_start3A_375 = arith.constant 0 : i32
      %dma_start3A_376 = arith.constant 0 : i32
      %dma_start3A_377 = tpu.memref_slice %arg8[%dma_start3A_374, %dma_start3A_375, %dma_start3A_376] : memref<2x2x120xi32, #tpu.memory_space<vmem>> -> memref<1x1x120xi32, #tpu.memory_space<vmem>>
      %dma_start3A_378 = tpu.memref_squeeze %dma_start3A_377 : memref<1x1x120xi32, #tpu.memory_space<vmem>> -> memref<120xi32, #tpu.memory_space<vmem>>
      %dma_start3A_379 = arith.constant 0 : i32
      %dma_start3A_380 = arith.constant 0 : i32
      %dma_start3A_381 = tpu.memref_slice %arg2[%dma_start3A_379, %dma_start3A_380] : memref<10240x128xf32, #tpu.memory_space<hbm>> -> memref<10240x128xf32, #tpu.memory_space<hbm>>
      tpu.enqueue_indirect_dma source(%dma_start3A_381 : memref<10240x128xf32, #tpu.memory_space<hbm>>) target(%arg11 : memref<120x128xf32, #tpu.memory_space<vmem>>) offsets(%dma_start3A_378 : memref<120xi32, #tpu.memory_space<vmem>>) semaphore(%arg15 : memref<!tpu.dma_semaphore, #tpu.memory_space<semaphore_mem>>)
      %dma_wait3A_382 = arith.constant 1 : i32
      %dma_wait3A_383 = arith.constant 0 : i32
      %dma_wait3A_384 = arith.constant 0 : i32
      %dma_wait3A_385 = tpu.memref_slice %arg6[%dma_wait3A_382, %dma_wait3A_383, %dma_wait3A_384] : memref<2x2x120xi32, #tpu.memory_space<vmem>> -> memref<1x1x120xi32, #tpu.memory_space<vmem>>
      %dma_wait3A_386 = tpu.memref_squeeze %dma_wait3A_385 : memref<1x1x120xi32, #tpu.memory_space<vmem>> -> memref<120xi32, #tpu.memory_space<vmem>>
      %dma_wait3A_387 = arith.constant 0 : i32
      %dma_wait3A_388 = arith.constant 0 : i32
      %dma_wait3A_389 = tpu.memref_slice %arg2[%dma_wait3A_387, %dma_wait3A_388] : memref<10240x128xf32, #tpu.memory_space<hbm>> -> memref<10240x128xf32, #tpu.memory_space<hbm>>
      tpu.wait_indirect_dma semaphore(%arg13 : memref<!tpu.dma_semaphore, #tpu.memory_space<semaphore_mem>>) src(%dma_wait3A_389 : memref<10240x128xf32, #tpu.memory_space<hbm>>) dst(%arg9 : memref<120x128xf32, #tpu.memory_space<vmem>>)
      %dma_start3A_390 = arith.constant 1 : i32
      %dma_start3A_391 = arith.constant 1 : i32
      %dma_start3A_392 = arith.constant 0 : i32
      %dma_start3A_393 = tpu.memref_slice %arg6[%dma_start3A_390, %dma_start3A_391, %dma_start3A_392] : memref<2x2x120xi32, #tpu.memory_space<vmem>> -> memref<1x1x120xi32, #tpu.memory_space<vmem>>
      %dma_start3A_394 = tpu.memref_squeeze %dma_start3A_393 : memref<1x1x120xi32, #tpu.memory_space<vmem>> -> memref<120xi32, #tpu.memory_space<vmem>>
      %dma_start3A_395 = arith.constant 0 : i32
      %dma_start3A_396 = arith.constant 0 : i32
      %dma_start3A_397 = tpu.memref_slice %arg12[%dma_start3A_395, %dma_start3A_396] : memref<10240x128xf32, #tpu.memory_space<vmem_shared>> -> memref<10240x128xf32, #tpu.memory_space<vmem_shared>>
      tpu.enqueue_indirect_dma source(%arg9 : memref<120x128xf32, #tpu.memory_space<vmem>>) target(%dma_start3A_397 : memref<10240x128xf32, #tpu.memory_space<vmem_shared>>) offsets(%dma_start3A_394 : memref<120xi32, #tpu.memory_space<vmem>>) semaphore(%arg16 : memref<!tpu.dma_semaphore, #tpu.memory_space<semaphore_mem>>) {add = true}
      %dma_wait3A_398 = arith.constant 1 : i32
      %dma_wait3A_399 = arith.constant 0 : i32
      %dma_wait3A_400 = arith.constant 0 : i32
      %dma_wait3A_401 = tpu.memref_slice %arg7[%dma_wait3A_398, %dma_wait3A_399, %dma_wait3A_400] : memref<2x2x120xi32, #tpu.memory_space<vmem>> -> memref<1x1x120xi32, #tpu.memory_space<vmem>>
      %dma_wait3A_402 = tpu.memref_squeeze %dma_wait3A_401 : memref<1x1x120xi32, #tpu.memory_space<vmem>> -> memref<120xi32, #tpu.memory_space<vmem>>
      %dma_wait3A_403 = arith.constant 0 : i32
      %dma_wait3A_404 = arith.constant 0 : i32
      %dma_wait3A_405 = tpu.memref_slice %arg2[%dma_wait3A_403, %dma_wait3A_404] : memref<10240x128xf32, #tpu.memory_space<hbm>> -> memref<10240x128xf32, #tpu.memory_space<hbm>>
      tpu.wait_indirect_dma semaphore(%arg14 : memref<!tpu.dma_semaphore, #tpu.memory_space<semaphore_mem>>) src(%dma_wait3A_405 : memref<10240x128xf32, #tpu.memory_space<hbm>>) dst(%arg10 : memref<120x128xf32, #tpu.memory_space<vmem>>)
      %dma_start3A_406 = arith.constant 1 : i32
      %dma_start3A_407 = arith.constant 1 : i32
      %dma_start3A_408 = arith.constant 0 : i32
      %dma_start3A_409 = tpu.memref_slice %arg7[%dma_start3A_406, %dma_start3A_407, %dma_start3A_408] : memref<2x2x120xi32, #tpu.memory_space<vmem>> -> memref<1x1x120xi32, #tpu.memory_space<vmem>>
      %dma_start3A_410 = tpu.memref_squeeze %dma_start3A_409 : memref<1x1x120xi32, #tpu.memory_space<vmem>> -> memref<120xi32, #tpu.memory_space<vmem>>
      %dma_start3A_411 = arith.constant 0 : i32
      %dma_start3A_412 = arith.constant 0 : i32
      %dma_start3A_413 = tpu.memref_slice %arg12[%dma_start3A_411, %dma_start3A_412] : memref<10240x128xf32, #tpu.memory_space<vmem_shared>> -> memref<10240x128xf32, #tpu.memory_space<vmem_shared>>
      tpu.enqueue_indirect_dma source(%arg10 : memref<120x128xf32, #tpu.memory_space<vmem>>) target(%dma_start3A_413 : memref<10240x128xf32, #tpu.memory_space<vmem_shared>>) offsets(%dma_start3A_410 : memref<120xi32, #tpu.memory_space<vmem>>) semaphore(%arg17 : memref<!tpu.dma_semaphore, #tpu.memory_space<semaphore_mem>>) {add = true}
      %dma_wait3A_414 = arith.constant 1 : i32
      %dma_wait3A_415 = arith.constant 0 : i32
      %dma_wait3A_416 = arith.constant 0 : i32
      %dma_wait3A_417 = tpu.memref_slice %arg8[%dma_wait3A_414, %dma_wait3A_415, %dma_wait3A_416] : memref<2x2x120xi32, #tpu.memory_space<vmem>> -> memref<1x1x120xi32, #tpu.memory_space<vmem>>
      %dma_wait3A_418 = tpu.memref_squeeze %dma_wait3A_417 : memref<1x1x120xi32, #tpu.memory_space<vmem>> -> memref<120xi32, #tpu.memory_space<vmem>>
      %dma_wait3A_419 = arith.constant 0 : i32
      %dma_wait3A_420 = arith.constant 0 : i32
      %dma_wait3A_421 = tpu.memref_slice %arg2[%dma_wait3A_419, %dma_wait3A_420] : memref<10240x128xf32, #tpu.memory_space<hbm>> -> memref<10240x128xf32, #tpu.memory_space<hbm>>
      tpu.wait_indirect_dma semaphore(%arg15 : memref<!tpu.dma_semaphore, #tpu.memory_space<semaphore_mem>>) src(%dma_wait3A_421 : memref<10240x128xf32, #tpu.memory_space<hbm>>) dst(%arg11 : memref<120x128xf32, #tpu.memory_space<vmem>>)
      %dma_start3A_422 = arith.constant 1 : i32
      %dma_start3A_423 = arith.constant 1 : i32
      %dma_start3A_424 = arith.constant 0 : i32
      %dma_start3A_425 = tpu.memref_slice %arg8[%dma_start3A_422, %dma_start3A_423, %dma_start3A_424] : memref<2x2x120xi32, #tpu.memory_space<vmem>> -> memref<1x1x120xi32, #tpu.memory_space<vmem>>
      %dma_start3A_426 = tpu.memref_squeeze %dma_start3A_425 : memref<1x1x120xi32, #tpu.memory_space<vmem>> -> memref<120xi32, #tpu.memory_space<vmem>>
      %dma_start3A_427 = arith.constant 0 : i32
      %dma_start3A_428 = arith.constant 0 : i32
      %dma_start3A_429 = tpu.memref_slice %arg12[%dma_start3A_427, %dma_start3A_428] : memref<10240x128xf32, #tpu.memory_space<vmem_shared>> -> memref<10240x128xf32, #tpu.memory_space<vmem_shared>>
      tpu.enqueue_indirect_dma source(%arg11 : memref<120x128xf32, #tpu.memory_space<vmem>>) target(%dma_start3A_429 : memref<10240x128xf32, #tpu.memory_space<vmem_shared>>) offsets(%dma_start3A_426 : memref<120xi32, #tpu.memory_space<vmem>>) semaphore(%arg18 : memref<!tpu.dma_semaphore, #tpu.memory_space<semaphore_mem>>) {add = true}
    }
    %scan3A_60 = arith.constant 14 : i32
    %dma_wait3A = arith.constant 1 : i32
    %dma_wait3A_61 = arith.constant 1 : i32
    %dma_wait3A_62 = arith.constant 0 : i32
    %dma_wait3A_63 = tpu.memref_slice %arg6[%dma_wait3A, %dma_wait3A_61, %dma_wait3A_62] : memref<2x2x120xi32, #tpu.memory_space<vmem>> -> memref<1x1x120xi32, #tpu.memory_space<vmem>>
    %dma_wait3A_64 = tpu.memref_squeeze %dma_wait3A_63 : memref<1x1x120xi32, #tpu.memory_space<vmem>> -> memref<120xi32, #tpu.memory_space<vmem>>
    %dma_wait3A_65 = arith.constant 0 : i32
    %dma_wait3A_66 = arith.constant 0 : i32
    %dma_wait3A_67 = tpu.memref_slice %arg12[%dma_wait3A_65, %dma_wait3A_66] : memref<10240x128xf32, #tpu.memory_space<vmem_shared>> -> memref<10240x128xf32, #tpu.memory_space<vmem_shared>>
    tpu.wait_indirect_dma semaphore(%arg16 : memref<!tpu.dma_semaphore, #tpu.memory_space<semaphore_mem>>) src(%arg9 : memref<120x128xf32, #tpu.memory_space<vmem>>) dst(%dma_wait3A_67 : memref<10240x128xf32, #tpu.memory_space<vmem_shared>>)
    %dma_wait3A_68 = arith.constant 1 : i32
    %dma_wait3A_69 = arith.constant 1 : i32
    %dma_wait3A_70 = arith.constant 0 : i32
    %dma_wait3A_71 = tpu.memref_slice %arg7[%dma_wait3A_68, %dma_wait3A_69, %dma_wait3A_70] : memref<2x2x120xi32, #tpu.memory_space<vmem>> -> memref<1x1x120xi32, #tpu.memory_space<vmem>>
    %dma_wait3A_72 = tpu.memref_squeeze %dma_wait3A_71 : memref<1x1x120xi32, #tpu.memory_space<vmem>> -> memref<120xi32, #tpu.memory_space<vmem>>
    %dma_wait3A_73 = arith.constant 0 : i32
    %dma_wait3A_74 = arith.constant 0 : i32
    %dma_wait3A_75 = tpu.memref_slice %arg12[%dma_wait3A_73, %dma_wait3A_74] : memref<10240x128xf32, #tpu.memory_space<vmem_shared>> -> memref<10240x128xf32, #tpu.memory_space<vmem_shared>>
    tpu.wait_indirect_dma semaphore(%arg17 : memref<!tpu.dma_semaphore, #tpu.memory_space<semaphore_mem>>) src(%arg10 : memref<120x128xf32, #tpu.memory_space<vmem>>) dst(%dma_wait3A_75 : memref<10240x128xf32, #tpu.memory_space<vmem_shared>>)
    %dma_wait3A_76 = arith.constant 1 : i32
    %dma_wait3A_77 = arith.constant 1 : i32
    %dma_wait3A_78 = arith.constant 0 : i32
    %dma_wait3A_79 = tpu.memref_slice %arg8[%dma_wait3A_76, %dma_wait3A_77, %dma_wait3A_78] : memref<2x2x120xi32, #tpu.memory_space<vmem>> -> memref<1x1x120xi32, #tpu.memory_space<vmem>>
    %dma_wait3A_80 = tpu.memref_squeeze %dma_wait3A_79 : memref<1x1x120xi32, #tpu.memory_space<vmem>> -> memref<120xi32, #tpu.memory_space<vmem>>
    %dma_wait3A_81 = arith.constant 0 : i32
    %dma_wait3A_82 = arith.constant 0 : i32
    %dma_wait3A_83 = tpu.memref_slice %arg12[%dma_wait3A_81, %dma_wait3A_82] : memref<10240x128xf32, #tpu.memory_space<vmem_shared>> -> memref<10240x128xf32, #tpu.memory_space<vmem_shared>>
    tpu.wait_indirect_dma semaphore(%arg18 : memref<!tpu.dma_semaphore, #tpu.memory_space<semaphore_mem>>) src(%arg11 : memref<120x128xf32, #tpu.memory_space<vmem>>) dst(%dma_wait3A_83 : memref<10240x128xf32, #tpu.memory_space<vmem_shared>>)
    %barrier3A_84 = arith.constant 0 : index
    tpu.barrier barrier_id(%barrier3A_84)
    "tpu.region"() ({
      %run_scoped3A = tpu.sem_alloc : memref<!tpu.dma_semaphore, #tpu.memory_space<semaphore_mem>>
      %dma_start3A_85 = arith.constant 0 : i32
      %dma_start3A_86 = tpu.memref_slice %arg5[%arg0, %mul3A_2, %dma_start3A_85] : memref<2x10240x128xf32, #tpu.memory_space<hbm>> -> memref<1x640x128xf32, #tpu.memory_space<hbm>>
      %dma_start3A_87 = tpu.memref_squeeze %dma_start3A_86 : memref<1x640x128xf32, #tpu.memory_space<hbm>> -> memref<640x128xf32, #tpu.memory_space<hbm>>
      %dma_start3A_88 = arith.constant 0 : i32
      %dma_start3A_89 = tpu.memref_slice %arg12[%mul3A_2, %dma_start3A_88] : memref<10240x128xf32, #tpu.memory_space<vmem_shared>> -> memref<640x128xf32, #tpu.memory_space<vmem_shared>>
      tpu.enqueue_dma source(%dma_start3A_89 : memref<640x128xf32, #tpu.memory_space<vmem_shared>>) target(%dma_start3A_87 : memref<640x128xf32, #tpu.memory_space<hbm>>) target_semaphore(%run_scoped3A : memref<!tpu.dma_semaphore, #tpu.memory_space<semaphore_mem>>)
      %dma_wait3A_90 = arith.constant 0 : i32
      %dma_wait3A_91 = tpu.memref_slice %arg5[%arg0, %mul3A_2, %dma_wait3A_90] : memref<2x10240x128xf32, #tpu.memory_space<hbm>> -> memref<1x640x128xf32, #tpu.memory_space<hbm>>
      %dma_wait3A_92 = tpu.memref_squeeze %dma_wait3A_91 : memref<1x640x128xf32, #tpu.memory_space<hbm>> -> memref<640x128xf32, #tpu.memory_space<hbm>>
      %dma_wait3A_93 = arith.constant 0 : i32
      %dma_wait3A_94 = tpu.memref_slice %arg12[%mul3A_2, %dma_wait3A_93] : memref<10240x128xf32, #tpu.memory_space<vmem_shared>> -> memref<640x128xf32, #tpu.memory_space<vmem_shared>>
      tpu.wait_dma2 semaphore(%run_scoped3A : memref<!tpu.dma_semaphore, #tpu.memory_space<semaphore_mem>>) src(%dma_wait3A_94 : memref<640x128xf32, #tpu.memory_space<vmem_shared>>) dst(%dma_wait3A_92 : memref<640x128xf32, #tpu.memory_space<hbm>>)
      tpu.yield
    }) : () -> ()
    return
  }
}

#map = affine_map<(d0, d1) -> (0, 0)>
#map1 = affine_map<(d0, d1) -> (0, 0, 0, 0)>
#map2 = affine_map<(d0, d1) -> (0, 0, 0)>
module attributes {stable_mosaic.version = 14 : i64} {
  func.func @_conv_kernel(%arg0: i32, %arg1: i32, %arg2: memref<10240x128xf32, #tpu.memory_space<hbm>>, %arg3: memref<32x84x2x120xi32, #tpu.memory_space<hbm>>, %arg4: memref<10240x128xf32, #tpu.memory_space<hbm>>, %arg5: memref<2x10240x128xf32, #tpu.memory_space<hbm>>, %arg6: memref<2x2x120xi32, #tpu.memory_space<vmem>>, %arg7: memref<2x2x120xi32, #tpu.memory_space<vmem>>, %arg8: memref<2x2x120xi32, #tpu.memory_space<vmem>>, %arg9: memref<120x128xf32, #tpu.memory_space<vmem>>, %arg10: memref<120x128xf32, #tpu.memory_space<vmem>>, %arg11: memref<120x128xf32, #tpu.memory_space<vmem>>, %arg12: memref<10240x128xf32, #tpu.memory_space<vmem_shared>>, %arg13: memref<!tpu.dma_semaphore, #tpu.memory_space<semaphore_mem>>, %arg14: memref<!tpu.dma_semaphore, #tpu.memory_space<semaphore_mem>>, %arg15: memref<!tpu.dma_semaphore, #tpu.memory_space<semaphore_mem>>, %arg16: memref<!tpu.dma_semaphore, #tpu.memory_space<semaphore_mem>>, %arg17: memref<!tpu.dma_semaphore, #tpu.memory_space<semaphore_mem>>, %arg18: memref<!tpu.dma_semaphore, #tpu.memory_space<semaphore_mem>>, %arg19: memref<!tpu.dma_semaphore, #tpu.memory_space<semaphore_mem>>, %arg20: memref<!tpu.dma_semaphore, #tpu.memory_space<semaphore_mem>>, %arg21: memref<!tpu.dma_semaphore, #tpu.memory_space<semaphore_mem>>, %arg22: memref<!tpu.dma_semaphore, #tpu.memory_space<semaphore_mem>>, %arg23: memref<!tpu.dma_semaphore, #tpu.memory_space<semaphore_mem>>, %arg24: memref<!tpu.dma_semaphore, #tpu.memory_space<semaphore_mem>>) attributes {dimension_semantics = [#tpu.dimension_semantics<core_parallel>, #tpu.dimension_semantics<subcore_parallel>], iteration_bounds = array<i64: 2, 16>, scalar_prefetch = 0 : i64, scratch_operands = 19 : i64, tpu.core_type = #tpu.core_type<sc_vector_subcore>, window_params = [{transform_indices = #map}, {transform_indices = #map1}, {transform_indices = #map}, {transform_indices = #map2}]} {
    %mul3A = arith.constant 16 : i32
    %mul3A_0 = arith.muli %arg0, %mul3A : i32
    %add3A = arith.addi %mul3A_0, %arg1 : i32
    %mul3A_1 = arith.constant 640 : i32
    %mul3A_2 = arith.muli %arg1, %mul3A_1 : i32
    "tpu.region"() ({
      %run_scoped3A = tpu.sem_alloc : memref<!tpu.dma_semaphore, #tpu.memory_space<semaphore_mem>>
      %dma_start3A_85 = arith.constant 0 : i32
      %dma_start3A_86 = tpu.memref_slice %arg12[%mul3A_2, %dma_start3A_85] : memref<10240x128xf32, #tpu.memory_space<vmem_shared>> -> memref<640x128xf32, #tpu.memory_space<vmem_shared>>
      %dma_start3A_87 = arith.constant 0 : i32
      %dma_start3A_88 = tpu.memref_slice %arg4[%mul3A_2, %dma_start3A_87] : memref<10240x128xf32, #tpu.memory_space<hbm>> -> memref<640x128xf32, #tpu.memory_space<hbm>>
      tpu.enqueue_dma source(%dma_start3A_88 : memref<640x128xf32, #tpu.memory_space<hbm>>) target(%dma_start3A_86 : memref<640x128xf32, #tpu.memory_space<vmem_shared>>) target_semaphore(%run_scoped3A : memref<!tpu.dma_semaphore, #tpu.memory_space<semaphore_mem>>)
      %dma_wait3A_89 = arith.constant 0 : i32
      %dma_wait3A_90 = tpu.memref_slice %arg12[%mul3A_2, %dma_wait3A_89] : memref<10240x128xf32, #tpu.memory_space<vmem_shared>> -> memref<640x128xf32, #tpu.memory_space<vmem_shared>>
      %dma_wait3A_91 = arith.constant 0 : i32
      %dma_wait3A_92 = tpu.memref_slice %arg4[%mul3A_2, %dma_wait3A_91] : memref<10240x128xf32, #tpu.memory_space<hbm>> -> memref<640x128xf32, #tpu.memory_space<hbm>>
      tpu.wait_dma2 semaphore(%run_scoped3A : memref<!tpu.dma_semaphore, #tpu.memory_space<semaphore_mem>>) src(%dma_wait3A_92 : memref<640x128xf32, #tpu.memory_space<hbm>>) dst(%dma_wait3A_90 : memref<640x128xf32, #tpu.memory_space<vmem_shared>>)
      tpu.yield
    }) : () -> ()
    %barrier3A = arith.constant 0 : index
    tpu.barrier barrier_id(%barrier3A)
    %dma_start3A = arith.constant 0 : i32
    %dma_start3A_3 = arith.constant 0 : i32
    %dma_start3A_4 = arith.constant 0 : i32
    %dma_start3A_5 = arith.constant 0 : i32
    %dma_start3A_6 = tpu.memref_slice %arg6[%dma_start3A_3, %dma_start3A_4, %dma_start3A_5] : memref<2x2x120xi32, #tpu.memory_space<vmem>> -> memref<1x2x120xi32, #tpu.memory_space<vmem>>
    %dma_start3A_7 = tpu.memref_squeeze %dma_start3A_6 : memref<1x2x120xi32, #tpu.memory_space<vmem>> -> memref<2x120xi32, #tpu.memory_space<vmem>>
    %dma_start3A_8 = arith.constant 0 : i32
    %dma_start3A_9 = arith.constant 0 : i32
    %dma_start3A_10 = tpu.memref_slice %arg3[%add3A, %dma_start3A, %dma_start3A_8, %dma_start3A_9] : memref<32x84x2x120xi32, #tpu.memory_space<hbm>> -> memref<1x1x2x120xi32, #tpu.memory_space<hbm>>
    %dma_start3A_11 = tpu.memref_squeeze %dma_start3A_10 : memref<1x1x2x120xi32, #tpu.memory_space<hbm>> -> memref<2x120xi32, #tpu.memory_space<hbm>>
    %dma_start3A_12 = arith.constant 0 : i32
    %dma_start3A_13 = arith.constant 0 : i32
    %dma_start3A_14 = tpu.memref_slice %arg6[%dma_start3A_3, %dma_start3A_12, %dma_start3A_13] : memref<2x2x120xi32, #tpu.memory_space<vmem>> -> memref<1x2x120xi32, #tpu.memory_space<vmem>>
    %dma_start3A_15 = tpu.memref_squeeze %dma_start3A_14 : memref<1x2x120xi32, #tpu.memory_space<vmem>> -> memref<2x120xi32, #tpu.memory_space<vmem>>
    %dma_start3A_16 = arith.constant 0 : i32
    %dma_start3A_17 = arith.constant 0 : i32
    %dma_start3A_18 = tpu.memref_slice %arg3[%add3A, %dma_start3A, %dma_start3A_16, %dma_start3A_17] : memref<32x84x2x120xi32, #tpu.memory_space<hbm>> -> memref<1x1x2x120xi32, #tpu.memory_space<hbm>>
    %dma_start3A_19 = tpu.memref_squeeze %dma_start3A_18 : memref<1x1x2x120xi32, #tpu.memory_space<hbm>> -> memref<2x120xi32, #tpu.memory_space<hbm>>
    tpu.enqueue_dma source(%dma_start3A_19 : memref<2x120xi32, #tpu.memory_space<hbm>>) target(%dma_start3A_15 : memref<2x120xi32, #tpu.memory_space<vmem>>) target_semaphore(%arg19 : memref<!tpu.dma_semaphore, #tpu.memory_space<semaphore_mem>>)
    %dma_start3A_20 = arith.constant 1 : i32
    %dma_start3A_21 = arith.constant 0 : i32
    %dma_start3A_22 = arith.constant 0 : i32
    %dma_start3A_23 = arith.constant 0 : i32
    %dma_start3A_24 = tpu.memref_slice %arg7[%dma_start3A_21, %dma_start3A_22, %dma_start3A_23] : memref<2x2x120xi32, #tpu.memory_space<vmem>> -> memref<1x2x120xi32, #tpu.memory_space<vmem>>
    %dma_start3A_25 = tpu.memref_squeeze %dma_start3A_24 : memref<1x2x120xi32, #tpu.memory_space<vmem>> -> memref<2x120xi32, #tpu.memory_space<vmem>>
    %dma_start3A_26 = arith.constant 0 : i32
    %dma_start3A_27 = arith.constant 0 : i32
    %dma_start3A_28 = tpu.memref_slice %arg3[%add3A, %dma_start3A_20, %dma_start3A_26, %dma_start3A_27] : memref<32x84x2x120xi32, #tpu.memory_space<hbm>> -> memref<1x1x2x120xi32, #tpu.memory_space<hbm>>
    %dma_start3A_29 = tpu.memref_squeeze %dma_start3A_28 : memref<1x1x2x120xi32, #tpu.memory_space<hbm>> -> memref<2x120xi32, #tpu.memory_space<hbm>>
    %dma_start3A_30 = arith.constant 0 : i32
    %dma_start3A_31 = arith.constant 0 : i32
    %dma_start3A_32 = tpu.memref_slice %arg7[%dma_start3A_21, %dma_start3A_30, %dma_start3A_31] : memref<2x2x120xi32, #tpu.memory_space<vmem>> -> memref<1x2x120xi32, #tpu.memory_space<vmem>>
    %dma_start3A_33 = tpu.memref_squeeze %dma_start3A_32 : memref<1x2x120xi32, #tpu.memory_space<vmem>> -> memref<2x120xi32, #tpu.memory_space<vmem>>
    %dma_start3A_34 = arith.constant 0 : i32
    %dma_start3A_35 = arith.constant 0 : i32
    %dma_start3A_36 = tpu.memref_slice %arg3[%add3A, %dma_start3A_20, %dma_start3A_34, %dma_start3A_35] : memref<32x84x2x120xi32, #tpu.memory_space<hbm>> -> memref<1x1x2x120xi32, #tpu.memory_space<hbm>>
    %dma_start3A_37 = tpu.memref_squeeze %dma_start3A_36 : memref<1x1x2x120xi32, #tpu.memory_space<hbm>> -> memref<2x120xi32, #tpu.memory_space<hbm>>
    tpu.enqueue_dma source(%dma_start3A_37 : memref<2x120xi32, #tpu.memory_space<hbm>>) target(%dma_start3A_33 : memref<2x120xi32, #tpu.memory_space<vmem>>) target_semaphore(%arg20 : memref<!tpu.dma_semaphore, #tpu.memory_space<semaphore_mem>>)
    %dma_start3A_38 = arith.constant 2 : i32
    %dma_start3A_39 = arith.constant 0 : i32
    %dma_start3A_40 = arith.constant 0 : i32
    %dma_start3A_41 = arith.constant 0 : i32
    %dma_start3A_42 = tpu.memref_slice %arg8[%dma_start3A_39, %dma_start3A_40, %dma_start3A_41] : memref<2x2x120xi32, #tpu.memory_space<vmem>> -> memref<1x2x120xi32, #tpu.memory_space<vmem>>
    %dma_start3A_43 = tpu.memref_squeeze %dma_start3A_42 : memref<1x2x120xi32, #tpu.memory_space<vmem>> -> memref<2x120xi32, #tpu.memory_space<vmem>>
    %dma_start3A_44 = arith.constant 0 : i32
    %dma_start3A_45 = arith.constant 0 : i32
    %dma_start3A_46 = tpu.memref_slice %arg3[%add3A, %dma_start3A_38, %dma_start3A_44, %dma_start3A_45] : memref<32x84x2x120xi32, #tpu.memory_space<hbm>> -> memref<1x1x2x120xi32, #tpu.memory_space<hbm>>
    %dma_start3A_47 = tpu.memref_squeeze %dma_start3A_46 : memref<1x1x2x120xi32, #tpu.memory_space<hbm>> -> memref<2x120xi32, #tpu.memory_space<hbm>>
    %dma_start3A_48 = arith.constant 0 : i32
    %dma_start3A_49 = arith.constant 0 : i32
    %dma_start3A_50 = tpu.memref_slice %arg8[%dma_start3A_39, %dma_start3A_48, %dma_start3A_49] : memref<2x2x120xi32, #tpu.memory_space<vmem>> -> memref<1x2x120xi32, #tpu.memory_space<vmem>>
    %dma_start3A_51 = tpu.memref_squeeze %dma_start3A_50 : memref<1x2x120xi32, #tpu.memory_space<vmem>> -> memref<2x120xi32, #tpu.memory_space<vmem>>
    %dma_start3A_52 = arith.constant 0 : i32
    %dma_start3A_53 = arith.constant 0 : i32
    %dma_start3A_54 = tpu.memref_slice %arg3[%add3A, %dma_start3A_38, %dma_start3A_52, %dma_start3A_53] : memref<32x84x2x120xi32, #tpu.memory_space<hbm>> -> memref<1x1x2x120xi32, #tpu.memory_space<hbm>>
    %dma_start3A_55 = tpu.memref_squeeze %dma_start3A_54 : memref<1x1x2x120xi32, #tpu.memory_space<hbm>> -> memref<2x120xi32, #tpu.memory_space<hbm>>
    tpu.enqueue_dma source(%dma_start3A_55 : memref<2x120xi32, #tpu.memory_space<hbm>>) target(%dma_start3A_51 : memref<2x120xi32, #tpu.memory_space<vmem>>) target_semaphore(%arg21 : memref<!tpu.dma_semaphore, #tpu.memory_space<semaphore_mem>>)
    %scan3A = arith.constant 0 : i32
    %scan3A_56 = arith.constant 0 : i32
    %scan3A_57 = arith.constant 14 : i32
    %scan3A_58 = arith.addi %scan3A_56, %scan3A_57 : i32
    %scan3A_59 = arith.constant 1 : i32
    scf.for %scan3A_85 = %scan3A_56 to %scan3A_58 step %scan3A_59  : i32 {
      %mul3A_86 = arith.constant 2 : i32
      %mul3A_87 = arith.muli %mul3A_86, %scan3A_85 : i32
      %gt3A = arith.constant 0 : i32
      %gt3A_88 = arith.cmpi sgt, %mul3A_87, %gt3A : i32
      %convert_element_type3A = arith.extui %gt3A_88 : i1 to i32
      %cond3A = arith.constant 0 : i32
      %cond3A_89 = arith.cmpi ne, %convert_element_type3A, %cond3A : i32
      scf.if %cond3A_89 {
        %dma_wait3A_430 = arith.constant 1 : i32
        %dma_wait3A_431 = arith.constant 1 : i32
        %dma_wait3A_432 = arith.constant 0 : i32
        %dma_wait3A_433 = tpu.memref_slice %arg6[%dma_wait3A_430, %dma_wait3A_431, %dma_wait3A_432] : memref<2x2x120xi32, #tpu.memory_space<vmem>> -> memref<1x1x120xi32, #tpu.memory_space<vmem>>
        %dma_wait3A_434 = tpu.memref_squeeze %dma_wait3A_433 : memref<1x1x120xi32, #tpu.memory_space<vmem>> -> memref<120xi32, #tpu.memory_space<vmem>>
        %dma_wait3A_435 = arith.constant 0 : i32
        %dma_wait3A_436 = arith.constant 0 : i32
        %dma_wait3A_437 = tpu.memref_slice %arg12[%dma_wait3A_435, %dma_wait3A_436] : memref<10240x128xf32, #tpu.memory_space<vmem_shared>> -> memref<10240x128xf32, #tpu.memory_space<vmem_shared>>
        tpu.wait_indirect_dma semaphore(%arg16 : memref<!tpu.dma_semaphore, #tpu.memory_space<semaphore_mem>>) src(%arg9 : memref<120x128xf32, #tpu.memory_space<vmem>>) dst(%dma_wait3A_437 : memref<10240x128xf32, #tpu.memory_space<vmem_shared>>)
      } else {
      }
      %add3A_90 = arith.constant 1 : i32
      %add3A_91 = arith.addi %mul3A_87, %add3A_90 : i32
      %lt3A = arith.constant 28 : i32
      %lt3A_92 = arith.cmpi slt, %add3A_91, %lt3A : i32
      %convert_element_type3A_93 = arith.extui %lt3A_92 : i1 to i32
      %cond3A_94 = arith.constant 0 : i32
      %cond3A_95 = arith.cmpi ne, %convert_element_type3A_93, %cond3A_94 : i32
      scf.if %cond3A_95 {
        %add3A_430 = arith.constant 1 : i32
        %add3A_431 = arith.addi %mul3A_87, %add3A_430 : i32
        %mul3A_432 = arith.constant 3 : i32
        %mul3A_433 = arith.muli %mul3A_432, %add3A_431 : i32
        %add3A_434 = arith.constant 0 : i32
        %add3A_435 = arith.addi %mul3A_433, %add3A_434 : i32
        %dma_start3A_436 = arith.constant 1 : i32
        %dma_start3A_437 = arith.constant 0 : i32
        %dma_start3A_438 = arith.constant 0 : i32
        %dma_start3A_439 = tpu.memref_slice %arg6[%dma_start3A_436, %dma_start3A_437, %dma_start3A_438] : memref<2x2x120xi32, #tpu.memory_space<vmem>> -> memref<1x2x120xi32, #tpu.memory_space<vmem>>
        %dma_start3A_440 = tpu.memref_squeeze %dma_start3A_439 : memref<1x2x120xi32, #tpu.memory_space<vmem>> -> memref<2x120xi32, #tpu.memory_space<vmem>>
        %dma_start3A_441 = arith.constant 0 : i32
        %dma_start3A_442 = arith.constant 0 : i32
        %dma_start3A_443 = tpu.memref_slice %arg3[%add3A, %add3A_435, %dma_start3A_441, %dma_start3A_442] : memref<32x84x2x120xi32, #tpu.memory_space<hbm>> -> memref<1x1x2x120xi32, #tpu.memory_space<hbm>>
        %dma_start3A_444 = tpu.memref_squeeze %dma_start3A_443 : memref<1x1x2x120xi32, #tpu.memory_space<hbm>> -> memref<2x120xi32, #tpu.memory_space<hbm>>
        %dma_start3A_445 = arith.constant 0 : i32
        %dma_start3A_446 = arith.constant 0 : i32
        %dma_start3A_447 = tpu.memref_slice %arg6[%dma_start3A_436, %dma_start3A_445, %dma_start3A_446] : memref<2x2x120xi32, #tpu.memory_space<vmem>> -> memref<1x2x120xi32, #tpu.memory_space<vmem>>
        %dma_start3A_448 = tpu.memref_squeeze %dma_start3A_447 : memref<1x2x120xi32, #tpu.memory_space<vmem>> -> memref<2x120xi32, #tpu.memory_space<vmem>>
        %dma_start3A_449 = arith.constant 0 : i32
        %dma_start3A_450 = arith.constant 0 : i32
        %dma_start3A_451 = tpu.memref_slice %arg3[%add3A, %add3A_435, %dma_start3A_449, %dma_start3A_450] : memref<32x84x2x120xi32, #tpu.memory_space<hbm>> -> memref<1x1x2x120xi32, #tpu.memory_space<hbm>>
        %dma_start3A_452 = tpu.memref_squeeze %dma_start3A_451 : memref<1x1x2x120xi32, #tpu.memory_space<hbm>> -> memref<2x120xi32, #tpu.memory_space<hbm>>
        tpu.enqueue_dma source(%dma_start3A_452 : memref<2x120xi32, #tpu.memory_space<hbm>>) target(%dma_start3A_448 : memref<2x120xi32, #tpu.memory_space<vmem>>) target_semaphore(%arg22 : memref<!tpu.dma_semaphore, #tpu.memory_space<semaphore_mem>>)
      } else {
      }
      %mul3A_96 = arith.constant 3 : i32
      %mul3A_97 = arith.muli %mul3A_96, %mul3A_87 : i32
      %add3A_98 = arith.constant 0 : i32
      %add3A_99 = arith.addi %mul3A_97, %add3A_98 : i32
      %dma_wait3A_100 = arith.constant 0 : i32
      %dma_wait3A_101 = arith.constant 0 : i32
      %dma_wait3A_102 = arith.constant 0 : i32
      %dma_wait3A_103 = tpu.memref_slice %arg6[%dma_wait3A_100, %dma_wait3A_101, %dma_wait3A_102] : memref<2x2x120xi32, #tpu.memory_space<vmem>> -> memref<1x2x120xi32, #tpu.memory_space<vmem>>
      %dma_wait3A_104 = tpu.memref_squeeze %dma_wait3A_103 : memref<1x2x120xi32, #tpu.memory_space<vmem>> -> memref<2x120xi32, #tpu.memory_space<vmem>>
      %dma_wait3A_105 = arith.constant 0 : i32
      %dma_wait3A_106 = arith.constant 0 : i32
      %dma_wait3A_107 = tpu.memref_slice %arg3[%add3A, %add3A_99, %dma_wait3A_105, %dma_wait3A_106] : memref<32x84x2x120xi32, #tpu.memory_space<hbm>> -> memref<1x1x2x120xi32, #tpu.memory_space<hbm>>
      %dma_wait3A_108 = tpu.memref_squeeze %dma_wait3A_107 : memref<1x1x2x120xi32, #tpu.memory_space<hbm>> -> memref<2x120xi32, #tpu.memory_space<hbm>>
      %dma_wait3A_109 = arith.constant 0 : i32
      %dma_wait3A_110 = arith.constant 0 : i32
      %dma_wait3A_111 = tpu.memref_slice %arg6[%dma_wait3A_100, %dma_wait3A_109, %dma_wait3A_110] : memref<2x2x120xi32, #tpu.memory_space<vmem>> -> memref<1x2x120xi32, #tpu.memory_space<vmem>>
      %dma_wait3A_112 = tpu.memref_squeeze %dma_wait3A_111 : memref<1x2x120xi32, #tpu.memory_space<vmem>> -> memref<2x120xi32, #tpu.memory_space<vmem>>
      %dma_wait3A_113 = arith.constant 0 : i32
      %dma_wait3A_114 = arith.constant 0 : i32
      %dma_wait3A_115 = tpu.memref_slice %arg3[%add3A, %add3A_99, %dma_wait3A_113, %dma_wait3A_114] : memref<32x84x2x120xi32, #tpu.memory_space<hbm>> -> memref<1x1x2x120xi32, #tpu.memory_space<hbm>>
      %dma_wait3A_116 = tpu.memref_squeeze %dma_wait3A_115 : memref<1x1x2x120xi32, #tpu.memory_space<hbm>> -> memref<2x120xi32, #tpu.memory_space<hbm>>
      tpu.wait_dma2 semaphore(%arg19 : memref<!tpu.dma_semaphore, #tpu.memory_space<semaphore_mem>>) src(%dma_wait3A_116 : memref<2x120xi32, #tpu.memory_space<hbm>>) dst(%dma_wait3A_112 : memref<2x120xi32, #tpu.memory_space<vmem>>)
      %dma_start3A_117 = arith.constant 0 : i32
      %dma_start3A_118 = arith.constant 0 : i32
      %dma_start3A_119 = arith.constant 0 : i32
      %dma_start3A_120 = tpu.memref_slice %arg6[%dma_start3A_117, %dma_start3A_118, %dma_start3A_119] : memref<2x2x120xi32, #tpu.memory_space<vmem>> -> memref<1x1x120xi32, #tpu.memory_space<vmem>>
      %dma_start3A_121 = tpu.memref_squeeze %dma_start3A_120 : memref<1x1x120xi32, #tpu.memory_space<vmem>> -> memref<120xi32, #tpu.memory_space<vmem>>
      %dma_start3A_122 = arith.constant 0 : i32
      %dma_start3A_123 = arith.constant 0 : i32
      %dma_start3A_124 = tpu.memref_slice %arg2[%dma_start3A_122, %dma_start3A_123] : memref<10240x128xf32, #tpu.memory_space<hbm>> -> memref<10240x128xf32, #tpu.memory_space<hbm>>
      tpu.enqueue_indirect_dma source(%dma_start3A_124 : memref<10240x128xf32, #tpu.memory_space<hbm>>) target(%arg9 : memref<120x128xf32, #tpu.memory_space<vmem>>) offsets(%dma_start3A_121 : memref<120xi32, #tpu.memory_space<vmem>>) semaphore(%arg13 : memref<!tpu.dma_semaphore, #tpu.memory_space<semaphore_mem>>)
      %gt3A_125 = arith.constant 0 : i32
      %gt3A_126 = arith.cmpi sgt, %mul3A_87, %gt3A_125 : i32
      %convert_element_type3A_127 = arith.extui %gt3A_126 : i1 to i32
      %cond3A_128 = arith.constant 0 : i32
      %cond3A_129 = arith.cmpi ne, %convert_element_type3A_127, %cond3A_128 : i32
      scf.if %cond3A_129 {
        %dma_wait3A_430 = arith.constant 1 : i32
        %dma_wait3A_431 = arith.constant 1 : i32
        %dma_wait3A_432 = arith.constant 0 : i32
        %dma_wait3A_433 = tpu.memref_slice %arg7[%dma_wait3A_430, %dma_wait3A_431, %dma_wait3A_432] : memref<2x2x120xi32, #tpu.memory_space<vmem>> -> memref<1x1x120xi32, #tpu.memory_space<vmem>>
        %dma_wait3A_434 = tpu.memref_squeeze %dma_wait3A_433 : memref<1x1x120xi32, #tpu.memory_space<vmem>> -> memref<120xi32, #tpu.memory_space<vmem>>
        %dma_wait3A_435 = arith.constant 0 : i32
        %dma_wait3A_436 = arith.constant 0 : i32
        %dma_wait3A_437 = tpu.memref_slice %arg12[%dma_wait3A_435, %dma_wait3A_436] : memref<10240x128xf32, #tpu.memory_space<vmem_shared>> -> memref<10240x128xf32, #tpu.memory_space<vmem_shared>>
        tpu.wait_indirect_dma semaphore(%arg17 : memref<!tpu.dma_semaphore, #tpu.memory_space<semaphore_mem>>) src(%arg10 : memref<120x128xf32, #tpu.memory_space<vmem>>) dst(%dma_wait3A_437 : memref<10240x128xf32, #tpu.memory_space<vmem_shared>>)
      } else {
      }
      %add3A_130 = arith.constant 1 : i32
      %add3A_131 = arith.addi %mul3A_87, %add3A_130 : i32
      %lt3A_132 = arith.constant 28 : i32
      %lt3A_133 = arith.cmpi slt, %add3A_131, %lt3A_132 : i32
      %convert_element_type3A_134 = arith.extui %lt3A_133 : i1 to i32
      %cond3A_135 = arith.constant 0 : i32
      %cond3A_136 = arith.cmpi ne, %convert_element_type3A_134, %cond3A_135 : i32
      scf.if %cond3A_136 {
        %add3A_430 = arith.constant 1 : i32
        %add3A_431 = arith.addi %mul3A_87, %add3A_430 : i32
        %mul3A_432 = arith.constant 3 : i32
        %mul3A_433 = arith.muli %mul3A_432, %add3A_431 : i32
        %add3A_434 = arith.constant 1 : i32
        %add3A_435 = arith.addi %mul3A_433, %add3A_434 : i32
        %dma_start3A_436 = arith.constant 1 : i32
        %dma_start3A_437 = arith.constant 0 : i32
        %dma_start3A_438 = arith.constant 0 : i32
        %dma_start3A_439 = tpu.memref_slice %arg7[%dma_start3A_436, %dma_start3A_437, %dma_start3A_438] : memref<2x2x120xi32, #tpu.memory_space<vmem>> -> memref<1x2x120xi32, #tpu.memory_space<vmem>>
        %dma_start3A_440 = tpu.memref_squeeze %dma_start3A_439 : memref<1x2x120xi32, #tpu.memory_space<vmem>> -> memref<2x120xi32, #tpu.memory_space<vmem>>
        %dma_start3A_441 = arith.constant 0 : i32
        %dma_start3A_442 = arith.constant 0 : i32
        %dma_start3A_443 = tpu.memref_slice %arg3[%add3A, %add3A_435, %dma_start3A_441, %dma_start3A_442] : memref<32x84x2x120xi32, #tpu.memory_space<hbm>> -> memref<1x1x2x120xi32, #tpu.memory_space<hbm>>
        %dma_start3A_444 = tpu.memref_squeeze %dma_start3A_443 : memref<1x1x2x120xi32, #tpu.memory_space<hbm>> -> memref<2x120xi32, #tpu.memory_space<hbm>>
        %dma_start3A_445 = arith.constant 0 : i32
        %dma_start3A_446 = arith.constant 0 : i32
        %dma_start3A_447 = tpu.memref_slice %arg7[%dma_start3A_436, %dma_start3A_445, %dma_start3A_446] : memref<2x2x120xi32, #tpu.memory_space<vmem>> -> memref<1x2x120xi32, #tpu.memory_space<vmem>>
        %dma_start3A_448 = tpu.memref_squeeze %dma_start3A_447 : memref<1x2x120xi32, #tpu.memory_space<vmem>> -> memref<2x120xi32, #tpu.memory_space<vmem>>
        %dma_start3A_449 = arith.constant 0 : i32
        %dma_start3A_450 = arith.constant 0 : i32
        %dma_start3A_451 = tpu.memref_slice %arg3[%add3A, %add3A_435, %dma_start3A_449, %dma_start3A_450] : memref<32x84x2x120xi32, #tpu.memory_space<hbm>> -> memref<1x1x2x120xi32, #tpu.memory_space<hbm>>
        %dma_start3A_452 = tpu.memref_squeeze %dma_start3A_451 : memref<1x1x2x120xi32, #tpu.memory_space<hbm>> -> memref<2x120xi32, #tpu.memory_space<hbm>>
        tpu.enqueue_dma source(%dma_start3A_452 : memref<2x120xi32, #tpu.memory_space<hbm>>) target(%dma_start3A_448 : memref<2x120xi32, #tpu.memory_space<vmem>>) target_semaphore(%arg23 : memref<!tpu.dma_semaphore, #tpu.memory_space<semaphore_mem>>)
      } else {
      }
      %mul3A_137 = arith.constant 3 : i32
      %mul3A_138 = arith.muli %mul3A_137, %mul3A_87 : i32
      %add3A_139 = arith.constant 1 : i32
      %add3A_140 = arith.addi %mul3A_138, %add3A_139 : i32
      %dma_wait3A_141 = arith.constant 0 : i32
      %dma_wait3A_142 = arith.constant 0 : i32
      %dma_wait3A_143 = arith.constant 0 : i32
      %dma_wait3A_144 = tpu.memref_slice %arg7[%dma_wait3A_141, %dma_wait3A_142, %dma_wait3A_143] : memref<2x2x120xi32, #tpu.memory_space<vmem>> -> memref<1x2x120xi32, #tpu.memory_space<vmem>>
      %dma_wait3A_145 = tpu.memref_squeeze %dma_wait3A_144 : memref<1x2x120xi32, #tpu.memory_space<vmem>> -> memref<2x120xi32, #tpu.memory_space<vmem>>
      %dma_wait3A_146 = arith.constant 0 : i32
      %dma_wait3A_147 = arith.constant 0 : i32
      %dma_wait3A_148 = tpu.memref_slice %arg3[%add3A, %add3A_140, %dma_wait3A_146, %dma_wait3A_147] : memref<32x84x2x120xi32, #tpu.memory_space<hbm>> -> memref<1x1x2x120xi32, #tpu.memory_space<hbm>>
      %dma_wait3A_149 = tpu.memref_squeeze %dma_wait3A_148 : memref<1x1x2x120xi32, #tpu.memory_space<hbm>> -> memref<2x120xi32, #tpu.memory_space<hbm>>
      %dma_wait3A_150 = arith.constant 0 : i32
      %dma_wait3A_151 = arith.constant 0 : i32
      %dma_wait3A_152 = tpu.memref_slice %arg7[%dma_wait3A_141, %dma_wait3A_150, %dma_wait3A_151] : memref<2x2x120xi32, #tpu.memory_space<vmem>> -> memref<1x2x120xi32, #tpu.memory_space<vmem>>
      %dma_wait3A_153 = tpu.memref_squeeze %dma_wait3A_152 : memref<1x2x120xi32, #tpu.memory_space<vmem>> -> memref<2x120xi32, #tpu.memory_space<vmem>>
      %dma_wait3A_154 = arith.constant 0 : i32
      %dma_wait3A_155 = arith.constant 0 : i32
      %dma_wait3A_156 = tpu.memref_slice %arg3[%add3A, %add3A_140, %dma_wait3A_154, %dma_wait3A_155] : memref<32x84x2x120xi32, #tpu.memory_space<hbm>> -> memref<1x1x2x120xi32, #tpu.memory_space<hbm>>
      %dma_wait3A_157 = tpu.memref_squeeze %dma_wait3A_156 : memref<1x1x2x120xi32, #tpu.memory_space<hbm>> -> memref<2x120xi32, #tpu.memory_space<hbm>>
      tpu.wait_dma2 semaphore(%arg20 : memref<!tpu.dma_semaphore, #tpu.memory_space<semaphore_mem>>) src(%dma_wait3A_157 : memref<2x120xi32, #tpu.memory_space<hbm>>) dst(%dma_wait3A_153 : memref<2x120xi32, #tpu.memory_space<vmem>>)
      %dma_start3A_158 = arith.constant 0 : i32
      %dma_start3A_159 = arith.constant 0 : i32
      %dma_start3A_160 = arith.constant 0 : i32
      %dma_start3A_161 = tpu.memref_slice %arg7[%dma_start3A_158, %dma_start3A_159, %dma_start3A_160] : memref<2x2x120xi32, #tpu.memory_space<vmem>> -> memref<1x1x120xi32, #tpu.memory_space<vmem>>
      %dma_start3A_162 = tpu.memref_squeeze %dma_start3A_161 : memref<1x1x120xi32, #tpu.memory_space<vmem>> -> memref<120xi32, #tpu.memory_space<vmem>>
      %dma_start3A_163 = arith.constant 0 : i32
      %dma_start3A_164 = arith.constant 0 : i32
      %dma_start3A_165 = tpu.memref_slice %arg2[%dma_start3A_163, %dma_start3A_164] : memref<10240x128xf32, #tpu.memory_space<hbm>> -> memref<10240x128xf32, #tpu.memory_space<hbm>>
      tpu.enqueue_indirect_dma source(%dma_start3A_165 : memref<10240x128xf32, #tpu.memory_space<hbm>>) target(%arg10 : memref<120x128xf32, #tpu.memory_space<vmem>>) offsets(%dma_start3A_162 : memref<120xi32, #tpu.memory_space<vmem>>) semaphore(%arg14 : memref<!tpu.dma_semaphore, #tpu.memory_space<semaphore_mem>>)
      %gt3A_166 = arith.constant 0 : i32
      %gt3A_167 = arith.cmpi sgt, %mul3A_87, %gt3A_166 : i32
      %convert_element_type3A_168 = arith.extui %gt3A_167 : i1 to i32
      %cond3A_169 = arith.constant 0 : i32
      %cond3A_170 = arith.cmpi ne, %convert_element_type3A_168, %cond3A_169 : i32
      scf.if %cond3A_170 {
        %dma_wait3A_430 = arith.constant 1 : i32
        %dma_wait3A_431 = arith.constant 1 : i32
        %dma_wait3A_432 = arith.constant 0 : i32
        %dma_wait3A_433 = tpu.memref_slice %arg8[%dma_wait3A_430, %dma_wait3A_431, %dma_wait3A_432] : memref<2x2x120xi32, #tpu.memory_space<vmem>> -> memref<1x1x120xi32, #tpu.memory_space<vmem>>
        %dma_wait3A_434 = tpu.memref_squeeze %dma_wait3A_433 : memref<1x1x120xi32, #tpu.memory_space<vmem>> -> memref<120xi32, #tpu.memory_space<vmem>>
        %dma_wait3A_435 = arith.constant 0 : i32
        %dma_wait3A_436 = arith.constant 0 : i32
        %dma_wait3A_437 = tpu.memref_slice %arg12[%dma_wait3A_435, %dma_wait3A_436] : memref<10240x128xf32, #tpu.memory_space<vmem_shared>> -> memref<10240x128xf32, #tpu.memory_space<vmem_shared>>
        tpu.wait_indirect_dma semaphore(%arg18 : memref<!tpu.dma_semaphore, #tpu.memory_space<semaphore_mem>>) src(%arg11 : memref<120x128xf32, #tpu.memory_space<vmem>>) dst(%dma_wait3A_437 : memref<10240x128xf32, #tpu.memory_space<vmem_shared>>)
      } else {
      }
      %add3A_171 = arith.constant 1 : i32
      %add3A_172 = arith.addi %mul3A_87, %add3A_171 : i32
      %lt3A_173 = arith.constant 28 : i32
      %lt3A_174 = arith.cmpi slt, %add3A_172, %lt3A_173 : i32
      %convert_element_type3A_175 = arith.extui %lt3A_174 : i1 to i32
      %cond3A_176 = arith.constant 0 : i32
      %cond3A_177 = arith.cmpi ne, %convert_element_type3A_175, %cond3A_176 : i32
      scf.if %cond3A_177 {
        %add3A_430 = arith.constant 1 : i32
        %add3A_431 = arith.addi %mul3A_87, %add3A_430 : i32
        %mul3A_432 = arith.constant 3 : i32
        %mul3A_433 = arith.muli %mul3A_432, %add3A_431 : i32
        %add3A_434 = arith.constant 2 : i32
        %add3A_435 = arith.addi %mul3A_433, %add3A_434 : i32
        %dma_start3A_436 = arith.constant 1 : i32
        %dma_start3A_437 = arith.constant 0 : i32
        %dma_start3A_438 = arith.constant 0 : i32
        %dma_start3A_439 = tpu.memref_slice %arg8[%dma_start3A_436, %dma_start3A_437, %dma_start3A_438] : memref<2x2x120xi32, #tpu.memory_space<vmem>> -> memref<1x2x120xi32, #tpu.memory_space<vmem>>
        %dma_start3A_440 = tpu.memref_squeeze %dma_start3A_439 : memref<1x2x120xi32, #tpu.memory_space<vmem>> -> memref<2x120xi32, #tpu.memory_space<vmem>>
        %dma_start3A_441 = arith.constant 0 : i32
        %dma_start3A_442 = arith.constant 0 : i32
        %dma_start3A_443 = tpu.memref_slice %arg3[%add3A, %add3A_435, %dma_start3A_441, %dma_start3A_442] : memref<32x84x2x120xi32, #tpu.memory_space<hbm>> -> memref<1x1x2x120xi32, #tpu.memory_space<hbm>>
        %dma_start3A_444 = tpu.memref_squeeze %dma_start3A_443 : memref<1x1x2x120xi32, #tpu.memory_space<hbm>> -> memref<2x120xi32, #tpu.memory_space<hbm>>
        %dma_start3A_445 = arith.constant 0 : i32
        %dma_start3A_446 = arith.constant 0 : i32
        %dma_start3A_447 = tpu.memref_slice %arg8[%dma_start3A_436, %dma_start3A_445, %dma_start3A_446] : memref<2x2x120xi32, #tpu.memory_space<vmem>> -> memref<1x2x120xi32, #tpu.memory_space<vmem>>
        %dma_start3A_448 = tpu.memref_squeeze %dma_start3A_447 : memref<1x2x120xi32, #tpu.memory_space<vmem>> -> memref<2x120xi32, #tpu.memory_space<vmem>>
        %dma_start3A_449 = arith.constant 0 : i32
        %dma_start3A_450 = arith.constant 0 : i32
        %dma_start3A_451 = tpu.memref_slice %arg3[%add3A, %add3A_435, %dma_start3A_449, %dma_start3A_450] : memref<32x84x2x120xi32, #tpu.memory_space<hbm>> -> memref<1x1x2x120xi32, #tpu.memory_space<hbm>>
        %dma_start3A_452 = tpu.memref_squeeze %dma_start3A_451 : memref<1x1x2x120xi32, #tpu.memory_space<hbm>> -> memref<2x120xi32, #tpu.memory_space<hbm>>
        tpu.enqueue_dma source(%dma_start3A_452 : memref<2x120xi32, #tpu.memory_space<hbm>>) target(%dma_start3A_448 : memref<2x120xi32, #tpu.memory_space<vmem>>) target_semaphore(%arg24 : memref<!tpu.dma_semaphore, #tpu.memory_space<semaphore_mem>>)
      } else {
      }
      %mul3A_178 = arith.constant 3 : i32
      %mul3A_179 = arith.muli %mul3A_178, %mul3A_87 : i32
      %add3A_180 = arith.constant 2 : i32
      %add3A_181 = arith.addi %mul3A_179, %add3A_180 : i32
      %dma_wait3A_182 = arith.constant 0 : i32
      %dma_wait3A_183 = arith.constant 0 : i32
      %dma_wait3A_184 = arith.constant 0 : i32
      %dma_wait3A_185 = tpu.memref_slice %arg8[%dma_wait3A_182, %dma_wait3A_183, %dma_wait3A_184] : memref<2x2x120xi32, #tpu.memory_space<vmem>> -> memref<1x2x120xi32, #tpu.memory_space<vmem>>
      %dma_wait3A_186 = tpu.memref_squeeze %dma_wait3A_185 : memref<1x2x120xi32, #tpu.memory_space<vmem>> -> memref<2x120xi32, #tpu.memory_space<vmem>>
      %dma_wait3A_187 = arith.constant 0 : i32
      %dma_wait3A_188 = arith.constant 0 : i32
      %dma_wait3A_189 = tpu.memref_slice %arg3[%add3A, %add3A_181, %dma_wait3A_187, %dma_wait3A_188] : memref<32x84x2x120xi32, #tpu.memory_space<hbm>> -> memref<1x1x2x120xi32, #tpu.memory_space<hbm>>
      %dma_wait3A_190 = tpu.memref_squeeze %dma_wait3A_189 : memref<1x1x2x120xi32, #tpu.memory_space<hbm>> -> memref<2x120xi32, #tpu.memory_space<hbm>>
      %dma_wait3A_191 = arith.constant 0 : i32
      %dma_wait3A_192 = arith.constant 0 : i32
      %dma_wait3A_193 = tpu.memref_slice %arg8[%dma_wait3A_182, %dma_wait3A_191, %dma_wait3A_192] : memref<2x2x120xi32, #tpu.memory_space<vmem>> -> memref<1x2x120xi32, #tpu.memory_space<vmem>>
      %dma_wait3A_194 = tpu.memref_squeeze %dma_wait3A_193 : memref<1x2x120xi32, #tpu.memory_space<vmem>> -> memref<2x120xi32, #tpu.memory_space<vmem>>
      %dma_wait3A_195 = arith.constant 0 : i32
      %dma_wait3A_196 = arith.constant 0 : i32
      %dma_wait3A_197 = tpu.memref_slice %arg3[%add3A, %add3A_181, %dma_wait3A_195, %dma_wait3A_196] : memref<32x84x2x120xi32, #tpu.memory_space<hbm>> -> memref<1x1x2x120xi32, #tpu.memory_space<hbm>>
      %dma_wait3A_198 = tpu.memref_squeeze %dma_wait3A_197 : memref<1x1x2x120xi32, #tpu.memory_space<hbm>> -> memref<2x120xi32, #tpu.memory_space<hbm>>
      tpu.wait_dma2 semaphore(%arg21 : memref<!tpu.dma_semaphore, #tpu.memory_space<semaphore_mem>>) src(%dma_wait3A_198 : memref<2x120xi32, #tpu.memory_space<hbm>>) dst(%dma_wait3A_194 : memref<2x120xi32, #tpu.memory_space<vmem>>)
      %dma_start3A_199 = arith.constant 0 : i32
      %dma_start3A_200 = arith.constant 0 : i32
      %dma_start3A_201 = arith.constant 0 : i32
      %dma_start3A_202 = tpu.memref_slice %arg8[%dma_start3A_199, %dma_start3A_200, %dma_start3A_201] : memref<2x2x120xi32, #tpu.memory_space<vmem>> -> memref<1x1x120xi32, #tpu.memory_space<vmem>>
      %dma_start3A_203 = tpu.memref_squeeze %dma_start3A_202 : memref<1x1x120xi32, #tpu.memory_space<vmem>> -> memref<120xi32, #tpu.memory_space<vmem>>
      %dma_start3A_204 = arith.constant 0 : i32
      %dma_start3A_205 = arith.constant 0 : i32
      %dma_start3A_206 = tpu.memref_slice %arg2[%dma_start3A_204, %dma_start3A_205] : memref<10240x128xf32, #tpu.memory_space<hbm>> -> memref<10240x128xf32, #tpu.memory_space<hbm>>
      tpu.enqueue_indirect_dma source(%dma_start3A_206 : memref<10240x128xf32, #tpu.memory_space<hbm>>) target(%arg11 : memref<120x128xf32, #tpu.memory_space<vmem>>) offsets(%dma_start3A_203 : memref<120xi32, #tpu.memory_space<vmem>>) semaphore(%arg15 : memref<!tpu.dma_semaphore, #tpu.memory_space<semaphore_mem>>)
      %dma_wait3A_207 = arith.constant 0 : i32
      %dma_wait3A_208 = arith.constant 0 : i32
      %dma_wait3A_209 = arith.constant 0 : i32
      %dma_wait3A_210 = tpu.memref_slice %arg6[%dma_wait3A_207, %dma_wait3A_208, %dma_wait3A_209] : memref<2x2x120xi32, #tpu.memory_space<vmem>> -> memref<1x1x120xi32, #tpu.memory_space<vmem>>
      %dma_wait3A_211 = tpu.memref_squeeze %dma_wait3A_210 : memref<1x1x120xi32, #tpu.memory_space<vmem>> -> memref<120xi32, #tpu.memory_space<vmem>>
      %dma_wait3A_212 = arith.constant 0 : i32
      %dma_wait3A_213 = arith.constant 0 : i32
      %dma_wait3A_214 = tpu.memref_slice %arg2[%dma_wait3A_212, %dma_wait3A_213] : memref<10240x128xf32, #tpu.memory_space<hbm>> -> memref<10240x128xf32, #tpu.memory_space<hbm>>
      tpu.wait_indirect_dma semaphore(%arg13 : memref<!tpu.dma_semaphore, #tpu.memory_space<semaphore_mem>>) src(%dma_wait3A_214 : memref<10240x128xf32, #tpu.memory_space<hbm>>) dst(%arg9 : memref<120x128xf32, #tpu.memory_space<vmem>>)
      %dma_start3A_215 = arith.constant 0 : i32
      %dma_start3A_216 = arith.constant 1 : i32
      %dma_start3A_217 = arith.constant 0 : i32
      %dma_start3A_218 = tpu.memref_slice %arg6[%dma_start3A_215, %dma_start3A_216, %dma_start3A_217] : memref<2x2x120xi32, #tpu.memory_space<vmem>> -> memref<1x1x120xi32, #tpu.memory_space<vmem>>
      %dma_start3A_219 = tpu.memref_squeeze %dma_start3A_218 : memref<1x1x120xi32, #tpu.memory_space<vmem>> -> memref<120xi32, #tpu.memory_space<vmem>>
      %dma_start3A_220 = arith.constant 0 : i32
      %dma_start3A_221 = arith.constant 0 : i32
      %dma_start3A_222 = tpu.memref_slice %arg12[%dma_start3A_220, %dma_start3A_221] : memref<10240x128xf32, #tpu.memory_space<vmem_shared>> -> memref<10240x128xf32, #tpu.memory_space<vmem_shared>>
      tpu.enqueue_indirect_dma source(%arg9 : memref<120x128xf32, #tpu.memory_space<vmem>>) target(%dma_start3A_222 : memref<10240x128xf32, #tpu.memory_space<vmem_shared>>) offsets(%dma_start3A_219 : memref<120xi32, #tpu.memory_space<vmem>>) semaphore(%arg16 : memref<!tpu.dma_semaphore, #tpu.memory_space<semaphore_mem>>) {add = true}
      %dma_wait3A_223 = arith.constant 0 : i32
      %dma_wait3A_224 = arith.constant 0 : i32
      %dma_wait3A_225 = arith.constant 0 : i32
      %dma_wait3A_226 = tpu.memref_slice %arg7[%dma_wait3A_223, %dma_wait3A_224, %dma_wait3A_225] : memref<2x2x120xi32, #tpu.memory_space<vmem>> -> memref<1x1x120xi32, #tpu.memory_space<vmem>>
      %dma_wait3A_227 = tpu.memref_squeeze %dma_wait3A_226 : memref<1x1x120xi32, #tpu.memory_space<vmem>> -> memref<120xi32, #tpu.memory_space<vmem>>
      %dma_wait3A_228 = arith.constant 0 : i32
      %dma_wait3A_229 = arith.constant 0 : i32
      %dma_wait3A_230 = tpu.memref_slice %arg2[%dma_wait3A_228, %dma_wait3A_229] : memref<10240x128xf32, #tpu.memory_space<hbm>> -> memref<10240x128xf32, #tpu.memory_space<hbm>>
      tpu.wait_indirect_dma semaphore(%arg14 : memref<!tpu.dma_semaphore, #tpu.memory_space<semaphore_mem>>) src(%dma_wait3A_230 : memref<10240x128xf32, #tpu.memory_space<hbm>>) dst(%arg10 : memref<120x128xf32, #tpu.memory_space<vmem>>)
      %dma_start3A_231 = arith.constant 0 : i32
      %dma_start3A_232 = arith.constant 1 : i32
      %dma_start3A_233 = arith.constant 0 : i32
      %dma_start3A_234 = tpu.memref_slice %arg7[%dma_start3A_231, %dma_start3A_232, %dma_start3A_233] : memref<2x2x120xi32, #tpu.memory_space<vmem>> -> memref<1x1x120xi32, #tpu.memory_space<vmem>>
      %dma_start3A_235 = tpu.memref_squeeze %dma_start3A_234 : memref<1x1x120xi32, #tpu.memory_space<vmem>> -> memref<120xi32, #tpu.memory_space<vmem>>
      %dma_start3A_236 = arith.constant 0 : i32
      %dma_start3A_237 = arith.constant 0 : i32
      %dma_start3A_238 = tpu.memref_slice %arg12[%dma_start3A_236, %dma_start3A_237] : memref<10240x128xf32, #tpu.memory_space<vmem_shared>> -> memref<10240x128xf32, #tpu.memory_space<vmem_shared>>
      tpu.enqueue_indirect_dma source(%arg10 : memref<120x128xf32, #tpu.memory_space<vmem>>) target(%dma_start3A_238 : memref<10240x128xf32, #tpu.memory_space<vmem_shared>>) offsets(%dma_start3A_235 : memref<120xi32, #tpu.memory_space<vmem>>) semaphore(%arg17 : memref<!tpu.dma_semaphore, #tpu.memory_space<semaphore_mem>>) {add = true}
      %dma_wait3A_239 = arith.constant 0 : i32
      %dma_wait3A_240 = arith.constant 0 : i32
      %dma_wait3A_241 = arith.constant 0 : i32
      %dma_wait3A_242 = tpu.memref_slice %arg8[%dma_wait3A_239, %dma_wait3A_240, %dma_wait3A_241] : memref<2x2x120xi32, #tpu.memory_space<vmem>> -> memref<1x1x120xi32, #tpu.memory_space<vmem>>
      %dma_wait3A_243 = tpu.memref_squeeze %dma_wait3A_242 : memref<1x1x120xi32, #tpu.memory_space<vmem>> -> memref<120xi32, #tpu.memory_space<vmem>>
      %dma_wait3A_244 = arith.constant 0 : i32
      %dma_wait3A_245 = arith.constant 0 : i32
      %dma_wait3A_246 = tpu.memref_slice %arg2[%dma_wait3A_244, %dma_wait3A_245] : memref<10240x128xf32, #tpu.memory_space<hbm>> -> memref<10240x128xf32, #tpu.memory_space<hbm>>
      tpu.wait_indirect_dma semaphore(%arg15 : memref<!tpu.dma_semaphore, #tpu.memory_space<semaphore_mem>>) src(%dma_wait3A_246 : memref<10240x128xf32, #tpu.memory_space<hbm>>) dst(%arg11 : memref<120x128xf32, #tpu.memory_space<vmem>>)
      %dma_start3A_247 = arith.constant 0 : i32
      %dma_start3A_248 = arith.constant 1 : i32
      %dma_start3A_249 = arith.constant 0 : i32
      %dma_start3A_250 = tpu.memref_slice %arg8[%dma_start3A_247, %dma_start3A_248, %dma_start3A_249] : memref<2x2x120xi32, #tpu.memory_space<vmem>> -> memref<1x1x120xi32, #tpu.memory_space<vmem>>
      %dma_start3A_251 = tpu.memref_squeeze %dma_start3A_250 : memref<1x1x120xi32, #tpu.memory_space<vmem>> -> memref<120xi32, #tpu.memory_space<vmem>>
      %dma_start3A_252 = arith.constant 0 : i32
      %dma_start3A_253 = arith.constant 0 : i32
      %dma_start3A_254 = tpu.memref_slice %arg12[%dma_start3A_252, %dma_start3A_253] : memref<10240x128xf32, #tpu.memory_space<vmem_shared>> -> memref<10240x128xf32, #tpu.memory_space<vmem_shared>>
      tpu.enqueue_indirect_dma source(%arg11 : memref<120x128xf32, #tpu.memory_space<vmem>>) target(%dma_start3A_254 : memref<10240x128xf32, #tpu.memory_space<vmem_shared>>) offsets(%dma_start3A_251 : memref<120xi32, #tpu.memory_space<vmem>>) semaphore(%arg18 : memref<!tpu.dma_semaphore, #tpu.memory_space<semaphore_mem>>) {add = true}
      %mul3A_255 = arith.constant 2 : i32
      %mul3A_256 = arith.muli %mul3A_255, %scan3A_85 : i32
      %add3A_257 = arith.constant 1 : i32
      %add3A_258 = arith.addi %mul3A_256, %add3A_257 : i32
      %gt3A_259 = arith.constant 0 : i32
      %gt3A_260 = arith.cmpi sgt, %add3A_258, %gt3A_259 : i32
      %convert_element_type3A_261 = arith.extui %gt3A_260 : i1 to i32
      %cond3A_262 = arith.constant 0 : i32
      %cond3A_263 = arith.cmpi ne, %convert_element_type3A_261, %cond3A_262 : i32
      scf.if %cond3A_263 {
        %dma_wait3A_430 = arith.constant 0 : i32
        %dma_wait3A_431 = arith.constant 1 : i32
        %dma_wait3A_432 = arith.constant 0 : i32
        %dma_wait3A_433 = tpu.memref_slice %arg6[%dma_wait3A_430, %dma_wait3A_431, %dma_wait3A_432] : memref<2x2x120xi32, #tpu.memory_space<vmem>> -> memref<1x1x120xi32, #tpu.memory_space<vmem>>
        %dma_wait3A_434 = tpu.memref_squeeze %dma_wait3A_433 : memref<1x1x120xi32, #tpu.memory_space<vmem>> -> memref<120xi32, #tpu.memory_space<vmem>>
        %dma_wait3A_435 = arith.constant 0 : i32
        %dma_wait3A_436 = arith.constant 0 : i32
        %dma_wait3A_437 = tpu.memref_slice %arg12[%dma_wait3A_435, %dma_wait3A_436] : memref<10240x128xf32, #tpu.memory_space<vmem_shared>> -> memref<10240x128xf32, #tpu.memory_space<vmem_shared>>
        tpu.wait_indirect_dma semaphore(%arg16 : memref<!tpu.dma_semaphore, #tpu.memory_space<semaphore_mem>>) src(%arg9 : memref<120x128xf32, #tpu.memory_space<vmem>>) dst(%dma_wait3A_437 : memref<10240x128xf32, #tpu.memory_space<vmem_shared>>)
      } else {
      }
      %add3A_264 = arith.constant 1 : i32
      %add3A_265 = arith.addi %add3A_258, %add3A_264 : i32
      %lt3A_266 = arith.constant 28 : i32
      %lt3A_267 = arith.cmpi slt, %add3A_265, %lt3A_266 : i32
      %convert_element_type3A_268 = arith.extui %lt3A_267 : i1 to i32
      %cond3A_269 = arith.constant 0 : i32
      %cond3A_270 = arith.cmpi ne, %convert_element_type3A_268, %cond3A_269 : i32
      scf.if %cond3A_270 {
        %add3A_430 = arith.constant 1 : i32
        %add3A_431 = arith.addi %add3A_258, %add3A_430 : i32
        %mul3A_432 = arith.constant 3 : i32
        %mul3A_433 = arith.muli %mul3A_432, %add3A_431 : i32
        %add3A_434 = arith.constant 0 : i32
        %add3A_435 = arith.addi %mul3A_433, %add3A_434 : i32
        %dma_start3A_436 = arith.constant 0 : i32
        %dma_start3A_437 = arith.constant 0 : i32
        %dma_start3A_438 = arith.constant 0 : i32
        %dma_start3A_439 = tpu.memref_slice %arg6[%dma_start3A_436, %dma_start3A_437, %dma_start3A_438] : memref<2x2x120xi32, #tpu.memory_space<vmem>> -> memref<1x2x120xi32, #tpu.memory_space<vmem>>
        %dma_start3A_440 = tpu.memref_squeeze %dma_start3A_439 : memref<1x2x120xi32, #tpu.memory_space<vmem>> -> memref<2x120xi32, #tpu.memory_space<vmem>>
        %dma_start3A_441 = arith.constant 0 : i32
        %dma_start3A_442 = arith.constant 0 : i32
        %dma_start3A_443 = tpu.memref_slice %arg3[%add3A, %add3A_435, %dma_start3A_441, %dma_start3A_442] : memref<32x84x2x120xi32, #tpu.memory_space<hbm>> -> memref<1x1x2x120xi32, #tpu.memory_space<hbm>>
        %dma_start3A_444 = tpu.memref_squeeze %dma_start3A_443 : memref<1x1x2x120xi32, #tpu.memory_space<hbm>> -> memref<2x120xi32, #tpu.memory_space<hbm>>
        %dma_start3A_445 = arith.constant 0 : i32
        %dma_start3A_446 = arith.constant 0 : i32
        %dma_start3A_447 = tpu.memref_slice %arg6[%dma_start3A_436, %dma_start3A_445, %dma_start3A_446] : memref<2x2x120xi32, #tpu.memory_space<vmem>> -> memref<1x2x120xi32, #tpu.memory_space<vmem>>
        %dma_start3A_448 = tpu.memref_squeeze %dma_start3A_447 : memref<1x2x120xi32, #tpu.memory_space<vmem>> -> memref<2x120xi32, #tpu.memory_space<vmem>>
        %dma_start3A_449 = arith.constant 0 : i32
        %dma_start3A_450 = arith.constant 0 : i32
        %dma_start3A_451 = tpu.memref_slice %arg3[%add3A, %add3A_435, %dma_start3A_449, %dma_start3A_450] : memref<32x84x2x120xi32, #tpu.memory_space<hbm>> -> memref<1x1x2x120xi32, #tpu.memory_space<hbm>>
        %dma_start3A_452 = tpu.memref_squeeze %dma_start3A_451 : memref<1x1x2x120xi32, #tpu.memory_space<hbm>> -> memref<2x120xi32, #tpu.memory_space<hbm>>
        tpu.enqueue_dma source(%dma_start3A_452 : memref<2x120xi32, #tpu.memory_space<hbm>>) target(%dma_start3A_448 : memref<2x120xi32, #tpu.memory_space<vmem>>) target_semaphore(%arg19 : memref<!tpu.dma_semaphore, #tpu.memory_space<semaphore_mem>>)
      } else {
      }
      %mul3A_271 = arith.constant 3 : i32
      %mul3A_272 = arith.muli %mul3A_271, %add3A_258 : i32
      %add3A_273 = arith.constant 0 : i32
      %add3A_274 = arith.addi %mul3A_272, %add3A_273 : i32
      %dma_wait3A_275 = arith.constant 1 : i32
      %dma_wait3A_276 = arith.constant 0 : i32
      %dma_wait3A_277 = arith.constant 0 : i32
      %dma_wait3A_278 = tpu.memref_slice %arg6[%dma_wait3A_275, %dma_wait3A_276, %dma_wait3A_277] : memref<2x2x120xi32, #tpu.memory_space<vmem>> -> memref<1x2x120xi32, #tpu.memory_space<vmem>>
      %dma_wait3A_279 = tpu.memref_squeeze %dma_wait3A_278 : memref<1x2x120xi32, #tpu.memory_space<vmem>> -> memref<2x120xi32, #tpu.memory_space<vmem>>
      %dma_wait3A_280 = arith.constant 0 : i32
      %dma_wait3A_281 = arith.constant 0 : i32
      %dma_wait3A_282 = tpu.memref_slice %arg3[%add3A, %add3A_274, %dma_wait3A_280, %dma_wait3A_281] : memref<32x84x2x120xi32, #tpu.memory_space<hbm>> -> memref<1x1x2x120xi32, #tpu.memory_space<hbm>>
      %dma_wait3A_283 = tpu.memref_squeeze %dma_wait3A_282 : memref<1x1x2x120xi32, #tpu.memory_space<hbm>> -> memref<2x120xi32, #tpu.memory_space<hbm>>
      %dma_wait3A_284 = arith.constant 0 : i32
      %dma_wait3A_285 = arith.constant 0 : i32
      %dma_wait3A_286 = tpu.memref_slice %arg6[%dma_wait3A_275, %dma_wait3A_284, %dma_wait3A_285] : memref<2x2x120xi32, #tpu.memory_space<vmem>> -> memref<1x2x120xi32, #tpu.memory_space<vmem>>
      %dma_wait3A_287 = tpu.memref_squeeze %dma_wait3A_286 : memref<1x2x120xi32, #tpu.memory_space<vmem>> -> memref<2x120xi32, #tpu.memory_space<vmem>>
      %dma_wait3A_288 = arith.constant 0 : i32
      %dma_wait3A_289 = arith.constant 0 : i32
      %dma_wait3A_290 = tpu.memref_slice %arg3[%add3A, %add3A_274, %dma_wait3A_288, %dma_wait3A_289] : memref<32x84x2x120xi32, #tpu.memory_space<hbm>> -> memref<1x1x2x120xi32, #tpu.memory_space<hbm>>
      %dma_wait3A_291 = tpu.memref_squeeze %dma_wait3A_290 : memref<1x1x2x120xi32, #tpu.memory_space<hbm>> -> memref<2x120xi32, #tpu.memory_space<hbm>>
      tpu.wait_dma2 semaphore(%arg22 : memref<!tpu.dma_semaphore, #tpu.memory_space<semaphore_mem>>) src(%dma_wait3A_291 : memref<2x120xi32, #tpu.memory_space<hbm>>) dst(%dma_wait3A_287 : memref<2x120xi32, #tpu.memory_space<vmem>>)
      %dma_start3A_292 = arith.constant 1 : i32
      %dma_start3A_293 = arith.constant 0 : i32
      %dma_start3A_294 = arith.constant 0 : i32
      %dma_start3A_295 = tpu.memref_slice %arg6[%dma_start3A_292, %dma_start3A_293, %dma_start3A_294] : memref<2x2x120xi32, #tpu.memory_space<vmem>> -> memref<1x1x120xi32, #tpu.memory_space<vmem>>
      %dma_start3A_296 = tpu.memref_squeeze %dma_start3A_295 : memref<1x1x120xi32, #tpu.memory_space<vmem>> -> memref<120xi32, #tpu.memory_space<vmem>>
      %dma_start3A_297 = arith.constant 0 : i32
      %dma_start3A_298 = arith.constant 0 : i32
      %dma_start3A_299 = tpu.memref_slice %arg2[%dma_start3A_297, %dma_start3A_298] : memref<10240x128xf32, #tpu.memory_space<hbm>> -> memref<10240x128xf32, #tpu.memory_space<hbm>>
      tpu.enqueue_indirect_dma source(%dma_start3A_299 : memref<10240x128xf32, #tpu.memory_space<hbm>>) target(%arg9 : memref<120x128xf32, #tpu.memory_space<vmem>>) offsets(%dma_start3A_296 : memref<120xi32, #tpu.memory_space<vmem>>) semaphore(%arg13 : memref<!tpu.dma_semaphore, #tpu.memory_space<semaphore_mem>>)
      %gt3A_300 = arith.constant 0 : i32
      %gt3A_301 = arith.cmpi sgt, %add3A_258, %gt3A_300 : i32
      %convert_element_type3A_302 = arith.extui %gt3A_301 : i1 to i32
      %cond3A_303 = arith.constant 0 : i32
      %cond3A_304 = arith.cmpi ne, %convert_element_type3A_302, %cond3A_303 : i32
      scf.if %cond3A_304 {
        %dma_wait3A_430 = arith.constant 0 : i32
        %dma_wait3A_431 = arith.constant 1 : i32
        %dma_wait3A_432 = arith.constant 0 : i32
        %dma_wait3A_433 = tpu.memref_slice %arg7[%dma_wait3A_430, %dma_wait3A_431, %dma_wait3A_432] : memref<2x2x120xi32, #tpu.memory_space<vmem>> -> memref<1x1x120xi32, #tpu.memory_space<vmem>>
        %dma_wait3A_434 = tpu.memref_squeeze %dma_wait3A_433 : memref<1x1x120xi32, #tpu.memory_space<vmem>> -> memref<120xi32, #tpu.memory_space<vmem>>
        %dma_wait3A_435 = arith.constant 0 : i32
        %dma_wait3A_436 = arith.constant 0 : i32
        %dma_wait3A_437 = tpu.memref_slice %arg12[%dma_wait3A_435, %dma_wait3A_436] : memref<10240x128xf32, #tpu.memory_space<vmem_shared>> -> memref<10240x128xf32, #tpu.memory_space<vmem_shared>>
        tpu.wait_indirect_dma semaphore(%arg17 : memref<!tpu.dma_semaphore, #tpu.memory_space<semaphore_mem>>) src(%arg10 : memref<120x128xf32, #tpu.memory_space<vmem>>) dst(%dma_wait3A_437 : memref<10240x128xf32, #tpu.memory_space<vmem_shared>>)
      } else {
      }
      %add3A_305 = arith.constant 1 : i32
      %add3A_306 = arith.addi %add3A_258, %add3A_305 : i32
      %lt3A_307 = arith.constant 28 : i32
      %lt3A_308 = arith.cmpi slt, %add3A_306, %lt3A_307 : i32
      %convert_element_type3A_309 = arith.extui %lt3A_308 : i1 to i32
      %cond3A_310 = arith.constant 0 : i32
      %cond3A_311 = arith.cmpi ne, %convert_element_type3A_309, %cond3A_310 : i32
      scf.if %cond3A_311 {
        %add3A_430 = arith.constant 1 : i32
        %add3A_431 = arith.addi %add3A_258, %add3A_430 : i32
        %mul3A_432 = arith.constant 3 : i32
        %mul3A_433 = arith.muli %mul3A_432, %add3A_431 : i32
        %add3A_434 = arith.constant 1 : i32
        %add3A_435 = arith.addi %mul3A_433, %add3A_434 : i32
        %dma_start3A_436 = arith.constant 0 : i32
        %dma_start3A_437 = arith.constant 0 : i32
        %dma_start3A_438 = arith.constant 0 : i32
        %dma_start3A_439 = tpu.memref_slice %arg7[%dma_start3A_436, %dma_start3A_437, %dma_start3A_438] : memref<2x2x120xi32, #tpu.memory_space<vmem>> -> memref<1x2x120xi32, #tpu.memory_space<vmem>>
        %dma_start3A_440 = tpu.memref_squeeze %dma_start3A_439 : memref<1x2x120xi32, #tpu.memory_space<vmem>> -> memref<2x120xi32, #tpu.memory_space<vmem>>
        %dma_start3A_441 = arith.constant 0 : i32
        %dma_start3A_442 = arith.constant 0 : i32
        %dma_start3A_443 = tpu.memref_slice %arg3[%add3A, %add3A_435, %dma_start3A_441, %dma_start3A_442] : memref<32x84x2x120xi32, #tpu.memory_space<hbm>> -> memref<1x1x2x120xi32, #tpu.memory_space<hbm>>
        %dma_start3A_444 = tpu.memref_squeeze %dma_start3A_443 : memref<1x1x2x120xi32, #tpu.memory_space<hbm>> -> memref<2x120xi32, #tpu.memory_space<hbm>>
        %dma_start3A_445 = arith.constant 0 : i32
        %dma_start3A_446 = arith.constant 0 : i32
        %dma_start3A_447 = tpu.memref_slice %arg7[%dma_start3A_436, %dma_start3A_445, %dma_start3A_446] : memref<2x2x120xi32, #tpu.memory_space<vmem>> -> memref<1x2x120xi32, #tpu.memory_space<vmem>>
        %dma_start3A_448 = tpu.memref_squeeze %dma_start3A_447 : memref<1x2x120xi32, #tpu.memory_space<vmem>> -> memref<2x120xi32, #tpu.memory_space<vmem>>
        %dma_start3A_449 = arith.constant 0 : i32
        %dma_start3A_450 = arith.constant 0 : i32
        %dma_start3A_451 = tpu.memref_slice %arg3[%add3A, %add3A_435, %dma_start3A_449, %dma_start3A_450] : memref<32x84x2x120xi32, #tpu.memory_space<hbm>> -> memref<1x1x2x120xi32, #tpu.memory_space<hbm>>
        %dma_start3A_452 = tpu.memref_squeeze %dma_start3A_451 : memref<1x1x2x120xi32, #tpu.memory_space<hbm>> -> memref<2x120xi32, #tpu.memory_space<hbm>>
        tpu.enqueue_dma source(%dma_start3A_452 : memref<2x120xi32, #tpu.memory_space<hbm>>) target(%dma_start3A_448 : memref<2x120xi32, #tpu.memory_space<vmem>>) target_semaphore(%arg20 : memref<!tpu.dma_semaphore, #tpu.memory_space<semaphore_mem>>)
      } else {
      }
      %mul3A_312 = arith.constant 3 : i32
      %mul3A_313 = arith.muli %mul3A_312, %add3A_258 : i32
      %add3A_314 = arith.constant 1 : i32
      %add3A_315 = arith.addi %mul3A_313, %add3A_314 : i32
      %dma_wait3A_316 = arith.constant 1 : i32
      %dma_wait3A_317 = arith.constant 0 : i32
      %dma_wait3A_318 = arith.constant 0 : i32
      %dma_wait3A_319 = tpu.memref_slice %arg7[%dma_wait3A_316, %dma_wait3A_317, %dma_wait3A_318] : memref<2x2x120xi32, #tpu.memory_space<vmem>> -> memref<1x2x120xi32, #tpu.memory_space<vmem>>
      %dma_wait3A_320 = tpu.memref_squeeze %dma_wait3A_319 : memref<1x2x120xi32, #tpu.memory_space<vmem>> -> memref<2x120xi32, #tpu.memory_space<vmem>>
      %dma_wait3A_321 = arith.constant 0 : i32
      %dma_wait3A_322 = arith.constant 0 : i32
      %dma_wait3A_323 = tpu.memref_slice %arg3[%add3A, %add3A_315, %dma_wait3A_321, %dma_wait3A_322] : memref<32x84x2x120xi32, #tpu.memory_space<hbm>> -> memref<1x1x2x120xi32, #tpu.memory_space<hbm>>
      %dma_wait3A_324 = tpu.memref_squeeze %dma_wait3A_323 : memref<1x1x2x120xi32, #tpu.memory_space<hbm>> -> memref<2x120xi32, #tpu.memory_space<hbm>>
      %dma_wait3A_325 = arith.constant 0 : i32
      %dma_wait3A_326 = arith.constant 0 : i32
      %dma_wait3A_327 = tpu.memref_slice %arg7[%dma_wait3A_316, %dma_wait3A_325, %dma_wait3A_326] : memref<2x2x120xi32, #tpu.memory_space<vmem>> -> memref<1x2x120xi32, #tpu.memory_space<vmem>>
      %dma_wait3A_328 = tpu.memref_squeeze %dma_wait3A_327 : memref<1x2x120xi32, #tpu.memory_space<vmem>> -> memref<2x120xi32, #tpu.memory_space<vmem>>
      %dma_wait3A_329 = arith.constant 0 : i32
      %dma_wait3A_330 = arith.constant 0 : i32
      %dma_wait3A_331 = tpu.memref_slice %arg3[%add3A, %add3A_315, %dma_wait3A_329, %dma_wait3A_330] : memref<32x84x2x120xi32, #tpu.memory_space<hbm>> -> memref<1x1x2x120xi32, #tpu.memory_space<hbm>>
      %dma_wait3A_332 = tpu.memref_squeeze %dma_wait3A_331 : memref<1x1x2x120xi32, #tpu.memory_space<hbm>> -> memref<2x120xi32, #tpu.memory_space<hbm>>
      tpu.wait_dma2 semaphore(%arg23 : memref<!tpu.dma_semaphore, #tpu.memory_space<semaphore_mem>>) src(%dma_wait3A_332 : memref<2x120xi32, #tpu.memory_space<hbm>>) dst(%dma_wait3A_328 : memref<2x120xi32, #tpu.memory_space<vmem>>)
      %dma_start3A_333 = arith.constant 1 : i32
      %dma_start3A_334 = arith.constant 0 : i32
      %dma_start3A_335 = arith.constant 0 : i32
      %dma_start3A_336 = tpu.memref_slice %arg7[%dma_start3A_333, %dma_start3A_334, %dma_start3A_335] : memref<2x2x120xi32, #tpu.memory_space<vmem>> -> memref<1x1x120xi32, #tpu.memory_space<vmem>>
      %dma_start3A_337 = tpu.memref_squeeze %dma_start3A_336 : memref<1x1x120xi32, #tpu.memory_space<vmem>> -> memref<120xi32, #tpu.memory_space<vmem>>
      %dma_start3A_338 = arith.constant 0 : i32
      %dma_start3A_339 = arith.constant 0 : i32
      %dma_start3A_340 = tpu.memref_slice %arg2[%dma_start3A_338, %dma_start3A_339] : memref<10240x128xf32, #tpu.memory_space<hbm>> -> memref<10240x128xf32, #tpu.memory_space<hbm>>
      tpu.enqueue_indirect_dma source(%dma_start3A_340 : memref<10240x128xf32, #tpu.memory_space<hbm>>) target(%arg10 : memref<120x128xf32, #tpu.memory_space<vmem>>) offsets(%dma_start3A_337 : memref<120xi32, #tpu.memory_space<vmem>>) semaphore(%arg14 : memref<!tpu.dma_semaphore, #tpu.memory_space<semaphore_mem>>)
      %gt3A_341 = arith.constant 0 : i32
      %gt3A_342 = arith.cmpi sgt, %add3A_258, %gt3A_341 : i32
      %convert_element_type3A_343 = arith.extui %gt3A_342 : i1 to i32
      %cond3A_344 = arith.constant 0 : i32
      %cond3A_345 = arith.cmpi ne, %convert_element_type3A_343, %cond3A_344 : i32
      scf.if %cond3A_345 {
        %dma_wait3A_430 = arith.constant 0 : i32
        %dma_wait3A_431 = arith.constant 1 : i32
        %dma_wait3A_432 = arith.constant 0 : i32
        %dma_wait3A_433 = tpu.memref_slice %arg8[%dma_wait3A_430, %dma_wait3A_431, %dma_wait3A_432] : memref<2x2x120xi32, #tpu.memory_space<vmem>> -> memref<1x1x120xi32, #tpu.memory_space<vmem>>
        %dma_wait3A_434 = tpu.memref_squeeze %dma_wait3A_433 : memref<1x1x120xi32, #tpu.memory_space<vmem>> -> memref<120xi32, #tpu.memory_space<vmem>>
        %dma_wait3A_435 = arith.constant 0 : i32
        %dma_wait3A_436 = arith.constant 0 : i32
        %dma_wait3A_437 = tpu.memref_slice %arg12[%dma_wait3A_435, %dma_wait3A_436] : memref<10240x128xf32, #tpu.memory_space<vmem_shared>> -> memref<10240x128xf32, #tpu.memory_space<vmem_shared>>
        tpu.wait_indirect_dma semaphore(%arg18 : memref<!tpu.dma_semaphore, #tpu.memory_space<semaphore_mem>>) src(%arg11 : memref<120x128xf32, #tpu.memory_space<vmem>>) dst(%dma_wait3A_437 : memref<10240x128xf32, #tpu.memory_space<vmem_shared>>)
      } else {
      }
      %add3A_346 = arith.constant 1 : i32
      %add3A_347 = arith.addi %add3A_258, %add3A_346 : i32
      %lt3A_348 = arith.constant 28 : i32
      %lt3A_349 = arith.cmpi slt, %add3A_347, %lt3A_348 : i32
      %convert_element_type3A_350 = arith.extui %lt3A_349 : i1 to i32
      %cond3A_351 = arith.constant 0 : i32
      %cond3A_352 = arith.cmpi ne, %convert_element_type3A_350, %cond3A_351 : i32
      scf.if %cond3A_352 {
        %add3A_430 = arith.constant 1 : i32
        %add3A_431 = arith.addi %add3A_258, %add3A_430 : i32
        %mul3A_432 = arith.constant 3 : i32
        %mul3A_433 = arith.muli %mul3A_432, %add3A_431 : i32
        %add3A_434 = arith.constant 2 : i32
        %add3A_435 = arith.addi %mul3A_433, %add3A_434 : i32
        %dma_start3A_436 = arith.constant 0 : i32
        %dma_start3A_437 = arith.constant 0 : i32
        %dma_start3A_438 = arith.constant 0 : i32
        %dma_start3A_439 = tpu.memref_slice %arg8[%dma_start3A_436, %dma_start3A_437, %dma_start3A_438] : memref<2x2x120xi32, #tpu.memory_space<vmem>> -> memref<1x2x120xi32, #tpu.memory_space<vmem>>
        %dma_start3A_440 = tpu.memref_squeeze %dma_start3A_439 : memref<1x2x120xi32, #tpu.memory_space<vmem>> -> memref<2x120xi32, #tpu.memory_space<vmem>>
        %dma_start3A_441 = arith.constant 0 : i32
        %dma_start3A_442 = arith.constant 0 : i32
        %dma_start3A_443 = tpu.memref_slice %arg3[%add3A, %add3A_435, %dma_start3A_441, %dma_start3A_442] : memref<32x84x2x120xi32, #tpu.memory_space<hbm>> -> memref<1x1x2x120xi32, #tpu.memory_space<hbm>>
        %dma_start3A_444 = tpu.memref_squeeze %dma_start3A_443 : memref<1x1x2x120xi32, #tpu.memory_space<hbm>> -> memref<2x120xi32, #tpu.memory_space<hbm>>
        %dma_start3A_445 = arith.constant 0 : i32
        %dma_start3A_446 = arith.constant 0 : i32
        %dma_start3A_447 = tpu.memref_slice %arg8[%dma_start3A_436, %dma_start3A_445, %dma_start3A_446] : memref<2x2x120xi32, #tpu.memory_space<vmem>> -> memref<1x2x120xi32, #tpu.memory_space<vmem>>
        %dma_start3A_448 = tpu.memref_squeeze %dma_start3A_447 : memref<1x2x120xi32, #tpu.memory_space<vmem>> -> memref<2x120xi32, #tpu.memory_space<vmem>>
        %dma_start3A_449 = arith.constant 0 : i32
        %dma_start3A_450 = arith.constant 0 : i32
        %dma_start3A_451 = tpu.memref_slice %arg3[%add3A, %add3A_435, %dma_start3A_449, %dma_start3A_450] : memref<32x84x2x120xi32, #tpu.memory_space<hbm>> -> memref<1x1x2x120xi32, #tpu.memory_space<hbm>>
        %dma_start3A_452 = tpu.memref_squeeze %dma_start3A_451 : memref<1x1x2x120xi32, #tpu.memory_space<hbm>> -> memref<2x120xi32, #tpu.memory_space<hbm>>
        tpu.enqueue_dma source(%dma_start3A_452 : memref<2x120xi32, #tpu.memory_space<hbm>>) target(%dma_start3A_448 : memref<2x120xi32, #tpu.memory_space<vmem>>) target_semaphore(%arg21 : memref<!tpu.dma_semaphore, #tpu.memory_space<semaphore_mem>>)
      } else {
      }
      %mul3A_353 = arith.constant 3 : i32
      %mul3A_354 = arith.muli %mul3A_353, %add3A_258 : i32
      %add3A_355 = arith.constant 2 : i32
      %add3A_356 = arith.addi %mul3A_354, %add3A_355 : i32
      %dma_wait3A_357 = arith.constant 1 : i32
      %dma_wait3A_358 = arith.constant 0 : i32
      %dma_wait3A_359 = arith.constant 0 : i32
      %dma_wait3A_360 = tpu.memref_slice %arg8[%dma_wait3A_357, %dma_wait3A_358, %dma_wait3A_359] : memref<2x2x120xi32, #tpu.memory_space<vmem>> -> memref<1x2x120xi32, #tpu.memory_space<vmem>>
      %dma_wait3A_361 = tpu.memref_squeeze %dma_wait3A_360 : memref<1x2x120xi32, #tpu.memory_space<vmem>> -> memref<2x120xi32, #tpu.memory_space<vmem>>
      %dma_wait3A_362 = arith.constant 0 : i32
      %dma_wait3A_363 = arith.constant 0 : i32
      %dma_wait3A_364 = tpu.memref_slice %arg3[%add3A, %add3A_356, %dma_wait3A_362, %dma_wait3A_363] : memref<32x84x2x120xi32, #tpu.memory_space<hbm>> -> memref<1x1x2x120xi32, #tpu.memory_space<hbm>>
      %dma_wait3A_365 = tpu.memref_squeeze %dma_wait3A_364 : memref<1x1x2x120xi32, #tpu.memory_space<hbm>> -> memref<2x120xi32, #tpu.memory_space<hbm>>
      %dma_wait3A_366 = arith.constant 0 : i32
      %dma_wait3A_367 = arith.constant 0 : i32
      %dma_wait3A_368 = tpu.memref_slice %arg8[%dma_wait3A_357, %dma_wait3A_366, %dma_wait3A_367] : memref<2x2x120xi32, #tpu.memory_space<vmem>> -> memref<1x2x120xi32, #tpu.memory_space<vmem>>
      %dma_wait3A_369 = tpu.memref_squeeze %dma_wait3A_368 : memref<1x2x120xi32, #tpu.memory_space<vmem>> -> memref<2x120xi32, #tpu.memory_space<vmem>>
      %dma_wait3A_370 = arith.constant 0 : i32
      %dma_wait3A_371 = arith.constant 0 : i32
      %dma_wait3A_372 = tpu.memref_slice %arg3[%add3A, %add3A_356, %dma_wait3A_370, %dma_wait3A_371] : memref<32x84x2x120xi32, #tpu.memory_space<hbm>> -> memref<1x1x2x120xi32, #tpu.memory_space<hbm>>
      %dma_wait3A_373 = tpu.memref_squeeze %dma_wait3A_372 : memref<1x1x2x120xi32, #tpu.memory_space<hbm>> -> memref<2x120xi32, #tpu.memory_space<hbm>>
      tpu.wait_dma2 semaphore(%arg24 : memref<!tpu.dma_semaphore, #tpu.memory_space<semaphore_mem>>) src(%dma_wait3A_373 : memref<2x120xi32, #tpu.memory_space<hbm>>) dst(%dma_wait3A_369 : memref<2x120xi32, #tpu.memory_space<vmem>>)
      %dma_start3A_374 = arith.constant 1 : i32
      %dma_start3A_375 = arith.constant 0 : i32
      %dma_start3A_376 = arith.constant 0 : i32
      %dma_start3A_377 = tpu.memref_slice %arg8[%dma_start3A_374, %dma_start3A_375, %dma_start3A_376] : memref<2x2x120xi32, #tpu.memory_space<vmem>> -> memref<1x1x120xi32, #tpu.memory_space<vmem>>
      %dma_start3A_378 = tpu.memref_squeeze %dma_start3A_377 : memref<1x1x120xi32, #tpu.memory_space<vmem>> -> memref<120xi32, #tpu.memory_space<vmem>>
      %dma_start3A_379 = arith.constant 0 : i32
      %dma_start3A_380 = arith.constant 0 : i32
      %dma_start3A_381 = tpu.memref_slice %arg2[%dma_start3A_379, %dma_start3A_380] : memref<10240x128xf32, #tpu.memory_space<hbm>> -> memref<10240x128xf32, #tpu.memory_space<hbm>>
      tpu.enqueue_indirect_dma source(%dma_start3A_381 : memref<10240x128xf32, #tpu.memory_space<hbm>>) target(%arg11 : memref<120x128xf32, #tpu.memory_space<vmem>>) offsets(%dma_start3A_378 : memref<120xi32, #tpu.memory_space<vmem>>) semaphore(%arg15 : memref<!tpu.dma_semaphore, #tpu.memory_space<semaphore_mem>>)
      %dma_wait3A_382 = arith.constant 1 : i32
      %dma_wait3A_383 = arith.constant 0 : i32
      %dma_wait3A_384 = arith.constant 0 : i32
      %dma_wait3A_385 = tpu.memref_slice %arg6[%dma_wait3A_382, %dma_wait3A_383, %dma_wait3A_384] : memref<2x2x120xi32, #tpu.memory_space<vmem>> -> memref<1x1x120xi32, #tpu.memory_space<vmem>>
      %dma_wait3A_386 = tpu.memref_squeeze %dma_wait3A_385 : memref<1x1x120xi32, #tpu.memory_space<vmem>> -> memref<120xi32, #tpu.memory_space<vmem>>
      %dma_wait3A_387 = arith.constant 0 : i32
      %dma_wait3A_388 = arith.constant 0 : i32
      %dma_wait3A_389 = tpu.memref_slice %arg2[%dma_wait3A_387, %dma_wait3A_388] : memref<10240x128xf32, #tpu.memory_space<hbm>> -> memref<10240x128xf32, #tpu.memory_space<hbm>>
      tpu.wait_indirect_dma semaphore(%arg13 : memref<!tpu.dma_semaphore, #tpu.memory_space<semaphore_mem>>) src(%dma_wait3A_389 : memref<10240x128xf32, #tpu.memory_space<hbm>>) dst(%arg9 : memref<120x128xf32, #tpu.memory_space<vmem>>)
      %dma_start3A_390 = arith.constant 1 : i32
      %dma_start3A_391 = arith.constant 1 : i32
      %dma_start3A_392 = arith.constant 0 : i32
      %dma_start3A_393 = tpu.memref_slice %arg6[%dma_start3A_390, %dma_start3A_391, %dma_start3A_392] : memref<2x2x120xi32, #tpu.memory_space<vmem>> -> memref<1x1x120xi32, #tpu.memory_space<vmem>>
      %dma_start3A_394 = tpu.memref_squeeze %dma_start3A_393 : memref<1x1x120xi32, #tpu.memory_space<vmem>> -> memref<120xi32, #tpu.memory_space<vmem>>
      %dma_start3A_395 = arith.constant 0 : i32
      %dma_start3A_396 = arith.constant 0 : i32
      %dma_start3A_397 = tpu.memref_slice %arg12[%dma_start3A_395, %dma_start3A_396] : memref<10240x128xf32, #tpu.memory_space<vmem_shared>> -> memref<10240x128xf32, #tpu.memory_space<vmem_shared>>
      tpu.enqueue_indirect_dma source(%arg9 : memref<120x128xf32, #tpu.memory_space<vmem>>) target(%dma_start3A_397 : memref<10240x128xf32, #tpu.memory_space<vmem_shared>>) offsets(%dma_start3A_394 : memref<120xi32, #tpu.memory_space<vmem>>) semaphore(%arg16 : memref<!tpu.dma_semaphore, #tpu.memory_space<semaphore_mem>>) {add = true}
      %dma_wait3A_398 = arith.constant 1 : i32
      %dma_wait3A_399 = arith.constant 0 : i32
      %dma_wait3A_400 = arith.constant 0 : i32
      %dma_wait3A_401 = tpu.memref_slice %arg7[%dma_wait3A_398, %dma_wait3A_399, %dma_wait3A_400] : memref<2x2x120xi32, #tpu.memory_space<vmem>> -> memref<1x1x120xi32, #tpu.memory_space<vmem>>
      %dma_wait3A_402 = tpu.memref_squeeze %dma_wait3A_401 : memref<1x1x120xi32, #tpu.memory_space<vmem>> -> memref<120xi32, #tpu.memory_space<vmem>>
      %dma_wait3A_403 = arith.constant 0 : i32
      %dma_wait3A_404 = arith.constant 0 : i32
      %dma_wait3A_405 = tpu.memref_slice %arg2[%dma_wait3A_403, %dma_wait3A_404] : memref<10240x128xf32, #tpu.memory_space<hbm>> -> memref<10240x128xf32, #tpu.memory_space<hbm>>
      tpu.wait_indirect_dma semaphore(%arg14 : memref<!tpu.dma_semaphore, #tpu.memory_space<semaphore_mem>>) src(%dma_wait3A_405 : memref<10240x128xf32, #tpu.memory_space<hbm>>) dst(%arg10 : memref<120x128xf32, #tpu.memory_space<vmem>>)
      %dma_start3A_406 = arith.constant 1 : i32
      %dma_start3A_407 = arith.constant 1 : i32
      %dma_start3A_408 = arith.constant 0 : i32
      %dma_start3A_409 = tpu.memref_slice %arg7[%dma_start3A_406, %dma_start3A_407, %dma_start3A_408] : memref<2x2x120xi32, #tpu.memory_space<vmem>> -> memref<1x1x120xi32, #tpu.memory_space<vmem>>
      %dma_start3A_410 = tpu.memref_squeeze %dma_start3A_409 : memref<1x1x120xi32, #tpu.memory_space<vmem>> -> memref<120xi32, #tpu.memory_space<vmem>>
      %dma_start3A_411 = arith.constant 0 : i32
      %dma_start3A_412 = arith.constant 0 : i32
      %dma_start3A_413 = tpu.memref_slice %arg12[%dma_start3A_411, %dma_start3A_412] : memref<10240x128xf32, #tpu.memory_space<vmem_shared>> -> memref<10240x128xf32, #tpu.memory_space<vmem_shared>>
      tpu.enqueue_indirect_dma source(%arg10 : memref<120x128xf32, #tpu.memory_space<vmem>>) target(%dma_start3A_413 : memref<10240x128xf32, #tpu.memory_space<vmem_shared>>) offsets(%dma_start3A_410 : memref<120xi32, #tpu.memory_space<vmem>>) semaphore(%arg17 : memref<!tpu.dma_semaphore, #tpu.memory_space<semaphore_mem>>) {add = true}
      %dma_wait3A_414 = arith.constant 1 : i32
      %dma_wait3A_415 = arith.constant 0 : i32
      %dma_wait3A_416 = arith.constant 0 : i32
      %dma_wait3A_417 = tpu.memref_slice %arg8[%dma_wait3A_414, %dma_wait3A_415, %dma_wait3A_416] : memref<2x2x120xi32, #tpu.memory_space<vmem>> -> memref<1x1x120xi32, #tpu.memory_space<vmem>>
      %dma_wait3A_418 = tpu.memref_squeeze %dma_wait3A_417 : memref<1x1x120xi32, #tpu.memory_space<vmem>> -> memref<120xi32, #tpu.memory_space<vmem>>
      %dma_wait3A_419 = arith.constant 0 : i32
      %dma_wait3A_420 = arith.constant 0 : i32
      %dma_wait3A_421 = tpu.memref_slice %arg2[%dma_wait3A_419, %dma_wait3A_420] : memref<10240x128xf32, #tpu.memory_space<hbm>> -> memref<10240x128xf32, #tpu.memory_space<hbm>>
      tpu.wait_indirect_dma semaphore(%arg15 : memref<!tpu.dma_semaphore, #tpu.memory_space<semaphore_mem>>) src(%dma_wait3A_421 : memref<10240x128xf32, #tpu.memory_space<hbm>>) dst(%arg11 : memref<120x128xf32, #tpu.memory_space<vmem>>)
      %dma_start3A_422 = arith.constant 1 : i32
      %dma_start3A_423 = arith.constant 1 : i32
      %dma_start3A_424 = arith.constant 0 : i32
      %dma_start3A_425 = tpu.memref_slice %arg8[%dma_start3A_422, %dma_start3A_423, %dma_start3A_424] : memref<2x2x120xi32, #tpu.memory_space<vmem>> -> memref<1x1x120xi32, #tpu.memory_space<vmem>>
      %dma_start3A_426 = tpu.memref_squeeze %dma_start3A_425 : memref<1x1x120xi32, #tpu.memory_space<vmem>> -> memref<120xi32, #tpu.memory_space<vmem>>
      %dma_start3A_427 = arith.constant 0 : i32
      %dma_start3A_428 = arith.constant 0 : i32
      %dma_start3A_429 = tpu.memref_slice %arg12[%dma_start3A_427, %dma_start3A_428] : memref<10240x128xf32, #tpu.memory_space<vmem_shared>> -> memref<10240x128xf32, #tpu.memory_space<vmem_shared>>
      tpu.enqueue_indirect_dma source(%arg11 : memref<120x128xf32, #tpu.memory_space<vmem>>) target(%dma_start3A_429 : memref<10240x128xf32, #tpu.memory_space<vmem_shared>>) offsets(%dma_start3A_426 : memref<120xi32, #tpu.memory_space<vmem>>) semaphore(%arg18 : memref<!tpu.dma_semaphore, #tpu.memory_space<semaphore_mem>>) {add = true}
    }
    %scan3A_60 = arith.constant 14 : i32
    %dma_wait3A = arith.constant 1 : i32
    %dma_wait3A_61 = arith.constant 1 : i32
    %dma_wait3A_62 = arith.constant 0 : i32
    %dma_wait3A_63 = tpu.memref_slice %arg6[%dma_wait3A, %dma_wait3A_61, %dma_wait3A_62] : memref<2x2x120xi32, #tpu.memory_space<vmem>> -> memref<1x1x120xi32, #tpu.memory_space<vmem>>
    %dma_wait3A_64 = tpu.memref_squeeze %dma_wait3A_63 : memref<1x1x120xi32, #tpu.memory_space<vmem>> -> memref<120xi32, #tpu.memory_space<vmem>>
    %dma_wait3A_65 = arith.constant 0 : i32
    %dma_wait3A_66 = arith.constant 0 : i32
    %dma_wait3A_67 = tpu.memref_slice %arg12[%dma_wait3A_65, %dma_wait3A_66] : memref<10240x128xf32, #tpu.memory_space<vmem_shared>> -> memref<10240x128xf32, #tpu.memory_space<vmem_shared>>
    tpu.wait_indirect_dma semaphore(%arg16 : memref<!tpu.dma_semaphore, #tpu.memory_space<semaphore_mem>>) src(%arg9 : memref<120x128xf32, #tpu.memory_space<vmem>>) dst(%dma_wait3A_67 : memref<10240x128xf32, #tpu.memory_space<vmem_shared>>)
    %dma_wait3A_68 = arith.constant 1 : i32
    %dma_wait3A_69 = arith.constant 1 : i32
    %dma_wait3A_70 = arith.constant 0 : i32
    %dma_wait3A_71 = tpu.memref_slice %arg7[%dma_wait3A_68, %dma_wait3A_69, %dma_wait3A_70] : memref<2x2x120xi32, #tpu.memory_space<vmem>> -> memref<1x1x120xi32, #tpu.memory_space<vmem>>
    %dma_wait3A_72 = tpu.memref_squeeze %dma_wait3A_71 : memref<1x1x120xi32, #tpu.memory_space<vmem>> -> memref<120xi32, #tpu.memory_space<vmem>>
    %dma_wait3A_73 = arith.constant 0 : i32
    %dma_wait3A_74 = arith.constant 0 : i32
    %dma_wait3A_75 = tpu.memref_slice %arg12[%dma_wait3A_73, %dma_wait3A_74] : memref<10240x128xf32, #tpu.memory_space<vmem_shared>> -> memref<10240x128xf32, #tpu.memory_space<vmem_shared>>
    tpu.wait_indirect_dma semaphore(%arg17 : memref<!tpu.dma_semaphore, #tpu.memory_space<semaphore_mem>>) src(%arg10 : memref<120x128xf32, #tpu.memory_space<vmem>>) dst(%dma_wait3A_75 : memref<10240x128xf32, #tpu.memory_space<vmem_shared>>)
    %dma_wait3A_76 = arith.constant 1 : i32
    %dma_wait3A_77 = arith.constant 1 : i32
    %dma_wait3A_78 = arith.constant 0 : i32
    %dma_wait3A_79 = tpu.memref_slice %arg8[%dma_wait3A_76, %dma_wait3A_77, %dma_wait3A_78] : memref<2x2x120xi32, #tpu.memory_space<vmem>> -> memref<1x1x120xi32, #tpu.memory_space<vmem>>
    %dma_wait3A_80 = tpu.memref_squeeze %dma_wait3A_79 : memref<1x1x120xi32, #tpu.memory_space<vmem>> -> memref<120xi32, #tpu.memory_space<vmem>>
    %dma_wait3A_81 = arith.constant 0 : i32
    %dma_wait3A_82 = arith.constant 0 : i32
    %dma_wait3A_83 = tpu.memref_slice %arg12[%dma_wait3A_81, %dma_wait3A_82] : memref<10240x128xf32, #tpu.memory_space<vmem_shared>> -> memref<10240x128xf32, #tpu.memory_space<vmem_shared>>
    tpu.wait_indirect_dma semaphore(%arg18 : memref<!tpu.dma_semaphore, #tpu.memory_space<semaphore_mem>>) src(%arg11 : memref<120x128xf32, #tpu.memory_space<vmem>>) dst(%dma_wait3A_83 : memref<10240x128xf32, #tpu.memory_space<vmem_shared>>)
    %barrier3A_84 = arith.constant 0 : index
    tpu.barrier barrier_id(%barrier3A_84)
    "tpu.region"() ({
      %run_scoped3A = tpu.sem_alloc : memref<!tpu.dma_semaphore, #tpu.memory_space<semaphore_mem>>
      %dma_start3A_85 = arith.constant 0 : i32
      %dma_start3A_86 = tpu.memref_slice %arg5[%arg0, %mul3A_2, %dma_start3A_85] : memref<2x10240x128xf32, #tpu.memory_space<hbm>> -> memref<1x640x128xf32, #tpu.memory_space<hbm>>
      %dma_start3A_87 = tpu.memref_squeeze %dma_start3A_86 : memref<1x640x128xf32, #tpu.memory_space<hbm>> -> memref<640x128xf32, #tpu.memory_space<hbm>>
      %dma_start3A_88 = arith.constant 0 : i32
      %dma_start3A_89 = tpu.memref_slice %arg12[%mul3A_2, %dma_start3A_88] : memref<10240x128xf32, #tpu.memory_space<vmem_shared>> -> memref<640x128xf32, #tpu.memory_space<vmem_shared>>
      tpu.enqueue_dma source(%dma_start3A_89 : memref<640x128xf32, #tpu.memory_space<vmem_shared>>) target(%dma_start3A_87 : memref<640x128xf32, #tpu.memory_space<hbm>>) target_semaphore(%run_scoped3A : memref<!tpu.dma_semaphore, #tpu.memory_space<semaphore_mem>>)
      %dma_wait3A_90 = arith.constant 0 : i32
      %dma_wait3A_91 = tpu.memref_slice %arg5[%arg0, %mul3A_2, %dma_wait3A_90] : memref<2x10240x128xf32, #tpu.memory_space<hbm>> -> memref<1x640x128xf32, #tpu.memory_space<hbm>>
      %dma_wait3A_92 = tpu.memref_squeeze %dma_wait3A_91 : memref<1x640x128xf32, #tpu.memory_space<hbm>> -> memref<640x128xf32, #tpu.memory_space<hbm>>
      %dma_wait3A_93 = arith.constant 0 : i32
      %dma_wait3A_94 = tpu.memref_slice %arg12[%mul3A_2, %dma_wait3A_93] : memref<10240x128xf32, #tpu.memory_space<vmem_shared>> -> memref<640x128xf32, #tpu.memory_space<vmem_shared>>
      tpu.wait_dma2 semaphore(%run_scoped3A : memref<!tpu.dma_semaphore, #tpu.memory_space<semaphore_mem>>) src(%dma_wait3A_94 : memref<640x128xf32, #tpu.memory_space<vmem_shared>>) dst(%dma_wait3A_92 : memref<640x128xf32, #tpu.memory_space<hbm>>)
      tpu.yield
    }) : () -> ()
    return
  }
}

module attributes {stable_mosaic.version = 14 : i64} {
  func.func @_tc_pre_body(%arg0: i32, %arg1: memref<256x128xf32, #tpu.memory_space<vmem>>, %arg2: memref<128x128xf32, #tpu.memory_space<vmem>>, %arg3: memref<2x256x128xf32, #tpu.memory_space<vmem>>, %arg4: memref<256x128xf32, #tpu.memory_space<vmem>>, %arg5: memref<256x128xf32, #tpu.memory_space<vmem>>) attributes {dimension_semantics = [#tpu.dimension_semantics<arbitrary>], iteration_bounds = array<i64: 40>, scalar_prefetch = 0 : i64, scratch_operands = 0 : i64, tpu.core_type = #tpu.core_type<tc>, window_params = [{transform_indices = @transform_0, window_bounds = array<i64: 256, 128>}, {pipeline_mode = #tpu.pipeline_mode<synchronous>, transform_indices = @transform_1, window_bounds = array<i64: 128, 128>}, {transform_indices = @transform_2, window_bounds = array<i64: 2, 256, 128>}, {transform_indices = @transform_3, window_bounds = array<i64: 256, 128>}, {transform_indices = @transform_4, window_bounds = array<i64: 256, 128>}]} {
    %get3A = arith.constant 0 : index
    %get3A_0 = arith.constant 0 : index
    %get3A_1 = arith.constant 0 : index
    %get3A_2 = vector.load %arg3[%get3A, %get3A_0, %get3A_1] : memref<2x256x128xf32, #tpu.memory_space<vmem>>, vector<1x256x128xf32>
    %get3A_3 = vector.shape_cast %get3A_2 : vector<1x256x128xf32> to vector<256x128xf32>
    %get3A_4 = arith.constant 1 : index
    %get3A_5 = arith.constant 0 : index
    %get3A_6 = arith.constant 0 : index
    %get3A_7 = vector.load %arg3[%get3A_4, %get3A_5, %get3A_6] : memref<2x256x128xf32, #tpu.memory_space<vmem>>, vector<1x256x128xf32>
    %get3A_8 = vector.shape_cast %get3A_7 : vector<1x256x128xf32> to vector<256x128xf32>
    %add3A = arith.addf %get3A_3, %get3A_8 : vector<256x128xf32>
    %add3A_9 = arith.constant 1.000000e+00 : f32
    %add3A_10 = vector.broadcast %add3A_9 : f32 to vector<256x128xf32>
    %add3A_11 = arith.addf %add3A, %add3A_10 : vector<256x128xf32>
    %rsqrt3A = math.rsqrt %add3A_11 : vector<256x128xf32>
    %get3A_12 = arith.constant 0 : index
    %get3A_13 = arith.constant 0 : index
    %get3A_14 = vector.load %arg1[%get3A_12, %get3A_13] : memref<256x128xf32, #tpu.memory_space<vmem>>, vector<256x128xf32>
    %get3A_15 = arith.constant 0 : index
    %get3A_16 = arith.constant 0 : index
    %get3A_17 = vector.load %arg2[%get3A_15, %get3A_16] : memref<128x128xf32, #tpu.memory_space<vmem>>, vector<128x128xf32>
    %dot_general3A = arith.constant dense<0.000000e+00> : vector<256x128xf32>
    %dot_general3A_18 = tpu.matmul %get3A_14, %get3A_17, %dot_general3A {dimension_numbers = #tpu.dot_dimension_numbers<[1], [0], [0], [1], [0, 0, 1, 1], [], []>, transpose_lhs_hint = false} : vector<256x128xf32>, vector<128x128xf32>, vector<256x128xf32> -> vector<256x128xf32>
    %mul3A = arith.mulf %rsqrt3A, %dot_general3A_18 : vector<256x128xf32>
    %swap3A = arith.constant 0 : index
    %swap3A_19 = arith.constant 0 : index
    %swap3A_20 = vector.load %arg4[%swap3A, %swap3A_19] : memref<256x128xf32, #tpu.memory_space<vmem>>, vector<256x128xf32>
    tpu.vector_store %arg4[%swap3A, %swap3A_19], %mul3A {strides = array<i32>} : memref<256x128xf32, #tpu.memory_space<vmem>>, vector<256x128xf32>,
    %swap3A_21 = arith.constant 0 : index
    %swap3A_22 = arith.constant 0 : index
    %swap3A_23 = vector.load %arg5[%swap3A_21, %swap3A_22] : memref<256x128xf32, #tpu.memory_space<vmem>>, vector<256x128xf32>
    tpu.vector_store %arg5[%swap3A_21, %swap3A_22], %rsqrt3A {strides = array<i32>} : memref<256x128xf32, #tpu.memory_space<vmem>>, vector<256x128xf32>,
    return
  }
  func.func @transform_0(%arg0: i32) -> (i32, i32) {
    %c0_i32 = arith.constant 0 : i32
    %c0_i32_0 = arith.constant 0 : i32
    return %arg0, %c0_i32 : i32, i32
  }
  func.func @transform_1(%arg0: i32) -> (i32, i32) {
    %c0_i32 = arith.constant 0 : i32
    %c0_i32_0 = arith.constant 0 : i32
    %c0_i32_1 = arith.constant 0 : i32
    return %c0_i32, %c0_i32_0 : i32, i32
  }
  func.func @transform_2(%arg0: i32) -> (i32, i32, i32) {
    %c0_i32 = arith.constant 0 : i32
    %c0_i32_0 = arith.constant 0 : i32
    %c0_i32_1 = arith.constant 0 : i32
    return %c0_i32, %arg0, %c0_i32_0 : i32, i32, i32
  }
  func.func @transform_3(%arg0: i32) -> (i32, i32) {
    %c0_i32 = arith.constant 0 : i32
    %c0_i32_0 = arith.constant 0 : i32
    return %arg0, %c0_i32 : i32, i32
  }
  func.func @transform_4(%arg0: i32) -> (i32, i32) {
    %c0_i32 = arith.constant 0 : i32
    %c0_i32_0 = arith.constant 0 : i32
    return %arg0, %c0_i32 : i32, i32
  }
}

module attributes {stable_mosaic.version = 14 : i64} {
  func.func @_tc_mid_body(%arg0: i32, %arg1: memref<2x256x128xf32, #tpu.memory_space<vmem>>, %arg2: memref<256x128xf32, #tpu.memory_space<vmem>>, %arg3: memref<256x128xf32, #tpu.memory_space<vmem>>, %arg4: memref<1x128xf32, #tpu.memory_space<vmem>>, %arg5: memref<1x128xf32, #tpu.memory_space<vmem>>, %arg6: memref<1x128xf32, #tpu.memory_space<vmem>>, %arg7: memref<128x128xf32, #tpu.memory_space<vmem>>, %arg8: memref<256x128xf32, #tpu.memory_space<vmem>>) attributes {dimension_semantics = [#tpu.dimension_semantics<arbitrary>], iteration_bounds = array<i64: 40>, scalar_prefetch = 0 : i64, scratch_operands = 0 : i64, tpu.core_type = #tpu.core_type<tc>, window_params = [{transform_indices = @transform_0, window_bounds = array<i64: 2, 256, 128>}, {transform_indices = @transform_1, window_bounds = array<i64: 256, 128>}, {transform_indices = @transform_2, window_bounds = array<i64: 256, 128>}, {pipeline_mode = #tpu.pipeline_mode<synchronous>, transform_indices = @transform_3, window_bounds = array<i64: 1, 128>}, {pipeline_mode = #tpu.pipeline_mode<synchronous>, transform_indices = @transform_4, window_bounds = array<i64: 1, 128>}, {pipeline_mode = #tpu.pipeline_mode<synchronous>, transform_indices = @transform_5, window_bounds = array<i64: 1, 128>}, {pipeline_mode = #tpu.pipeline_mode<synchronous>, transform_indices = @transform_6, window_bounds = array<i64: 128, 128>}, {transform_indices = @transform_7, window_bounds = array<i64: 256, 128>}]} {
    %get3A = arith.constant 0 : index
    %get3A_0 = arith.constant 0 : index
    %get3A_1 = vector.load %arg3[%get3A, %get3A_0] : memref<256x128xf32, #tpu.memory_space<vmem>>, vector<256x128xf32>
    %get3A_2 = arith.constant 0 : index
    %get3A_3 = arith.constant 0 : index
    %get3A_4 = arith.constant 0 : index
    %get3A_5 = vector.load %arg1[%get3A_2, %get3A_3, %get3A_4] : memref<2x256x128xf32, #tpu.memory_space<vmem>>, vector<1x256x128xf32>
    %get3A_6 = vector.shape_cast %get3A_5 : vector<1x256x128xf32> to vector<256x128xf32>
    %get3A_7 = arith.constant 1 : index
    %get3A_8 = arith.constant 0 : index
    %get3A_9 = arith.constant 0 : index
    %get3A_10 = vector.load %arg1[%get3A_7, %get3A_8, %get3A_9] : memref<2x256x128xf32, #tpu.memory_space<vmem>>, vector<1x256x128xf32>
    %get3A_11 = vector.shape_cast %get3A_10 : vector<1x256x128xf32> to vector<256x128xf32>
    %add3A = arith.addf %get3A_6, %get3A_11 : vector<256x128xf32>
    %get3A_12 = arith.constant 0 : index
    %get3A_13 = arith.constant 0 : index
    %get3A_14 = vector.load %arg2[%get3A_12, %get3A_13] : memref<256x128xf32, #tpu.memory_space<vmem>>, vector<256x128xf32>
    %add3A_15 = arith.addf %add3A, %get3A_14 : vector<256x128xf32>
    %mul3A = arith.mulf %get3A_1, %add3A_15 : vector<256x128xf32>
    %get3A_16 = arith.constant 0 : index
    %get3A_17 = arith.constant 0 : index
    %get3A_18 = vector.load %arg4[%get3A_16, %get3A_17] : memref<1x128xf32, #tpu.memory_space<vmem>>, vector<1x128xf32>
    %add3A_19 = vector.broadcast %get3A_18 : vector<1x128xf32> to vector<256x128xf32>
    %add3A_20 = arith.addf %mul3A, %add3A_19 : vector<256x128xf32>
    %max3A = arith.constant 0.000000e+00 : f32
    %max3A_21 = vector.broadcast %max3A : f32 to vector<256x128xf32>
    %max3A_22 = arith.maximumf %add3A_20, %max3A_21 : vector<256x128xf32>
    %reduce_sum3A = arith.constant dense<0.000000e+00> : vector<256xf32>
    %reduce_sum3A_23 = vector.multi_reduction <add>, %max3A_22, %reduce_sum3A [1] : vector<256x128xf32> to vector<256xf32>
    %broadcast_in_dim3A = vector.shape_cast %reduce_sum3A_23 : vector<256xf32> to vector<256x1xf32>
    %div3A = arith.constant 1.280000e+02 : f32
    %div3A_24 = vector.broadcast %div3A : f32 to vector<256x1xf32>
    %div3A_25 = arith.divf %broadcast_in_dim3A, %div3A_24 : vector<256x1xf32>
    %sub3A = vector.broadcast %div3A_25 : vector<256x1xf32> to vector<256x128xf32>
    %sub3A_26 = arith.subf %max3A_22, %sub3A : vector<256x128xf32>
    %mul3A_27 = arith.mulf %sub3A_26, %sub3A_26 : vector<256x128xf32>
    %reduce_sum3A_28 = arith.constant dense<0.000000e+00> : vector<256xf32>
    %reduce_sum3A_29 = vector.multi_reduction <add>, %mul3A_27, %reduce_sum3A_28 [1] : vector<256x128xf32> to vector<256xf32>
    %broadcast_in_dim3A_30 = vector.shape_cast %reduce_sum3A_29 : vector<256xf32> to vector<256x1xf32>
    %div3A_31 = arith.constant 1.280000e+02 : f32
    %div3A_32 = vector.broadcast %div3A_31 : f32 to vector<256x1xf32>
    %div3A_33 = arith.divf %broadcast_in_dim3A_30, %div3A_32 : vector<256x1xf32>
    %add3A_34 = arith.constant 9.99999974E-6 : f32
    %add3A_35 = vector.broadcast %add3A_34 : f32 to vector<256x1xf32>
    %add3A_36 = arith.addf %div3A_33, %add3A_35 : vector<256x1xf32>
    %rsqrt3A = math.rsqrt %add3A_36 : vector<256x1xf32>
    %mul3A_37 = vector.broadcast %rsqrt3A : vector<256x1xf32> to vector<256x128xf32>
    %mul3A_38 = arith.mulf %sub3A_26, %mul3A_37 : vector<256x128xf32>
    %get3A_39 = arith.constant 0 : index
    %get3A_40 = arith.constant 0 : index
    %get3A_41 = vector.load %arg5[%get3A_39, %get3A_40] : memref<1x128xf32, #tpu.memory_space<vmem>>, vector<1x128xf32>
    %mul3A_42 = vector.broadcast %get3A_41 : vector<1x128xf32> to vector<256x128xf32>
    %mul3A_43 = arith.mulf %mul3A_38, %mul3A_42 : vector<256x128xf32>
    %get3A_44 = arith.constant 0 : index
    %get3A_45 = arith.constant 0 : index
    %get3A_46 = vector.load %arg6[%get3A_44, %get3A_45] : memref<1x128xf32, #tpu.memory_space<vmem>>, vector<1x128xf32>
    %add3A_47 = vector.broadcast %get3A_46 : vector<1x128xf32> to vector<256x128xf32>
    %add3A_48 = arith.addf %mul3A_43, %add3A_47 : vector<256x128xf32>
    %get3A_49 = arith.constant 0 : index
    %get3A_50 = arith.constant 0 : index
    %get3A_51 = vector.load %arg7[%get3A_49, %get3A_50] : memref<128x128xf32, #tpu.memory_space<vmem>>, vector<128x128xf32>
    %dot_general3A = arith.constant dense<0.000000e+00> : vector<256x128xf32>
    %dot_general3A_52 = tpu.matmul %add3A_48, %get3A_51, %dot_general3A {dimension_numbers = #tpu.dot_dimension_numbers<[1], [0], [0], [1], [0, 0, 1, 1], [], []>, transpose_lhs_hint = false} : vector<256x128xf32>, vector<128x128xf32>, vector<256x128xf32> -> vector<256x128xf32>
    %mul3A_53 = arith.mulf %get3A_1, %dot_general3A_52 : vector<256x128xf32>
    %swap3A = arith.constant 0 : index
    %swap3A_54 = arith.constant 0 : index
    %swap3A_55 = vector.load %arg8[%swap3A, %swap3A_54] : memref<256x128xf32, #tpu.memory_space<vmem>>, vector<256x128xf32>
    tpu.vector_store %arg8[%swap3A, %swap3A_54], %mul3A_53 {strides = array<i32>} : memref<256x128xf32, #tpu.memory_space<vmem>>, vector<256x128xf32>,
    return
  }
  func.func @transform_0(%arg0: i32) -> (i32, i32, i32) {
    %c0_i32 = arith.constant 0 : i32
    %c0_i32_0 = arith.constant 0 : i32
    %c0_i32_1 = arith.constant 0 : i32
    return %c0_i32, %arg0, %c0_i32_0 : i32, i32, i32
  }
  func.func @transform_1(%arg0: i32) -> (i32, i32) {
    %c0_i32 = arith.constant 0 : i32
    %c0_i32_0 = arith.constant 0 : i32
    return %arg0, %c0_i32 : i32, i32
  }
  func.func @transform_2(%arg0: i32) -> (i32, i32) {
    %c0_i32 = arith.constant 0 : i32
    %c0_i32_0 = arith.constant 0 : i32
    return %arg0, %c0_i32 : i32, i32
  }
  func.func @transform_3(%arg0: i32) -> (i32, i32) {
    %c0_i32 = arith.constant 0 : i32
    %c0_i32_0 = arith.constant 0 : i32
    %c0_i32_1 = arith.constant 0 : i32
    return %c0_i32, %c0_i32_0 : i32, i32
  }
  func.func @transform_4(%arg0: i32) -> (i32, i32) {
    %c0_i32 = arith.constant 0 : i32
    %c0_i32_0 = arith.constant 0 : i32
    %c0_i32_1 = arith.constant 0 : i32
    return %c0_i32, %c0_i32_0 : i32, i32
  }
  func.func @transform_5(%arg0: i32) -> (i32, i32) {
    %c0_i32 = arith.constant 0 : i32
    %c0_i32_0 = arith.constant 0 : i32
    %c0_i32_1 = arith.constant 0 : i32
    return %c0_i32, %c0_i32_0 : i32, i32
  }
  func.func @transform_6(%arg0: i32) -> (i32, i32) {
    %c0_i32 = arith.constant 0 : i32
    %c0_i32_0 = arith.constant 0 : i32
    %c0_i32_1 = arith.constant 0 : i32
    return %c0_i32, %c0_i32_0 : i32, i32
  }
  func.func @transform_7(%arg0: i32) -> (i32, i32) {
    %c0_i32 = arith.constant 0 : i32
    %c0_i32_0 = arith.constant 0 : i32
    return %arg0, %c0_i32 : i32, i32
  }
}

module attributes {stable_mosaic.version = 14 : i64} {
  func.func @_tc_post_body(%arg0: i32, %arg1: memref<2x256x128xf32, #tpu.memory_space<vmem>>, %arg2: memref<256x128xf32, #tpu.memory_space<vmem>>, %arg3: memref<256x128xf32, #tpu.memory_space<vmem>>, %arg4: memref<1x128xf32, #tpu.memory_space<vmem>>, %arg5: memref<1x1x256xi32, #tpu.memory_space<vmem>>, %arg6: memref<128x128xf32, #tpu.memory_space<vmem>>, %arg7: memref<1x128xf32, #tpu.memory_space<vmem>>, %arg8: memref<128x128xf32, #tpu.memory_space<vmem>>, %arg9: memref<1x128xf32, #tpu.memory_space<vmem>>, %arg10: memref<256x128xf32, #tpu.memory_space<vmem>>, %arg11: memref<64x128xf32, #tpu.memory_space<vmem>>, %arg12: memref<64x128xf32, #tpu.memory_space<vmem>>) attributes {dimension_semantics = [#tpu.dimension_semantics<arbitrary>], iteration_bounds = array<i64: 40>, scalar_prefetch = 0 : i64, scratch_operands = 1 : i64, tpu.core_type = #tpu.core_type<tc>, window_params = [{transform_indices = @transform_0, window_bounds = array<i64: 2, 256, 128>}, {transform_indices = @transform_1, window_bounds = array<i64: 256, 128>}, {transform_indices = @transform_2, window_bounds = array<i64: 256, 128>}, {pipeline_mode = #tpu.pipeline_mode<synchronous>, transform_indices = @transform_3, window_bounds = array<i64: 1, 128>}, {transform_indices = @transform_4, window_bounds = array<i64: 1, 1, 256>}, {pipeline_mode = #tpu.pipeline_mode<synchronous>, transform_indices = @transform_5, window_bounds = array<i64: 128, 128>}, {pipeline_mode = #tpu.pipeline_mode<synchronous>, transform_indices = @transform_6, window_bounds = array<i64: 1, 128>}, {pipeline_mode = #tpu.pipeline_mode<synchronous>, transform_indices = @transform_7, window_bounds = array<i64: 128, 128>}, {pipeline_mode = #tpu.pipeline_mode<synchronous>, transform_indices = @transform_8, window_bounds = array<i64: 1, 128>}, {transform_indices = @transform_9, window_bounds = array<i64: 256, 128>}, {pipeline_mode = #tpu.pipeline_mode<synchronous>, transform_indices = @transform_10, window_bounds = array<i64: 64, 128>}]} {
    %get3A = arith.constant 0 : index
    %get3A_0 = arith.constant 0 : index
    %get3A_1 = vector.load %arg3[%get3A, %get3A_0] : memref<256x128xf32, #tpu.memory_space<vmem>>, vector<256x128xf32>
    %get3A_2 = arith.constant 0 : index
    %get3A_3 = arith.constant 0 : index
    %get3A_4 = arith.constant 0 : index
    %get3A_5 = vector.load %arg1[%get3A_2, %get3A_3, %get3A_4] : memref<2x256x128xf32, #tpu.memory_space<vmem>>, vector<1x256x128xf32>
    %get3A_6 = vector.shape_cast %get3A_5 : vector<1x256x128xf32> to vector<256x128xf32>
    %get3A_7 = arith.constant 1 : index
    %get3A_8 = arith.constant 0 : index
    %get3A_9 = arith.constant 0 : index
    %get3A_10 = vector.load %arg1[%get3A_7, %get3A_8, %get3A_9] : memref<2x256x128xf32, #tpu.memory_space<vmem>>, vector<1x256x128xf32>
    %get3A_11 = vector.shape_cast %get3A_10 : vector<1x256x128xf32> to vector<256x128xf32>
    %add3A = arith.addf %get3A_6, %get3A_11 : vector<256x128xf32>
    %get3A_12 = arith.constant 0 : index
    %get3A_13 = arith.constant 0 : index
    %get3A_14 = vector.load %arg2[%get3A_12, %get3A_13] : memref<256x128xf32, #tpu.memory_space<vmem>>, vector<256x128xf32>
    %add3A_15 = arith.addf %add3A, %get3A_14 : vector<256x128xf32>
    %mul3A = arith.mulf %get3A_1, %add3A_15 : vector<256x128xf32>
    %get3A_16 = arith.constant 0 : index
    %get3A_17 = arith.constant 0 : index
    %get3A_18 = vector.load %arg4[%get3A_16, %get3A_17] : memref<1x128xf32, #tpu.memory_space<vmem>>, vector<1x128xf32>
    %add3A_19 = vector.broadcast %get3A_18 : vector<1x128xf32> to vector<256x128xf32>
    %add3A_20 = arith.addf %mul3A, %add3A_19 : vector<256x128xf32>
    %swap3A = arith.constant 0 : index
    %swap3A_21 = arith.constant 0 : index
    %swap3A_22 = vector.load %arg10[%swap3A, %swap3A_21] : memref<256x128xf32, #tpu.memory_space<vmem>>, vector<256x128xf32>
    tpu.vector_store %arg10[%swap3A, %swap3A_21], %add3A_20 {strides = array<i32>} : memref<256x128xf32, #tpu.memory_space<vmem>>, vector<256x128xf32>,
    %max3A = arith.constant 0.000000e+00 : f32
    %max3A_23 = vector.broadcast %max3A : f32 to vector<256x128xf32>
    %max3A_24 = arith.maximumf %add3A_20, %max3A_23 : vector<256x128xf32>
    %get3A_25 = arith.constant 0 : index
    %get3A_26 = arith.constant 0 : index
    %get3A_27 = arith.constant 0 : index
    %get3A_28 = vector.load %arg5[%get3A_25, %get3A_26, %get3A_27] : memref<1x1x256xi32, #tpu.memory_space<vmem>>, vector<1x1x256xi32>
    %get3A_29 = vector.shape_cast %get3A_28 : vector<1x1x256xi32> to vector<256xi32>
    %broadcast_in_dim3A = vector.shape_cast %get3A_29 : vector<256xi32> to vector<256x1xi32>
    %iota3A = tpu.iota {dimensions = array<i32: 1>} : vector<256x64xi32>
    %eq3A = vector.broadcast %broadcast_in_dim3A : vector<256x1xi32> to vector<256x64xi32>
    %eq3A_30 = arith.cmpi eq, %eq3A, %iota3A : vector<256x64xi32>
    %convert_element_type3A = arith.extui %eq3A_30 : vector<256x64xi1> to vector<256x64xi32>
    %convert_element_type3A_31 = arith.sitofp %convert_element_type3A : vector<256x64xi32> to vector<256x64xf32>
    %dot_general3A = arith.constant dense<0.000000e+00> : vector<64x128xf32>
    %dot_general3A_32 = tpu.matmul %convert_element_type3A_31, %max3A_24, %dot_general3A {dimension_numbers = #tpu.dot_dimension_numbers<[0], [0], [1], [1], [0, 1, 1, 1], [], []>, transpose_lhs_hint = false} : vector<256x64xf32>, vector<256x128xf32>, vector<64x128xf32> -> vector<64x128xf32>
    %eq3A_33 = arith.constant 0 : i32
    %eq3A_34 = arith.cmpi eq, %arg0, %eq3A_33 : i32
    %convert_element_type3A_35 = arith.extui %eq3A_34 : i1 to i32
    %cond3A = arith.constant 0 : i32
    %cond3A_36 = arith.cmpi ne, %convert_element_type3A_35, %cond3A : i32
    scf.if %cond3A_36 {
      %swap3A_46 = arith.constant 0 : index
      %swap3A_47 = arith.constant 0 : index
      %swap3A_48 = vector.load %arg12[%swap3A_46, %swap3A_47] : memref<64x128xf32, #tpu.memory_space<vmem>>, vector<64x128xf32>
      tpu.vector_store %arg12[%swap3A_46, %swap3A_47], %dot_general3A_32 {strides = array<i32>} : memref<64x128xf32, #tpu.memory_space<vmem>>, vector<64x128xf32>,
    } else {
    }
    %gt3A = arith.constant 0 : i32
    %gt3A_37 = arith.cmpi sgt, %arg0, %gt3A : i32
    %convert_element_type3A_38 = arith.extui %gt3A_37 : i1 to i32
    %cond3A_39 = arith.constant 0 : i32
    %cond3A_40 = arith.cmpi ne, %convert_element_type3A_38, %cond3A_39 : i32
    scf.if %cond3A_40 {
      %get3A_46 = arith.constant 0 : index
      %get3A_47 = arith.constant 0 : index
      %get3A_48 = vector.load %arg12[%get3A_46, %get3A_47] : memref<64x128xf32, #tpu.memory_space<vmem>>, vector<64x128xf32>
      %add3A_49 = arith.addf %get3A_48, %dot_general3A_32 : vector<64x128xf32>
      %swap3A_50 = arith.constant 0 : index
      %swap3A_51 = arith.constant 0 : index
      %swap3A_52 = vector.load %arg12[%swap3A_50, %swap3A_51] : memref<64x128xf32, #tpu.memory_space<vmem>>, vector<64x128xf32>
      tpu.vector_store %arg12[%swap3A_50, %swap3A_51], %add3A_49 {strides = array<i32>} : memref<64x128xf32, #tpu.memory_space<vmem>>, vector<64x128xf32>,
    } else {
    }
    %eq3A_41 = arith.constant 39 : i32
    %eq3A_42 = arith.cmpi eq, %arg0, %eq3A_41 : i32
    %convert_element_type3A_43 = arith.extui %eq3A_42 : i1 to i32
    %cond3A_44 = arith.constant 0 : i32
    %cond3A_45 = arith.cmpi ne, %convert_element_type3A_43, %cond3A_44 : i32
    scf.if %cond3A_45 {
      %get3A_46 = arith.constant 0 : index
      %get3A_47 = arith.constant 0 : index
      %get3A_48 = vector.load %arg12[%get3A_46, %get3A_47] : memref<64x128xf32, #tpu.memory_space<vmem>>, vector<64x128xf32>
      %get3A_49 = arith.constant 0 : index
      %get3A_50 = arith.constant 0 : index
      %get3A_51 = vector.load %arg6[%get3A_49, %get3A_50] : memref<128x128xf32, #tpu.memory_space<vmem>>, vector<128x128xf32>
      %dot_general3A_52 = arith.constant dense<0.000000e+00> : vector<64x128xf32>
      %dot_general3A_53 = tpu.matmul %get3A_48, %get3A_51, %dot_general3A_52 {dimension_numbers = #tpu.dot_dimension_numbers<[1], [0], [0], [1], [0, 0, 1, 1], [], []>, transpose_lhs_hint = false} : vector<64x128xf32>, vector<128x128xf32>, vector<64x128xf32> -> vector<64x128xf32>
      %get3A_54 = arith.constant 0 : index
      %get3A_55 = arith.constant 0 : index
      %get3A_56 = vector.load %arg7[%get3A_54, %get3A_55] : memref<1x128xf32, #tpu.memory_space<vmem>>, vector<1x128xf32>
      %add3A_57 = vector.broadcast %get3A_56 : vector<1x128xf32> to vector<64x128xf32>
      %add3A_58 = arith.addf %dot_general3A_53, %add3A_57 : vector<64x128xf32>
      %get3A_59 = arith.constant 0 : index
      %get3A_60 = arith.constant 0 : index
      %get3A_61 = vector.load %arg8[%get3A_59, %get3A_60] : memref<128x128xf32, #tpu.memory_space<vmem>>, vector<128x128xf32>
      %dot_general3A_62 = arith.constant dense<0.000000e+00> : vector<64x128xf32>
      %dot_general3A_63 = tpu.matmul %add3A_58, %get3A_61, %dot_general3A_62 {dimension_numbers = #tpu.dot_dimension_numbers<[1], [0], [0], [1], [0, 0, 1, 1], [], []>, transpose_lhs_hint = false} : vector<64x128xf32>, vector<128x128xf32>, vector<64x128xf32> -> vector<64x128xf32>
      %get3A_64 = arith.constant 0 : index
      %get3A_65 = arith.constant 0 : index
      %get3A_66 = vector.load %arg9[%get3A_64, %get3A_65] : memref<1x128xf32, #tpu.memory_space<vmem>>, vector<1x128xf32>
      %add3A_67 = vector.broadcast %get3A_66 : vector<1x128xf32> to vector<64x128xf32>
      %add3A_68 = arith.addf %dot_general3A_63, %add3A_67 : vector<64x128xf32>
      %iota3A_69 = tpu.iota {dimensions = array<i32: 1>} : vector<64x128xi32>
      %lt3A = arith.constant 10 : i32
      %lt3A_70 = vector.broadcast %lt3A : i32 to vector<64x128xi32>
      %lt3A_71 = arith.cmpi slt, %iota3A_69, %lt3A_70 : vector<64x128xi32>
      %jit3A = arith.constant 0xFF800000 : f32
      %broadcast_in_dim3A_72 = vector.broadcast %jit3A : f32 to vector<64x128xf32>
      %select_n3A = arith.select %lt3A_71, %add3A_68, %broadcast_in_dim3A_72 : vector<64x128xi1>, vector<64x128xf32>
      %reduce_max3A = arith.constant dense<0xFF800000> : vector<64xf32>
      %reduce_max3A_73 = vector.multi_reduction <maximumf>, %select_n3A, %reduce_max3A [1] : vector<64x128xf32> to vector<64xf32>
      %broadcast_in_dim3A_74 = vector.shape_cast %reduce_max3A_73 : vector<64xf32> to vector<64x1xf32>
      %sub3A = vector.broadcast %broadcast_in_dim3A_74 : vector<64x1xf32> to vector<64x128xf32>
      %sub3A_75 = arith.subf %select_n3A, %sub3A : vector<64x128xf32>
      %exp3A = math.exp %sub3A_75 : vector<64x128xf32>
      %reduce_sum3A = arith.constant dense<0.000000e+00> : vector<64xf32>
      %reduce_sum3A_76 = vector.multi_reduction <add>, %exp3A, %reduce_sum3A [1] : vector<64x128xf32> to vector<64xf32>
      %broadcast_in_dim3A_77 = vector.shape_cast %reduce_sum3A_76 : vector<64xf32> to vector<64x1xf32>
      %log3A = math.log %broadcast_in_dim3A_77 : vector<64x1xf32>
      %add3A_78 = arith.addf %log3A, %broadcast_in_dim3A_74 : vector<64x1xf32>
      %sub3A_79 = vector.broadcast %add3A_78 : vector<64x1xf32> to vector<64x128xf32>
      %sub3A_80 = arith.subf %select_n3A, %sub3A_79 : vector<64x128xf32>
      %swap3A_81 = arith.constant 0 : index
      %swap3A_82 = arith.constant 0 : index
      %swap3A_83 = vector.load %arg11[%swap3A_81, %swap3A_82] : memref<64x128xf32, #tpu.memory_space<vmem>>, vector<64x128xf32>
      tpu.vector_store %arg11[%swap3A_81, %swap3A_82], %sub3A_80 {strides = array<i32>} : memref<64x128xf32, #tpu.memory_space<vmem>>, vector<64x128xf32>,
    } else {
    }
    return
  }
  func.func @transform_0(%arg0: i32) -> (i32, i32, i32) {
    %c0_i32 = arith.constant 0 : i32
    %c0_i32_0 = arith.constant 0 : i32
    %c0_i32_1 = arith.constant 0 : i32
    return %c0_i32, %arg0, %c0_i32_0 : i32, i32, i32
  }
  func.func @transform_1(%arg0: i32) -> (i32, i32) {
    %c0_i32 = arith.constant 0 : i32
    %c0_i32_0 = arith.constant 0 : i32
    return %arg0, %c0_i32 : i32, i32
  }
  func.func @transform_2(%arg0: i32) -> (i32, i32) {
    %c0_i32 = arith.constant 0 : i32
    %c0_i32_0 = arith.constant 0 : i32
    return %arg0, %c0_i32 : i32, i32
  }
  func.func @transform_3(%arg0: i32) -> (i32, i32) {
    %c0_i32 = arith.constant 0 : i32
    %c0_i32_0 = arith.constant 0 : i32
    %c0_i32_1 = arith.constant 0 : i32
    return %c0_i32, %c0_i32_0 : i32, i32
  }
  func.func @transform_4(%arg0: i32) -> (i32, i32, i32) {
    %c0_i32 = arith.constant 0 : i32
    %c0_i32_0 = arith.constant 0 : i32
    %c0_i32_1 = arith.constant 0 : i32
    return %arg0, %c0_i32, %c0_i32_0 : i32, i32, i32
  }
  func.func @transform_5(%arg0: i32) -> (i32, i32) {
    %c0_i32 = arith.constant 0 : i32
    %c0_i32_0 = arith.constant 0 : i32
    %c0_i32_1 = arith.constant 0 : i32
    return %c0_i32, %c0_i32_0 : i32, i32
  }
  func.func @transform_6(%arg0: i32) -> (i32, i32) {
    %c0_i32 = arith.constant 0 : i32
    %c0_i32_0 = arith.constant 0 : i32
    %c0_i32_1 = arith.constant 0 : i32
    return %c0_i32, %c0_i32_0 : i32, i32
  }
  func.func @transform_7(%arg0: i32) -> (i32, i32) {
    %c0_i32 = arith.constant 0 : i32
    %c0_i32_0 = arith.constant 0 : i32
    %c0_i32_1 = arith.constant 0 : i32
    return %c0_i32, %c0_i32_0 : i32, i32
  }
  func.func @transform_8(%arg0: i32) -> (i32, i32) {
    %c0_i32 = arith.constant 0 : i32
    %c0_i32_0 = arith.constant 0 : i32
    %c0_i32_1 = arith.constant 0 : i32
    return %c0_i32, %c0_i32_0 : i32, i32
  }
  func.func @transform_9(%arg0: i32) -> (i32, i32) {
    %c0_i32 = arith.constant 0 : i32
    %c0_i32_0 = arith.constant 0 : i32
    return %arg0, %c0_i32 : i32, i32
  }
  func.func @transform_10(%arg0: i32) -> (i32, i32) {
    %c0_i32 = arith.constant 0 : i32
    %c0_i32_0 = arith.constant 0 : i32
    %c0_i32_1 = arith.constant 0 : i32
    return %c0_i32, %c0_i32_0 : i32, i32
  }
}

</mosaic_0001>

<sc_bundles>
// kernel: kernel.11.cloned.1.call-start
scs
__scs_entry_jumppad:
0x0: {  	(pc) =	sbr.rel $0x88, $3  }
0x1: {  	(tag) =	ssettag $0x0;
	lr =	simm.s32 $0x1  }
0x2: {  	[smem:$0x3F94] =	sst lr;
	_ =	strace $0xD0000000  }
0x3: {  	_ = 	snop  }
0x4: {  	_ = 	snop  }
0x5: {  	_ = 	snop  }
0x6: {  	_ = 	snop  }
0x7: {  	_ = 	snop  }
__scs_overlays_trampoline_lowered:
0x8: {  	[smem:$0x3FA3] =	sst s0  }
0x9: {  	[smem:$0x3FA4] =	sst s1  }
0xa: {  	[smem:$0x3FA5] =	sst s2  }
0xb: {  	[smem:$0x3FA6] =	sst s3  }
0xc: {  	[smem:$0x3FA7] =	sst s4  }
0xd: {  	[smem:$0x3FA8] =	sst s5  }
0xe: {  	[smem:$0x3FA9] =	sst s6  }
0xf: {  	[smem:$0x3FAA] =	sst s7  }
0x10: {  	[smem:$0x3FAB] =	sst s8  }
0x11: {  	[smem:$0x3FAC] =	sst s9;
	s0 =	simm.s32 @!p0 $0x0  }
0x12: {  	s1 =	sld [smem:$0x3F92];
	s0 =	simm.s32 @p0 $0x1  }
0x13: {  	[smem:$0x3FAD] =	sst s0;
	s0 =	simm.s32 @!p1 $0x0  }
0x14: {  	s2 =	sld [smem:$0x3F91];
	s0 =	simm.s32 @p1 $0x1  }
0x15: {  	[smem:$0x3FAE] =	sst s0;
	s0 =	simm.s32 @!p2 $0x0  }
0x16: {  	s3 =	sld [smem:$0x3FDB];
	s0 =	simm.s32 @p2 $0x1  }
0x17: {  	s4 =	simm.s32 $0x1BF5;
	[smem:$0x3FB0] =	sst s0  }
0x18: {  	s0 =	sld [smem:$0x3F93];
	_ =	swait.ge [sflag:s4], $0x0  }
0x19: {  	s7 =	sld [smem:$0x3F94]  }
0x1a: {  	s8 =	sadd.s32 $0xFFFFE003, lr  }
0x1b: {  	s9 =	sadd.s32 $0xFFFFFEF7, lr;
	s5 =	simm.s32 $0xFFFFFFFF;
	p2 =	slt.u32 s8, $0xFFFFF086  }
0x1c: {  	p1 =	slt.u32 s9, $0xF7A;
	s5 =	simm.s32 @!p2 $0x0  }
0x1d: {  	s5 =	simm.s32 @p1 $0x1;
	p0 =	seq.s32 s7, s2  }
0x1e: {  	s7 =	smul.u32 @!p0 $0xF7A, s2;
	p2 =	seq.s32 @!p0 s5, $0x0  }
0x1f: {  	s9 =	smul.u32 $0xF7A, s1;
	s8 =	simm.s32 @!p0 $0x1BF5;
	p2 =	por !p2, p0  }
0x20: {  	[sflag:s8] =	ssyncset.s32 @!p0 $0xFFFFF086;
	s6 =	sadd.s32 @!p0 s3, s7;
	s7 =	simm.s32 @!p0 $0x108  }
0x21: {  	s3 =	sadd.s32 s3, s9;
	s6 =	sadd.s32 @!p0 $0x88, s6;
	s7 =	simm.s32 @p2 $0x1082  }
0x22: {  	[simem:s7], [sflag:s8] =	dma.local @!p0 [hbm:s6], $0xF7A  }
0x23: {  	s9 =	sor.u32 $0xD0000000, s2;
	s6 =	simm.s32 $0x108;
	_ =	swait.ge @!p0 [sflag:s8], $0x0  }
0x24: {  	s3 =	sadd.s32 $0x88, s3;
	s6 =	simm.s32 @!p1 $0x1082;
	[sflag:s4] =	ssyncset.s32 $0xFFFFF086  }
0x25: {  	[simem:s6], [sflag:s4] =	dma.local [hbm:s3], $0xF7A  }
0x26: {  	[smem:$0x3F94] =	sst s1;
	(tag) =	ssettag s2;
	_ =	strace s9  }
0x27: {  	s1 =	sld [smem:$0x3FA4]  }
0x28: {  	s2 =	sld [smem:$0x3FA5]  }
0x29: {  	s4 =	sld [smem:$0x3FA7]  }
0x2a: {  	p0 =	seq.s32 s5, $0x0;
	s5 =	sld [smem:$0x3FA8]  }
0x2b: {  	s6 =	sld [smem:$0x3FA9]  }
0x2c: {  	s7 =	sld [smem:$0x3FAA]  }
0x2d: {  	s3 =	simm.s32 $0x108;
	s8 =	sld [smem:$0x3FAB]  }
0x2e: {  	s3 =	simm.s32 @!p0 $0x1082;
	s9 =	sld [smem:$0x3FAC]  }
0x2f: {  	lr =	sadd.s32 s0, s3;
	s0 =	sld [smem:$0x3FA3]  }
0x30: {  	s3 =	sld [smem:$0x3FA6]  }
0x31: {  	[smem:$0x3FAF] =	sst s10  }
0x32: {  	s10 =	sld [smem:$0x3FAD];
	_ =	sdelay $0x3  }
0x33: {  	p0 =	seq.s32 s10, $0x1;
	s10 =	sld [smem:$0x3FAF];
	_ =	sdelay $0x3  }
0x34: {  	[smem:$0x3FAF] =	sst s10  }
0x35: {  	s10 =	sld [smem:$0x3FAE];
	_ =	sdelay $0x3  }
0x36: {  	p1 =	seq.s32 s10, $0x1;
	s10 =	sld [smem:$0x3FAF];
	_ =	sdelay $0x3  }
0x37: {  	[smem:$0x3FAF] =	sst s10  }
0x38: {  	s10 =	sld [smem:$0x3FB0]  }
0x39: {  	_ = 	snop;
	(pc) =	sbr.ind lr, $3  }
0x3a: {  	_ = 	snop  }
0x3b: {  	_ = 	snop  }
0x3c: {  	p2 =	seq.s32 s10, $0x1;
	s10 =	sld [smem:$0x3FAF]  }
0x3d: {  	_ =	shalt  }
0x3e: {  	_ =	shalt  }
0x3f: {  	_ =	shalt  }
0x40: {  	_ =	shalt  }
0x41: {  	_ =	shalt  }
0x42: {  	_ =	shalt  }
0x43: {  	_ =	shalt  }
0x44: {  	_ =	shalt  }
0x45: {  	_ =	shalt  }
0x46: {  	_ =	shalt  }
0x47: {  	_ =	shalt  }
0x48: {  	_ =	shalt  }
0x49: {  	_ =	shalt  }
0x4a: {  	_ =	shalt  }
0x4b: {  	_ =	shalt  }
0x4c: {  	_ =	shalt  }
0x4d: {  	_ =	shalt  }
0x4e: {  	_ =	shalt  }
0x4f: {  	_ =	shalt  }
0x50: {  	_ =	shalt  }
0x51: {  	_ =	shalt  }
0x52: {  	_ =	shalt  }
0x53: {  	_ =	shalt  }
0x54: {  	_ =	shalt  }
0x55: {  	_ =	shalt  }
0x56: {  	_ =	shalt  }
0x57: {  	_ =	shalt  }
0x58: {  	_ =	shalt  }
0x59: {  	_ =	shalt  }
0x5a: {  	_ =	shalt  }
0x5b: {  	_ =	shalt  }
0x5c: {  	_ =	shalt  }
0x5d: {  	_ =	shalt  }
0x5e: {  	_ =	shalt  }
0x5f: {  	_ =	shalt  }
0x60: {  	_ =	shalt  }
0x61: {  	_ =	shalt  }
0x62: {  	_ =	shalt  }
0x63: {  	_ =	shalt  }
0x64: {  	_ =	shalt  }
0x65: {  	_ =	shalt  }
0x66: {  	_ =	shalt  }
0x67: {  	_ =	shalt  }
0x68: {  	_ =	shalt  }
0x69: {  	_ =	shalt  }
0x6a: {  	_ =	shalt  }
0x6b: {  	_ =	shalt  }
0x6c: {  	_ =	shalt  }
0x6d: {  	_ =	shalt  }
0x6e: {  	_ =	shalt  }
0x6f: {  	_ =	shalt  }
0x70: {  	_ =	shalt  }
0x71: {  	_ =	shalt  }
0x72: {  	_ =	shalt  }
0x73: {  	_ =	shalt  }
0x74: {  	_ =	shalt  }
0x75: {  	_ =	shalt  }
0x76: {  	_ =	shalt  }
0x77: {  	_ =	shalt  }
0x78: {  	_ =	shalt  }
0x79: {  	_ =	shalt  }
0x7a: {  	_ =	shalt  }
0x7b: {  	_ =	shalt  }
0x7c: {  	_ =	shalt  }
0x7d: {  	_ =	shalt  }
0x7e: {  	_ =	shalt  }
0x7f: {  	_ =	shalt  }
0x80: {  	_ =	shalt  }
0x81: {  	_ =	shalt  }
0x82: {  	_ =	shalt  }
0x83: {  	_ =	shalt  }
0x84: {  	_ =	shalt  }
0x85: {  	_ =	shalt  }
0x86: {  	_ =	shalt  }
0x87: {  	_ =	shalt  }
.Lfunc_end0:
.L_simem_size_0:
called_computation.1_lowered:
.L_overlay_start_0:
0x88: {  	s2 =	sld [smem:$0x3FD9]  }
0x89: {  	s3 =	sld [smem:$0x3FFE];
	_ =	sdelay $0x1  }
0x8a: {  	s1 =	srdreg.scid  }
0x8b: {  	s0 =	sand.u32 $0x1, s1  }
0x8c: {  	s14 =	sshll.u32 s0, $0xA;
	s2 =	sadd.s32 s3, s2  }
0x8d: {  	s2 =	sadd.s32 s2, s14  }
0x8e: {  	[smem:$0x3FBB] =	sst s2  }
0x8f: {  	_ = 	snop  }
0x90: {  	s2 =	sld [smem:$0x3FD0];
	_ =	sdelay $0x2  }
0x91: {  	s15 =	simm.s32 $0xA;
	s4 =	simm.s32 $0x10  }
0x92: {  	[smem:s4], [sflag:s15] =	dma.local [hbm:s2], $0x1  }
0x93: {  	_ =	swait.eq [sflag:s15], $0x1  }
0x94: {  	[sflag:s15] =	ssyncset.done $0x0  }
0x95: {  	[sflag:s15] =	ssyncadd.s32 $0xFFFFFFFF  }
0x96: {  	s16 =	sld [smem:$0x10];
	(tm) =	ssettm $0x1  }
0x97: {  	s17 =	sld [smem:$0x3FFB];
	_ =	sdelay $0x3  }
0x98: {  	_ =	strace s17  }
0x99: {  	s3 =	sld [smem:$0x3FFC];
	_ =	sdelay $0x3  }
0x9a: {  	_ =	strace s3  }
0x9b: {  	s3 =	sld [smem:$0x3FFD];
	_ =	sdelay $0x3  }
0x9c: {  	_ =	strace s3  }
0x9d: {  	_ =	strace $0x8FFFFFFF  }
0x9e: {  	s18 =	sld [smem:$0x3FDB];
	_ =	sdelay $0x1  }
0x9f: {  	s19 =	simm.s32 $_scs_section_size  }
0xa0: {  	s5 =	simm.s32 $_size__tile_overlayer_lowered;
	s6 =	simm.s32 $_tile_overlayer_lowered  }
0xa1: {  	s22 =	simm.s32 $0x1BFF;
	s21 =	sshll.u32 s6, $0x1;
	s3 =	sadd.s32 s19, s18  }
0xa2: {  	s7 =	simm.s32 $0x0;
	s20 =	sshll.u32 s5, $0x1;
	s5 =	sadd.s32 s21, s3  }
0xa3: {  	[timem:s7], [sflag:s22] =	dma.local [hbm:s5], s20  }
0xa4: {  	_ =	swait.ge [sflag:s22], s20  }
0xa5: {  	s4 =	ssub.s32 $0x0, s20;
	[sflag:s22] =	ssyncset.done $0x0  }
0xa6: {  	[sflag:s22] =	ssyncadd.s32 s4;
	_ =	sdelay $0x1  }
0xa7: {  	s23 =	simm.s32 $0x1B8B  }
0xa8: {  	_ =	swait.ge [sflag:s23], $0x1  }
0xa9: {  	[sflag:s23] =	ssyncset.done $0x0  }
0xaa: {  	s25 =	simm.s32 $0x1B8E;
	s24 =	sld [smem:$0x3FFE];
	[sflag:s23] =	ssyncadd.s32 $0xFFFFFFFF  }
0xab: {  	s26 =	simm.s32 $execute0_lowered;
	[smem:$0x3FD2] =	sst s25  }
0xac: {  	s5 =	sshll.u32 s26, $0x1;
	_ =	strace $0x80000049;
	[dreg:$0x1] =	wrdreg $0xFFFFFFFF  }
0xad: {  	s28 =	simm.s32 $_size_execute0_lowered;
	s3 =	sadd.s32 s3, s5;
	[dreg:$0x0] =	wrdreg $0x0  }
0xae: {  	s5 =	sshll.u32 s28, $0x1;
	[dreg:$0x2] =	wrdreg s3  }
0xaf: {  	[dreg:$0x3] =	wrdreg s5  }
0xb0: {  	[dreg:$0x4] =	wrdreg $0xC0  }
0xb1: {  	_ =	task [dreg:s7], $0x5FFFF  }
0xb2: {  	[dreg:$0x1] =	wrdreg $0xFFFFFFFF  }
0xb3: {  	[dreg:$0x0] =	wrdreg $0x60  }
0xb4: {  	[dreg:$0x2] =	wrdreg s24  }
0xb5: {  	[dreg:$0x3] =	wrdreg s16  }
0xb6: {  	[dreg:$0x4] =	wrdreg $0xBA000  }
0xb7: {  	[dreg:$0x5] =	wrdreg $0x9  }
0xb8: {  	_ =	task.clear_ibuf [dreg:s7], $0x6FFFF;
	_ =	strace $0x90000049  }
0xb9: {  	s29 =	simm.s32 $0x9;
	_ =	strace $0x8000004B  }
0xba: {  	_ =	swait.ge [sflag:s29], $0x1  }
0xbb: {  	[sflag:s29] =	ssyncadd.s32 $0xFFFFFFFF  }
0xbc: {  	_ =	strace $0x9000004B  }
0xbd: {  	_ =	sfence  }
0xbe: {  	s30 =	sld [smem:$0x0];
	_ =	sdelay $0x2  }
0xbf: {  	s31 =	sshll.u32 s1, $0xD;
	s1 =	sshrl.u32 s1, $0x2  }
0xc0: {  	s3 =	sand.u32 $0x4000, s31;
	s1 =	sadd.s32 s1, s30  }
0xc1: {  	s0 =	sor.u32 s3, s0;
	s1 =	sshll.u32 s1, $0x11  }
0xc2: {  	s0 =	sor.u32 s1, s0  }
0xc3: {  	s0 =	sadd.s32 $0x8F2B, s0  }
0xc4: {  	[sflag:s0] =	ssyncadd.remote.s32 $0x1  }
0xc5: {  	_ =	sfence.sel $0xFFFF  }
0xc6: {  	[dreg:$0x0] =	wrdreg $0xFFFFFFFF;
	(pc) =	sbr.abs _section_cstart, $3  }
0xc7: {  	[dreg:$0x1] =	wrdreg $0xFFFFFFFF  }
0xc8: {  	_ =	task.clear_ibuf [dreg:s7], $0x2FFFF;
	_ =	strace $0x9FFFFFFF  }
0xc9: {  	(tm) =	ssettm $0x7FFFFFFF  }
tec
execute0_lowered:
.L_overlay_start_1:
0x0: {  	(tag) =	ssettag $0x1  }
0x1: {  	s0 =	rddreg [dreg:$0x0]  }
0x2: {  	s2 =	rddreg [dreg:$0x1]  }
0x3: {  	s3 =	rddreg [dreg:$0x2];
	s4 =	simm.s32 $0x0  }
0x4: {  	s12 =	stileid.u32;
	s1 =	srdreg.scid;
	s28 =	simm.s32 $0x1  }
0x5: {  	s29 =	simm.s32 $0x2;
	s30 =	simm.s32 $0x3;
	s6 =	smul.u32 $0x14000, s12  }
0x6: {  	s31 =	simm.s32 $0x4;
	[smem:$0x7FF] =	sst s4;
	s18 =	smul.u32 $0x50000, s12  }
0x7: {  	s1 =	sand.u32 $0x1, s1;
	s5 =	sadd.s32 $0x2B400, s0;
	s11 =	smul.u32 $0x5400, s12  }
0x8: {  	s22 =	sshll.u32 s12, $0x6;
	_ =	strace $0x8000004A;
	s7 =	smul.u32 $0x140000, s1  }
0x9: {  	s9 =	sshll.u32 s1, $0x4;
	s19 =	ssub.s32 $0x2, s1;
	s1 =	smul.u32 $0x54000, s1  }
0xa: {  	s8 =	sshrl.u32 s6, $0x3;
	s9 =	sor.u32 s12, s9;
	s10 =	sshrl.u32 s19, $0x1  }
0xb: {  	s12 =	sor.u32 $0x1C0D, s22;
	s22 =	simm.s32 $0x280;
	s6 =	sadd.s32 s6, s7  }
0xc: {  	s8 =	sadd.s32 s8, s0;
	s9 =	smul.u32 $0x5400, s9;
	s7 =	sshrl.u32 s18, $0x2  }
0xd: {  	s1 =	sadd.s32 s11, s1;
	[dreg:$0xb] =	wrdreg s22;
	s22 =	simm.s32 $0x8  }
0xe: {  	[dreg:$0x11] =	wrdreg s12;
	s6 =	sshrl.u32 s6, $0x3;
	s20 =	sadd.s32 s7, s3  }
0xf: {  	s21 =	sadd.s32 $0x3400, s8;
	s25 =	sadd.s32 $0x800, s1;
	s11 =	sadd.s32 $0x700, s1  }
0x10: {  	s14 =	sadd.s32 $0x500, s1;
	s16 =	sadd.s32 $0x400, s1;
	s0 =	sadd.s32 s6, s0  }
0x11: {  	s6 =	ssub.s32 s19, s10;
	[dreg:$0x10] =	wrdreg s21;
	s23 =	sshrl.u32 s9, $0x3  }
0x12: {  	s9 =	sshrl.u32 s11, $0x3;
	s11 =	sor.u32 $0x300, s1;
	s1 =	sadd.s32 $0x600, s1  }
0x13: {  	s8 =	sshrl.u32 s25, $0x3;
	s21 =	simm.s32 $0x80;
	[dreg:$0x17] =	wrdreg s1  }
0x14: {  	s15 =	sshrl.u32 s14, $0x3;
	s25 =	simm.s32 $0x380;
	[dreg:$0xa] =	wrdreg s21  }
0x15: {  	s10 =	simm.s32 $0x0;
	s24 =	sadd.s32 s2, s23;
	[dreg:$0xe] =	wrdreg s25  }
0x16: {  	s8 =	sadd.s32 s8, s2;
	s13 =	sadd.s32 s9, s2;
	[dreg:$0x12] =	wrdreg s24  }
0x17: {  	s9 =	sshrl.u32 s16, $0x3;
	s18 =	sshrl.u32 s11, $0x3;
	[dreg:$0x4] =	wrdreg s8  }
0x18: {  	s0 =	sadd.s32 $0x53400, s0;
	s6 =	smax.u32 s6, $0x1;
	[dreg:$0x5] =	wrdreg s13  }
0x19: {  	s16 =	simm.s32 $0x200;
	s21 =	simm.s32 $0x300;
	[dreg:$0x15] =	wrdreg s0  }
0x1a: {  	s23 =	simm.s32 $0x480;
	s25 =	simm.s32 $0x9;
	[dreg:$0x16] =	wrdreg s6  }
0x1b: {  	s1 =	simm.s32 $0x6;
	s26 =	sadd.s32 $0x20, s24;
	[dreg:$0xc] =	wrdreg s23  }
0x1c: {  	s7 =	sadd.s32 $0x40, s24;
	s8 =	sadd.s32 s15, s2;
	[dreg:$0x13] =	wrdreg s26  }
0x1d: {  	s17 =	sadd.s32 s9, s2;
	s19 =	sadd.s32 s18, s2;
	[dreg:$0x14] =	wrdreg s7  }
0x1e: {  	s9 =	simm.s32 $0xD;
	s18 =	simm.s32 $0x7;
	[dreg:$0x6] =	wrdreg s8  }
0x1f: {  	s24 =	simm.s32 $0x180;
	s23 =	simm.s32 $0x4200;
	[dreg:$0x7] =	wrdreg s17  }
0x20: {  	s0 =	simm.s32 $0xB;
	s6 =	simm.s32 $0xC;
	[dreg:$0x8] =	wrdreg s19  }
0x21: {  	s8 =	sshrl.u32 s20, $0x3;
	s20 =	simm.s32 $0x100;
	[dreg:$0xd] =	wrdreg s24  }
0x22: {  	s17 =	simm.s32 $0x400;
	s26 =	simm.s32 $0x580;
	[dreg:$0x9] =	wrdreg s20  }
0x23: {  	s19 =	simm.s32 $0x78;
	s24 =	simm.s32 $0x500;
	[dreg:$0xf] =	wrdreg s26  }
0x24: {  	s20 =	simm.s32 $0x600;
	s26 =	simm.s32 $0x7E00;
	[dreg:$0x18] =	wrdreg s8  }
.LBB2_1:
0x25: {  	[dreg:$0x19] =	wrdreg s10  }
0x26: {  	s7 =	rddreg [dreg:$0x10]  }
0x27: {  	[spmem:s8], [sflag:s12] =	dma.local [hbm:s7], $0x2800  }
0x28: {  	_ =	swait.ge [sflag:s9], $0x2800  }
0x29: {  	[sflag:s9] =	ssyncset.done $0x0  }
0x2a: {  	[sflag:s9] =	ssyncadd.s32 $0xFFFFD800  }
0x2b: {  	[bflag:$0x0] =	sbarrier.arrive $0xFFFF  }
0x2c: {  	p0 =	por $0x1, $0x1;
	s9 =	rddreg [dreg:$0x12]  }
0x2d: {  	[tilespmem:s4], [sflag:$0x7] =	stream.linear.gather [hbm4b:s9+s4], $0x100, $0x38;
	[tilespmem:$0x1FA00] =	vst v63  }
0x2e: {  	p0 =	por p0, p0;
	s10 =	rddreg [dreg:$0x13]  }
0x2f: {  	[tilespmem:s16], [sflag:$0x8] =	stream.linear.gather [hbm4b:s10+s4], $0x100, $0x38;
	[tilespmem:$0x1FA00] =	vst v63  }
0x30: {  	s8 =	simm.s32 @!p0 $0x4;
	s11 =	rddreg [dreg:$0x14]  }
0x31: {  	[tilespmem:s17], [sflag:$0x9] =	stream.linear.gather [hbm4b:s11+s4], $0x100, $0x38;
	[tilespmem:$0x1FA00] =	vst v63  }
0x32: {  	_ =	swait.ge @!p0 [sflag:s8], $0x3C00  }
0x33: {  	s12 =	rddreg [dreg:$0x8];
	[sflag:s8] =	ssyncset.done @!p0 $0x0  }
0x34: {  	s11 =	rddreg [dreg:$0x9];
	[sflag:s8] =	ssyncadd.s32 @!p0 $0xFFFFC400;
	s13 =	sadd.s32 $0x0, s12  }
0x35: {  	[tilespmem:s11], [sflag:$0xA] =	stream.linear.gather [hbm4b:s13+s4], $0x100, $0x38;
	[tilespmem:$0x1FA00] =	vst v63  }
0x36: {  	_ =	swait.ge [sflag:s18], $0x100  }
0x37: {  	[sflag:s18] =	ssyncset.done $0x0  }
0x38: {  	s8 =	simm.s32 @!p0 $0x5;
	[sflag:s18] =	ssyncadd.s32 $0xFFFFFF00  }
0x39: {  	[tilespmem:s20], [sflag:$0x1] =	stream.indirect.gather [hbm4b:s5+s19], $0x80, s4, s19, $0xb8;
	[tilespmem:$0x1FA00] =	vst v63  }
0x3a: {  	_ =	swait.ge @!p0 [sflag:s8], $0x3C00  }
0x3b: {  	s14 =	rddreg [dreg:$0x7];
	[sflag:s8] =	ssyncset.done @!p0 $0x0  }
0x3c: {  	[sflag:s8] =	ssyncadd.s32 @!p0 $0xFFFFC400;
	s15 =	sadd.s32 $0x0, s14  }
0x3d: {  	[tilespmem:s21], [sflag:$0xB] =	stream.linear.gather [hbm4b:s15+s4], $0x100, $0x38;
	[tilespmem:$0x1FA00] =	vst v63  }
0x3e: {  	_ =	swait.ge [sflag:s22], $0x100  }
0x3f: {  	[sflag:s22] =	ssyncset.done $0x0  }
0x40: {  	s8 =	simm.s32 @!p0 $0x6;
	[sflag:s22] =	ssyncadd.s32 $0xFFFFFF00  }
0x41: {  	[tilespmem:s23], [sflag:$0x2] =	stream.indirect.gather [hbm4b:s5+s19], $0x80, s16, s19, $0xb8;
	[tilespmem:$0x1FA00] =	vst v63  }
0x42: {  	_ =	swait.ge @!p0 [sflag:s8], $0x3C00  }
0x43: {  	s7 =	rddreg [dreg:$0x6];
	[sflag:s8] =	ssyncset.done @!p0 $0x0  }
0x44: {  	[sflag:s8] =	ssyncadd.s32 @!p0 $0xFFFFC400;
	s10 =	sadd.s32 $0x0, s7  }
0x45: {  	[tilespmem:s24], [sflag:$0xC] =	stream.linear.gather [hbm4b:s10+s4], $0x100, $0x38;
	[tilespmem:$0x1FA00] =	vst v63  }
0x46: {  	_ =	swait.ge [sflag:s25], $0x100  }
0x47: {  	[sflag:s25] =	ssyncset.done $0x0  }
0x48: {  	[sflag:s25] =	ssyncadd.s32 $0xFFFFFF00  }
0x49: {  	[tilespmem:s26], [sflag:$0x3] =	stream.indirect.gather [hbm4b:s5+s19], $0x80, s17, s19, $0xb8;
	[tilespmem:$0x1FA00] =	vst v63  }
0x4a: {  	_ =	swait.ge [sflag:s28], $0x3C00  }
0x4b: {  	[sflag:s28] =	ssyncset.done $0x0  }
0x4c: {  	s11 =	rddreg [dreg:$0xa];
	[sflag:s28] =	ssyncadd.s32 $0xFFFFC400  }
0x4d: {  	[spmem:s3] =	stream.indirect.scatter.add.f32 [tilespmem:s20], [sflag:$0x4], $0x80, s11, s19, $0xb8;
	[tilespmem:$0x1FA00] =	vst v63  }
0x4e: {  	_ =	swait.ge [sflag:s29], $0x3C00  }
0x4f: {  	[sflag:s29] =	ssyncset.done $0x0  }
0x50: {  	s12 =	rddreg [dreg:$0xb];
	[sflag:s29] =	ssyncadd.s32 $0xFFFFC400  }
0x51: {  	[spmem:s3] =	stream.indirect.scatter.add.f32 [tilespmem:s23], [sflag:$0x5], $0x80, s12, s19, $0xb8;
	[tilespmem:$0x1FA00] =	vst v63  }
0x52: {  	_ =	swait.ge [sflag:s30], $0x3C00  }
0x53: {  	[sflag:s30] =	ssyncset.done $0x0  }
0x54: {  	s13 =	rddreg [dreg:$0xc];
	[sflag:s30] =	ssyncadd.s32 $0xFFFFC400  }
0x55: {  	[spmem:s3] =	stream.indirect.scatter.add.f32 [tilespmem:s26], [sflag:$0x6], $0x80, s13, s19, $0xb8;
	[tilespmem:$0x1FA00] =	vst v63  }
0x56: {  	_ =	swait.ge [sflag:s31], $0x3C00  }
0x57: {  	p0 =	por $0x0, $0x0;
	[sflag:s31] =	ssyncset.done $0x0  }
0x58: {  	s8 =	simm.s32 @p0 $0xA;
	[sflag:s31] =	ssyncadd.s32 $0xFFFFC400  }
0x59: {  	_ =	swait.ge @p0 [sflag:s8], $0x100  }
0x5a: {  	s9 =	simm.s32 @p0 $0x600;
	s11 =	simm.s32 @p0 $0x5;
	[sflag:s8] =	ssyncset.done @p0 $0x0  }
0x5b: {  	s12 =	simm.s32 @p0 $0x100;
	[sflag:s8] =	ssyncadd.s32 @p0 $0xFFFFFF00;
	s8 =	simm.s32 @p0 $0x78  }
0x5c: {  	[tilespmem:s9], [sflag:$0x1] =	stream.indirect.gather @p0 [hbm4b:s5+s8], $0x80, s12, s8, $0xb8;
	[tilespmem:$0x1FA00] =	vst v63  }
0x5d: {  	s7 =	rddreg [dreg:$0x17];
	_ =	swait.ge @p0 [sflag:s11], $0x3C00  }
0x5e: {  	s8 =	sshrl.u32 @!p0 s7, $0x3;
	s9 =	simm.s32 @!p0 $0x0;
	[sflag:s11] =	ssyncset.done @p0 $0x0  }
0x5f: {  	s8 =	sadd.s32 @!p0 s2, s8;
	[sflag:s11] =	ssyncadd.s32 @p0 $0xFFFFC400;
	s11 =	simm.s32 @!p0 $0xA  }
0x60: {  	[tilespmem:s9], [sflag:$0x7] =	stream.linear.gather @!p0 [hbm4b:s8+s9], $0x100, $0x38;
	[tilespmem:$0x1FA00] =	vst v63  }
0x61: {  	_ =	swait.ge @!p0 [sflag:s11], $0x100  }
0x62: {  	s12 =	simm.s32 @!p0 $0x100;
	[sflag:s11] =	ssyncset.done @!p0 $0x0  }
0x63: {  	s8 =	simm.s32 @!p0 $0x600;
	[sflag:s11] =	ssyncadd.s32 @!p0 $0xFFFFFF00;
	s11 =	simm.s32 @!p0 $0x78  }
0x64: {  	[tilespmem:s8], [sflag:$0x1] =	stream.indirect.gather @!p0 [hbm4b:s5+s11], $0x80, s12, s11, $0xb8;
	[tilespmem:$0x1FA00] =	vst v63  }
0x65: {  	s8 =	simm.s32 @!p0 $0x5  }
0x66: {  	_ =	swait.ge @!p0 [sflag:s8], $0x3C00  }
0x67: {  	s11 =	rddreg [dreg:$0x5];
	[sflag:s8] =	ssyncset.done @!p0 $0x0  }
0x68: {  	[sflag:s8] =	ssyncadd.s32 @!p0 $0xFFFFC400;
	s8 =	sadd.s32 @!p0 $0x0, s11;
	s11 =	simm.s32 @!p0 $0x200  }
0x69: {  	[tilespmem:s11], [sflag:$0x8] =	stream.linear.gather @!p0 [hbm4b:s8+s9], $0x100, $0x38;
	[tilespmem:$0x1FA00] =	vst v63  }
0x6a: {  	_ =	swait.ge [sflag:s0], $0x100  }
0x6b: {  	[sflag:s0] =	ssyncset.done $0x0  }
0x6c: {  	[sflag:s0] =	ssyncadd.s32 $0xFFFFFF00  }
0x6d: {  	[tilespmem:s23], [sflag:$0x2] =	stream.indirect.gather [hbm4b:s5+s19], $0x80, s21, s19, $0xb8;
	[tilespmem:$0x1FA00] =	vst v63  }
0x6e: {  	_ =	swait.ge [sflag:s1], $0x3C00  }
0x6f: {  	s8 =	rddreg [dreg:$0x4];
	[sflag:s1] =	ssyncset.done $0x0  }
0x70: {  	s11 =	simm.s32 @!p0 $0x400;
	[sflag:s1] =	ssyncadd.s32 $0xFFFFC400;
	s8 =	sadd.s32 @!p0 $0x0, s8  }
0x71: {  	[tilespmem:s11], [sflag:$0x9] =	stream.linear.gather @!p0 [hbm4b:s8+s9], $0x100, $0x38;
	[tilespmem:$0x1FA00] =	vst v63  }
0x72: {  	_ =	swait.ge [sflag:s6], $0x100  }
0x73: {  	[sflag:s6] =	ssyncset.done $0x0  }
0x74: {  	[sflag:s6] =	ssyncadd.s32 $0xFFFFFF00  }
0x75: {  	[tilespmem:s26], [sflag:$0x3] =	stream.indirect.gather [hbm4b:s5+s19], $0x80, s24, s19, $0xb8;
	[tilespmem:$0x1FA00] =	vst v63  }
0x76: {  	_ =	swait.ge [sflag:s28], $0x3C00  }
0x77: {  	[sflag:s28] =	ssyncset.done $0x0  }
0x78: {  	s14 =	rddreg [dreg:$0xd];
	[sflag:s28] =	ssyncadd.s32 $0xFFFFC400  }
0x79: {  	[spmem:s3] =	stream.indirect.scatter.add.f32 [tilespmem:s20], [sflag:$0x4], $0x80, s14, s19, $0xb8;
	[tilespmem:$0x1FA00] =	vst v63  }
0x7a: {  	_ =	swait.ge [sflag:s29], $0x3C00  }
0x7b: {  	[sflag:s29] =	ssyncset.done $0x0  }
0x7c: {  	s15 =	rddreg [dreg:$0xe];
	[sflag:s29] =	ssyncadd.s32 $0xFFFFC400  }
0x7d: {  	[spmem:s3] =	stream.indirect.scatter.add.f32 [tilespmem:s23], [sflag:$0x5], $0x80, s15, s19, $0xb8;
	[tilespmem:$0x1FA00] =	vst v63  }
0x7e: {  	p6 =	por $0x0, $0x0;
	s12 =	sadd.s32 $0x600, s7;
	_ =	swait.ge [sflag:s30], $0x3C00  }
0x7f: {  	s11 =	simm.s32 $0xC0;
	s8 =	simm.s32 $0x180;
	[sflag:s30] =	ssyncset.done $0x0  }
0x80: {  	p0 =	por p6, p6;
	s9 =	rddreg [dreg:$0xf];
	[sflag:s30] =	ssyncadd.s32 $0xFFFFC400  }
.LBB2_2:
0x81: {  	[spmem:s3] =	stream.indirect.scatter.add.f32 [tilespmem:s26], [sflag:$0x6], $0x80, s9, s19, $0xb8;
	[tilespmem:$0x1FA00] =	vst v63  }
0x82: {  	s7 =	simm.s32 @!p0 $0x4  }
0x83: {  	_ =	swait.ge @!p0 [sflag:s7], $0x3C00  }
0x84: {  	[sflag:s7] =	ssyncset.done @!p0 $0x0;
	s13 =	rddreg [dreg:$0x8]  }
0x85: {  	s10 =	rddreg [dreg:$0x9];
	[sflag:s7] =	ssyncadd.s32 @!p0 $0xFFFFC400;
	s13 =	sadd.s32 s11, s13  }
0x86: {  	[tilespmem:s10], [sflag:$0xA] =	stream.linear.gather [hbm4b:s13+s4], $0x100, $0x38;
	[tilespmem:$0x1FA00] =	vst v63  }
0x87: {  	_ =	swait.ge [sflag:s18], $0x100  }
0x88: {  	[sflag:s18] =	ssyncset.done $0x0  }
0x89: {  	s7 =	simm.s32 @!p0 $0x5;
	[sflag:s18] =	ssyncadd.s32 $0xFFFFFF00  }
0x8a: {  	[tilespmem:s20], [sflag:$0x1] =	stream.indirect.gather [hbm4b:s5+s19], $0x80, s4, s19, $0xb8;
	[tilespmem:$0x1FA00] =	vst v63  }
0x8b: {  	_ =	swait.ge @!p0 [sflag:s7], $0x3C00  }
0x8c: {  	s14 =	rddreg [dreg:$0x7];
	[sflag:s7] =	ssyncset.done @!p0 $0x0  }
0x8d: {  	[sflag:s7] =	ssyncadd.s32 @!p0 $0xFFFFC400;
	s15 =	sadd.s32 s11, s14  }
0x8e: {  	[tilespmem:s21], [sflag:$0xB] =	stream.linear.gather [hbm4b:s15+s4], $0x100, $0x38;
	[tilespmem:$0x1FA00] =	vst v63  }
0x8f: {  	_ =	swait.ge [sflag:s22], $0x100  }
0x90: {  	[sflag:s22] =	ssyncset.done $0x0  }
0x91: {  	s7 =	simm.s32 @!p0 $0x6;
	[sflag:s22] =	ssyncadd.s32 $0xFFFFFF00  }
0x92: {  	[tilespmem:s23], [sflag:$0x2] =	stream.indirect.gather [hbm4b:s5+s19], $0x80, s16, s19, $0xb8;
	[tilespmem:$0x1FA00] =	vst v63  }
0x93: {  	_ =	swait.ge @!p0 [sflag:s7], $0x3C00  }
0x94: {  	s10 =	rddreg [dreg:$0x6];
	[sflag:s7] =	ssyncset.done @!p0 $0x0  }
0x95: {  	[sflag:s7] =	ssyncadd.s32 @!p0 $0xFFFFC400;
	s14 =	sadd.s32 s11, s10  }
0x96: {  	[tilespmem:s24], [sflag:$0xC] =	stream.linear.gather [hbm4b:s14+s4], $0x100, $0x38;
	[tilespmem:$0x1FA00] =	vst v63  }
0x97: {  	_ =	swait.ge [sflag:s25], $0x100  }
0x98: {  	[sflag:s25] =	ssyncset.done $0x0  }
0x99: {  	[sflag:s25] =	ssyncadd.s32 $0xFFFFFF00  }
0x9a: {  	[tilespmem:s26], [sflag:$0x3] =	stream.indirect.gather [hbm4b:s5+s19], $0x80, s17, s19, $0xb8;
	[tilespmem:$0x1FA00] =	vst v63  }
0x9b: {  	_ =	swait.ge [sflag:s28], $0x3C00  }
0x9c: {  	[sflag:s28] =	ssyncset.done $0x0  }
0x9d: {  	s15 =	rddreg [dreg:$0xa];
	[sflag:s28] =	ssyncadd.s32 $0xFFFFC400  }
0x9e: {  	[spmem:s3] =	stream.indirect.scatter.add.f32 [tilespmem:s20], [sflag:$0x4], $0x80, s15, s19, $0xb8;
	[tilespmem:$0x1FA00] =	vst v63  }
0x9f: {  	_ =	swait.ge [sflag:s29], $0x3C00  }
0xa0: {  	[sflag:s29] =	ssyncset.done $0x0  }
0xa1: {  	s10 =	rddreg [dreg:$0xb];
	[sflag:s29] =	ssyncadd.s32 $0xFFFFC400  }
0xa2: {  	[spmem:s3] =	stream.indirect.scatter.add.f32 [tilespmem:s23], [sflag:$0x5], $0x80, s10, s19, $0xb8;
	[tilespmem:$0x1FA00] =	vst v63  }
0xa3: {  	_ =	swait.ge [sflag:s30], $0x3C00  }
0xa4: {  	[sflag:s30] =	ssyncset.done $0x0  }
0xa5: {  	s9 =	smov.u32 s8;
	s13 =	rddreg [dreg:$0xc];
	[sflag:s30] =	ssyncadd.s32 $0xFFFFC400  }
0xa6: {  	[spmem:s3] =	stream.indirect.scatter.add.f32 [tilespmem:s26], [sflag:$0x6], $0x80, s13, s19, $0xb8;
	[tilespmem:$0x1FA00] =	vst v63  }
0xa7: {  	p2 =	seq.s32 s9, $0x0;
	_ =	swait.ge [sflag:s31], $0x3C00  }
0xa8: {  	p0 =	por p2, p2;
	p2 =	seq.s32 s11, $0x9C0;
	[sflag:s31] =	ssyncset.done $0x0  }
0xa9: {  	s7 =	simm.s32 @p2 $0xA;
	[sflag:s31] =	ssyncadd.s32 $0xFFFFC400  }
0xaa: {  	_ =	swait.ge @p2 [sflag:s7], $0x100  }
0xab: {  	s14 =	simm.s32 @p2 $0x600;
	s15 =	simm.s32 @p2 $0x5;
	[sflag:s7] =	ssyncset.done @p2 $0x0  }
0xac: {  	s10 =	simm.s32 @p2 $0x100;
	[sflag:s7] =	ssyncadd.s32 @p2 $0xFFFFFF00;
	s7 =	simm.s32 @p2 $0x78  }
0xad: {  	[tilespmem:s14], [sflag:$0x1] =	stream.indirect.gather @p2 [hbm4b:s5+s7], $0x80, s10, s7, $0xb8;
	[tilespmem:$0x1FA00] =	vst v63  }
0xae: {  	s13 =	sshrl.u32 @!p2 s12, $0x3;
	_ =	swait.ge @p2 [sflag:s15], $0x3C00  }
0xaf: {  	s13 =	sadd.s32 @!p2 s2, s13;
	[sflag:s15] =	ssyncset.done @p2 $0x0  }
0xb0: {  	s7 =	simm.s32 @!p2 $0x0;
	s10 =	simm.s32 @!p2 $0xA;
	[sflag:s15] =	ssyncadd.s32 @p2 $0xFFFFC400  }
0xb1: {  	[tilespmem:s7], [sflag:$0x7] =	stream.linear.gather @!p2 [hbm4b:s13+s7], $0x100, $0x38;
	[tilespmem:$0x1FA00] =	vst v63  }
0xb2: {  	_ =	swait.ge @!p2 [sflag:s10], $0x100  }
0xb3: {  	s14 =	simm.s32 @!p2 $0x5;
	s15 =	simm.s32 @!p2 $0x100;
	[sflag:s10] =	ssyncset.done @!p2 $0x0  }
0xb4: {  	s13 =	simm.s32 @!p2 $0x600;
	[sflag:s10] =	ssyncadd.s32 @!p2 $0xFFFFFF00;
	s10 =	simm.s32 @!p2 $0x78  }
0xb5: {  	[tilespmem:s13], [sflag:$0x1] =	stream.indirect.gather @!p2 [hbm4b:s5+s10], $0x80, s15, s10, $0xb8;
	[tilespmem:$0x1FA00] =	vst v63  }
0xb6: {  	_ =	swait.ge @!p2 [sflag:s14], $0x3C00  }
0xb7: {  	s10 =	rddreg [dreg:$0x5];
	[sflag:s14] =	ssyncset.done @!p2 $0x0  }
0xb8: {  	s13 =	simm.s32 @!p2 $0x200;
	[sflag:s14] =	ssyncadd.s32 @!p2 $0xFFFFC400;
	s10 =	sadd.s32 @!p2 s11, s10  }
0xb9: {  	[tilespmem:s13], [sflag:$0x8] =	stream.linear.gather @!p2 [hbm4b:s10+s7], $0x100, $0x38;
	[tilespmem:$0x1FA00] =	vst v63  }
0xba: {  	_ =	swait.ge [sflag:s0], $0x100  }
0xbb: {  	[sflag:s0] =	ssyncset.done $0x0  }
0xbc: {  	[sflag:s0] =	ssyncadd.s32 $0xFFFFFF00  }
0xbd: {  	[tilespmem:s23], [sflag:$0x2] =	stream.indirect.gather [hbm4b:s5+s19], $0x80, s21, s19, $0xb8;
	[tilespmem:$0x1FA00] =	vst v63  }
0xbe: {  	_ =	swait.ge [sflag:s1], $0x3C00  }
0xbf: {  	s10 =	rddreg [dreg:$0x4];
	[sflag:s1] =	ssyncset.done $0x0  }
0xc0: {  	[sflag:s1] =	ssyncadd.s32 $0xFFFFC400;
	s10 =	sadd.s32 @!p2 s11, s10;
	s11 =	simm.s32 @!p2 $0x400  }
0xc1: {  	[tilespmem:s11], [sflag:$0x9] =	stream.linear.gather @!p2 [hbm4b:s10+s7], $0x100, $0x38;
	[tilespmem:$0x1FA00] =	vst v63  }
0xc2: {  	_ =	swait.ge [sflag:s6], $0x100  }
0xc3: {  	[sflag:s6] =	ssyncset.done $0x0  }
0xc4: {  	[sflag:s6] =	ssyncadd.s32 $0xFFFFFF00  }
0xc5: {  	[tilespmem:s26], [sflag:$0x3] =	stream.indirect.gather [hbm4b:s5+s19], $0x80, s24, s19, $0xb8;
	[tilespmem:$0x1FA00] =	vst v63  }
0xc6: {  	_ =	swait.ge [sflag:s28], $0x3C00  }
0xc7: {  	[sflag:s28] =	ssyncset.done $0x0  }
0xc8: {  	s14 =	rddreg [dreg:$0xd];
	[sflag:s28] =	ssyncadd.s32 $0xFFFFC400  }
0xc9: {  	[spmem:s3] =	stream.indirect.scatter.add.f32 [tilespmem:s20], [sflag:$0x4], $0x80, s14, s19, $0xb8;
	[tilespmem:$0x1FA00] =	vst v63  }
0xca: {  	s8 =	sadd.s32 $0xC0, s8;
	_ =	swait.ge [sflag:s29], $0x3C00  }
0xcb: {  	p1 =	sne.s32 s8, $0xA80;
	[sflag:s29] =	ssyncset.done $0x0  }
.Ltmp0:
0xcc: {  	s15 =	rddreg [dreg:$0xe];
	[sflag:s29] =	ssyncadd.s32 $0xFFFFC400;
	(pc) =	sbr.rel @p1 .LBB2_2-.Ltmp0, $4  }
0xcd: {  	[spmem:s3] =	stream.indirect.scatter.add.f32 [tilespmem:s23], [sflag:$0x5], $0x80, s15, s19, $0xb8;
	[tilespmem:$0x1FA00] =	vst v63  }
0xce: {  	_ =	swait.ge [sflag:s30], $0x3C00  }
0xcf: {  	s12 =	sadd.s32 $0x600, s12;
	[sflag:s30] =	ssyncset.done $0x0  }
0xd0: {  	s11 =	smov.u32 s9;
	s9 =	rddreg [dreg:$0xf];
	[sflag:s30] =	ssyncadd.s32 $0xFFFFC400  }
0xd1: {  	[spmem:s3] =	stream.indirect.scatter.add.f32 [tilespmem:s26], [sflag:$0x6], $0x80, s9, s19, $0xb8;
	[tilespmem:$0x1FA00] =	vst v63  }
0xd2: {  	s7 =	simm.s32 @!p0 $0x4  }
0xd3: {  	_ =	swait.ge @!p0 [sflag:s7], $0x3C00  }
0xd4: {  	s8 =	rddreg [dreg:$0x8];
	[sflag:s7] =	ssyncset.done @!p0 $0x0  }
0xd5: {  	s13 =	rddreg [dreg:$0x9];
	[sflag:s7] =	ssyncadd.s32 @!p0 $0xFFFFC400;
	s14 =	sadd.s32 s11, s8  }
0xd6: {  	[tilespmem:s13], [sflag:$0xA] =	stream.linear.gather [hbm4b:s14+s4], $0x100, $0x38;
	[tilespmem:$0x1FA00] =	vst v63  }
0xd7: {  	_ =	swait.ge [sflag:s18], $0x100  }
0xd8: {  	[sflag:s18] =	ssyncset.done $0x0  }
0xd9: {  	s7 =	simm.s32 @!p0 $0x5;
	[sflag:s18] =	ssyncadd.s32 $0xFFFFFF00  }
0xda: {  	[tilespmem:s20], [sflag:$0x1] =	stream.indirect.gather [hbm4b:s5+s19], $0x80, s4, s19, $0xb8;
	[tilespmem:$0x1FA00] =	vst v63  }
0xdb: {  	_ =	swait.ge @!p0 [sflag:s7], $0x3C00  }
0xdc: {  	s15 =	rddreg [dreg:$0x7];
	[sflag:s7] =	ssyncset.done @!p0 $0x0  }
0xdd: {  	[sflag:s7] =	ssyncadd.s32 @!p0 $0xFFFFC400;
	s9 =	sadd.s32 s11, s15  }
0xde: {  	[tilespmem:s21], [sflag:$0xB] =	stream.linear.gather [hbm4b:s9+s4], $0x100, $0x38;
	[tilespmem:$0x1FA00] =	vst v63  }
0xdf: {  	_ =	swait.ge [sflag:s22], $0x100  }
0xe0: {  	[sflag:s22] =	ssyncset.done $0x0  }
0xe1: {  	s7 =	simm.s32 @!p0 $0x6;
	[sflag:s22] =	ssyncadd.s32 $0xFFFFFF00  }
0xe2: {  	[tilespmem:s23], [sflag:$0x2] =	stream.indirect.gather [hbm4b:s5+s19], $0x80, s16, s19, $0xb8;
	[tilespmem:$0x1FA00] =	vst v63  }
0xe3: {  	_ =	swait.ge @!p0 [sflag:s7], $0x3C00  }
0xe4: {  	s10 =	rddreg [dreg:$0x6];
	[sflag:s7] =	ssyncset.done @!p0 $0x0  }
0xe5: {  	[sflag:s7] =	ssyncadd.s32 @!p0 $0xFFFFC400;
	s13 =	sadd.s32 s11, s10  }
0xe6: {  	[tilespmem:s24], [sflag:$0xC] =	stream.linear.gather [hbm4b:s13+s4], $0x100, $0x38;
	[tilespmem:$0x1FA00] =	vst v63  }
0xe7: {  	_ =	swait.ge [sflag:s25], $0x100  }
0xe8: {  	[sflag:s25] =	ssyncset.done $0x0  }
0xe9: {  	[sflag:s25] =	ssyncadd.s32 $0xFFFFFF00  }
0xea: {  	[tilespmem:s26], [sflag:$0x3] =	stream.indirect.gather [hbm4b:s5+s19], $0x80, s17, s19, $0xb8;
	[tilespmem:$0x1FA00] =	vst v63  }
0xeb: {  	_ =	swait.ge [sflag:s28], $0x3C00  }
0xec: {  	[sflag:s28] =	ssyncset.done $0x0  }
0xed: {  	s14 =	rddreg [dreg:$0xa];
	[sflag:s28] =	ssyncadd.s32 $0xFFFFC400  }
0xee: {  	[spmem:s3] =	stream.indirect.scatter.add.f32 [tilespmem:s20], [sflag:$0x4], $0x80, s14, s19, $0xb8;
	[tilespmem:$0x1FA00] =	vst v63  }
0xef: {  	_ =	swait.ge [sflag:s29], $0x3C00  }
0xf0: {  	[sflag:s29] =	ssyncset.done $0x0  }
0xf1: {  	s15 =	rddreg [dreg:$0xb];
	[sflag:s29] =	ssyncadd.s32 $0xFFFFC400  }
0xf2: {  	[spmem:s3] =	stream.indirect.scatter.add.f32 [tilespmem:s23], [sflag:$0x5], $0x80, s15, s19, $0xb8;
	[tilespmem:$0x1FA00] =	vst v63  }
0xf3: {  	_ =	swait.ge [sflag:s30], $0x3C00  }
0xf4: {  	[sflag:s30] =	ssyncset.done $0x0  }
0xf5: {  	s8 =	rddreg [dreg:$0xc];
	[sflag:s30] =	ssyncadd.s32 $0xFFFFC400  }
0xf6: {  	[spmem:s3] =	stream.indirect.scatter.add.f32 [tilespmem:s26], [sflag:$0x6], $0x80, s8, s19, $0xb8;
	[tilespmem:$0x1FA00] =	vst v63  }
0xf7: {  	_ =	swait.ge [sflag:s31], $0x3C00  }
0xf8: {  	p0 =	seq.s32 s11, $0x9C0;
	[sflag:s31] =	ssyncset.done $0x0  }
0xf9: {  	s7 =	simm.s32 @p0 $0xA;
	[sflag:s31] =	ssyncadd.s32 $0xFFFFC400  }
0xfa: {  	_ =	swait.ge @p0 [sflag:s7], $0x100  }
0xfb: {  	s9 =	simm.s32 @p0 $0x100;
	[sflag:s7] =	ssyncset.done @p0 $0x0  }
0xfc: {  	s8 =	simm.s32 @p0 $0x600;
	[sflag:s7] =	ssyncadd.s32 @p0 $0xFFFFFF00;
	s7 =	simm.s32 @p0 $0x78  }
0xfd: {  	[tilespmem:s8], [sflag:$0x1] =	stream.indirect.gather @p0 [hbm4b:s5+s7], $0x80, s9, s7, $0xb8;
	[tilespmem:$0x1FA00] =	vst v63  }
0xfe: {  	s7 =	simm.s32 @p0 $0x5  }
0xff: {  	_ =	swait.ge @p0 [sflag:s7], $0x3C00  }
0x100: {  	s8 =	sshrl.u32 @!p0 s12, $0x3;
	s9 =	simm.s32 @!p0 $0xA;
	[sflag:s7] =	ssyncset.done @p0 $0x0  }
0x101: {  	s8 =	sadd.s32 @!p0 s2, s8;
	[sflag:s7] =	ssyncadd.s32 @p0 $0xFFFFC400;
	s7 =	simm.s32 @!p0 $0x0  }
0x102: {  	[tilespmem:s7], [sflag:$0x7] =	stream.linear.gather @!p0 [hbm4b:s8+s7], $0x100, $0x38;
	[tilespmem:$0x1FA00] =	vst v63  }
0x103: {  	_ =	swait.ge @!p0 [sflag:s9], $0x100  }
0x104: {  	s10 =	simm.s32 @!p0 $0x100;
	[sflag:s9] =	ssyncset.done @!p0 $0x0  }
0x105: {  	s8 =	simm.s32 @!p0 $0x600;
	[sflag:s9] =	ssyncadd.s32 @!p0 $0xFFFFFF00;
	s9 =	simm.s32 @!p0 $0x78  }
0x106: {  	[tilespmem:s8], [sflag:$0x1] =	stream.indirect.gather @!p0 [hbm4b:s5+s9], $0x80, s10, s9, $0xb8;
	[tilespmem:$0x1FA00] =	vst v63  }
0x107: {  	s8 =	simm.s32 @!p0 $0x5  }
0x108: {  	_ =	swait.ge @!p0 [sflag:s8], $0x3C00  }
0x109: {  	s9 =	rddreg [dreg:$0x5];
	[sflag:s8] =	ssyncset.done @!p0 $0x0  }
0x10a: {  	[sflag:s8] =	ssyncadd.s32 @!p0 $0xFFFFC400;
	s8 =	sadd.s32 @!p0 s11, s9;
	s9 =	simm.s32 @!p0 $0x200  }
0x10b: {  	[tilespmem:s9], [sflag:$0x8] =	stream.linear.gather @!p0 [hbm4b:s8+s7], $0x100, $0x38;
	[tilespmem:$0x1FA00] =	vst v63  }
0x10c: {  	_ =	swait.ge [sflag:s0], $0x100  }
0x10d: {  	[sflag:s0] =	ssyncset.done $0x0  }
0x10e: {  	[sflag:s0] =	ssyncadd.s32 $0xFFFFFF00  }
0x10f: {  	[tilespmem:s23], [sflag:$0x2] =	stream.indirect.gather [hbm4b:s5+s19], $0x80, s21, s19, $0xb8;
	[tilespmem:$0x1FA00] =	vst v63  }
0x110: {  	_ =	swait.ge [sflag:s1], $0x3C00  }
0x111: {  	s8 =	rddreg [dreg:$0x4];
	[sflag:s1] =	ssyncset.done $0x0  }
0x112: {  	s9 =	simm.s32 @!p0 $0x400;
	[sflag:s1] =	ssyncadd.s32 $0xFFFFC400;
	s8 =	sadd.s32 @!p0 s11, s8  }
0x113: {  	[tilespmem:s9], [sflag:$0x9] =	stream.linear.gather @!p0 [hbm4b:s8+s7], $0x100, $0x38;
	[tilespmem:$0x1FA00] =	vst v63  }
0x114: {  	_ =	swait.ge [sflag:s6], $0x100  }
0x115: {  	[sflag:s6] =	ssyncset.done $0x0  }
0x116: {  	[sflag:s6] =	ssyncadd.s32 $0xFFFFFF00  }
0x117: {  	[tilespmem:s26], [sflag:$0x3] =	stream.indirect.gather [hbm4b:s5+s19], $0x80, s24, s19, $0xb8;
	[tilespmem:$0x1FA00] =	vst v63  }
0x118: {  	_ =	swait.ge [sflag:s28], $0x3C00  }
0x119: {  	[sflag:s28] =	ssyncset.done $0x0  }
0x11a: {  	s9 =	rddreg [dreg:$0xd];
	[sflag:s28] =	ssyncadd.s32 $0xFFFFC400  }
0x11b: {  	[spmem:s3] =	stream.indirect.scatter.add.f32 [tilespmem:s20], [sflag:$0x4], $0x80, s9, s19, $0xb8;
	[tilespmem:$0x1FA00] =	vst v63  }
0x11c: {  	_ =	swait.ge [sflag:s29], $0x3C00  }
0x11d: {  	[sflag:s29] =	ssyncset.done $0x0  }
0x11e: {  	s10 =	rddreg [dreg:$0xe];
	[sflag:s29] =	ssyncadd.s32 $0xFFFFC400  }
0x11f: {  	[spmem:s3] =	stream.indirect.scatter.add.f32 [tilespmem:s23], [sflag:$0x5], $0x80, s10, s19, $0xb8;
	[tilespmem:$0x1FA00] =	vst v63  }
0x120: {  	_ =	swait.ge [sflag:s30], $0x3C00  }
0x121: {  	[sflag:s30] =	ssyncset.done $0x0  }
0x122: {  	s11 =	rddreg [dreg:$0xf];
	[sflag:s30] =	ssyncadd.s32 $0xFFFFC400  }
0x123: {  	[spmem:s3] =	stream.indirect.scatter.add.f32 [tilespmem:s26], [sflag:$0x6], $0x80, s11, s19, $0xb8;
	[tilespmem:$0x1FA00] =	vst v63  }
0x124: {  	_ =	swait.ge [sflag:s31], $0x3C00  }
0x125: {  	[sflag:s31] =	ssyncset.done $0x0  }
0x126: {  	s12 =	simm.s32 $0x5;
	[sflag:s31] =	ssyncadd.s32 $0xFFFFC400  }
0x127: {  	_ =	swait.ge [sflag:s12], $0x3C00  }
0x128: {  	[sflag:s12] =	ssyncset.done $0x0  }
0x129: {  	[sflag:s12] =	ssyncadd.s32 $0xFFFFC400  }
0x12a: {  	_ =	swait.ge [sflag:s1], $0x3C00  }
0x12b: {  	[sflag:s1] =	ssyncset.done $0x0  }
0x12c: {  	[sflag:s1] =	ssyncadd.s32 $0xFFFFC400  }
0x12d: {  	[bflag:$0x0] =	sbarrier.arrive $0xFFFF  }
0x12e: {  	s12 =	rddreg [dreg:$0x11]  }
0x12f: {  	s13 =	rddreg [dreg:$0x15]  }
0x130: {  	s9 =	simm.s32 $0xD;
	s8 =	rddreg [dreg:$0x18]  }
0x131: {  	[hbm:s13], [sflag:s12] =	dma.local [spmem:s8], $0x2800  }
0x132: {  	_ =	swait.ge [sflag:s9], $0x2800  }
0x133: {  	s14 =	rddreg [dreg:$0x19]  }
0x134: {  	s15 =	rddreg [dreg:$0x16];
	s10 =	sadd.s32 $0x1, s14  }
0x135: {  	p0 =	sne.s32 s10, s15  }
.Ltmp1:
0x136: {  	_ = 	snop;
	(pc) =	sbr.rel @p0 .LBB2_1-.Ltmp1, $3  }
0x137: {  	_ =	sdelay $0x1  }
0x138: {  	[sflag:s9] =	ssyncset.done $0x0  }
0x139: {  	[sflag:s9] =	ssyncadd.s32 $0xFFFFD800  }
0x13a: {  	_ =	sfence.sel $0x180000  }
0x13b: {  	[bflag:$0x0] =	sbarrier.arrive $0xFFFF  }
0x13c: {  	_ =	strace $0x9000004A  }
0x13d: {  	s0 =	stileid.u32;
	[bflag:$0x2] =	sbarrier.arrive $0xFFFF  }
0x13e: {  	p0 =	sne.s32 s0, $0x0;
	s0 =	rddreg [dreg:$0x3]  }
0x13f: {  	s0 =	sadd.s32 @!p0 $0x100000, s0  }
0x140: {  	[sflag:s0] =	ssyncadd.tile.s32 @!p0 $0x1;
	_ =	shalt  }
.Lfunc_end2:
_tile_overlayer_lowered:
.L_overlay_start_2:
0x141: {  	(tag) =	ssettag $0x2  }
0x142: {  	s0 =	rddreg [dreg:$0x0];
	s2 =	stileid.u32  }
0x143: {  	s1 =	rddreg [dreg:$0x1];
	p0 =	sne.s32 s2, $0x0  }
0x144: {  	s3 =	rddreg [dreg:$0x2];
	[bflag:$0x3] =	sbarrier.arrive $0xFFFF;
	s2 =	simm.s32 @!p0 $0x1C0D  }
0x145: {  	[timem:s3], [sflag:s2] =	dma.local @!p0 [hbm:s0], s1  }
0x146: {  	s0 =	simm.s32 @!p0 $0xD  }
0x147: {  	_ =	swait.ge @!p0 [sflag:s0], s1  }
0x148: {  	s1 =	ssub.s32 @!p0 $0x0, s1;
	[sflag:s0] =	ssyncset.done @!p0 $0x0  }
0x149: {  	[sflag:s0] =	ssyncadd.s32 @!p0 s1  }
0x14a: {  	[bflag:$0x3] =	sbarrier.arrive $0xFFFF  }
0x14b: {  	_ =	shalt  }

// kernel: kernel.14.cloned.1.call-start
scs
__scs_entry_jumppad:
0x0: {  	(pc) =	sbr.rel $0x88, $3  }
0x1: {  	(tag) =	ssettag $0x0;
	lr =	simm.s32 $0x1  }
0x2: {  	[smem:$0x3F94] =	sst lr;
	_ =	strace $0xD0000000  }
0x3: {  	_ = 	snop  }
0x4: {  	_ = 	snop  }
0x5: {  	_ = 	snop  }
0x6: {  	_ = 	snop  }
0x7: {  	_ = 	snop  }
__scs_overlays_trampoline_lowered:
0x8: {  	[smem:$0x3FA3] =	sst s0  }
0x9: {  	[smem:$0x3FA4] =	sst s1  }
0xa: {  	[smem:$0x3FA5] =	sst s2  }
0xb: {  	[smem:$0x3FA6] =	sst s3  }
0xc: {  	[smem:$0x3FA7] =	sst s4  }
0xd: {  	[smem:$0x3FA8] =	sst s5  }
0xe: {  	[smem:$0x3FA9] =	sst s6  }
0xf: {  	[smem:$0x3FAA] =	sst s7  }
0x10: {  	[smem:$0x3FAB] =	sst s8  }
0x11: {  	[smem:$0x3FAC] =	sst s9;
	s0 =	simm.s32 @!p0 $0x0  }
0x12: {  	s1 =	sld [smem:$0x3F92];
	s0 =	simm.s32 @p0 $0x1  }
0x13: {  	[smem:$0x3FAD] =	sst s0;
	s0 =	simm.s32 @!p1 $0x0  }
0x14: {  	s2 =	sld [smem:$0x3F91];
	s0 =	simm.s32 @p1 $0x1  }
0x15: {  	[smem:$0x3FAE] =	sst s0;
	s0 =	simm.s32 @!p2 $0x0  }
0x16: {  	s3 =	sld [smem:$0x3FDB];
	s0 =	simm.s32 @p2 $0x1  }
0x17: {  	s4 =	simm.s32 $0x1BF5;
	[smem:$0x3FB0] =	sst s0  }
0x18: {  	s0 =	sld [smem:$0x3F93];
	_ =	swait.ge [sflag:s4], $0x0  }
0x19: {  	s7 =	sld [smem:$0x3F94]  }
0x1a: {  	s8 =	sadd.s32 $0xFFFFE003, lr  }
0x1b: {  	s9 =	sadd.s32 $0xFFFFFEF7, lr;
	s5 =	simm.s32 $0xFFFFFFFF;
	p2 =	slt.u32 s8, $0xFFFFF086  }
0x1c: {  	p1 =	slt.u32 s9, $0xF7A;
	s5 =	simm.s32 @!p2 $0x0  }
0x1d: {  	s5 =	simm.s32 @p1 $0x1;
	p0 =	seq.s32 s7, s2  }
0x1e: {  	s7 =	smul.u32 @!p0 $0xF7A, s2;
	p2 =	seq.s32 @!p0 s5, $0x0  }
0x1f: {  	s9 =	smul.u32 $0xF7A, s1;
	s8 =	simm.s32 @!p0 $0x1BF5;
	p2 =	por !p2, p0  }
0x20: {  	[sflag:s8] =	ssyncset.s32 @!p0 $0xFFFFF086;
	s6 =	sadd.s32 @!p0 s3, s7;
	s7 =	simm.s32 @!p0 $0x108  }
0x21: {  	s3 =	sadd.s32 s3, s9;
	s6 =	sadd.s32 @!p0 $0x88, s6;
	s7 =	simm.s32 @p2 $0x1082  }
0x22: {  	[simem:s7], [sflag:s8] =	dma.local @!p0 [hbm:s6], $0xF7A  }
0x23: {  	s9 =	sor.u32 $0xD0000000, s2;
	s6 =	simm.s32 $0x108;
	_ =	swait.ge @!p0 [sflag:s8], $0x0  }
0x24: {  	s3 =	sadd.s32 $0x88, s3;
	s6 =	simm.s32 @!p1 $0x1082;
	[sflag:s4] =	ssyncset.s32 $0xFFFFF086  }
0x25: {  	[simem:s6], [sflag:s4] =	dma.local [hbm:s3], $0xF7A  }
0x26: {  	[smem:$0x3F94] =	sst s1;
	(tag) =	ssettag s2;
	_ =	strace s9  }
0x27: {  	s1 =	sld [smem:$0x3FA4]  }
0x28: {  	s2 =	sld [smem:$0x3FA5]  }
0x29: {  	s4 =	sld [smem:$0x3FA7]  }
0x2a: {  	p0 =	seq.s32 s5, $0x0;
	s5 =	sld [smem:$0x3FA8]  }
0x2b: {  	s6 =	sld [smem:$0x3FA9]  }
0x2c: {  	s7 =	sld [smem:$0x3FAA]  }
0x2d: {  	s3 =	simm.s32 $0x108;
	s8 =	sld [smem:$0x3FAB]  }
0x2e: {  	s3 =	simm.s32 @!p0 $0x1082;
	s9 =	sld [smem:$0x3FAC]  }
0x2f: {  	lr =	sadd.s32 s0, s3;
	s0 =	sld [smem:$0x3FA3]  }
0x30: {  	s3 =	sld [smem:$0x3FA6]  }
0x31: {  	[smem:$0x3FAF] =	sst s10  }
0x32: {  	s10 =	sld [smem:$0x3FAD];
	_ =	sdelay $0x3  }
0x33: {  	p0 =	seq.s32 s10, $0x1;
	s10 =	sld [smem:$0x3FAF];
	_ =	sdelay $0x3  }
0x34: {  	[smem:$0x3FAF] =	sst s10  }
0x35: {  	s10 =	sld [smem:$0x3FAE];
	_ =	sdelay $0x3  }
0x36: {  	p1 =	seq.s32 s10, $0x1;
	s10 =	sld [smem:$0x3FAF];
	_ =	sdelay $0x3  }
0x37: {  	[smem:$0x3FAF] =	sst s10  }
0x38: {  	s10 =	sld [smem:$0x3FB0]  }
0x39: {  	_ = 	snop;
	(pc) =	sbr.ind lr, $3  }
0x3a: {  	_ = 	snop  }
0x3b: {  	_ = 	snop  }
0x3c: {  	p2 =	seq.s32 s10, $0x1;
	s10 =	sld [smem:$0x3FAF]  }
0x3d: {  	_ =	shalt  }
0x3e: {  	_ =	shalt  }
0x3f: {  	_ =	shalt  }
0x40: {  	_ =	shalt  }
0x41: {  	_ =	shalt  }
0x42: {  	_ =	shalt  }
0x43: {  	_ =	shalt  }
0x44: {  	_ =	shalt  }
0x45: {  	_ =	shalt  }
0x46: {  	_ =	shalt  }
0x47: {  	_ =	shalt  }
0x48: {  	_ =	shalt  }
0x49: {  	_ =	shalt  }
0x4a: {  	_ =	shalt  }
0x4b: {  	_ =	shalt  }
0x4c: {  	_ =	shalt  }
0x4d: {  	_ =	shalt  }
0x4e: {  	_ =	shalt  }
0x4f: {  	_ =	shalt  }
0x50: {  	_ =	shalt  }
0x51: {  	_ =	shalt  }
0x52: {  	_ =	shalt  }
0x53: {  	_ =	shalt  }
0x54: {  	_ =	shalt  }
0x55: {  	_ =	shalt  }
0x56: {  	_ =	shalt  }
0x57: {  	_ =	shalt  }
0x58: {  	_ =	shalt  }
0x59: {  	_ =	shalt  }
0x5a: {  	_ =	shalt  }
0x5b: {  	_ =	shalt  }
0x5c: {  	_ =	shalt  }
0x5d: {  	_ =	shalt  }
0x5e: {  	_ =	shalt  }
0x5f: {  	_ =	shalt  }
0x60: {  	_ =	shalt  }
0x61: {  	_ =	shalt  }
0x62: {  	_ =	shalt  }
0x63: {  	_ =	shalt  }
0x64: {  	_ =	shalt  }
0x65: {  	_ =	shalt  }
0x66: {  	_ =	shalt  }
0x67: {  	_ =	shalt  }
0x68: {  	_ =	shalt  }
0x69: {  	_ =	shalt  }
0x6a: {  	_ =	shalt  }
0x6b: {  	_ =	shalt  }
0x6c: {  	_ =	shalt  }
0x6d: {  	_ =	shalt  }
0x6e: {  	_ =	shalt  }
0x6f: {  	_ =	shalt  }
0x70: {  	_ =	shalt  }
0x71: {  	_ =	shalt  }
0x72: {  	_ =	shalt  }
0x73: {  	_ =	shalt  }
0x74: {  	_ =	shalt  }
0x75: {  	_ =	shalt  }
0x76: {  	_ =	shalt  }
0x77: {  	_ =	shalt  }
0x78: {  	_ =	shalt  }
0x79: {  	_ =	shalt  }
0x7a: {  	_ =	shalt  }
0x7b: {  	_ =	shalt  }
0x7c: {  	_ =	shalt  }
0x7d: {  	_ =	shalt  }
0x7e: {  	_ =	shalt  }
0x7f: {  	_ =	shalt  }
0x80: {  	_ =	shalt  }
0x81: {  	_ =	shalt  }
0x82: {  	_ =	shalt  }
0x83: {  	_ =	shalt  }
0x84: {  	_ =	shalt  }
0x85: {  	_ =	shalt  }
0x86: {  	_ =	shalt  }
0x87: {  	_ =	shalt  }
.Lfunc_end0:
.L_simem_size_0:
called_computation.2_lowered:
.L_overlay_start_0:
0x88: {  	s2 =	sld [smem:$0x3FD9]  }
0x89: {  	s3 =	sld [smem:$0x3FFE];
	_ =	sdelay $0x1  }
0x8a: {  	s1 =	srdreg.scid  }
0x8b: {  	s0 =	sand.u32 $0x1, s1  }
0x8c: {  	s14 =	sshll.u32 s0, $0xA;
	s2 =	sadd.s32 s3, s2  }
0x8d: {  	s2 =	sadd.s32 s2, s14  }
0x8e: {  	[smem:$0x3FBB] =	sst s2  }
0x8f: {  	_ = 	snop  }
0x90: {  	s2 =	sld [smem:$0x3FD0];
	_ =	sdelay $0x2  }
0x91: {  	s15 =	simm.s32 $0xA;
	s4 =	simm.s32 $0x10  }
0x92: {  	[smem:s4], [sflag:s15] =	dma.local [hbm:s2], $0x1  }
0x93: {  	_ =	swait.eq [sflag:s15], $0x1  }
0x94: {  	[sflag:s15] =	ssyncset.done $0x0  }
0x95: {  	[sflag:s15] =	ssyncadd.s32 $0xFFFFFFFF  }
0x96: {  	s16 =	sld [smem:$0x10];
	(tm) =	ssettm $0x1  }
0x97: {  	s17 =	sld [smem:$0x3FFB];
	_ =	sdelay $0x3  }
0x98: {  	_ =	strace s17  }
0x99: {  	s3 =	sld [smem:$0x3FFC];
	_ =	sdelay $0x3  }
0x9a: {  	_ =	strace s3  }
0x9b: {  	s3 =	sld [smem:$0x3FFD];
	_ =	sdelay $0x3  }
0x9c: {  	_ =	strace s3  }
0x9d: {  	_ =	strace $0x8FFFFFFF  }
0x9e: {  	s18 =	sld [smem:$0x3FDB];
	_ =	sdelay $0x1  }
0x9f: {  	s19 =	simm.s32 $_scs_section_size  }
0xa0: {  	s5 =	simm.s32 $_size__tile_overlayer_lowered;
	s6 =	simm.s32 $_tile_overlayer_lowered  }
0xa1: {  	s22 =	simm.s32 $0x1BFF;
	s21 =	sshll.u32 s6, $0x1;
	s3 =	sadd.s32 s19, s18  }
0xa2: {  	s7 =	simm.s32 $0x0;
	s20 =	sshll.u32 s5, $0x1;
	s5 =	sadd.s32 s21, s3  }
0xa3: {  	[timem:s7], [sflag:s22] =	dma.local [hbm:s5], s20  }
0xa4: {  	_ =	swait.ge [sflag:s22], s20  }
0xa5: {  	s4 =	ssub.s32 $0x0, s20;
	[sflag:s22] =	ssyncset.done $0x0  }
0xa6: {  	[sflag:s22] =	ssyncadd.s32 s4;
	_ =	sdelay $0x1  }
0xa7: {  	s23 =	simm.s32 $0x1B8B  }
0xa8: {  	_ =	swait.ge [sflag:s23], $0x1  }
0xa9: {  	[sflag:s23] =	ssyncset.done $0x0  }
0xaa: {  	s25 =	simm.s32 $0x1B8E;
	s24 =	sld [smem:$0x3FFE];
	[sflag:s23] =	ssyncadd.s32 $0xFFFFFFFF  }
0xab: {  	s26 =	simm.s32 $execute0_lowered;
	[smem:$0x3FD2] =	sst s25  }
0xac: {  	s5 =	sshll.u32 s26, $0x1;
	_ =	strace $0x8000004C;
	[dreg:$0x1] =	wrdreg $0xFFFFFFFF  }
0xad: {  	s28 =	simm.s32 $_size_execute0_lowered;
	s3 =	sadd.s32 s3, s5;
	[dreg:$0x0] =	wrdreg $0x0  }
0xae: {  	s5 =	sshll.u32 s28, $0x1;
	[dreg:$0x2] =	wrdreg s3  }
0xaf: {  	[dreg:$0x3] =	wrdreg s5  }
0xb0: {  	[dreg:$0x4] =	wrdreg $0xC0  }
0xb1: {  	_ =	task [dreg:s7], $0x5FFFF  }
0xb2: {  	[dreg:$0x1] =	wrdreg $0xFFFFFFFF  }
0xb3: {  	[dreg:$0x0] =	wrdreg $0x60  }
0xb4: {  	[dreg:$0x2] =	wrdreg s24  }
0xb5: {  	[dreg:$0x3] =	wrdreg s16  }
0xb6: {  	[dreg:$0x4] =	wrdreg $0xBA000  }
0xb7: {  	[dreg:$0x5] =	wrdreg $0x9  }
0xb8: {  	_ =	task.clear_ibuf [dreg:s7], $0x6FFFF;
	_ =	strace $0x9000004C  }
0xb9: {  	s29 =	simm.s32 $0x9;
	_ =	strace $0x8000004E  }
0xba: {  	_ =	swait.ge [sflag:s29], $0x1  }
0xbb: {  	[sflag:s29] =	ssyncadd.s32 $0xFFFFFFFF  }
0xbc: {  	_ =	strace $0x9000004E  }
0xbd: {  	_ =	sfence  }
0xbe: {  	s30 =	sld [smem:$0x0];
	_ =	sdelay $0x2  }
0xbf: {  	s31 =	sshll.u32 s1, $0xD;
	s1 =	sshrl.u32 s1, $0x2  }
0xc0: {  	s3 =	sand.u32 $0x4000, s31;
	s1 =	sadd.s32 s1, s30  }
0xc1: {  	s0 =	sor.u32 s3, s0;
	s1 =	sshll.u32 s1, $0x11  }
0xc2: {  	s0 =	sor.u32 s1, s0  }
0xc3: {  	s0 =	sadd.s32 $0x8F2B, s0  }
0xc4: {  	[sflag:s0] =	ssyncadd.remote.s32 $0x1  }
0xc5: {  	_ =	sfence.sel $0xFFFF  }
0xc6: {  	[dreg:$0x0] =	wrdreg $0xFFFFFFFF;
	(pc) =	sbr.abs _section_cstart, $3  }
0xc7: {  	[dreg:$0x1] =	wrdreg $0xFFFFFFFF  }
0xc8: {  	_ =	task.clear_ibuf [dreg:s7], $0x2FFFF;
	_ =	strace $0x9FFFFFFF  }
0xc9: {  	(tm) =	ssettm $0x7FFFFFFF  }
tec
execute0_lowered:
.L_overlay_start_1:
0x0: {  	(tag) =	ssettag $0x1  }
0x1: {  	s0 =	rddreg [dreg:$0x0]  }
0x2: {  	s2 =	rddreg [dreg:$0x1]  }
0x3: {  	s3 =	rddreg [dreg:$0x2];
	s4 =	simm.s32 $0x0  }
0x4: {  	s12 =	stileid.u32;
	s1 =	srdreg.scid;
	s28 =	simm.s32 $0x1  }
0x5: {  	s29 =	simm.s32 $0x2;
	s30 =	simm.s32 $0x3;
	s6 =	smul.u32 $0x14000, s12  }
0x6: {  	s31 =	simm.s32 $0x4;
	[smem:$0x7FF] =	sst s4;
	s18 =	smul.u32 $0x50000, s12  }
0x7: {  	s1 =	sand.u32 $0x1, s1;
	s5 =	sadd.s32 $0x2B400, s0;
	s11 =	smul.u32 $0x5400, s12  }
0x8: {  	s22 =	sshll.u32 s12, $0x6;
	_ =	strace $0x8000004D;
	s7 =	smul.u32 $0x140000, s1  }
0x9: {  	s9 =	sshll.u32 s1, $0x4;
	s19 =	ssub.s32 $0x2, s1;
	s1 =	smul.u32 $0x54000, s1  }
0xa: {  	s8 =	sshrl.u32 s6, $0x3;
	s9 =	sor.u32 s12, s9;
	s10 =	sshrl.u32 s19, $0x1  }
0xb: {  	s12 =	sor.u32 $0x1C0D, s22;
	s22 =	simm.s32 $0x280;
	s6 =	sadd.s32 s6, s7  }
0xc: {  	s8 =	sadd.s32 s8, s0;
	s9 =	smul.u32 $0x5400, s9;
	s7 =	sshrl.u32 s18, $0x2  }
0xd: {  	s1 =	sadd.s32 s11, s1;
	[dreg:$0xb] =	wrdreg s22;
	s22 =	simm.s32 $0x8  }
0xe: {  	[dreg:$0x11] =	wrdreg s12;
	s6 =	sshrl.u32 s6, $0x3;
	s20 =	sadd.s32 s7, s3  }
0xf: {  	s21 =	sadd.s32 $0x3400, s8;
	s25 =	sadd.s32 $0x800, s1;
	s11 =	sadd.s32 $0x700, s1  }
0x10: {  	s14 =	sadd.s32 $0x500, s1;
	s16 =	sadd.s32 $0x400, s1;
	s0 =	sadd.s32 s6, s0  }
0x11: {  	s6 =	ssub.s32 s19, s10;
	[dreg:$0x10] =	wrdreg s21;
	s23 =	sshrl.u32 s9, $0x3  }
0x12: {  	s9 =	sshrl.u32 s11, $0x3;
	s11 =	sor.u32 $0x300, s1;
	s1 =	sadd.s32 $0x600, s1  }
0x13: {  	s8 =	sshrl.u32 s25, $0x3;
	s21 =	simm.s32 $0x80;
	[dreg:$0x17] =	wrdreg s1  }
0x14: {  	s15 =	sshrl.u32 s14, $0x3;
	s25 =	simm.s32 $0x380;
	[dreg:$0xa] =	wrdreg s21  }
0x15: {  	s10 =	simm.s32 $0x0;
	s24 =	sadd.s32 s2, s23;
	[dreg:$0xe] =	wrdreg s25  }
0x16: {  	s8 =	sadd.s32 s8, s2;
	s13 =	sadd.s32 s9, s2;
	[dreg:$0x12] =	wrdreg s24  }
0x17: {  	s9 =	sshrl.u32 s16, $0x3;
	s18 =	sshrl.u32 s11, $0x3;
	[dreg:$0x4] =	wrdreg s8  }
0x18: {  	s0 =	sadd.s32 $0x53400, s0;
	s6 =	smax.u32 s6, $0x1;
	[dreg:$0x5] =	wrdreg s13  }
0x19: {  	s16 =	simm.s32 $0x200;
	s21 =	simm.s32 $0x300;
	[dreg:$0x15] =	wrdreg s0  }
0x1a: {  	s23 =	simm.s32 $0x480;
	s25 =	simm.s32 $0x9;
	[dreg:$0x16] =	wrdreg s6  }
0x1b: {  	s1 =	simm.s32 $0x6;
	s26 =	sadd.s32 $0x20, s24;
	[dreg:$0xc] =	wrdreg s23  }
0x1c: {  	s7 =	sadd.s32 $0x40, s24;
	s8 =	sadd.s32 s15, s2;
	[dreg:$0x13] =	wrdreg s26  }
0x1d: {  	s17 =	sadd.s32 s9, s2;
	s19 =	sadd.s32 s18, s2;
	[dreg:$0x14] =	wrdreg s7  }
0x1e: {  	s9 =	simm.s32 $0xD;
	s18 =	simm.s32 $0x7;
	[dreg:$0x6] =	wrdreg s8  }
0x1f: {  	s24 =	simm.s32 $0x180;
	s23 =	simm.s32 $0x4200;
	[dreg:$0x7] =	wrdreg s17  }
0x20: {  	s0 =	simm.s32 $0xB;
	s6 =	simm.s32 $0xC;
	[dreg:$0x8] =	wrdreg s19  }
0x21: {  	s8 =	sshrl.u32 s20, $0x3;
	s20 =	simm.s32 $0x100;
	[dreg:$0xd] =	wrdreg s24  }
0x22: {  	s17 =	simm.s32 $0x400;
	s26 =	simm.s32 $0x580;
	[dreg:$0x9] =	wrdreg s20  }
0x23: {  	s19 =	simm.s32 $0x78;
	s24 =	simm.s32 $0x500;
	[dreg:$0xf] =	wrdreg s26  }
0x24: {  	s20 =	simm.s32 $0x600;
	s26 =	simm.s32 $0x7E00;
	[dreg:$0x18] =	wrdreg s8  }
.LBB2_1:
0x25: {  	[dreg:$0x19] =	wrdreg s10  }
0x26: {  	s7 =	rddreg [dreg:$0x10]  }
0x27: {  	[spmem:s8], [sflag:s12] =	dma.local [hbm:s7], $0x2800  }
0x28: {  	_ =	swait.ge [sflag:s9], $0x2800  }
0x29: {  	[sflag:s9] =	ssyncset.done $0x0  }
0x2a: {  	[sflag:s9] =	ssyncadd.s32 $0xFFFFD800  }
0x2b: {  	[bflag:$0x0] =	sbarrier.arrive $0xFFFF  }
0x2c: {  	p0 =	por $0x1, $0x1;
	s9 =	rddreg [dreg:$0x12]  }
0x2d: {  	[tilespmem:s4], [sflag:$0x7] =	stream.linear.gather [hbm4b:s9+s4], $0x100, $0x38;
	[tilespmem:$0x1FA00] =	vst v63  }
0x2e: {  	p0 =	por p0, p0;
	s10 =	rddreg [dreg:$0x13]  }
0x2f: {  	[tilespmem:s16], [sflag:$0x8] =	stream.linear.gather [hbm4b:s10+s4], $0x100, $0x38;
	[tilespmem:$0x1FA00] =	vst v63  }
0x30: {  	s8 =	simm.s32 @!p0 $0x4;
	s11 =	rddreg [dreg:$0x14]  }
0x31: {  	[tilespmem:s17], [sflag:$0x9] =	stream.linear.gather [hbm4b:s11+s4], $0x100, $0x38;
	[tilespmem:$0x1FA00] =	vst v63  }
0x32: {  	_ =	swait.ge @!p0 [sflag:s8], $0x3C00  }
0x33: {  	s12 =	rddreg [dreg:$0x8];
	[sflag:s8] =	ssyncset.done @!p0 $0x0  }
0x34: {  	s11 =	rddreg [dreg:$0x9];
	[sflag:s8] =	ssyncadd.s32 @!p0 $0xFFFFC400;
	s13 =	sadd.s32 $0x0, s12  }
0x35: {  	[tilespmem:s11], [sflag:$0xA] =	stream.linear.gather [hbm4b:s13+s4], $0x100, $0x38;
	[tilespmem:$0x1FA00] =	vst v63  }
0x36: {  	_ =	swait.ge [sflag:s18], $0x100  }
0x37: {  	[sflag:s18] =	ssyncset.done $0x0  }
0x38: {  	s8 =	simm.s32 @!p0 $0x5;
	[sflag:s18] =	ssyncadd.s32 $0xFFFFFF00  }
0x39: {  	[tilespmem:s20], [sflag:$0x1] =	stream.indirect.gather [hbm4b:s5+s19], $0x80, s4, s19, $0xb8;
	[tilespmem:$0x1FA00] =	vst v63  }
0x3a: {  	_ =	swait.ge @!p0 [sflag:s8], $0x3C00  }
0x3b: {  	s14 =	rddreg [dreg:$0x7];
	[sflag:s8] =	ssyncset.done @!p0 $0x0  }
0x3c: {  	[sflag:s8] =	ssyncadd.s32 @!p0 $0xFFFFC400;
	s15 =	sadd.s32 $0x0, s14  }
0x3d: {  	[tilespmem:s21], [sflag:$0xB] =	stream.linear.gather [hbm4b:s15+s4], $0x100, $0x38;
	[tilespmem:$0x1FA00] =	vst v63  }
0x3e: {  	_ =	swait.ge [sflag:s22], $0x100  }
0x3f: {  	[sflag:s22] =	ssyncset.done $0x0  }
0x40: {  	s8 =	simm.s32 @!p0 $0x6;
	[sflag:s22] =	ssyncadd.s32 $0xFFFFFF00  }
0x41: {  	[tilespmem:s23], [sflag:$0x2] =	stream.indirect.gather [hbm4b:s5+s19], $0x80, s16, s19, $0xb8;
	[tilespmem:$0x1FA00] =	vst v63  }
0x42: {  	_ =	swait.ge @!p0 [sflag:s8], $0x3C00  }
0x43: {  	s7 =	rddreg [dreg:$0x6];
	[sflag:s8] =	ssyncset.done @!p0 $0x0  }
0x44: {  	[sflag:s8] =	ssyncadd.s32 @!p0 $0xFFFFC400;
	s10 =	sadd.s32 $0x0, s7  }
0x45: {  	[tilespmem:s24], [sflag:$0xC] =	stream.linear.gather [hbm4b:s10+s4], $0x100, $0x38;
	[tilespmem:$0x1FA00] =	vst v63  }
0x46: {  	_ =	swait.ge [sflag:s25], $0x100  }
0x47: {  	[sflag:s25] =	ssyncset.done $0x0  }
0x48: {  	[sflag:s25] =	ssyncadd.s32 $0xFFFFFF00  }
0x49: {  	[tilespmem:s26], [sflag:$0x3] =	stream.indirect.gather [hbm4b:s5+s19], $0x80, s17, s19, $0xb8;
	[tilespmem:$0x1FA00] =	vst v63  }
0x4a: {  	_ =	swait.ge [sflag:s28], $0x3C00  }
0x4b: {  	[sflag:s28] =	ssyncset.done $0x0  }
0x4c: {  	s11 =	rddreg [dreg:$0xa];
	[sflag:s28] =	ssyncadd.s32 $0xFFFFC400  }
0x4d: {  	[spmem:s3] =	stream.indirect.scatter.add.f32 [tilespmem:s20], [sflag:$0x4], $0x80, s11, s19, $0xb8;
	[tilespmem:$0x1FA00] =	vst v63  }
0x4e: {  	_ =	swait.ge [sflag:s29], $0x3C00  }
0x4f: {  	[sflag:s29] =	ssyncset.done $0x0  }
0x50: {  	s12 =	rddreg [dreg:$0xb];
	[sflag:s29] =	ssyncadd.s32 $0xFFFFC400  }
0x51: {  	[spmem:s3] =	stream.indirect.scatter.add.f32 [tilespmem:s23], [sflag:$0x5], $0x80, s12, s19, $0xb8;
	[tilespmem:$0x1FA00] =	vst v63  }
0x52: {  	_ =	swait.ge [sflag:s30], $0x3C00  }
0x53: {  	[sflag:s30] =	ssyncset.done $0x0  }
0x54: {  	s13 =	rddreg [dreg:$0xc];
	[sflag:s30] =	ssyncadd.s32 $0xFFFFC400  }
0x55: {  	[spmem:s3] =	stream.indirect.scatter.add.f32 [tilespmem:s26], [sflag:$0x6], $0x80, s13, s19, $0xb8;
	[tilespmem:$0x1FA00] =	vst v63  }
0x56: {  	_ =	swait.ge [sflag:s31], $0x3C00  }
0x57: {  	p0 =	por $0x0, $0x0;
	[sflag:s31] =	ssyncset.done $0x0  }
0x58: {  	s8 =	simm.s32 @p0 $0xA;
	[sflag:s31] =	ssyncadd.s32 $0xFFFFC400  }
0x59: {  	_ =	swait.ge @p0 [sflag:s8], $0x100  }
0x5a: {  	s9 =	simm.s32 @p0 $0x600;
	s11 =	simm.s32 @p0 $0x5;
	[sflag:s8] =	ssyncset.done @p0 $0x0  }
0x5b: {  	s12 =	simm.s32 @p0 $0x100;
	[sflag:s8] =	ssyncadd.s32 @p0 $0xFFFFFF00;
	s8 =	simm.s32 @p0 $0x78  }
0x5c: {  	[tilespmem:s9], [sflag:$0x1] =	stream.indirect.gather @p0 [hbm4b:s5+s8], $0x80, s12, s8, $0xb8;
	[tilespmem:$0x1FA00] =	vst v63  }
0x5d: {  	s7 =	rddreg [dreg:$0x17];
	_ =	swait.ge @p0 [sflag:s11], $0x3C00  }
0x5e: {  	s8 =	sshrl.u32 @!p0 s7, $0x3;
	s9 =	simm.s32 @!p0 $0x0;
	[sflag:s11] =	ssyncset.done @p0 $0x0  }
0x5f: {  	s8 =	sadd.s32 @!p0 s2, s8;
	[sflag:s11] =	ssyncadd.s32 @p0 $0xFFFFC400;
	s11 =	simm.s32 @!p0 $0xA  }
0x60: {  	[tilespmem:s9], [sflag:$0x7] =	stream.linear.gather @!p0 [hbm4b:s8+s9], $0x100, $0x38;
	[tilespmem:$0x1FA00] =	vst v63  }
0x61: {  	_ =	swait.ge @!p0 [sflag:s11], $0x100  }
0x62: {  	s12 =	simm.s32 @!p0 $0x100;
	[sflag:s11] =	ssyncset.done @!p0 $0x0  }
0x63: {  	s8 =	simm.s32 @!p0 $0x600;
	[sflag:s11] =	ssyncadd.s32 @!p0 $0xFFFFFF00;
	s11 =	simm.s32 @!p0 $0x78  }
0x64: {  	[tilespmem:s8], [sflag:$0x1] =	stream.indirect.gather @!p0 [hbm4b:s5+s11], $0x80, s12, s11, $0xb8;
	[tilespmem:$0x1FA00] =	vst v63  }
0x65: {  	s8 =	simm.s32 @!p0 $0x5  }
0x66: {  	_ =	swait.ge @!p0 [sflag:s8], $0x3C00  }
0x67: {  	s11 =	rddreg [dreg:$0x5];
	[sflag:s8] =	ssyncset.done @!p0 $0x0  }
0x68: {  	[sflag:s8] =	ssyncadd.s32 @!p0 $0xFFFFC400;
	s8 =	sadd.s32 @!p0 $0x0, s11;
	s11 =	simm.s32 @!p0 $0x200  }
0x69: {  	[tilespmem:s11], [sflag:$0x8] =	stream.linear.gather @!p0 [hbm4b:s8+s9], $0x100, $0x38;
	[tilespmem:$0x1FA00] =	vst v63  }
0x6a: {  	_ =	swait.ge [sflag:s0], $0x100  }
0x6b: {  	[sflag:s0] =	ssyncset.done $0x0  }
0x6c: {  	[sflag:s0] =	ssyncadd.s32 $0xFFFFFF00  }
0x6d: {  	[tilespmem:s23], [sflag:$0x2] =	stream.indirect.gather [hbm4b:s5+s19], $0x80, s21, s19, $0xb8;
	[tilespmem:$0x1FA00] =	vst v63  }
0x6e: {  	_ =	swait.ge [sflag:s1], $0x3C00  }
0x6f: {  	s8 =	rddreg [dreg:$0x4];
	[sflag:s1] =	ssyncset.done $0x0  }
0x70: {  	s11 =	simm.s32 @!p0 $0x400;
	[sflag:s1] =	ssyncadd.s32 $0xFFFFC400;
	s8 =	sadd.s32 @!p0 $0x0, s8  }
0x71: {  	[tilespmem:s11], [sflag:$0x9] =	stream.linear.gather @!p0 [hbm4b:s8+s9], $0x100, $0x38;
	[tilespmem:$0x1FA00] =	vst v63  }
0x72: {  	_ =	swait.ge [sflag:s6], $0x100  }
0x73: {  	[sflag:s6] =	ssyncset.done $0x0  }
0x74: {  	[sflag:s6] =	ssyncadd.s32 $0xFFFFFF00  }
0x75: {  	[tilespmem:s26], [sflag:$0x3] =	stream.indirect.gather [hbm4b:s5+s19], $0x80, s24, s19, $0xb8;
	[tilespmem:$0x1FA00] =	vst v63  }
0x76: {  	_ =	swait.ge [sflag:s28], $0x3C00  }
0x77: {  	[sflag:s28] =	ssyncset.done $0x0  }
0x78: {  	s14 =	rddreg [dreg:$0xd];
	[sflag:s28] =	ssyncadd.s32 $0xFFFFC400  }
0x79: {  	[spmem:s3] =	stream.indirect.scatter.add.f32 [tilespmem:s20], [sflag:$0x4], $0x80, s14, s19, $0xb8;
	[tilespmem:$0x1FA00] =	vst v63  }
0x7a: {  	_ =	swait.ge [sflag:s29], $0x3C00  }
0x7b: {  	[sflag:s29] =	ssyncset.done $0x0  }
0x7c: {  	s15 =	rddreg [dreg:$0xe];
	[sflag:s29] =	ssyncadd.s32 $0xFFFFC400  }
0x7d: {  	[spmem:s3] =	stream.indirect.scatter.add.f32 [tilespmem:s23], [sflag:$0x5], $0x80, s15, s19, $0xb8;
	[tilespmem:$0x1FA00] =	vst v63  }
0x7e: {  	p6 =	por $0x0, $0x0;
	s12 =	sadd.s32 $0x600, s7;
	_ =	swait.ge [sflag:s30], $0x3C00  }
0x7f: {  	s11 =	simm.s32 $0xC0;
	s8 =	simm.s32 $0x180;
	[sflag:s30] =	ssyncset.done $0x0  }
0x80: {  	p0 =	por p6, p6;
	s9 =	rddreg [dreg:$0xf];
	[sflag:s30] =	ssyncadd.s32 $0xFFFFC400  }
.LBB2_2:
0x81: {  	[spmem:s3] =	stream.indirect.scatter.add.f32 [tilespmem:s26], [sflag:$0x6], $0x80, s9, s19, $0xb8;
	[tilespmem:$0x1FA00] =	vst v63  }
0x82: {  	s7 =	simm.s32 @!p0 $0x4  }
0x83: {  	_ =	swait.ge @!p0 [sflag:s7], $0x3C00  }
0x84: {  	[sflag:s7] =	ssyncset.done @!p0 $0x0;
	s13 =	rddreg [dreg:$0x8]  }
0x85: {  	s10 =	rddreg [dreg:$0x9];
	[sflag:s7] =	ssyncadd.s32 @!p0 $0xFFFFC400;
	s13 =	sadd.s32 s11, s13  }
0x86: {  	[tilespmem:s10], [sflag:$0xA] =	stream.linear.gather [hbm4b:s13+s4], $0x100, $0x38;
	[tilespmem:$0x1FA00] =	vst v63  }
0x87: {  	_ =	swait.ge [sflag:s18], $0x100  }
0x88: {  	[sflag:s18] =	ssyncset.done $0x0  }
0x89: {  	s7 =	simm.s32 @!p0 $0x5;
	[sflag:s18] =	ssyncadd.s32 $0xFFFFFF00  }
0x8a: {  	[tilespmem:s20], [sflag:$0x1] =	stream.indirect.gather [hbm4b:s5+s19], $0x80, s4, s19, $0xb8;
	[tilespmem:$0x1FA00] =	vst v63  }
0x8b: {  	_ =	swait.ge @!p0 [sflag:s7], $0x3C00  }
0x8c: {  	s14 =	rddreg [dreg:$0x7];
	[sflag:s7] =	ssyncset.done @!p0 $0x0  }
0x8d: {  	[sflag:s7] =	ssyncadd.s32 @!p0 $0xFFFFC400;
	s15 =	sadd.s32 s11, s14  }
0x8e: {  	[tilespmem:s21], [sflag:$0xB] =	stream.linear.gather [hbm4b:s15+s4], $0x100, $0x38;
	[tilespmem:$0x1FA00] =	vst v63  }
0x8f: {  	_ =	swait.ge [sflag:s22], $0x100  }
0x90: {  	[sflag:s22] =	ssyncset.done $0x0  }
0x91: {  	s7 =	simm.s32 @!p0 $0x6;
	[sflag:s22] =	ssyncadd.s32 $0xFFFFFF00  }
0x92: {  	[tilespmem:s23], [sflag:$0x2] =	stream.indirect.gather [hbm4b:s5+s19], $0x80, s16, s19, $0xb8;
	[tilespmem:$0x1FA00] =	vst v63  }
0x93: {  	_ =	swait.ge @!p0 [sflag:s7], $0x3C00  }
0x94: {  	s10 =	rddreg [dreg:$0x6];
	[sflag:s7] =	ssyncset.done @!p0 $0x0  }
0x95: {  	[sflag:s7] =	ssyncadd.s32 @!p0 $0xFFFFC400;
	s14 =	sadd.s32 s11, s10  }
0x96: {  	[tilespmem:s24], [sflag:$0xC] =	stream.linear.gather [hbm4b:s14+s4], $0x100, $0x38;
	[tilespmem:$0x1FA00] =	vst v63  }
0x97: {  	_ =	swait.ge [sflag:s25], $0x100  }
0x98: {  	[sflag:s25] =	ssyncset.done $0x0  }
0x99: {  	[sflag:s25] =	ssyncadd.s32 $0xFFFFFF00  }
0x9a: {  	[tilespmem:s26], [sflag:$0x3] =	stream.indirect.gather [hbm4b:s5+s19], $0x80, s17, s19, $0xb8;
	[tilespmem:$0x1FA00] =	vst v63  }
0x9b: {  	_ =	swait.ge [sflag:s28], $0x3C00  }
0x9c: {  	[sflag:s28] =	ssyncset.done $0x0  }
0x9d: {  	s15 =	rddreg [dreg:$0xa];
	[sflag:s28] =	ssyncadd.s32 $0xFFFFC400  }
0x9e: {  	[spmem:s3] =	stream.indirect.scatter.add.f32 [tilespmem:s20], [sflag:$0x4], $0x80, s15, s19, $0xb8;
	[tilespmem:$0x1FA00] =	vst v63  }
0x9f: {  	_ =	swait.ge [sflag:s29], $0x3C00  }
0xa0: {  	[sflag:s29] =	ssyncset.done $0x0  }
0xa1: {  	s10 =	rddreg [dreg:$0xb];
	[sflag:s29] =	ssyncadd.s32 $0xFFFFC400  }
0xa2: {  	[spmem:s3] =	stream.indirect.scatter.add.f32 [tilespmem:s23], [sflag:$0x5], $0x80, s10, s19, $0xb8;
	[tilespmem:$0x1FA00] =	vst v63  }
0xa3: {  	_ =	swait.ge [sflag:s30], $0x3C00  }
0xa4: {  	[sflag:s30] =	ssyncset.done $0x0  }
0xa5: {  	s9 =	smov.u32 s8;
	s13 =	rddreg [dreg:$0xc];
	[sflag:s30] =	ssyncadd.s32 $0xFFFFC400  }
0xa6: {  	[spmem:s3] =	stream.indirect.scatter.add.f32 [tilespmem:s26], [sflag:$0x6], $0x80, s13, s19, $0xb8;
	[tilespmem:$0x1FA00] =	vst v63  }
0xa7: {  	p2 =	seq.s32 s9, $0x0;
	_ =	swait.ge [sflag:s31], $0x3C00  }
0xa8: {  	p0 =	por p2, p2;
	p2 =	seq.s32 s11, $0x9C0;
	[sflag:s31] =	ssyncset.done $0x0  }
0xa9: {  	s7 =	simm.s32 @p2 $0xA;
	[sflag:s31] =	ssyncadd.s32 $0xFFFFC400  }
0xaa: {  	_ =	swait.ge @p2 [sflag:s7], $0x100  }
0xab: {  	s14 =	simm.s32 @p2 $0x600;
	s15 =	simm.s32 @p2 $0x5;
	[sflag:s7] =	ssyncset.done @p2 $0x0  }
0xac: {  	s10 =	simm.s32 @p2 $0x100;
	[sflag:s7] =	ssyncadd.s32 @p2 $0xFFFFFF00;
	s7 =	simm.s32 @p2 $0x78  }
0xad: {  	[tilespmem:s14], [sflag:$0x1] =	stream.indirect.gather @p2 [hbm4b:s5+s7], $0x80, s10, s7, $0xb8;
	[tilespmem:$0x1FA00] =	vst v63  }
0xae: {  	s13 =	sshrl.u32 @!p2 s12, $0x3;
	_ =	swait.ge @p2 [sflag:s15], $0x3C00  }
0xaf: {  	s13 =	sadd.s32 @!p2 s2, s13;
	[sflag:s15] =	ssyncset.done @p2 $0x0  }
0xb0: {  	s7 =	simm.s32 @!p2 $0x0;
	s10 =	simm.s32 @!p2 $0xA;
	[sflag:s15] =	ssyncadd.s32 @p2 $0xFFFFC400  }
0xb1: {  	[tilespmem:s7], [sflag:$0x7] =	stream.linear.gather @!p2 [hbm4b:s13+s7], $0x100, $0x38;
	[tilespmem:$0x1FA00] =	vst v63  }
0xb2: {  	_ =	swait.ge @!p2 [sflag:s10], $0x100  }
0xb3: {  	s14 =	simm.s32 @!p2 $0x5;
	s15 =	simm.s32 @!p2 $0x100;
	[sflag:s10] =	ssyncset.done @!p2 $0x0  }
0xb4: {  	s13 =	simm.s32 @!p2 $0x600;
	[sflag:s10] =	ssyncadd.s32 @!p2 $0xFFFFFF00;
	s10 =	simm.s32 @!p2 $0x78  }
0xb5: {  	[tilespmem:s13], [sflag:$0x1] =	stream.indirect.gather @!p2 [hbm4b:s5+s10], $0x80, s15, s10, $0xb8;
	[tilespmem:$0x1FA00] =	vst v63  }
0xb6: {  	_ =	swait.ge @!p2 [sflag:s14], $0x3C00  }
0xb7: {  	s10 =	rddreg [dreg:$0x5];
	[sflag:s14] =	ssyncset.done @!p2 $0x0  }
0xb8: {  	s13 =	simm.s32 @!p2 $0x200;
	[sflag:s14] =	ssyncadd.s32 @!p2 $0xFFFFC400;
	s10 =	sadd.s32 @!p2 s11, s10  }
0xb9: {  	[tilespmem:s13], [sflag:$0x8] =	stream.linear.gather @!p2 [hbm4b:s10+s7], $0x100, $0x38;
	[tilespmem:$0x1FA00] =	vst v63  }
0xba: {  	_ =	swait.ge [sflag:s0], $0x100  }
0xbb: {  	[sflag:s0] =	ssyncset.done $0x0  }
0xbc: {  	[sflag:s0] =	ssyncadd.s32 $0xFFFFFF00  }
0xbd: {  	[tilespmem:s23], [sflag:$0x2] =	stream.indirect.gather [hbm4b:s5+s19], $0x80, s21, s19, $0xb8;
	[tilespmem:$0x1FA00] =	vst v63  }
0xbe: {  	_ =	swait.ge [sflag:s1], $0x3C00  }
0xbf: {  	s10 =	rddreg [dreg:$0x4];
	[sflag:s1] =	ssyncset.done $0x0  }
0xc0: {  	[sflag:s1] =	ssyncadd.s32 $0xFFFFC400;
	s10 =	sadd.s32 @!p2 s11, s10;
	s11 =	simm.s32 @!p2 $0x400  }
0xc1: {  	[tilespmem:s11], [sflag:$0x9] =	stream.linear.gather @!p2 [hbm4b:s10+s7], $0x100, $0x38;
	[tilespmem:$0x1FA00] =	vst v63  }
0xc2: {  	_ =	swait.ge [sflag:s6], $0x100  }
0xc3: {  	[sflag:s6] =	ssyncset.done $0x0  }
0xc4: {  	[sflag:s6] =	ssyncadd.s32 $0xFFFFFF00  }
0xc5: {  	[tilespmem:s26], [sflag:$0x3] =	stream.indirect.gather [hbm4b:s5+s19], $0x80, s24, s19, $0xb8;
	[tilespmem:$0x1FA00] =	vst v63  }
0xc6: {  	_ =	swait.ge [sflag:s28], $0x3C00  }
0xc7: {  	[sflag:s28] =	ssyncset.done $0x0  }
0xc8: {  	s14 =	rddreg [dreg:$0xd];
	[sflag:s28] =	ssyncadd.s32 $0xFFFFC400  }
0xc9: {  	[spmem:s3] =	stream.indirect.scatter.add.f32 [tilespmem:s20], [sflag:$0x4], $0x80, s14, s19, $0xb8;
	[tilespmem:$0x1FA00] =	vst v63  }
0xca: {  	s8 =	sadd.s32 $0xC0, s8;
	_ =	swait.ge [sflag:s29], $0x3C00  }
0xcb: {  	p1 =	sne.s32 s8, $0xA80;
	[sflag:s29] =	ssyncset.done $0x0  }
.Ltmp0:
0xcc: {  	s15 =	rddreg [dreg:$0xe];
	[sflag:s29] =	ssyncadd.s32 $0xFFFFC400;
	(pc) =	sbr.rel @p1 .LBB2_2-.Ltmp0, $4  }
0xcd: {  	[spmem:s3] =	stream.indirect.scatter.add.f32 [tilespmem:s23], [sflag:$0x5], $0x80, s15, s19, $0xb8;
	[tilespmem:$0x1FA00] =	vst v63  }
0xce: {  	_ =	swait.ge [sflag:s30], $0x3C00  }
0xcf: {  	s12 =	sadd.s32 $0x600, s12;
	[sflag:s30] =	ssyncset.done $0x0  }
0xd0: {  	s11 =	smov.u32 s9;
	s9 =	rddreg [dreg:$0xf];
	[sflag:s30] =	ssyncadd.s32 $0xFFFFC400  }
0xd1: {  	[spmem:s3] =	stream.indirect.scatter.add.f32 [tilespmem:s26], [sflag:$0x6], $0x80, s9, s19, $0xb8;
	[tilespmem:$0x1FA00] =	vst v63  }
0xd2: {  	s7 =	simm.s32 @!p0 $0x4  }
0xd3: {  	_ =	swait.ge @!p0 [sflag:s7], $0x3C00  }
0xd4: {  	s8 =	rddreg [dreg:$0x8];
	[sflag:s7] =	ssyncset.done @!p0 $0x0  }
0xd5: {  	s13 =	rddreg [dreg:$0x9];
	[sflag:s7] =	ssyncadd.s32 @!p0 $0xFFFFC400;
	s14 =	sadd.s32 s11, s8  }
0xd6: {  	[tilespmem:s13], [sflag:$0xA] =	stream.linear.gather [hbm4b:s14+s4], $0x100, $0x38;
	[tilespmem:$0x1FA00] =	vst v63  }
0xd7: {  	_ =	swait.ge [sflag:s18], $0x100  }
0xd8: {  	[sflag:s18] =	ssyncset.done $0x0  }
0xd9: {  	s7 =	simm.s32 @!p0 $0x5;
	[sflag:s18] =	ssyncadd.s32 $0xFFFFFF00  }
0xda: {  	[tilespmem:s20], [sflag:$0x1] =	stream.indirect.gather [hbm4b:s5+s19], $0x80, s4, s19, $0xb8;
	[tilespmem:$0x1FA00] =	vst v63  }
0xdb: {  	_ =	swait.ge @!p0 [sflag:s7], $0x3C00  }
0xdc: {  	s15 =	rddreg [dreg:$0x7];
	[sflag:s7] =	ssyncset.done @!p0 $0x0  }
0xdd: {  	[sflag:s7] =	ssyncadd.s32 @!p0 $0xFFFFC400;
	s9 =	sadd.s32 s11, s15  }
0xde: {  	[tilespmem:s21], [sflag:$0xB] =	stream.linear.gather [hbm4b:s9+s4], $0x100, $0x38;
	[tilespmem:$0x1FA00] =	vst v63  }
0xdf: {  	_ =	swait.ge [sflag:s22], $0x100  }
0xe0: {  	[sflag:s22] =	ssyncset.done $0x0  }
0xe1: {  	s7 =	simm.s32 @!p0 $0x6;
	[sflag:s22] =	ssyncadd.s32 $0xFFFFFF00  }
0xe2: {  	[tilespmem:s23], [sflag:$0x2] =	stream.indirect.gather [hbm4b:s5+s19], $0x80, s16, s19, $0xb8;
	[tilespmem:$0x1FA00] =	vst v63  }
0xe3: {  	_ =	swait.ge @!p0 [sflag:s7], $0x3C00  }
0xe4: {  	s10 =	rddreg [dreg:$0x6];
	[sflag:s7] =	ssyncset.done @!p0 $0x0  }
0xe5: {  	[sflag:s7] =	ssyncadd.s32 @!p0 $0xFFFFC400;
	s13 =	sadd.s32 s11, s10  }
0xe6: {  	[tilespmem:s24], [sflag:$0xC] =	stream.linear.gather [hbm4b:s13+s4], $0x100, $0x38;
	[tilespmem:$0x1FA00] =	vst v63  }
0xe7: {  	_ =	swait.ge [sflag:s25], $0x100  }
0xe8: {  	[sflag:s25] =	ssyncset.done $0x0  }
0xe9: {  	[sflag:s25] =	ssyncadd.s32 $0xFFFFFF00  }
0xea: {  	[tilespmem:s26], [sflag:$0x3] =	stream.indirect.gather [hbm4b:s5+s19], $0x80, s17, s19, $0xb8;
	[tilespmem:$0x1FA00] =	vst v63  }
0xeb: {  	_ =	swait.ge [sflag:s28], $0x3C00  }
0xec: {  	[sflag:s28] =	ssyncset.done $0x0  }
0xed: {  	s14 =	rddreg [dreg:$0xa];
	[sflag:s28] =	ssyncadd.s32 $0xFFFFC400  }
0xee: {  	[spmem:s3] =	stream.indirect.scatter.add.f32 [tilespmem:s20], [sflag:$0x4], $0x80, s14, s19, $0xb8;
	[tilespmem:$0x1FA00] =	vst v63  }
0xef: {  	_ =	swait.ge [sflag:s29], $0x3C00  }
0xf0: {  	[sflag:s29] =	ssyncset.done $0x0  }
0xf1: {  	s15 =	rddreg [dreg:$0xb];
	[sflag:s29] =	ssyncadd.s32 $0xFFFFC400  }
0xf2: {  	[spmem:s3] =	stream.indirect.scatter.add.f32 [tilespmem:s23], [sflag:$0x5], $0x80, s15, s19, $0xb8;
	[tilespmem:$0x1FA00] =	vst v63  }
0xf3: {  	_ =	swait.ge [sflag:s30], $0x3C00  }
0xf4: {  	[sflag:s30] =	ssyncset.done $0x0  }
0xf5: {  	s8 =	rddreg [dreg:$0xc];
	[sflag:s30] =	ssyncadd.s32 $0xFFFFC400  }
0xf6: {  	[spmem:s3] =	stream.indirect.scatter.add.f32 [tilespmem:s26], [sflag:$0x6], $0x80, s8, s19, $0xb8;
	[tilespmem:$0x1FA00] =	vst v63  }
0xf7: {  	_ =	swait.ge [sflag:s31], $0x3C00  }
0xf8: {  	p0 =	seq.s32 s11, $0x9C0;
	[sflag:s31] =	ssyncset.done $0x0  }
0xf9: {  	s7 =	simm.s32 @p0 $0xA;
	[sflag:s31] =	ssyncadd.s32 $0xFFFFC400  }
0xfa: {  	_ =	swait.ge @p0 [sflag:s7], $0x100  }
0xfb: {  	s9 =	simm.s32 @p0 $0x100;
	[sflag:s7] =	ssyncset.done @p0 $0x0  }
0xfc: {  	s8 =	simm.s32 @p0 $0x600;
	[sflag:s7] =	ssyncadd.s32 @p0 $0xFFFFFF00;
	s7 =	simm.s32 @p0 $0x78  }
0xfd: {  	[tilespmem:s8], [sflag:$0x1] =	stream.indirect.gather @p0 [hbm4b:s5+s7], $0x80, s9, s7, $0xb8;
	[tilespmem:$0x1FA00] =	vst v63  }
0xfe: {  	s7 =	simm.s32 @p0 $0x5  }
0xff: {  	_ =	swait.ge @p0 [sflag:s7], $0x3C00  }
0x100: {  	s8 =	sshrl.u32 @!p0 s12, $0x3;
	s9 =	simm.s32 @!p0 $0xA;
	[sflag:s7] =	ssyncset.done @p0 $0x0  }
0x101: {  	s8 =	sadd.s32 @!p0 s2, s8;
	[sflag:s7] =	ssyncadd.s32 @p0 $0xFFFFC400;
	s7 =	simm.s32 @!p0 $0x0  }
0x102: {  	[tilespmem:s7], [sflag:$0x7] =	stream.linear.gather @!p0 [hbm4b:s8+s7], $0x100, $0x38;
	[tilespmem:$0x1FA00] =	vst v63  }
0x103: {  	_ =	swait.ge @!p0 [sflag:s9], $0x100  }
0x104: {  	s10 =	simm.s32 @!p0 $0x100;
	[sflag:s9] =	ssyncset.done @!p0 $0x0  }
0x105: {  	s8 =	simm.s32 @!p0 $0x600;
	[sflag:s9] =	ssyncadd.s32 @!p0 $0xFFFFFF00;
	s9 =	simm.s32 @!p0 $0x78  }
0x106: {  	[tilespmem:s8], [sflag:$0x1] =	stream.indirect.gather @!p0 [hbm4b:s5+s9], $0x80, s10, s9, $0xb8;
	[tilespmem:$0x1FA00] =	vst v63  }
0x107: {  	s8 =	simm.s32 @!p0 $0x5  }
0x108: {  	_ =	swait.ge @!p0 [sflag:s8], $0x3C00  }
0x109: {  	s9 =	rddreg [dreg:$0x5];
	[sflag:s8] =	ssyncset.done @!p0 $0x0  }
0x10a: {  	[sflag:s8] =	ssyncadd.s32 @!p0 $0xFFFFC400;
	s8 =	sadd.s32 @!p0 s11, s9;
	s9 =	simm.s32 @!p0 $0x200  }
0x10b: {  	[tilespmem:s9], [sflag:$0x8] =	stream.linear.gather @!p0 [hbm4b:s8+s7], $0x100, $0x38;
	[tilespmem:$0x1FA00] =	vst v63  }
0x10c: {  	_ =	swait.ge [sflag:s0], $0x100  }
0x10d: {  	[sflag:s0] =	ssyncset.done $0x0  }
0x10e: {  	[sflag:s0] =	ssyncadd.s32 $0xFFFFFF00  }
0x10f: {  	[tilespmem:s23], [sflag:$0x2] =	stream.indirect.gather [hbm4b:s5+s19], $0x80, s21, s19, $0xb8;
	[tilespmem:$0x1FA00] =	vst v63  }
0x110: {  	_ =	swait.ge [sflag:s1], $0x3C00  }
0x111: {  	s8 =	rddreg [dreg:$0x4];
	[sflag:s1] =	ssyncset.done $0x0  }
0x112: {  	s9 =	simm.s32 @!p0 $0x400;
	[sflag:s1] =	ssyncadd.s32 $0xFFFFC400;
	s8 =	sadd.s32 @!p0 s11, s8  }
0x113: {  	[tilespmem:s9], [sflag:$0x9] =	stream.linear.gather @!p0 [hbm4b:s8+s7], $0x100, $0x38;
	[tilespmem:$0x1FA00] =	vst v63  }
0x114: {  	_ =	swait.ge [sflag:s6], $0x100  }
0x115: {  	[sflag:s6] =	ssyncset.done $0x0  }
0x116: {  	[sflag:s6] =	ssyncadd.s32 $0xFFFFFF00  }
0x117: {  	[tilespmem:s26], [sflag:$0x3] =	stream.indirect.gather [hbm4b:s5+s19], $0x80, s24, s19, $0xb8;
	[tilespmem:$0x1FA00] =	vst v63  }
0x118: {  	_ =	swait.ge [sflag:s28], $0x3C00  }
0x119: {  	[sflag:s28] =	ssyncset.done $0x0  }
0x11a: {  	s9 =	rddreg [dreg:$0xd];
	[sflag:s28] =	ssyncadd.s32 $0xFFFFC400  }
0x11b: {  	[spmem:s3] =	stream.indirect.scatter.add.f32 [tilespmem:s20], [sflag:$0x4], $0x80, s9, s19, $0xb8;
	[tilespmem:$0x1FA00] =	vst v63  }
0x11c: {  	_ =	swait.ge [sflag:s29], $0x3C00  }
0x11d: {  	[sflag:s29] =	ssyncset.done $0x0  }
0x11e: {  	s10 =	rddreg [dreg:$0xe];
	[sflag:s29] =	ssyncadd.s32 $0xFFFFC400  }
0x11f: {  	[spmem:s3] =	stream.indirect.scatter.add.f32 [tilespmem:s23], [sflag:$0x5], $0x80, s10, s19, $0xb8;
	[tilespmem:$0x1FA00] =	vst v63  }
0x120: {  	_ =	swait.ge [sflag:s30], $0x3C00  }
0x121: {  	[sflag:s30] =	ssyncset.done $0x0  }
0x122: {  	s11 =	rddreg [dreg:$0xf];
	[sflag:s30] =	ssyncadd.s32 $0xFFFFC400  }
0x123: {  	[spmem:s3] =	stream.indirect.scatter.add.f32 [tilespmem:s26], [sflag:$0x6], $0x80, s11, s19, $0xb8;
	[tilespmem:$0x1FA00] =	vst v63  }
0x124: {  	_ =	swait.ge [sflag:s31], $0x3C00  }
0x125: {  	[sflag:s31] =	ssyncset.done $0x0  }
0x126: {  	s12 =	simm.s32 $0x5;
	[sflag:s31] =	ssyncadd.s32 $0xFFFFC400  }
0x127: {  	_ =	swait.ge [sflag:s12], $0x3C00  }
0x128: {  	[sflag:s12] =	ssyncset.done $0x0  }
0x129: {  	[sflag:s12] =	ssyncadd.s32 $0xFFFFC400  }
0x12a: {  	_ =	swait.ge [sflag:s1], $0x3C00  }
0x12b: {  	[sflag:s1] =	ssyncset.done $0x0  }
0x12c: {  	[sflag:s1] =	ssyncadd.s32 $0xFFFFC400  }
0x12d: {  	[bflag:$0x0] =	sbarrier.arrive $0xFFFF  }
0x12e: {  	s12 =	rddreg [dreg:$0x11]  }
0x12f: {  	s13 =	rddreg [dreg:$0x15]  }
0x130: {  	s9 =	simm.s32 $0xD;
	s8 =	rddreg [dreg:$0x18]  }
0x131: {  	[hbm:s13], [sflag:s12] =	dma.local [spmem:s8], $0x2800  }
0x132: {  	_ =	swait.ge [sflag:s9], $0x2800  }
0x133: {  	s14 =	rddreg [dreg:$0x19]  }
0x134: {  	s15 =	rddreg [dreg:$0x16];
	s10 =	sadd.s32 $0x1, s14  }
0x135: {  	p0 =	sne.s32 s10, s15  }
.Ltmp1:
0x136: {  	_ = 	snop;
	(pc) =	sbr.rel @p0 .LBB2_1-.Ltmp1, $3  }
0x137: {  	_ =	sdelay $0x1  }
0x138: {  	[sflag:s9] =	ssyncset.done $0x0  }
0x139: {  	[sflag:s9] =	ssyncadd.s32 $0xFFFFD800  }
0x13a: {  	_ =	sfence.sel $0x180000  }
0x13b: {  	[bflag:$0x0] =	sbarrier.arrive $0xFFFF  }
0x13c: {  	_ =	strace $0x9000004D  }
0x13d: {  	s0 =	stileid.u32;
	[bflag:$0x2] =	sbarrier.arrive $0xFFFF  }
0x13e: {  	p0 =	sne.s32 s0, $0x0;
	s0 =	rddreg [dreg:$0x3]  }
0x13f: {  	s0 =	sadd.s32 @!p0 $0x100000, s0  }
0x140: {  	[sflag:s0] =	ssyncadd.tile.s32 @!p0 $0x1;
	_ =	shalt  }
.Lfunc_end2:
_tile_overlayer_lowered:
.L_overlay_start_2:
0x141: {  	(tag) =	ssettag $0x2  }
0x142: {  	s0 =	rddreg [dreg:$0x0];
	s2 =	stileid.u32  }
0x143: {  	s1 =	rddreg [dreg:$0x1];
	p0 =	sne.s32 s2, $0x0  }
0x144: {  	s3 =	rddreg [dreg:$0x2];
	[bflag:$0x3] =	sbarrier.arrive $0xFFFF;
	s2 =	simm.s32 @!p0 $0x1C0D  }
0x145: {  	[timem:s3], [sflag:s2] =	dma.local @!p0 [hbm:s0], s1  }
0x146: {  	s0 =	simm.s32 @!p0 $0xD  }
0x147: {  	_ =	swait.ge @!p0 [sflag:s0], s1  }
0x148: {  	s1 =	ssub.s32 @!p0 $0x0, s1;
	[sflag:s0] =	ssyncset.done @!p0 $0x0  }
0x149: {  	[sflag:s0] =	ssyncadd.s32 @!p0 s1  }
0x14a: {  	[bflag:$0x3] =	sbarrier.arrive $0xFFFF  }
0x14b: {  	_ =	shalt  }

// kernel: kernel.8.cloned.1.call-start
scs
__scs_entry_jumppad:
0x0: {  	(pc) =	sbr.rel $0x88, $3  }
0x1: {  	(tag) =	ssettag $0x0;
	lr =	simm.s32 $0x1  }
0x2: {  	[smem:$0x3F94] =	sst lr;
	_ =	strace $0xD0000000  }
0x3: {  	_ = 	snop  }
0x4: {  	_ = 	snop  }
0x5: {  	_ = 	snop  }
0x6: {  	_ = 	snop  }
0x7: {  	_ = 	snop  }
__scs_overlays_trampoline_lowered:
0x8: {  	[smem:$0x3FA3] =	sst s0  }
0x9: {  	[smem:$0x3FA4] =	sst s1  }
0xa: {  	[smem:$0x3FA5] =	sst s2  }
0xb: {  	[smem:$0x3FA6] =	sst s3  }
0xc: {  	[smem:$0x3FA7] =	sst s4  }
0xd: {  	[smem:$0x3FA8] =	sst s5  }
0xe: {  	[smem:$0x3FA9] =	sst s6  }
0xf: {  	[smem:$0x3FAA] =	sst s7  }
0x10: {  	[smem:$0x3FAB] =	sst s8  }
0x11: {  	[smem:$0x3FAC] =	sst s9;
	s0 =	simm.s32 @!p0 $0x0  }
0x12: {  	s1 =	sld [smem:$0x3F92];
	s0 =	simm.s32 @p0 $0x1  }
0x13: {  	[smem:$0x3FAD] =	sst s0;
	s0 =	simm.s32 @!p1 $0x0  }
0x14: {  	s2 =	sld [smem:$0x3F91];
	s0 =	simm.s32 @p1 $0x1  }
0x15: {  	[smem:$0x3FAE] =	sst s0;
	s0 =	simm.s32 @!p2 $0x0  }
0x16: {  	s3 =	sld [smem:$0x3FDB];
	s0 =	simm.s32 @p2 $0x1  }
0x17: {  	s4 =	simm.s32 $0x1BF5;
	[smem:$0x3FB0] =	sst s0  }
0x18: {  	s0 =	sld [smem:$0x3F93];
	_ =	swait.ge [sflag:s4], $0x0  }
0x19: {  	s7 =	sld [smem:$0x3F94]  }
0x1a: {  	s8 =	sadd.s32 $0xFFFFE003, lr  }
0x1b: {  	s9 =	sadd.s32 $0xFFFFFEF7, lr;
	s5 =	simm.s32 $0xFFFFFFFF;
	p2 =	slt.u32 s8, $0xFFFFF086  }
0x1c: {  	p1 =	slt.u32 s9, $0xF7A;
	s5 =	simm.s32 @!p2 $0x0  }
0x1d: {  	s5 =	simm.s32 @p1 $0x1;
	p0 =	seq.s32 s7, s2  }
0x1e: {  	s7 =	smul.u32 @!p0 $0xF7A, s2;
	p2 =	seq.s32 @!p0 s5, $0x0  }
0x1f: {  	s9 =	smul.u32 $0xF7A, s1;
	s8 =	simm.s32 @!p0 $0x1BF5;
	p2 =	por !p2, p0  }
0x20: {  	[sflag:s8] =	ssyncset.s32 @!p0 $0xFFFFF086;
	s6 =	sadd.s32 @!p0 s3, s7;
	s7 =	simm.s32 @!p0 $0x108  }
0x21: {  	s3 =	sadd.s32 s3, s9;
	s6 =	sadd.s32 @!p0 $0x88, s6;
	s7 =	simm.s32 @p2 $0x1082  }
0x22: {  	[simem:s7], [sflag:s8] =	dma.local @!p0 [hbm:s6], $0xF7A  }
0x23: {  	s9 =	sor.u32 $0xD0000000, s2;
	s6 =	simm.s32 $0x108;
	_ =	swait.ge @!p0 [sflag:s8], $0x0  }
0x24: {  	s3 =	sadd.s32 $0x88, s3;
	s6 =	simm.s32 @!p1 $0x1082;
	[sflag:s4] =	ssyncset.s32 $0xFFFFF086  }
0x25: {  	[simem:s6], [sflag:s4] =	dma.local [hbm:s3], $0xF7A  }
0x26: {  	[smem:$0x3F94] =	sst s1;
	(tag) =	ssettag s2;
	_ =	strace s9  }
0x27: {  	s1 =	sld [smem:$0x3FA4]  }
0x28: {  	s2 =	sld [smem:$0x3FA5]  }
0x29: {  	s4 =	sld [smem:$0x3FA7]  }
0x2a: {  	p0 =	seq.s32 s5, $0x0;
	s5 =	sld [smem:$0x3FA8]  }
0x2b: {  	s6 =	sld [smem:$0x3FA9]  }
0x2c: {  	s7 =	sld [smem:$0x3FAA]  }
0x2d: {  	s3 =	simm.s32 $0x108;
	s8 =	sld [smem:$0x3FAB]  }
0x2e: {  	s3 =	simm.s32 @!p0 $0x1082;
	s9 =	sld [smem:$0x3FAC]  }
0x2f: {  	lr =	sadd.s32 s0, s3;
	s0 =	sld [smem:$0x3FA3]  }
0x30: {  	s3 =	sld [smem:$0x3FA6]  }
0x31: {  	[smem:$0x3FAF] =	sst s10  }
0x32: {  	s10 =	sld [smem:$0x3FAD];
	_ =	sdelay $0x3  }
0x33: {  	p0 =	seq.s32 s10, $0x1;
	s10 =	sld [smem:$0x3FAF];
	_ =	sdelay $0x3  }
0x34: {  	[smem:$0x3FAF] =	sst s10  }
0x35: {  	s10 =	sld [smem:$0x3FAE];
	_ =	sdelay $0x3  }
0x36: {  	p1 =	seq.s32 s10, $0x1;
	s10 =	sld [smem:$0x3FAF];
	_ =	sdelay $0x3  }
0x37: {  	[smem:$0x3FAF] =	sst s10  }
0x38: {  	s10 =	sld [smem:$0x3FB0]  }
0x39: {  	_ = 	snop;
	(pc) =	sbr.ind lr, $3  }
0x3a: {  	_ = 	snop  }
0x3b: {  	_ = 	snop  }
0x3c: {  	p2 =	seq.s32 s10, $0x1;
	s10 =	sld [smem:$0x3FAF]  }
0x3d: {  	_ =	shalt  }
0x3e: {  	_ =	shalt  }
0x3f: {  	_ =	shalt  }
0x40: {  	_ =	shalt  }
0x41: {  	_ =	shalt  }
0x42: {  	_ =	shalt  }
0x43: {  	_ =	shalt  }
0x44: {  	_ =	shalt  }
0x45: {  	_ =	shalt  }
0x46: {  	_ =	shalt  }
0x47: {  	_ =	shalt  }
0x48: {  	_ =	shalt  }
0x49: {  	_ =	shalt  }
0x4a: {  	_ =	shalt  }
0x4b: {  	_ =	shalt  }
0x4c: {  	_ =	shalt  }
0x4d: {  	_ =	shalt  }
0x4e: {  	_ =	shalt  }
0x4f: {  	_ =	shalt  }
0x50: {  	_ =	shalt  }
0x51: {  	_ =	shalt  }
0x52: {  	_ =	shalt  }
0x53: {  	_ =	shalt  }
0x54: {  	_ =	shalt  }
0x55: {  	_ =	shalt  }
0x56: {  	_ =	shalt  }
0x57: {  	_ =	shalt  }
0x58: {  	_ =	shalt  }
0x59: {  	_ =	shalt  }
0x5a: {  	_ =	shalt  }
0x5b: {  	_ =	shalt  }
0x5c: {  	_ =	shalt  }
0x5d: {  	_ =	shalt  }
0x5e: {  	_ =	shalt  }
0x5f: {  	_ =	shalt  }
0x60: {  	_ =	shalt  }
0x61: {  	_ =	shalt  }
0x62: {  	_ =	shalt  }
0x63: {  	_ =	shalt  }
0x64: {  	_ =	shalt  }
0x65: {  	_ =	shalt  }
0x66: {  	_ =	shalt  }
0x67: {  	_ =	shalt  }
0x68: {  	_ =	shalt  }
0x69: {  	_ =	shalt  }
0x6a: {  	_ =	shalt  }
0x6b: {  	_ =	shalt  }
0x6c: {  	_ =	shalt  }
0x6d: {  	_ =	shalt  }
0x6e: {  	_ =	shalt  }
0x6f: {  	_ =	shalt  }
0x70: {  	_ =	shalt  }
0x71: {  	_ =	shalt  }
0x72: {  	_ =	shalt  }
0x73: {  	_ =	shalt  }
0x74: {  	_ =	shalt  }
0x75: {  	_ =	shalt  }
0x76: {  	_ =	shalt  }
0x77: {  	_ =	shalt  }
0x78: {  	_ =	shalt  }
0x79: {  	_ =	shalt  }
0x7a: {  	_ =	shalt  }
0x7b: {  	_ =	shalt  }
0x7c: {  	_ =	shalt  }
0x7d: {  	_ =	shalt  }
0x7e: {  	_ =	shalt  }
0x7f: {  	_ =	shalt  }
0x80: {  	_ =	shalt  }
0x81: {  	_ =	shalt  }
0x82: {  	_ =	shalt  }
0x83: {  	_ =	shalt  }
0x84: {  	_ =	shalt  }
0x85: {  	_ =	shalt  }
0x86: {  	_ =	shalt  }
0x87: {  	_ =	shalt  }
.Lfunc_end0:
.L_simem_size_0:
called_computation_lowered:
.L_overlay_start_0:
0x88: {  	s2 =	sld [smem:$0x3FD9]  }
0x89: {  	s3 =	sld [smem:$0x3FFE];
	_ =	sdelay $0x1  }
0x8a: {  	s1 =	srdreg.scid  }
0x8b: {  	s0 =	sand.u32 $0x1, s1  }
0x8c: {  	s14 =	sshll.u32 s0, $0xA;
	s2 =	sadd.s32 s3, s2  }
0x8d: {  	s2 =	sadd.s32 s2, s14  }
0x8e: {  	[smem:$0x3FBB] =	sst s2  }
0x8f: {  	_ = 	snop  }
0x90: {  	s2 =	sld [smem:$0x3FD0];
	_ =	sdelay $0x2  }
0x91: {  	s15 =	simm.s32 $0xA;
	s4 =	simm.s32 $0x10  }
0x92: {  	[smem:s4], [sflag:s15] =	dma.local [hbm:s2], $0x1  }
0x93: {  	_ =	swait.eq [sflag:s15], $0x1  }
0x94: {  	[sflag:s15] =	ssyncset.done $0x0  }
0x95: {  	[sflag:s15] =	ssyncadd.s32 $0xFFFFFFFF  }
0x96: {  	s16 =	sld [smem:$0x10];
	(tm) =	ssettm $0x1  }
0x97: {  	s17 =	sld [smem:$0x3FFB];
	_ =	sdelay $0x3  }
0x98: {  	_ =	strace s17  }
0x99: {  	s3 =	sld [smem:$0x3FFC];
	_ =	sdelay $0x3  }
0x9a: {  	_ =	strace s3  }
0x9b: {  	s3 =	sld [smem:$0x3FFD];
	_ =	sdelay $0x3  }
0x9c: {  	_ =	strace s3  }
0x9d: {  	_ =	strace $0x8FFFFFFF  }
0x9e: {  	s18 =	sld [smem:$0x3FDB];
	_ =	sdelay $0x1  }
0x9f: {  	s19 =	simm.s32 $_scs_section_size  }
0xa0: {  	s5 =	simm.s32 $_size__tile_overlayer_lowered;
	s6 =	simm.s32 $_tile_overlayer_lowered  }
0xa1: {  	s22 =	simm.s32 $0x1BFF;
	s21 =	sshll.u32 s6, $0x1;
	s3 =	sadd.s32 s19, s18  }
0xa2: {  	s7 =	simm.s32 $0x0;
	s20 =	sshll.u32 s5, $0x1;
	s5 =	sadd.s32 s21, s3  }
0xa3: {  	[timem:s7], [sflag:s22] =	dma.local [hbm:s5], s20  }
0xa4: {  	_ =	swait.ge [sflag:s22], s20  }
0xa5: {  	s4 =	ssub.s32 $0x0, s20;
	[sflag:s22] =	ssyncset.done $0x0  }
0xa6: {  	[sflag:s22] =	ssyncadd.s32 s4;
	_ =	sdelay $0x1  }
0xa7: {  	s23 =	simm.s32 $0x1B8B  }
0xa8: {  	_ =	swait.ge [sflag:s23], $0x1  }
0xa9: {  	[sflag:s23] =	ssyncset.done $0x0  }
0xaa: {  	s25 =	simm.s32 $0x1B8E;
	s24 =	sld [smem:$0x3FFE];
	[sflag:s23] =	ssyncadd.s32 $0xFFFFFFFF  }
0xab: {  	s26 =	simm.s32 $execute0_lowered;
	[smem:$0x3FD2] =	sst s25  }
0xac: {  	s5 =	sshll.u32 s26, $0x1;
	_ =	strace $0x80000046;
	[dreg:$0x1] =	wrdreg $0xFFFFFFFF  }
0xad: {  	s28 =	simm.s32 $_size_execute0_lowered;
	s3 =	sadd.s32 s3, s5;
	[dreg:$0x0] =	wrdreg $0x0  }
0xae: {  	s5 =	sshll.u32 s28, $0x1;
	[dreg:$0x2] =	wrdreg s3  }
0xaf: {  	[dreg:$0x3] =	wrdreg s5  }
0xb0: {  	[dreg:$0x4] =	wrdreg $0xC0  }
0xb1: {  	_ =	task [dreg:s7], $0x5FFFF  }
0xb2: {  	[dreg:$0x1] =	wrdreg $0xFFFFFFFF  }
0xb3: {  	[dreg:$0x0] =	wrdreg $0x60  }
0xb4: {  	[dreg:$0x2] =	wrdreg s16  }
0xb5: {  	[dreg:$0x3] =	wrdreg s24  }
0xb6: {  	[dreg:$0x4] =	wrdreg $0x40000  }
0xb7: {  	[dreg:$0x5] =	wrdreg $0x9  }
0xb8: {  	_ =	task.clear_ibuf [dreg:s7], $0x6FFFF;
	_ =	strace $0x90000046  }
0xb9: {  	s29 =	simm.s32 $0x9;
	_ =	strace $0x80000048  }
0xba: {  	_ =	swait.ge [sflag:s29], $0x1  }
0xbb: {  	[sflag:s29] =	ssyncadd.s32 $0xFFFFFFFF  }
0xbc: {  	_ =	strace $0x90000048  }
0xbd: {  	_ =	sfence  }
0xbe: {  	s30 =	sld [smem:$0x0];
	_ =	sdelay $0x2  }
0xbf: {  	s31 =	sshll.u32 s1, $0xD;
	s1 =	sshrl.u32 s1, $0x2  }
0xc0: {  	s3 =	sand.u32 $0x4000, s31;
	s1 =	sadd.s32 s1, s30  }
0xc1: {  	s0 =	sor.u32 s3, s0;
	s1 =	sshll.u32 s1, $0x11  }
0xc2: {  	s0 =	sor.u32 s1, s0  }
0xc3: {  	s0 =	sadd.s32 $0x8F2B, s0  }
0xc4: {  	[sflag:s0] =	ssyncadd.remote.s32 $0x1  }
0xc5: {  	_ =	sfence.sel $0xFFFF  }
0xc6: {  	[dreg:$0x0] =	wrdreg $0xFFFFFFFF;
	(pc) =	sbr.abs _section_cstart, $3  }
0xc7: {  	[dreg:$0x1] =	wrdreg $0xFFFFFFFF  }
0xc8: {  	_ =	task.clear_ibuf [dreg:s7], $0x2FFFF;
	_ =	strace $0x9FFFFFFF  }
0xc9: {  	(tm) =	ssettm $0x7FFFFFFF  }
tec
execute0_lowered:
.L_overlay_start_1:
0x0: {  	(tag) =	ssettag $0x1  }
0x1: {  	s1 =	rddreg [dreg:$0x0]  }
0x2: {  	s6 =	rddreg [dreg:$0x1]  }
0x3: {  	s3 =	rddreg [dreg:$0x2]  }
0x4: {  	s4 =	simm.s32 $0x0;
	s0 =	stileid.u32;
	s5 =	srdreg.scid  }
0x5: {  	s17 =	simm.s32 $0x100;
	s18 =	simm.s32 $0x78;
	s19 =	simm.s32 $0x80  }
0x6: {  	s20 =	simm.s32 $0x4;
	[smem:$0x7FF] =	sst s4;
	s7 =	smul.u32 $0x14000, s0  }
0x7: {  	s8 =	sand.u32 $0x1, s5;
	s2 =	sadd.s32 $0x2B400, s6;
	s21 =	smul.u32 $0x50000, s0  }
0x8: {  	s13 =	smul.u32 $0x5400, s0;
	s26 =	sshll.u32 s0, $0x6;
	_ =	strace $0x80000047  }
0x9: {  	s9 =	smul.u32 $0x140000, s8;
	[dreg:$0x9] =	wrdreg s2;
	s11 =	sshll.u32 s8, $0x4  }
0xa: {  	s22 =	ssub.s32 $0x2, s8;
	s23 =	smul.u32 $0x54000, s8;
	[dreg:$0x7] =	wrdreg s17  }
0xb: {  	s17 =	simm.s32 $0x3;
	[dreg:$0x8] =	wrdreg s19;
	s19 =	simm.s32 $0x300  }
0xc: {  	s10 =	sshrl.u32 s7, $0x3;
	s11 =	sor.u32 s0, s11;
	s24 =	sshrl.u32 s22, $0x1  }
0xd: {  	s7 =	sadd.s32 s7, s9;
	s10 =	sadd.s32 s10, s6;
	s11 =	smul.u32 $0x5400, s11  }
0xe: {  	s9 =	sshrl.u32 s21, $0x2;
	s14 =	ssub.s32 s22, s24;
	s13 =	sadd.s32 s13, s23  }
0xf: {  	s21 =	simm.s32 $0x280;
	s22 =	simm.s32 $0x1;
	s23 =	simm.s32 $0x6  }
0x10: {  	s24 =	simm.s32 $0x380;
	s7 =	sshrl.u32 s7, $0x3;
	s15 =	sadd.s32 s9, s3  }
0x11: {  	s25 =	sadd.s32 $0x3400, s10;
	s29 =	sor.u32 $0x200, s13;
	s30 =	sor.u32 $0x300, s13  }
0x12: {  	s16 =	sadd.s32 $0x500, s13;
	s12 =	sadd.s32 s7, s6;
	[dreg:$0xa] =	wrdreg s25  }
0x13: {  	s28 =	sshrl.u32 s11, $0x3;
	s7 =	sor.u32 $0x1C07, s26;
	s10 =	sshrl.u32 s29, $0x3  }
0x14: {  	s11 =	sshrl.u32 s30, $0x3;
	s16 =	sshrl.u32 s16, $0x3;
	s25 =	simm.s32 $0x2  }
0x15: {  	s26 =	simm.s32 $0x0;
	s8 =	sadd.s32 s1, s28;
	s10 =	sadd.s32 s10, s1  }
0x16: {  	s11 =	sadd.s32 s11, s1;
	s31 =	sadd.s32 s16, s1;
	[dreg:$0x4] =	wrdreg s10  }
0x17: {  	s9 =	sadd.s32 $0x20, s8;
	s10 =	sadd.s32 $0x2BC00, s12;
	[dreg:$0x5] =	wrdreg s11  }
0x18: {  	s11 =	smax.u32 s14, $0x1;
	[dreg:$0x6] =	wrdreg s31;
	s12 =	sadd.s32 $0x400, s13  }
0x19: {  	s13 =	sshrl.u32 s15, $0x3;
	s14 =	simm.s32 $0x7;
	s15 =	simm.s32 $0x400  }
.LBB2_1:
0x1a: {  	s0 =	rddreg [dreg:$0xa]  }
0x1b: {  	[spmem:s13], [sflag:s7] =	dma.local [hbm:s0], $0x2800  }
0x1c: {  	_ =	swait.ge [sflag:s14], $0x2800  }
0x1d: {  	[sflag:s14] =	ssyncset.done $0x0  }
0x1e: {  	s16 =	rddreg [dreg:$0x9];
	[sflag:s14] =	ssyncadd.s32 $0xFFFFD800  }
0x1f: {  	[tilespmem:s15], [sflag:$0x7] =	stream.linear.gather [hbm4b:s16+s4], $0x3C00, $0x38;
	[tilespmem:$0x18000] =	vst v63  }
0x20: {  	_ =	swait.ge [sflag:s14], $0x3C00  }
0x21: {  	[sflag:s14] =	ssyncset.done $0x0  }
0x22: {  	[sflag:s14] =	ssyncadd.s32 $0xFFFFC400  }
0x23: {  	p0 =	por $0x1, $0x1;
	[bflag:$0x0] =	sbarrier.arrive $0xFFFF  }
0x24: {  	[tilespmem:s4], [sflag:$0x3] =	stream.linear.gather [hbm4b:s8+s4], $0x100, $0x38;
	[tilespmem:$0x18000] =	vst v63  }
0x25: {  	s31 =	simm.s32 $0x200;
	s28 =	simm.s32 @!p0 $0x1  }
0x26: {  	[tilespmem:s31], [sflag:$0x4] =	stream.linear.gather [hbm4b:s9+s4], $0x100, $0x38;
	[tilespmem:$0x18000] =	vst v63  }
0x27: {  	_ =	swait.ge @!p0 [sflag:s28], $0x3C00  }
0x28: {  	s29 =	rddreg [dreg:$0x4];
	[sflag:s28] =	ssyncset.done @!p0 $0x0  }
0x29: {  	s30 =	rddreg [dreg:$0x7];
	[sflag:s28] =	ssyncadd.s32 @!p0 $0xFFFFC400;
	s28 =	sadd.s32 $0x0, s29  }
0x2a: {  	[tilespmem:s30], [sflag:$0x5] =	stream.linear.gather [hbm4b:s28+s4], $0x100, $0x38;
	[tilespmem:$0x18000] =	vst v63  }
0x2b: {  	_ =	swait.ge [sflag:s17], $0x100  }
0x2c: {  	[sflag:s17] =	ssyncset.done $0x0  }
0x2d: {  	s29 =	simm.s32 @!p0 $0x2;
	s28 =	rddreg [dreg:$0x8];
	[sflag:s17] =	ssyncadd.s32 $0xFFFFFF00  }
0x2e: {  	[spmem:s3] =	stream.indirect.scatter.add.f32 [tilespmem:s15], [sflag:$0x1], $0x80, s28, s18, $0xb8;
	[tilespmem:$0x18000] =	vst v63  }
0x2f: {  	_ =	swait.ge @!p0 [sflag:s29], $0x3C00  }
0x30: {  	s28 =	rddreg [dreg:$0x5];
	[sflag:s29] =	ssyncset.done @!p0 $0x0  }
0x31: {  	[sflag:s29] =	ssyncadd.s32 @!p0 $0xFFFFC400;
	s28 =	sadd.s32 $0x0, s28  }
0x32: {  	[tilespmem:s19], [sflag:$0x6] =	stream.linear.gather [hbm4b:s28+s4], $0x100, $0x38;
	[tilespmem:$0x18000] =	vst v63  }
0x33: {  	_ =	swait.ge [sflag:s20], $0x100  }
0x34: {  	[sflag:s20] =	ssyncset.done $0x0  }
0x35: {  	[sflag:s20] =	ssyncadd.s32 $0xFFFFFF00  }
0x36: {  	[spmem:s3] =	stream.indirect.scatter.add.f32 [tilespmem:s15], [sflag:$0x2], $0x80, s21, s18, $0xb8;
	[tilespmem:$0x18000] =	vst v63  }
0x37: {  	_ =	swait.ge [sflag:s22], $0x3C00  }
0x38: {  	p0 =	por $0x0, $0x0;
	[sflag:s22] =	ssyncset.done $0x0  }
0x39: {  	s28 =	simm.s32 @p0 $0x5;
	[sflag:s22] =	ssyncadd.s32 $0xFFFFC400  }
0x3a: {  	_ =	swait.ge @p0 [sflag:s28], $0x100  }
0x3b: {  	s29 =	simm.s32 @p0 $0x400;
	s30 =	simm.s32 @p0 $0x2;
	[sflag:s28] =	ssyncset.done @p0 $0x0  }
0x3c: {  	s31 =	simm.s32 @p0 $0x180;
	[sflag:s28] =	ssyncadd.s32 @p0 $0xFFFFFF00;
	s28 =	simm.s32 @p0 $0x78  }
0x3d: {  	[spmem:s3] =	stream.indirect.scatter.add.f32 @p0 [tilespmem:s29], [sflag:$0x1], $0x80, s31, s28, $0xb8;
	[tilespmem:$0x18000] =	vst v63  }
0x3e: {  	_ =	swait.ge @p0 [sflag:s30], $0x3C00  }
0x3f: {  	s28 =	sshrl.u32 @!p0 s12, $0x3;
	s29 =	simm.s32 @!p0 $0x0;
	[sflag:s30] =	ssyncset.done @p0 $0x0  }
0x40: {  	s28 =	sadd.s32 @!p0 s1, s28;
	[sflag:s30] =	ssyncadd.s32 @p0 $0xFFFFC400;
	s30 =	simm.s32 @!p0 $0x5  }
0x41: {  	[tilespmem:s29], [sflag:$0x3] =	stream.linear.gather @!p0 [hbm4b:s28+s29], $0x100, $0x38;
	[tilespmem:$0x18000] =	vst v63  }
0x42: {  	_ =	swait.ge @!p0 [sflag:s30], $0x100  }
0x43: {  	s31 =	simm.s32 @!p0 $0x180;
	[sflag:s30] =	ssyncset.done @!p0 $0x0  }
0x44: {  	s28 =	simm.s32 @!p0 $0x400;
	[sflag:s30] =	ssyncadd.s32 @!p0 $0xFFFFFF00;
	s30 =	simm.s32 @!p0 $0x78  }
0x45: {  	[spmem:s3] =	stream.indirect.scatter.add.f32 @!p0 [tilespmem:s28], [sflag:$0x1], $0x80, s31, s30, $0xb8;
	[tilespmem:$0x18000] =	vst v63  }
0x46: {  	s28 =	simm.s32 @!p0 $0x2  }
0x47: {  	_ =	swait.ge @!p0 [sflag:s28], $0x3C00  }
0x48: {  	s30 =	rddreg [dreg:$0x6];
	[sflag:s28] =	ssyncset.done @!p0 $0x0  }
0x49: {  	[sflag:s28] =	ssyncadd.s32 @!p0 $0xFFFFC400;
	s28 =	sadd.s32 @!p0 $0x0, s30;
	s30 =	simm.s32 @!p0 $0x200  }
0x4a: {  	[tilespmem:s30], [sflag:$0x4] =	stream.linear.gather @!p0 [hbm4b:s28+s29], $0x100, $0x38;
	[tilespmem:$0x18000] =	vst v63  }
0x4b: {  	p1 =	por $0x0, $0x0;
	s28 =	simm.s32 $0x80;
	_ =	swait.ge [sflag:s23], $0x100  }
0x4c: {  	s30 =	simm.s32 $0x100;
	s29 =	sadd.s32 $0x400, s12;
	[sflag:s23] =	ssyncset.done $0x0  }
.LBB2_2:
0x4d: {  	s0 =	simm.s32 @!p1 $0x1;
	[sflag:s23] =	ssyncadd.s32 $0xFFFFFF00  }
0x4e: {  	[spmem:s3] =	stream.indirect.scatter.add.f32 [tilespmem:s15], [sflag:$0x2], $0x80, s24, s18, $0xb8;
	[tilespmem:$0x18000] =	vst v63  }
0x4f: {  	_ =	swait.ge @!p1 [sflag:s0], $0x3C00  }
0x50: {  	[sflag:s0] =	ssyncset.done @!p1 $0x0;
	s2 =	rddreg [dreg:$0x4]  }
0x51: {  	s5 =	rddreg [dreg:$0x7];
	[sflag:s0] =	ssyncadd.s32 @!p1 $0xFFFFC400;
	s2 =	sadd.s32 s28, s2  }
0x52: {  	[tilespmem:s5], [sflag:$0x5] =	stream.linear.gather [hbm4b:s2+s4], $0x100, $0x38;
	[tilespmem:$0x18000] =	vst v63  }
0x53: {  	_ =	swait.ge [sflag:s17], $0x100  }
0x54: {  	[sflag:s17] =	ssyncset.done $0x0  }
0x55: {  	s2 =	simm.s32 @!p1 $0x2;
	s6 =	rddreg [dreg:$0x8];
	[sflag:s17] =	ssyncadd.s32 $0xFFFFFF00  }
0x56: {  	[spmem:s3] =	stream.indirect.scatter.add.f32 [tilespmem:s15], [sflag:$0x1], $0x80, s6, s18, $0xb8;
	[tilespmem:$0x18000] =	vst v63  }
0x57: {  	_ =	swait.ge @!p1 [sflag:s2], $0x3C00  }
0x58: {  	[sflag:s2] =	ssyncset.done @!p1 $0x0;
	s16 =	rddreg [dreg:$0x5]  }
0x59: {  	[sflag:s2] =	ssyncadd.s32 @!p1 $0xFFFFC400;
	s0 =	sadd.s32 s28, s16  }
0x5a: {  	[tilespmem:s19], [sflag:$0x6] =	stream.linear.gather [hbm4b:s0+s4], $0x100, $0x38;
	[tilespmem:$0x18000] =	vst v63  }
0x5b: {  	_ =	swait.ge [sflag:s20], $0x100  }
0x5c: {  	[sflag:s20] =	ssyncset.done $0x0  }
0x5d: {  	[sflag:s20] =	ssyncadd.s32 $0xFFFFFF00  }
0x5e: {  	[spmem:s3] =	stream.indirect.scatter.add.f32 [tilespmem:s15], [sflag:$0x2], $0x80, s21, s18, $0xb8;
	[tilespmem:$0x18000] =	vst v63  }
0x5f: {  	_ =	swait.ge [sflag:s22], $0x3C00  }
0x60: {  	p1 =	seq.s32 s28, $0xA00;
	[sflag:s22] =	ssyncset.done $0x0  }
0x61: {  	s0 =	simm.s32 @p1 $0x5;
	[sflag:s22] =	ssyncadd.s32 $0xFFFFC400  }
0x62: {  	_ =	swait.ge @p1 [sflag:s0], $0x100  }
0x63: {  	s16 =	simm.s32 @p1 $0x400;
	s5 =	simm.s32 @p1 $0x2;
	[sflag:s0] =	ssyncset.done @p1 $0x0  }
0x64: {  	s6 =	simm.s32 @p1 $0x180;
	[sflag:s0] =	ssyncadd.s32 @p1 $0xFFFFFF00;
	s0 =	simm.s32 @p1 $0x78  }
0x65: {  	[spmem:s3] =	stream.indirect.scatter.add.f32 @p1 [tilespmem:s16], [sflag:$0x1], $0x80, s6, s0, $0xb8;
	[tilespmem:$0x18000] =	vst v63  }
0x66: {  	s2 =	sshrl.u32 @!p1 s29, $0x3;
	_ =	swait.ge @p1 [sflag:s5], $0x3C00  }
0x67: {  	s2 =	sadd.s32 @!p1 s1, s2;
	[sflag:s5] =	ssyncset.done @p1 $0x0  }
0x68: {  	s0 =	simm.s32 @!p1 $0x0;
	[sflag:s5] =	ssyncadd.s32 @p1 $0xFFFFC400;
	s5 =	simm.s32 @!p1 $0x5  }
0x69: {  	[tilespmem:s0], [sflag:$0x3] =	stream.linear.gather @!p1 [hbm4b:s2+s0], $0x100, $0x38;
	[tilespmem:$0x18000] =	vst v63  }
0x6a: {  	s31 =	smov.u32 s30;
	s30 =	sadd.s32 $0x80, s30;
	_ =	swait.ge @!p1 [sflag:s5], $0x100  }
0x6b: {  	s6 =	simm.s32 @!p1 $0x2;
	s16 =	simm.s32 @!p1 $0x180;
	[sflag:s5] =	ssyncset.done @!p1 $0x0  }
0x6c: {  	s2 =	simm.s32 @!p1 $0x400;
	[sflag:s5] =	ssyncadd.s32 @!p1 $0xFFFFFF00;
	s5 =	simm.s32 @!p1 $0x78  }
0x6d: {  	[spmem:s3] =	stream.indirect.scatter.add.f32 @!p1 [tilespmem:s2], [sflag:$0x1], $0x80, s16, s5, $0xb8;
	[tilespmem:$0x18000] =	vst v63  }
0x6e: {  	p0 =	sne.s32 s30, $0xA80;
	_ =	swait.ge @!p1 [sflag:s6], $0x3C00  }
.Ltmp0:
0x6f: {  	s2 =	rddreg [dreg:$0x6];
	[sflag:s6] =	ssyncset.done @!p1 $0x0;
	(pc) =	sbr.rel @p0 .LBB2_2-.Ltmp0, $4  }
0x70: {  	s5 =	simm.s32 @!p1 $0x200;
	[sflag:s6] =	ssyncadd.s32 @!p1 $0xFFFFC400;
	s2 =	sadd.s32 @!p1 s28, s2  }
0x71: {  	[tilespmem:s5], [sflag:$0x4] =	stream.linear.gather @!p1 [hbm4b:s2+s0], $0x100, $0x38;
	[tilespmem:$0x18000] =	vst v63  }
0x72: {  	s28 =	smov.u32 s31;
	_ =	swait.ge [sflag:s23], $0x100  }
0x73: {  	s29 =	sadd.s32 $0x400, s29;
	p1 =	seq.s32 s28, $0x0;
	[sflag:s23] =	ssyncset.done $0x0  }
0x74: {  	s0 =	simm.s32 @!p1 $0x1;
	[sflag:s23] =	ssyncadd.s32 $0xFFFFFF00  }
0x75: {  	[spmem:s3] =	stream.indirect.scatter.add.f32 [tilespmem:s15], [sflag:$0x2], $0x80, s24, s18, $0xb8;
	[tilespmem:$0x18000] =	vst v63  }
0x76: {  	_ =	swait.ge @!p1 [sflag:s0], $0x3C00  }
0x77: {  	s2 =	rddreg [dreg:$0x4];
	[sflag:s0] =	ssyncset.done @!p1 $0x0  }
0x78: {  	s5 =	rddreg [dreg:$0x7];
	[sflag:s0] =	ssyncadd.s32 @!p1 $0xFFFFC400;
	s16 =	sadd.s32 s28, s2  }
0x79: {  	[tilespmem:s5], [sflag:$0x5] =	stream.linear.gather [hbm4b:s16+s4], $0x100, $0x38;
	[tilespmem:$0x18000] =	vst v63  }
0x7a: {  	_ =	swait.ge [sflag:s17], $0x100  }
0x7b: {  	[sflag:s17] =	ssyncset.done $0x0  }
0x7c: {  	s2 =	simm.s32 @!p1 $0x2;
	s30 =	rddreg [dreg:$0x8];
	[sflag:s17] =	ssyncadd.s32 $0xFFFFFF00  }
0x7d: {  	[spmem:s3] =	stream.indirect.scatter.add.f32 [tilespmem:s15], [sflag:$0x1], $0x80, s30, s18, $0xb8;
	[tilespmem:$0x18000] =	vst v63  }
0x7e: {  	_ =	swait.ge @!p1 [sflag:s2], $0x3C00  }
0x7f: {  	s31 =	rddreg [dreg:$0x5];
	[sflag:s2] =	ssyncset.done @!p1 $0x0  }
0x80: {  	[sflag:s2] =	ssyncadd.s32 @!p1 $0xFFFFC400;
	s0 =	sadd.s32 s28, s31  }
0x81: {  	[tilespmem:s19], [sflag:$0x6] =	stream.linear.gather [hbm4b:s0+s4], $0x100, $0x38;
	[tilespmem:$0x18000] =	vst v63  }
0x82: {  	_ =	swait.ge [sflag:s20], $0x100  }
0x83: {  	[sflag:s20] =	ssyncset.done $0x0  }
0x84: {  	[sflag:s20] =	ssyncadd.s32 $0xFFFFFF00  }
0x85: {  	[spmem:s3] =	stream.indirect.scatter.add.f32 [tilespmem:s15], [sflag:$0x2], $0x80, s21, s18, $0xb8;
	[tilespmem:$0x18000] =	vst v63  }
0x86: {  	_ =	swait.ge [sflag:s22], $0x3C00  }
0x87: {  	p0 =	seq.s32 s28, $0xA00;
	[sflag:s22] =	ssyncset.done $0x0  }
0x88: {  	s0 =	simm.s32 @p0 $0x5;
	[sflag:s22] =	ssyncadd.s32 $0xFFFFC400  }
0x89: {  	_ =	swait.ge @p0 [sflag:s0], $0x100  }
0x8a: {  	s6 =	simm.s32 @p0 $0x180;
	s5 =	simm.s32 @p0 $0x2;
	[sflag:s0] =	ssyncset.done @p0 $0x0  }
0x8b: {  	s2 =	simm.s32 @p0 $0x400;
	[sflag:s0] =	ssyncadd.s32 @p0 $0xFFFFFF00;
	s0 =	simm.s32 @p0 $0x78  }
0x8c: {  	[spmem:s3] =	stream.indirect.scatter.add.f32 @p0 [tilespmem:s2], [sflag:$0x1], $0x80, s6, s0, $0xb8;
	[tilespmem:$0x18000] =	vst v63  }
0x8d: {  	_ =	swait.ge @p0 [sflag:s5], $0x3C00  }
0x8e: {  	s0 =	sshrl.u32 @!p0 s29, $0x3;
	s2 =	simm.s32 @!p0 $0x0;
	[sflag:s5] =	ssyncset.done @p0 $0x0  }
0x8f: {  	s0 =	sadd.s32 @!p0 s1, s0;
	[sflag:s5] =	ssyncadd.s32 @p0 $0xFFFFC400;
	s5 =	simm.s32 @!p0 $0x5  }
0x90: {  	[tilespmem:s2], [sflag:$0x3] =	stream.linear.gather @!p0 [hbm4b:s0+s2], $0x100, $0x38;
	[tilespmem:$0x18000] =	vst v63  }
0x91: {  	_ =	swait.ge @!p0 [sflag:s5], $0x100  }
0x92: {  	s16 =	simm.s32 @!p0 $0x180;
	s6 =	simm.s32 @!p0 $0x2;
	[sflag:s5] =	ssyncset.done @!p0 $0x0  }
0x93: {  	s0 =	simm.s32 @!p0 $0x400;
	[sflag:s5] =	ssyncadd.s32 @!p0 $0xFFFFFF00;
	s5 =	simm.s32 @!p0 $0x78  }
0x94: {  	[spmem:s3] =	stream.indirect.scatter.add.f32 @!p0 [tilespmem:s0], [sflag:$0x1], $0x80, s16, s5, $0xb8;
	[tilespmem:$0x18000] =	vst v63  }
0x95: {  	_ =	swait.ge @!p0 [sflag:s6], $0x3C00  }
0x96: {  	s0 =	rddreg [dreg:$0x6];
	[sflag:s6] =	ssyncset.done @!p0 $0x0  }
0x97: {  	s5 =	simm.s32 @!p0 $0x200;
	[sflag:s6] =	ssyncadd.s32 @!p0 $0xFFFFC400;
	s0 =	sadd.s32 @!p0 s28, s0  }
0x98: {  	[tilespmem:s5], [sflag:$0x4] =	stream.linear.gather @!p0 [hbm4b:s0+s2], $0x100, $0x38;
	[tilespmem:$0x18000] =	vst v63  }
0x99: {  	_ =	swait.ge [sflag:s23], $0x100  }
0x9a: {  	[sflag:s23] =	ssyncset.done $0x0  }
0x9b: {  	[sflag:s23] =	ssyncadd.s32 $0xFFFFFF00  }
0x9c: {  	[spmem:s3] =	stream.indirect.scatter.add.f32 [tilespmem:s15], [sflag:$0x2], $0x80, s24, s18, $0xb8;
	[tilespmem:$0x18000] =	vst v63  }
0x9d: {  	_ =	swait.ge [sflag:s22], $0x3C00  }
0x9e: {  	[sflag:s22] =	ssyncset.done $0x0  }
0x9f: {  	[sflag:s22] =	ssyncadd.s32 $0xFFFFC400  }
0xa0: {  	_ =	swait.ge [sflag:s25], $0x3C00  }
0xa1: {  	s26 =	sadd.s32 $0x1, s26;
	[sflag:s25] =	ssyncset.done $0x0  }
0xa2: {  	p0 =	sne.s32 s26, s11;
	[sflag:s25] =	ssyncadd.s32 $0xFFFFC400  }
.Ltmp1:
0xa3: {  	[bflag:$0x0] =	sbarrier.arrive $0xFFFF;
	(pc) =	sbr.rel @p0 .LBB2_1-.Ltmp1, $4  }
0xa4: {  	[hbm:s10], [sflag:s7] =	dma.local [spmem:s13], $0x2800  }
0xa5: {  	_ =	swait.ge [sflag:s14], $0x2800  }
0xa6: {  	[sflag:s14] =	ssyncset.done $0x0  }
0xa7: {  	[sflag:s14] =	ssyncadd.s32 $0xFFFFD800  }
0xa8: {  	_ =	sfence.sel $0x180000  }
0xa9: {  	[bflag:$0x0] =	sbarrier.arrive $0xFFFF  }
0xaa: {  	_ =	strace $0x90000047  }
0xab: {  	s0 =	stileid.u32;
	[bflag:$0x2] =	sbarrier.arrive $0xFFFF  }
0xac: {  	p0 =	sne.s32 s0, $0x0;
	s0 =	rddreg [dreg:$0x3]  }
0xad: {  	s0 =	sadd.s32 @!p0 $0x100000, s0  }
0xae: {  	[sflag:s0] =	ssyncadd.tile.s32 @!p0 $0x1;
	_ =	shalt  }
.Lfunc_end2:
_tile_overlayer_lowered:
.L_overlay_start_2:
0xaf: {  	(tag) =	ssettag $0x2  }
0xb0: {  	s0 =	rddreg [dreg:$0x0];
	s2 =	stileid.u32  }
0xb1: {  	s1 =	rddreg [dreg:$0x1];
	p0 =	sne.s32 s2, $0x0  }
0xb2: {  	s3 =	rddreg [dreg:$0x2];
	[bflag:$0x3] =	sbarrier.arrive $0xFFFF;
	s2 =	simm.s32 @!p0 $0x1C07  }
0xb3: {  	[timem:s3], [sflag:s2] =	dma.local @!p0 [hbm:s0], s1  }
0xb4: {  	s0 =	simm.s32 @!p0 $0x7  }
0xb5: {  	_ =	swait.ge @!p0 [sflag:s0], s1  }
0xb6: {  	s1 =	ssub.s32 @!p0 $0x0, s1;
	[sflag:s0] =	ssyncset.done @!p0 $0x0  }
0xb7: {  	[sflag:s0] =	ssyncadd.s32 @!p0 s1  }
0xb8: {  	[bflag:$0x3] =	sbarrier.arrive $0xFFFF  }
0xb9: {  	_ =	shalt  }

</sc_bundles>
